<compile_context>
chip_gen: v7x
topology: tpu7x:2x2x1
jax: 0.10.2.dev20260603
libtpu: 0.0.44.dev20260713+nightly
codegen_flags: <defaults>
</compile_context>

<pallas_src>
import functools

import jax
import jax.numpy as jnp
from jax import lax
from jax.experimental import pallas as pl
from jax.experimental.pallas import tpu as pltpu
from jax.experimental.pallas import tpu_sc as plsc

_INFO = plsc.get_sparse_core_info()
_NC, _NS, _L = _INFO.num_cores, _INFO.num_subcores, _INFO.num_lanes
_NW = _NC * _NS

_B = 4
_S = 8192
_D = 64
_DP = 128
_N = _B * _S
_BPW = _N // _NW
_WPB = _S // _BPW
_CHUNK = 256
_GCH = 128
_NGR = _CHUNK // _GCH

_mesh = plsc.VectorSubcoreMesh(core_axis_name="c", subcore_axis_name="s")


@functools.partial(
    pl.kernel,
    mesh=_mesh,
    compiler_params=pltpu.CompilerParams(use_tc_tiling_on_sc=False),
    out_type=jax.ShapeDtypeStruct((_B, _S, _D), jnp.float32),
    scratch_types=[
        pltpu.VMEM((_BPW,), jnp.int32),
        pltpu.VMEM((_BPW,), jnp.int32),
        pltpu.VMEM((_CHUNK, _DP), jnp.float32),
        pltpu.VMEM((_CHUNK, _DP), jnp.float32),
        pltpu.SemaphoreType.DMA,
        pltpu.SemaphoreType.DMA,
    ],
)
def _sc_embed(w_hbm, idx_hbm, mask_hbm, out_hbm,
              idx_v, mask_v, rows_a, rows_b, sem_a, sem_b):
    wid = lax.axis_index("s") * _NC + lax.axis_index("c")
    b = wid // _WPB
    s0 = pl.multiple_of((wid % _WPB) * _BPW, _BPW)
    base = wid * _BPW

    pltpu.sync_copy(idx_hbm.at[pl.ds(base, _BPW)], idx_v)
    pltpu.sync_copy(mask_hbm.at[pl.ds(base, _BPW)], mask_v)

    lane = lax.iota(jnp.int32, _L)
    half = jnp.full((_L,), 0.5, jnp.float32)

    for g in range(_BPW // _L):
        sl = pl.ds(g * _L, _L)
        pos = base + g * _L + lane
        idx_v[sl] = jnp.where(mask_v[sl] != 0, pos, idx_v[sl])

    bufs = (rows_a, rows_b)
    sems = (sem_a, sem_b)
    nchunks = _BPW // _CHUNK

    def fire(c):
        buf, sm = bufs[c % 2], sems[c % 2]
        return [
            pltpu.async_copy(
                w_hbm.at[idx_v.at[pl.ds(c * _CHUNK + j * _GCH, _GCH)]],
                buf.at[pl.ds(j * _GCH, _GCH)],
                sm,
            )
            for j in range(_NGR)
        ]

    inflight = fire(0)
    for c in range(nchunks):
        c0 = c * _CHUNK
        buf = bufs[c % 2]
        nxt = fire(c + 1) if c + 1 < nchunks else []
        for cp in inflight:
            cp.wait()
        inflight = nxt

        def fix_group(g, carry, c0=c0, buf=buf):
            m = mask_v[pl.ds(c0 + g * _L, _L)]
            for l in range(_L):
                @pl.when(m[l] != 0)
                def _():
                    r = g * _L + l
                    for cc in range(_D // _L):
                        buf[r, pl.ds(cc * _L, _L)] = half
            return carry

        lax.fori_loop(0, _CHUNK // _L, fix_group, 0)

        pltpu.sync_copy(
            buf.at[:, pl.ds(0, _D)],
            out_hbm.at[b, pl.ds(s0 + c0, _CHUNK)],
        )


def kernel(input_ids, pixel_values, grid_thw, img_mask, W):
    del pixel_values, grid_thw
    idx = input_ids.reshape(-1)
    mask = img_mask.reshape(-1).astype(jnp.int32)
    w_pad = jnp.pad(W, ((0, 0), (0, _DP - _D)))
    return _sc_embed(w_pad, idx, mask)

# --- scband reference (transcript-rebuilt; emitter-appended) ---
"""Pipeline reference for scband-stub-dots-like-46342697124109 (READ-ONLY COPY).

The authoritative reference and input builder live on the scoring server;
editing this copy changes nothing except your own understanding.
"""

import jax, jax.numpy as jnp
import numpy as np

VOCAB = 100000
HIDDEN = 64


def setup_inputs(seed: int = 0) -> dict:
    key = jax.random.key(seed)
    k1, k2, k3, k4, k5 = jax.random.split(key, 5)
    input_ids = jax.random.randint(k1, (4, 8192), 0, VOCAB, dtype=jnp.int32)
    pixel_values = jax.random.normal(k2, (4096, 588), dtype=jnp.float32)
    grid_thw = jax.random.randint(k3, (4, 3), 0, 4, dtype=jnp.int32)
    img_mask = jax.random.randint(k4, (4, 8192), 0, 2, dtype=jnp.int32).astype(jnp.bool_)
    W = jax.random.normal(k5, (VOCAB, HIDDEN), dtype=jnp.float32) * 0.02
    return {"input_ids": input_ids, "pixel_values": pixel_values, "grid_thw": grid_thw, "img_mask": img_mask, "W": W}


def reference(input_ids, pixel_values, grid_thw, img_mask, W):
    # te = self.embed(input_ids)
    te = jnp.take(W, input_ids, axis=0)
    b, s, d = te.shape
    # ve = ones(n, hidden) * 0.5 scattered into the masked positions;
    # equivalent to overwriting masked rows with constant 0.5.
    flat = te.reshape(-1, d)
    ve_row = jnp.full((1, d), 0.5, dtype=te.dtype)
    flat = jnp.where(img_mask.reshape(-1, 1), ve_row, flat)
    out = flat.reshape(b, s, d)
    return out

if __name__ == "__main__":
    import jax
    _d = setup_inputs()
    print(jax.jit(kernel)(*tuple(_d.values())))

</pallas_src>

<mosaic_0001>
#map = affine_map<(d0, d1) -> (0, 0)>
#map1 = affine_map<(d0, d1) -> (0)>
#map2 = affine_map<(d0, d1) -> (0, 0, 0)>
module attributes {stable_mosaic.version = 14 : i64} {
  func.func @_sc_embed(%arg0: i32, %arg1: i32, %arg2: memref<100000x128xf32, #tpu.memory_space<hbm>>, %arg3: memref<32768xi32, #tpu.memory_space<hbm>>, %arg4: memref<32768xi32, #tpu.memory_space<hbm>>, %arg5: memref<4x8192x64xf32, #tpu.memory_space<hbm>>, %arg6: memref<1024xi32, #tpu.memory_space<vmem>>, %arg7: memref<1024xi32, #tpu.memory_space<vmem>>, %arg8: memref<256x128xf32, #tpu.memory_space<vmem>>, %arg9: memref<256x128xf32, #tpu.memory_space<vmem>>, %arg10: memref<!tpu.dma_semaphore, #tpu.memory_space<semaphore_mem>>, %arg11: memref<!tpu.dma_semaphore, #tpu.memory_space<semaphore_mem>>) attributes {dimension_semantics = [#tpu.dimension_semantics<core_parallel>, #tpu.dimension_semantics<subcore_parallel>], iteration_bounds = array<i64: 2, 16>, scalar_prefetch = 0 : i64, scratch_operands = 6 : i64, tpu.core_type = #tpu.core_type<sc_vector_subcore>, window_params = [{transform_indices = #map}, {transform_indices = #map1}, {transform_indices = #map1}, {transform_indices = #map2}]} {
    %mul3A = arith.constant 2 : i32
    %mul3A_0 = arith.muli %arg1, %mul3A : i32
    %add3A = arith.addi %mul3A_0, %arg0 : i32
    %jit3A = arith.constant 8 : i32
    %div3A = arith.divsi %add3A, %jit3A : i32
    %sign3A = arith.constant 0 : i32
    %sign3A_1 = arith.cmpi sgt, %add3A, %sign3A : i32
    %sign3A_2 = arith.extui %sign3A_1 : i1 to i32
    %sign3A_3 = arith.constant 0 : i32
    %sign3A_4 = arith.cmpi slt, %add3A, %sign3A_3 : i32
    %sign3A_5 = arith.extui %sign3A_4 : i1 to i32
    %sign3A_6 = arith.subi %sign3A_2, %sign3A_5 : i32
    %sign3A_7 = arith.constant 0 : i32
    %sign3A_8 = arith.cmpi sgt, %jit3A, %sign3A_7 : i32
    %sign3A_9 = arith.extui %sign3A_8 : i1 to i32
    %sign3A_10 = arith.constant 0 : i32
    %sign3A_11 = arith.cmpi slt, %jit3A, %sign3A_10 : i32
    %sign3A_12 = arith.extui %sign3A_11 : i1 to i32
    %sign3A_13 = arith.subi %sign3A_9, %sign3A_12 : i32
    %ne3A = arith.cmpi ne, %sign3A_6, %sign3A_13 : i32
    %rem3A = arith.remsi %add3A, %jit3A : i32
    %ne3A_14 = arith.constant 0 : i32
    %ne3A_15 = arith.cmpi ne, %rem3A, %ne3A_14 : i32
    %and3A = arith.andi %ne3A, %ne3A_15 : i1
    %sub3A = arith.constant 1 : i32
    %sub3A_16 = arith.subi %div3A, %sub3A : i32
    %select_n3A = arith.select %and3A, %sub3A_16, %div3A : i32
    %jit3A_17 = arith.constant 8 : i32
    %eq3A = arith.constant 0 : i32
    %eq3A_18 = arith.cmpi eq, %jit3A_17, %eq3A : i32
    %jit3A_19 = arith.constant 1 : i32
    %select_n3A_20 = arith.select %eq3A_18, %jit3A_19, %jit3A_17 : i32
    %rem3A_21 = arith.remsi %add3A, %select_n3A_20 : i32
    %ne3A_22 = arith.constant 0 : i32
    %ne3A_23 = arith.cmpi ne, %rem3A_21, %ne3A_22 : i32
    %lt3A = arith.constant 0 : i32
    %lt3A_24 = arith.cmpi slt, %rem3A_21, %lt3A : i32
    %lt3A_25 = arith.constant 0 : i32
    %lt3A_26 = arith.cmpi slt, %select_n3A_20, %lt3A_25 : i32
    %ne3A_27 = arith.xori %lt3A_24, %lt3A_26 : i1
    %and3A_28 = arith.andi %ne3A_27, %ne3A_23 : i1
    %add3A_29 = arith.addi %rem3A_21, %select_n3A_20 : i32
    %select_n3A_30 = arith.select %and3A_28, %add3A_29, %rem3A_21 : i32
    %mul3A_31 = arith.constant 1024 : i32
    %mul3A_32 = arith.muli %select_n3A_30, %mul3A_31 : i32
    %multiple_of3A = tpu.assume_multiple %mul3A_32, 1024 : i32
    %mul3A_33 = arith.constant 1024 : i32
    %mul3A_34 = arith.muli %add3A, %mul3A_33 : i32
    "tpu.region"() ({
      %run_scoped3A = tpu.sem_alloc : memref<!tpu.dma_semaphore, #tpu.memory_space<semaphore_mem>>
      %dma_start3A_1343 = tpu.memref_slice %arg3[%mul3A_34] : memref<32768xi32, #tpu.memory_space<hbm>> -> memref<1024xi32, #tpu.memory_space<hbm>>
      %dma_start3A_1344 = tpu.memref_slice %arg3[%mul3A_34] : memref<32768xi32, #tpu.memory_space<hbm>> -> memref<1024xi32, #tpu.memory_space<hbm>>
      tpu.enqueue_dma source(%dma_start3A_1344 : memref<1024xi32, #tpu.memory_space<hbm>>) target(%arg6 : memref<1024xi32, #tpu.memory_space<vmem>>) target_semaphore(%run_scoped3A : memref<!tpu.dma_semaphore, #tpu.memory_space<semaphore_mem>>)
      %dma_wait3A_1345 = tpu.memref_slice %arg3[%mul3A_34] : memref<32768xi32, #tpu.memory_space<hbm>> -> memref<1024xi32, #tpu.memory_space<hbm>>
      %dma_wait3A_1346 = tpu.memref_slice %arg3[%mul3A_34] : memref<32768xi32, #tpu.memory_space<hbm>> -> memref<1024xi32, #tpu.memory_space<hbm>>
      tpu.wait_dma2 semaphore(%run_scoped3A : memref<!tpu.dma_semaphore, #tpu.memory_space<semaphore_mem>>) src(%dma_wait3A_1346 : memref<1024xi32, #tpu.memory_space<hbm>>) dst(%arg6 : memref<1024xi32, #tpu.memory_space<vmem>>)
      tpu.yield
    }) : () -> ()
    "tpu.region"() ({
      %run_scoped3A = tpu.sem_alloc : memref<!tpu.dma_semaphore, #tpu.memory_space<semaphore_mem>>
      %dma_start3A_1343 = tpu.memref_slice %arg4[%mul3A_34] : memref<32768xi32, #tpu.memory_space<hbm>> -> memref<1024xi32, #tpu.memory_space<hbm>>
      %dma_start3A_1344 = tpu.memref_slice %arg4[%mul3A_34] : memref<32768xi32, #tpu.memory_space<hbm>> -> memref<1024xi32, #tpu.memory_space<hbm>>
      tpu.enqueue_dma source(%dma_start3A_1344 : memref<1024xi32, #tpu.memory_space<hbm>>) target(%arg7 : memref<1024xi32, #tpu.memory_space<vmem>>) target_semaphore(%run_scoped3A : memref<!tpu.dma_semaphore, #tpu.memory_space<semaphore_mem>>)
      %dma_wait3A_1345 = tpu.memref_slice %arg4[%mul3A_34] : memref<32768xi32, #tpu.memory_space<hbm>> -> memref<1024xi32, #tpu.memory_space<hbm>>
      %dma_wait3A_1346 = tpu.memref_slice %arg4[%mul3A_34] : memref<32768xi32, #tpu.memory_space<hbm>> -> memref<1024xi32, #tpu.memory_space<hbm>>
      tpu.wait_dma2 semaphore(%run_scoped3A : memref<!tpu.dma_semaphore, #tpu.memory_space<semaphore_mem>>) src(%dma_wait3A_1346 : memref<1024xi32, #tpu.memory_space<hbm>>) dst(%arg7 : memref<1024xi32, #tpu.memory_space<vmem>>)
      tpu.yield
    }) : () -> ()
    %iota3A = tpu.iota {dimensions = array<i32: 0>} : vector<16xi32>
    %broadcast_in_dim3A = arith.constant 5.000000e-01 : f32
    %broadcast_in_dim3A_35 = vector.broadcast %broadcast_in_dim3A : f32 to vector<16xf32>
    %add3A_36 = arith.constant 0 : i32
    %add3A_37 = arith.addi %mul3A_34, %add3A_36 : i32
    %add3A_38 = vector.broadcast %add3A_37 : i32 to vector<16xi32>
    %add3A_39 = arith.addi %add3A_38, %iota3A : vector<16xi32>
    %get3A = arith.constant 0 : index
    %get3A_40 = tpu.vector_load %arg7[%get3A] {strides = array<i32>} : memref<1024xi32, #tpu.memory_space<vmem>>, vector<16xi32>,
    %get3A_41 = vector.shape_cast %get3A_40 : vector<16xi32> to vector<16xi32>
    %ne3A_42 = arith.constant 0 : i32
    %ne3A_43 = vector.broadcast %ne3A_42 : i32 to vector<16xi32>
    %ne3A_44 = arith.cmpi ne, %get3A_41, %ne3A_43 : vector<16xi32>
    %get3A_45 = arith.constant 0 : index
    %get3A_46 = tpu.vector_load %arg6[%get3A_45] {strides = array<i32>} : memref<1024xi32, #tpu.memory_space<vmem>>, vector<16xi32>,
    %get3A_47 = vector.shape_cast %get3A_46 : vector<16xi32> to vector<16xi32>
    %select_n3A_48 = arith.select %ne3A_44, %add3A_39, %get3A_47 : vector<16xi1>, vector<16xi32>
    %swap3A = arith.constant 0 : index
    %swap3A_49 = tpu.vector_load %arg6[%swap3A] {strides = array<i32>} : memref<1024xi32, #tpu.memory_space<vmem>>, vector<16xi32>,
    %swap3A_50 = vector.shape_cast %swap3A_49 : vector<16xi32> to vector<16xi32>
    %swap3A_51 = vector.shape_cast %select_n3A_48 : vector<16xi32> to vector<16xi32>
    tpu.vector_store %arg6[%swap3A], %swap3A_51 {strides = array<i32>} : memref<1024xi32, #tpu.memory_space<vmem>>, vector<16xi32>,
    %add3A_52 = arith.constant 16 : i32
    %add3A_53 = arith.addi %mul3A_34, %add3A_52 : i32
    %add3A_54 = vector.broadcast %add3A_53 : i32 to vector<16xi32>
    %add3A_55 = arith.addi %add3A_54, %iota3A : vector<16xi32>
    %get3A_56 = arith.constant 16 : index
    %get3A_57 = tpu.vector_load %arg7[%get3A_56] {strides = array<i32>} : memref<1024xi32, #tpu.memory_space<vmem>>, vector<16xi32>,
    %get3A_58 = vector.shape_cast %get3A_57 : vector<16xi32> to vector<16xi32>
    %ne3A_59 = arith.constant 0 : i32
    %ne3A_60 = vector.broadcast %ne3A_59 : i32 to vector<16xi32>
    %ne3A_61 = arith.cmpi ne, %get3A_58, %ne3A_60 : vector<16xi32>
    %get3A_62 = arith.constant 16 : index
    %get3A_63 = tpu.vector_load %arg6[%get3A_62] {strides = array<i32>} : memref<1024xi32, #tpu.memory_space<vmem>>, vector<16xi32>,
    %get3A_64 = vector.shape_cast %get3A_63 : vector<16xi32> to vector<16xi32>
    %select_n3A_65 = arith.select %ne3A_61, %add3A_55, %get3A_64 : vector<16xi1>, vector<16xi32>
    %swap3A_66 = arith.constant 16 : index
    %swap3A_67 = tpu.vector_load %arg6[%swap3A_66] {strides = array<i32>} : memref<1024xi32, #tpu.memory_space<vmem>>, vector<16xi32>,
    %swap3A_68 = vector.shape_cast %swap3A_67 : vector<16xi32> to vector<16xi32>
    %swap3A_69 = vector.shape_cast %select_n3A_65 : vector<16xi32> to vector<16xi32>
    tpu.vector_store %arg6[%swap3A_66], %swap3A_69 {strides = array<i32>} : memref<1024xi32, #tpu.memory_space<vmem>>, vector<16xi32>,
    %add3A_70 = arith.constant 32 : i32
    %add3A_71 = arith.addi %mul3A_34, %add3A_70 : i32
    %add3A_72 = vector.broadcast %add3A_71 : i32 to vector<16xi32>
    %add3A_73 = arith.addi %add3A_72, %iota3A : vector<16xi32>
    %get3A_74 = arith.constant 32 : index
    %get3A_75 = tpu.vector_load %arg7[%get3A_74] {strides = array<i32>} : memref<1024xi32, #tpu.memory_space<vmem>>, vector<16xi32>,
    %get3A_76 = vector.shape_cast %get3A_75 : vector<16xi32> to vector<16xi32>
    %ne3A_77 = arith.constant 0 : i32
    %ne3A_78 = vector.broadcast %ne3A_77 : i32 to vector<16xi32>
    %ne3A_79 = arith.cmpi ne, %get3A_76, %ne3A_78 : vector<16xi32>
    %get3A_80 = arith.constant 32 : index
    %get3A_81 = tpu.vector_load %arg6[%get3A_80] {strides = array<i32>} : memref<1024xi32, #tpu.memory_space<vmem>>, vector<16xi32>,
    %get3A_82 = vector.shape_cast %get3A_81 : vector<16xi32> to vector<16xi32>
    %select_n3A_83 = arith.select %ne3A_79, %add3A_73, %get3A_82 : vector<16xi1>, vector<16xi32>
    %swap3A_84 = arith.constant 32 : index
    %swap3A_85 = tpu.vector_load %arg6[%swap3A_84] {strides = array<i32>} : memref<1024xi32, #tpu.memory_space<vmem>>, vector<16xi32>,
    %swap3A_86 = vector.shape_cast %swap3A_85 : vector<16xi32> to vector<16xi32>
    %swap3A_87 = vector.shape_cast %select_n3A_83 : vector<16xi32> to vector<16xi32>
    tpu.vector_store %arg6[%swap3A_84], %swap3A_87 {strides = array<i32>} : memref<1024xi32, #tpu.memory_space<vmem>>, vector<16xi32>,
    %add3A_88 = arith.constant 48 : i32
    %add3A_89 = arith.addi %mul3A_34, %add3A_88 : i32
    %add3A_90 = vector.broadcast %add3A_89 : i32 to vector<16xi32>
    %add3A_91 = arith.addi %add3A_90, %iota3A : vector<16xi32>
    %get3A_92 = arith.constant 48 : index
    %get3A_93 = tpu.vector_load %arg7[%get3A_92] {strides = array<i32>} : memref<1024xi32, #tpu.memory_space<vmem>>, vector<16xi32>,
    %get3A_94 = vector.shape_cast %get3A_93 : vector<16xi32> to vector<16xi32>
    %ne3A_95 = arith.constant 0 : i32
    %ne3A_96 = vector.broadcast %ne3A_95 : i32 to vector<16xi32>
    %ne3A_97 = arith.cmpi ne, %get3A_94, %ne3A_96 : vector<16xi32>
    %get3A_98 = arith.constant 48 : index
    %get3A_99 = tpu.vector_load %arg6[%get3A_98] {strides = array<i32>} : memref<1024xi32, #tpu.memory_space<vmem>>, vector<16xi32>,
    %get3A_100 = vector.shape_cast %get3A_99 : vector<16xi32> to vector<16xi32>
    %select_n3A_101 = arith.select %ne3A_97, %add3A_91, %get3A_100 : vector<16xi1>, vector<16xi32>
    %swap3A_102 = arith.constant 48 : index
    %swap3A_103 = tpu.vector_load %arg6[%swap3A_102] {strides = array<i32>} : memref<1024xi32, #tpu.memory_space<vmem>>, vector<16xi32>,
    %swap3A_104 = vector.shape_cast %swap3A_103 : vector<16xi32> to vector<16xi32>
    %swap3A_105 = vector.shape_cast %select_n3A_101 : vector<16xi32> to vector<16xi32>
    tpu.vector_store %arg6[%swap3A_102], %swap3A_105 {strides = array<i32>} : memref<1024xi32, #tpu.memory_space<vmem>>, vector<16xi32>,
    %add3A_106 = arith.constant 64 : i32
    %add3A_107 = arith.addi %mul3A_34, %add3A_106 : i32
    %add3A_108 = vector.broadcast %add3A_107 : i32 to vector<16xi32>
    %add3A_109 = arith.addi %add3A_108, %iota3A : vector<16xi32>
    %get3A_110 = arith.constant 64 : index
    %get3A_111 = tpu.vector_load %arg7[%get3A_110] {strides = array<i32>} : memref<1024xi32, #tpu.memory_space<vmem>>, vector<16xi32>,
    %get3A_112 = vector.shape_cast %get3A_111 : vector<16xi32> to vector<16xi32>
    %ne3A_113 = arith.constant 0 : i32
    %ne3A_114 = vector.broadcast %ne3A_113 : i32 to vector<16xi32>
    %ne3A_115 = arith.cmpi ne, %get3A_112, %ne3A_114 : vector<16xi32>
    %get3A_116 = arith.constant 64 : index
    %get3A_117 = tpu.vector_load %arg6[%get3A_116] {strides = array<i32>} : memref<1024xi32, #tpu.memory_space<vmem>>, vector<16xi32>,
    %get3A_118 = vector.shape_cast %get3A_117 : vector<16xi32> to vector<16xi32>
    %select_n3A_119 = arith.select %ne3A_115, %add3A_109, %get3A_118 : vector<16xi1>, vector<16xi32>
    %swap3A_120 = arith.constant 64 : index
    %swap3A_121 = tpu.vector_load %arg6[%swap3A_120] {strides = array<i32>} : memref<1024xi32, #tpu.memory_space<vmem>>, vector<16xi32>,
    %swap3A_122 = vector.shape_cast %swap3A_121 : vector<16xi32> to vector<16xi32>
    %swap3A_123 = vector.shape_cast %select_n3A_119 : vector<16xi32> to vector<16xi32>
    tpu.vector_store %arg6[%swap3A_120], %swap3A_123 {strides = array<i32>} : memref<1024xi32, #tpu.memory_space<vmem>>, vector<16xi32>,
    %add3A_124 = arith.constant 80 : i32
    %add3A_125 = arith.addi %mul3A_34, %add3A_124 : i32
    %add3A_126 = vector.broadcast %add3A_125 : i32 to vector<16xi32>
    %add3A_127 = arith.addi %add3A_126, %iota3A : vector<16xi32>
    %get3A_128 = arith.constant 80 : index
    %get3A_129 = tpu.vector_load %arg7[%get3A_128] {strides = array<i32>} : memref<1024xi32, #tpu.memory_space<vmem>>, vector<16xi32>,
    %get3A_130 = vector.shape_cast %get3A_129 : vector<16xi32> to vector<16xi32>
    %ne3A_131 = arith.constant 0 : i32
    %ne3A_132 = vector.broadcast %ne3A_131 : i32 to vector<16xi32>
    %ne3A_133 = arith.cmpi ne, %get3A_130, %ne3A_132 : vector<16xi32>
    %get3A_134 = arith.constant 80 : index
    %get3A_135 = tpu.vector_load %arg6[%get3A_134] {strides = array<i32>} : memref<1024xi32, #tpu.memory_space<vmem>>, vector<16xi32>,
    %get3A_136 = vector.shape_cast %get3A_135 : vector<16xi32> to vector<16xi32>
    %select_n3A_137 = arith.select %ne3A_133, %add3A_127, %get3A_136 : vector<16xi1>, vector<16xi32>
    %swap3A_138 = arith.constant 80 : index
    %swap3A_139 = tpu.vector_load %arg6[%swap3A_138] {strides = array<i32>} : memref<1024xi32, #tpu.memory_space<vmem>>, vector<16xi32>,
    %swap3A_140 = vector.shape_cast %swap3A_139 : vector<16xi32> to vector<16xi32>
    %swap3A_141 = vector.shape_cast %select_n3A_137 : vector<16xi32> to vector<16xi32>
    tpu.vector_store %arg6[%swap3A_138], %swap3A_141 {strides = array<i32>} : memref<1024xi32, #tpu.memory_space<vmem>>, vector<16xi32>,
    %add3A_142 = arith.constant 96 : i32
    %add3A_143 = arith.addi %mul3A_34, %add3A_142 : i32
    %add3A_144 = vector.broadcast %add3A_143 : i32 to vector<16xi32>
    %add3A_145 = arith.addi %add3A_144, %iota3A : vector<16xi32>
    %get3A_146 = arith.constant 96 : index
    %get3A_147 = tpu.vector_load %arg7[%get3A_146] {strides = array<i32>} : memref<1024xi32, #tpu.memory_space<vmem>>, vector<16xi32>,
    %get3A_148 = vector.shape_cast %get3A_147 : vector<16xi32> to vector<16xi32>
    %ne3A_149 = arith.constant 0 : i32
    %ne3A_150 = vector.broadcast %ne3A_149 : i32 to vector<16xi32>
    %ne3A_151 = arith.cmpi ne, %get3A_148, %ne3A_150 : vector<16xi32>
    %get3A_152 = arith.constant 96 : index
    %get3A_153 = tpu.vector_load %arg6[%get3A_152] {strides = array<i32>} : memref<1024xi32, #tpu.memory_space<vmem>>, vector<16xi32>,
    %get3A_154 = vector.shape_cast %get3A_153 : vector<16xi32> to vector<16xi32>
    %select_n3A_155 = arith.select %ne3A_151, %add3A_145, %get3A_154 : vector<16xi1>, vector<16xi32>
    %swap3A_156 = arith.constant 96 : index
    %swap3A_157 = tpu.vector_load %arg6[%swap3A_156] {strides = array<i32>} : memref<1024xi32, #tpu.memory_space<vmem>>, vector<16xi32>,
    %swap3A_158 = vector.shape_cast %swap3A_157 : vector<16xi32> to vector<16xi32>
    %swap3A_159 = vector.shape_cast %select_n3A_155 : vector<16xi32> to vector<16xi32>
    tpu.vector_store %arg6[%swap3A_156], %swap3A_159 {strides = array<i32>} : memref<1024xi32, #tpu.memory_space<vmem>>, vector<16xi32>,
    %add3A_160 = arith.constant 112 : i32
    %add3A_161 = arith.addi %mul3A_34, %add3A_160 : i32
    %add3A_162 = vector.broadcast %add3A_161 : i32 to vector<16xi32>
    %add3A_163 = arith.addi %add3A_162, %iota3A : vector<16xi32>
    %get3A_164 = arith.constant 112 : index
    %get3A_165 = tpu.vector_load %arg7[%get3A_164] {strides = array<i32>} : memref<1024xi32, #tpu.memory_space<vmem>>, vector<16xi32>,
    %get3A_166 = vector.shape_cast %get3A_165 : vector<16xi32> to vector<16xi32>
    %ne3A_167 = arith.constant 0 : i32
    %ne3A_168 = vector.broadcast %ne3A_167 : i32 to vector<16xi32>
    %ne3A_169 = arith.cmpi ne, %get3A_166, %ne3A_168 : vector<16xi32>
    %get3A_170 = arith.constant 112 : index
    %get3A_171 = tpu.vector_load %arg6[%get3A_170] {strides = array<i32>} : memref<1024xi32, #tpu.memory_space<vmem>>, vector<16xi32>,
    %get3A_172 = vector.shape_cast %get3A_171 : vector<16xi32> to vector<16xi32>
    %select_n3A_173 = arith.select %ne3A_169, %add3A_163, %get3A_172 : vector<16xi1>, vector<16xi32>
    %swap3A_174 = arith.constant 112 : index
    %swap3A_175 = tpu.vector_load %arg6[%swap3A_174] {strides = array<i32>} : memref<1024xi32, #tpu.memory_space<vmem>>, vector<16xi32>,
    %swap3A_176 = vector.shape_cast %swap3A_175 : vector<16xi32> to vector<16xi32>
    %swap3A_177 = vector.shape_cast %select_n3A_173 : vector<16xi32> to vector<16xi32>
    tpu.vector_store %arg6[%swap3A_174], %swap3A_177 {strides = array<i32>} : memref<1024xi32, #tpu.memory_space<vmem>>, vector<16xi32>,
    %add3A_178 = arith.constant 128 : i32
    %add3A_179 = arith.addi %mul3A_34, %add3A_178 : i32
    %add3A_180 = vector.broadcast %add3A_179 : i32 to vector<16xi32>
    %add3A_181 = arith.addi %add3A_180, %iota3A : vector<16xi32>
    %get3A_182 = arith.constant 128 : index
    %get3A_183 = tpu.vector_load %arg7[%get3A_182] {strides = array<i32>} : memref<1024xi32, #tpu.memory_space<vmem>>, vector<16xi32>,
    %get3A_184 = vector.shape_cast %get3A_183 : vector<16xi32> to vector<16xi32>
    %ne3A_185 = arith.constant 0 : i32
    %ne3A_186 = vector.broadcast %ne3A_185 : i32 to vector<16xi32>
    %ne3A_187 = arith.cmpi ne, %get3A_184, %ne3A_186 : vector<16xi32>
    %get3A_188 = arith.constant 128 : index
    %get3A_189 = tpu.vector_load %arg6[%get3A_188] {strides = array<i32>} : memref<1024xi32, #tpu.memory_space<vmem>>, vector<16xi32>,
    %get3A_190 = vector.shape_cast %get3A_189 : vector<16xi32> to vector<16xi32>
    %select_n3A_191 = arith.select %ne3A_187, %add3A_181, %get3A_190 : vector<16xi1>, vector<16xi32>
    %swap3A_192 = arith.constant 128 : index
    %swap3A_193 = tpu.vector_load %arg6[%swap3A_192] {strides = array<i32>} : memref<1024xi32, #tpu.memory_space<vmem>>, vector<16xi32>,
    %swap3A_194 = vector.shape_cast %swap3A_193 : vector<16xi32> to vector<16xi32>
    %swap3A_195 = vector.shape_cast %select_n3A_191 : vector<16xi32> to vector<16xi32>
    tpu.vector_store %arg6[%swap3A_192], %swap3A_195 {strides = array<i32>} : memref<1024xi32, #tpu.memory_space<vmem>>, vector<16xi32>,
    %add3A_196 = arith.constant 144 : i32
    %add3A_197 = arith.addi %mul3A_34, %add3A_196 : i32
    %add3A_198 = vector.broadcast %add3A_197 : i32 to vector<16xi32>
    %add3A_199 = arith.addi %add3A_198, %iota3A : vector<16xi32>
    %get3A_200 = arith.constant 144 : index
    %get3A_201 = tpu.vector_load %arg7[%get3A_200] {strides = array<i32>} : memref<1024xi32, #tpu.memory_space<vmem>>, vector<16xi32>,
    %get3A_202 = vector.shape_cast %get3A_201 : vector<16xi32> to vector<16xi32>
    %ne3A_203 = arith.constant 0 : i32
    %ne3A_204 = vector.broadcast %ne3A_203 : i32 to vector<16xi32>
    %ne3A_205 = arith.cmpi ne, %get3A_202, %ne3A_204 : vector<16xi32>
    %get3A_206 = arith.constant 144 : index
    %get3A_207 = tpu.vector_load %arg6[%get3A_206] {strides = array<i32>} : memref<1024xi32, #tpu.memory_space<vmem>>, vector<16xi32>,
    %get3A_208 = vector.shape_cast %get3A_207 : vector<16xi32> to vector<16xi32>
    %select_n3A_209 = arith.select %ne3A_205, %add3A_199, %get3A_208 : vector<16xi1>, vector<16xi32>
    %swap3A_210 = arith.constant 144 : index
    %swap3A_211 = tpu.vector_load %arg6[%swap3A_210] {strides = array<i32>} : memref<1024xi32, #tpu.memory_space<vmem>>, vector<16xi32>,
    %swap3A_212 = vector.shape_cast %swap3A_211 : vector<16xi32> to vector<16xi32>
    %swap3A_213 = vector.shape_cast %select_n3A_209 : vector<16xi32> to vector<16xi32>
    tpu.vector_store %arg6[%swap3A_210], %swap3A_213 {strides = array<i32>} : memref<1024xi32, #tpu.memory_space<vmem>>, vector<16xi32>,
    %add3A_214 = arith.constant 160 : i32
    %add3A_215 = arith.addi %mul3A_34, %add3A_214 : i32
    %add3A_216 = vector.broadcast %add3A_215 : i32 to vector<16xi32>
    %add3A_217 = arith.addi %add3A_216, %iota3A : vector<16xi32>
    %get3A_218 = arith.constant 160 : index
    %get3A_219 = tpu.vector_load %arg7[%get3A_218] {strides = array<i32>} : memref<1024xi32, #tpu.memory_space<vmem>>, vector<16xi32>,
    %get3A_220 = vector.shape_cast %get3A_219 : vector<16xi32> to vector<16xi32>
    %ne3A_221 = arith.constant 0 : i32
    %ne3A_222 = vector.broadcast %ne3A_221 : i32 to vector<16xi32>
    %ne3A_223 = arith.cmpi ne, %get3A_220, %ne3A_222 : vector<16xi32>
    %get3A_224 = arith.constant 160 : index
    %get3A_225 = tpu.vector_load %arg6[%get3A_224] {strides = array<i32>} : memref<1024xi32, #tpu.memory_space<vmem>>, vector<16xi32>,
    %get3A_226 = vector.shape_cast %get3A_225 : vector<16xi32> to vector<16xi32>
    %select_n3A_227 = arith.select %ne3A_223, %add3A_217, %get3A_226 : vector<16xi1>, vector<16xi32>
    %swap3A_228 = arith.constant 160 : index
    %swap3A_229 = tpu.vector_load %arg6[%swap3A_228] {strides = array<i32>} : memref<1024xi32, #tpu.memory_space<vmem>>, vector<16xi32>,
    %swap3A_230 = vector.shape_cast %swap3A_229 : vector<16xi32> to vector<16xi32>
    %swap3A_231 = vector.shape_cast %select_n3A_227 : vector<16xi32> to vector<16xi32>
    tpu.vector_store %arg6[%swap3A_228], %swap3A_231 {strides = array<i32>} : memref<1024xi32, #tpu.memory_space<vmem>>, vector<16xi32>,
    %add3A_232 = arith.constant 176 : i32
    %add3A_233 = arith.addi %mul3A_34, %add3A_232 : i32
    %add3A_234 = vector.broadcast %add3A_233 : i32 to vector<16xi32>
    %add3A_235 = arith.addi %add3A_234, %iota3A : vector<16xi32>
    %get3A_236 = arith.constant 176 : index
    %get3A_237 = tpu.vector_load %arg7[%get3A_236] {strides = array<i32>} : memref<1024xi32, #tpu.memory_space<vmem>>, vector<16xi32>,
    %get3A_238 = vector.shape_cast %get3A_237 : vector<16xi32> to vector<16xi32>
    %ne3A_239 = arith.constant 0 : i32
    %ne3A_240 = vector.broadcast %ne3A_239 : i32 to vector<16xi32>
    %ne3A_241 = arith.cmpi ne, %get3A_238, %ne3A_240 : vector<16xi32>
    %get3A_242 = arith.constant 176 : index
    %get3A_243 = tpu.vector_load %arg6[%get3A_242] {strides = array<i32>} : memref<1024xi32, #tpu.memory_space<vmem>>, vector<16xi32>,
    %get3A_244 = vector.shape_cast %get3A_243 : vector<16xi32> to vector<16xi32>
    %select_n3A_245 = arith.select %ne3A_241, %add3A_235, %get3A_244 : vector<16xi1>, vector<16xi32>
    %swap3A_246 = arith.constant 176 : index
    %swap3A_247 = tpu.vector_load %arg6[%swap3A_246] {strides = array<i32>} : memref<1024xi32, #tpu.memory_space<vmem>>, vector<16xi32>,
    %swap3A_248 = vector.shape_cast %swap3A_247 : vector<16xi32> to vector<16xi32>
    %swap3A_249 = vector.shape_cast %select_n3A_245 : vector<16xi32> to vector<16xi32>
    tpu.vector_store %arg6[%swap3A_246], %swap3A_249 {strides = array<i32>} : memref<1024xi32, #tpu.memory_space<vmem>>, vector<16xi32>,
    %add3A_250 = arith.constant 192 : i32
    %add3A_251 = arith.addi %mul3A_34, %add3A_250 : i32
    %add3A_252 = vector.broadcast %add3A_251 : i32 to vector<16xi32>
    %add3A_253 = arith.addi %add3A_252, %iota3A : vector<16xi32>
    %get3A_254 = arith.constant 192 : index
    %get3A_255 = tpu.vector_load %arg7[%get3A_254] {strides = array<i32>} : memref<1024xi32, #tpu.memory_space<vmem>>, vector<16xi32>,
    %get3A_256 = vector.shape_cast %get3A_255 : vector<16xi32> to vector<16xi32>
    %ne3A_257 = arith.constant 0 : i32
    %ne3A_258 = vector.broadcast %ne3A_257 : i32 to vector<16xi32>
    %ne3A_259 = arith.cmpi ne, %get3A_256, %ne3A_258 : vector<16xi32>
    %get3A_260 = arith.constant 192 : index
    %get3A_261 = tpu.vector_load %arg6[%get3A_260] {strides = array<i32>} : memref<1024xi32, #tpu.memory_space<vmem>>, vector<16xi32>,
    %get3A_262 = vector.shape_cast %get3A_261 : vector<16xi32> to vector<16xi32>
    %select_n3A_263 = arith.select %ne3A_259, %add3A_253, %get3A_262 : vector<16xi1>, vector<16xi32>
    %swap3A_264 = arith.constant 192 : index
    %swap3A_265 = tpu.vector_load %arg6[%swap3A_264] {strides = array<i32>} : memref<1024xi32, #tpu.memory_space<vmem>>, vector<16xi32>,
    %swap3A_266 = vector.shape_cast %swap3A_265 : vector<16xi32> to vector<16xi32>
    %swap3A_267 = vector.shape_cast %select_n3A_263 : vector<16xi32> to vector<16xi32>
    tpu.vector_store %arg6[%swap3A_264], %swap3A_267 {strides = array<i32>} : memref<1024xi32, #tpu.memory_space<vmem>>, vector<16xi32>,
    %add3A_268 = arith.constant 208 : i32
    %add3A_269 = arith.addi %mul3A_34, %add3A_268 : i32
    %add3A_270 = vector.broadcast %add3A_269 : i32 to vector<16xi32>
    %add3A_271 = arith.addi %add3A_270, %iota3A : vector<16xi32>
    %get3A_272 = arith.constant 208 : index
    %get3A_273 = tpu.vector_load %arg7[%get3A_272] {strides = array<i32>} : memref<1024xi32, #tpu.memory_space<vmem>>, vector<16xi32>,
    %get3A_274 = vector.shape_cast %get3A_273 : vector<16xi32> to vector<16xi32>
    %ne3A_275 = arith.constant 0 : i32
    %ne3A_276 = vector.broadcast %ne3A_275 : i32 to vector<16xi32>
    %ne3A_277 = arith.cmpi ne, %get3A_274, %ne3A_276 : vector<16xi32>
    %get3A_278 = arith.constant 208 : index
    %get3A_279 = tpu.vector_load %arg6[%get3A_278] {strides = array<i32>} : memref<1024xi32, #tpu.memory_space<vmem>>, vector<16xi32>,
    %get3A_280 = vector.shape_cast %get3A_279 : vector<16xi32> to vector<16xi32>
    %select_n3A_281 = arith.select %ne3A_277, %add3A_271, %get3A_280 : vector<16xi1>, vector<16xi32>
    %swap3A_282 = arith.constant 208 : index
    %swap3A_283 = tpu.vector_load %arg6[%swap3A_282] {strides = array<i32>} : memref<1024xi32, #tpu.memory_space<vmem>>, vector<16xi32>,
    %swap3A_284 = vector.shape_cast %swap3A_283 : vector<16xi32> to vector<16xi32>
    %swap3A_285 = vector.shape_cast %select_n3A_281 : vector<16xi32> to vector<16xi32>
    tpu.vector_store %arg6[%swap3A_282], %swap3A_285 {strides = array<i32>} : memref<1024xi32, #tpu.memory_space<vmem>>, vector<16xi32>,
    %add3A_286 = arith.constant 224 : i32
    %add3A_287 = arith.addi %mul3A_34, %add3A_286 : i32
    %add3A_288 = vector.broadcast %add3A_287 : i32 to vector<16xi32>
    %add3A_289 = arith.addi %add3A_288, %iota3A : vector<16xi32>
    %get3A_290 = arith.constant 224 : index
    %get3A_291 = tpu.vector_load %arg7[%get3A_290] {strides = array<i32>} : memref<1024xi32, #tpu.memory_space<vmem>>, vector<16xi32>,
    %get3A_292 = vector.shape_cast %get3A_291 : vector<16xi32> to vector<16xi32>
    %ne3A_293 = arith.constant 0 : i32
    %ne3A_294 = vector.broadcast %ne3A_293 : i32 to vector<16xi32>
    %ne3A_295 = arith.cmpi ne, %get3A_292, %ne3A_294 : vector<16xi32>
    %get3A_296 = arith.constant 224 : index
    %get3A_297 = tpu.vector_load %arg6[%get3A_296] {strides = array<i32>} : memref<1024xi32, #tpu.memory_space<vmem>>, vector<16xi32>,
    %get3A_298 = vector.shape_cast %get3A_297 : vector<16xi32> to vector<16xi32>
    %select_n3A_299 = arith.select %ne3A_295, %add3A_289, %get3A_298 : vector<16xi1>, vector<16xi32>
    %swap3A_300 = arith.constant 224 : index
    %swap3A_301 = tpu.vector_load %arg6[%swap3A_300] {strides = array<i32>} : memref<1024xi32, #tpu.memory_space<vmem>>, vector<16xi32>,
    %swap3A_302 = vector.shape_cast %swap3A_301 : vector<16xi32> to vector<16xi32>
    %swap3A_303 = vector.shape_cast %select_n3A_299 : vector<16xi32> to vector<16xi32>
    tpu.vector_store %arg6[%swap3A_300], %swap3A_303 {strides = array<i32>} : memref<1024xi32, #tpu.memory_space<vmem>>, vector<16xi32>,
    %add3A_304 = arith.constant 240 : i32
    %add3A_305 = arith.addi %mul3A_34, %add3A_304 : i32
    %add3A_306 = vector.broadcast %add3A_305 : i32 to vector<16xi32>
    %add3A_307 = arith.addi %add3A_306, %iota3A : vector<16xi32>
    %get3A_308 = arith.constant 240 : index
    %get3A_309 = tpu.vector_load %arg7[%get3A_308] {strides = array<i32>} : memref<1024xi32, #tpu.memory_space<vmem>>, vector<16xi32>,
    %get3A_310 = vector.shape_cast %get3A_309 : vector<16xi32> to vector<16xi32>
    %ne3A_311 = arith.constant 0 : i32
    %ne3A_312 = vector.broadcast %ne3A_311 : i32 to vector<16xi32>
    %ne3A_313 = arith.cmpi ne, %get3A_310, %ne3A_312 : vector<16xi32>
    %get3A_314 = arith.constant 240 : index
    %get3A_315 = tpu.vector_load %arg6[%get3A_314] {strides = array<i32>} : memref<1024xi32, #tpu.memory_space<vmem>>, vector<16xi32>,
    %get3A_316 = vector.shape_cast %get3A_315 : vector<16xi32> to vector<16xi32>
    %select_n3A_317 = arith.select %ne3A_313, %add3A_307, %get3A_316 : vector<16xi1>, vector<16xi32>
    %swap3A_318 = arith.constant 240 : index
    %swap3A_319 = tpu.vector_load %arg6[%swap3A_318] {strides = array<i32>} : memref<1024xi32, #tpu.memory_space<vmem>>, vector<16xi32>,
    %swap3A_320 = vector.shape_cast %swap3A_319 : vector<16xi32> to vector<16xi32>
    %swap3A_321 = vector.shape_cast %select_n3A_317 : vector<16xi32> to vector<16xi32>
    tpu.vector_store %arg6[%swap3A_318], %swap3A_321 {strides = array<i32>} : memref<1024xi32, #tpu.memory_space<vmem>>, vector<16xi32>,
    %add3A_322 = arith.constant 256 : i32
    %add3A_323 = arith.addi %mul3A_34, %add3A_322 : i32
    %add3A_324 = vector.broadcast %add3A_323 : i32 to vector<16xi32>
    %add3A_325 = arith.addi %add3A_324, %iota3A : vector<16xi32>
    %get3A_326 = arith.constant 256 : index
    %get3A_327 = tpu.vector_load %arg7[%get3A_326] {strides = array<i32>} : memref<1024xi32, #tpu.memory_space<vmem>>, vector<16xi32>,
    %get3A_328 = vector.shape_cast %get3A_327 : vector<16xi32> to vector<16xi32>
    %ne3A_329 = arith.constant 0 : i32
    %ne3A_330 = vector.broadcast %ne3A_329 : i32 to vector<16xi32>
    %ne3A_331 = arith.cmpi ne, %get3A_328, %ne3A_330 : vector<16xi32>
    %get3A_332 = arith.constant 256 : index
    %get3A_333 = tpu.vector_load %arg6[%get3A_332] {strides = array<i32>} : memref<1024xi32, #tpu.memory_space<vmem>>, vector<16xi32>,
    %get3A_334 = vector.shape_cast %get3A_333 : vector<16xi32> to vector<16xi32>
    %select_n3A_335 = arith.select %ne3A_331, %add3A_325, %get3A_334 : vector<16xi1>, vector<16xi32>
    %swap3A_336 = arith.constant 256 : index
    %swap3A_337 = tpu.vector_load %arg6[%swap3A_336] {strides = array<i32>} : memref<1024xi32, #tpu.memory_space<vmem>>, vector<16xi32>,
    %swap3A_338 = vector.shape_cast %swap3A_337 : vector<16xi32> to vector<16xi32>
    %swap3A_339 = vector.shape_cast %select_n3A_335 : vector<16xi32> to vector<16xi32>
    tpu.vector_store %arg6[%swap3A_336], %swap3A_339 {strides = array<i32>} : memref<1024xi32, #tpu.memory_space<vmem>>, vector<16xi32>,
    %add3A_340 = arith.constant 272 : i32
    %add3A_341 = arith.addi %mul3A_34, %add3A_340 : i32
    %add3A_342 = vector.broadcast %add3A_341 : i32 to vector<16xi32>
    %add3A_343 = arith.addi %add3A_342, %iota3A : vector<16xi32>
    %get3A_344 = arith.constant 272 : index
    %get3A_345 = tpu.vector_load %arg7[%get3A_344] {strides = array<i32>} : memref<1024xi32, #tpu.memory_space<vmem>>, vector<16xi32>,
    %get3A_346 = vector.shape_cast %get3A_345 : vector<16xi32> to vector<16xi32>
    %ne3A_347 = arith.constant 0 : i32
    %ne3A_348 = vector.broadcast %ne3A_347 : i32 to vector<16xi32>
    %ne3A_349 = arith.cmpi ne, %get3A_346, %ne3A_348 : vector<16xi32>
    %get3A_350 = arith.constant 272 : index
    %get3A_351 = tpu.vector_load %arg6[%get3A_350] {strides = array<i32>} : memref<1024xi32, #tpu.memory_space<vmem>>, vector<16xi32>,
    %get3A_352 = vector.shape_cast %get3A_351 : vector<16xi32> to vector<16xi32>
    %select_n3A_353 = arith.select %ne3A_349, %add3A_343, %get3A_352 : vector<16xi1>, vector<16xi32>
    %swap3A_354 = arith.constant 272 : index
    %swap3A_355 = tpu.vector_load %arg6[%swap3A_354] {strides = array<i32>} : memref<1024xi32, #tpu.memory_space<vmem>>, vector<16xi32>,
    %swap3A_356 = vector.shape_cast %swap3A_355 : vector<16xi32> to vector<16xi32>
    %swap3A_357 = vector.shape_cast %select_n3A_353 : vector<16xi32> to vector<16xi32>
    tpu.vector_store %arg6[%swap3A_354], %swap3A_357 {strides = array<i32>} : memref<1024xi32, #tpu.memory_space<vmem>>, vector<16xi32>,
    %add3A_358 = arith.constant 288 : i32
    %add3A_359 = arith.addi %mul3A_34, %add3A_358 : i32
    %add3A_360 = vector.broadcast %add3A_359 : i32 to vector<16xi32>
    %add3A_361 = arith.addi %add3A_360, %iota3A : vector<16xi32>
    %get3A_362 = arith.constant 288 : index
    %get3A_363 = tpu.vector_load %arg7[%get3A_362] {strides = array<i32>} : memref<1024xi32, #tpu.memory_space<vmem>>, vector<16xi32>,
    %get3A_364 = vector.shape_cast %get3A_363 : vector<16xi32> to vector<16xi32>
    %ne3A_365 = arith.constant 0 : i32
    %ne3A_366 = vector.broadcast %ne3A_365 : i32 to vector<16xi32>
    %ne3A_367 = arith.cmpi ne, %get3A_364, %ne3A_366 : vector<16xi32>
    %get3A_368 = arith.constant 288 : index
    %get3A_369 = tpu.vector_load %arg6[%get3A_368] {strides = array<i32>} : memref<1024xi32, #tpu.memory_space<vmem>>, vector<16xi32>,
    %get3A_370 = vector.shape_cast %get3A_369 : vector<16xi32> to vector<16xi32>
    %select_n3A_371 = arith.select %ne3A_367, %add3A_361, %get3A_370 : vector<16xi1>, vector<16xi32>
    %swap3A_372 = arith.constant 288 : index
    %swap3A_373 = tpu.vector_load %arg6[%swap3A_372] {strides = array<i32>} : memref<1024xi32, #tpu.memory_space<vmem>>, vector<16xi32>,
    %swap3A_374 = vector.shape_cast %swap3A_373 : vector<16xi32> to vector<16xi32>
    %swap3A_375 = vector.shape_cast %select_n3A_371 : vector<16xi32> to vector<16xi32>
    tpu.vector_store %arg6[%swap3A_372], %swap3A_375 {strides = array<i32>} : memref<1024xi32, #tpu.memory_space<vmem>>, vector<16xi32>,
    %add3A_376 = arith.constant 304 : i32
    %add3A_377 = arith.addi %mul3A_34, %add3A_376 : i32
    %add3A_378 = vector.broadcast %add3A_377 : i32 to vector<16xi32>
    %add3A_379 = arith.addi %add3A_378, %iota3A : vector<16xi32>
    %get3A_380 = arith.constant 304 : index
    %get3A_381 = tpu.vector_load %arg7[%get3A_380] {strides = array<i32>} : memref<1024xi32, #tpu.memory_space<vmem>>, vector<16xi32>,
    %get3A_382 = vector.shape_cast %get3A_381 : vector<16xi32> to vector<16xi32>
    %ne3A_383 = arith.constant 0 : i32
    %ne3A_384 = vector.broadcast %ne3A_383 : i32 to vector<16xi32>
    %ne3A_385 = arith.cmpi ne, %get3A_382, %ne3A_384 : vector<16xi32>
    %get3A_386 = arith.constant 304 : index
    %get3A_387 = tpu.vector_load %arg6[%get3A_386] {strides = array<i32>} : memref<1024xi32, #tpu.memory_space<vmem>>, vector<16xi32>,
    %get3A_388 = vector.shape_cast %get3A_387 : vector<16xi32> to vector<16xi32>
    %select_n3A_389 = arith.select %ne3A_385, %add3A_379, %get3A_388 : vector<16xi1>, vector<16xi32>
    %swap3A_390 = arith.constant 304 : index
    %swap3A_391 = tpu.vector_load %arg6[%swap3A_390] {strides = array<i32>} : memref<1024xi32, #tpu.memory_space<vmem>>, vector<16xi32>,
    %swap3A_392 = vector.shape_cast %swap3A_391 : vector<16xi32> to vector<16xi32>
    %swap3A_393 = vector.shape_cast %select_n3A_389 : vector<16xi32> to vector<16xi32>
    tpu.vector_store %arg6[%swap3A_390], %swap3A_393 {strides = array<i32>} : memref<1024xi32, #tpu.memory_space<vmem>>, vector<16xi32>,
    %add3A_394 = arith.constant 320 : i32
    %add3A_395 = arith.addi %mul3A_34, %add3A_394 : i32
    %add3A_396 = vector.broadcast %add3A_395 : i32 to vector<16xi32>
    %add3A_397 = arith.addi %add3A_396, %iota3A : vector<16xi32>
    %get3A_398 = arith.constant 320 : index
    %get3A_399 = tpu.vector_load %arg7[%get3A_398] {strides = array<i32>} : memref<1024xi32, #tpu.memory_space<vmem>>, vector<16xi32>,
    %get3A_400 = vector.shape_cast %get3A_399 : vector<16xi32> to vector<16xi32>
    %ne3A_401 = arith.constant 0 : i32
    %ne3A_402 = vector.broadcast %ne3A_401 : i32 to vector<16xi32>
    %ne3A_403 = arith.cmpi ne, %get3A_400, %ne3A_402 : vector<16xi32>
    %get3A_404 = arith.constant 320 : index
    %get3A_405 = tpu.vector_load %arg6[%get3A_404] {strides = array<i32>} : memref<1024xi32, #tpu.memory_space<vmem>>, vector<16xi32>,
    %get3A_406 = vector.shape_cast %get3A_405 : vector<16xi32> to vector<16xi32>
    %select_n3A_407 = arith.select %ne3A_403, %add3A_397, %get3A_406 : vector<16xi1>, vector<16xi32>
    %swap3A_408 = arith.constant 320 : index
    %swap3A_409 = tpu.vector_load %arg6[%swap3A_408] {strides = array<i32>} : memref<1024xi32, #tpu.memory_space<vmem>>, vector<16xi32>,
    %swap3A_410 = vector.shape_cast %swap3A_409 : vector<16xi32> to vector<16xi32>
    %swap3A_411 = vector.shape_cast %select_n3A_407 : vector<16xi32> to vector<16xi32>
    tpu.vector_store %arg6[%swap3A_408], %swap3A_411 {strides = array<i32>} : memref<1024xi32, #tpu.memory_space<vmem>>, vector<16xi32>,
    %add3A_412 = arith.constant 336 : i32
    %add3A_413 = arith.addi %mul3A_34, %add3A_412 : i32
    %add3A_414 = vector.broadcast %add3A_413 : i32 to vector<16xi32>
    %add3A_415 = arith.addi %add3A_414, %iota3A : vector<16xi32>
    %get3A_416 = arith.constant 336 : index
    %get3A_417 = tpu.vector_load %arg7[%get3A_416] {strides = array<i32>} : memref<1024xi32, #tpu.memory_space<vmem>>, vector<16xi32>,
    %get3A_418 = vector.shape_cast %get3A_417 : vector<16xi32> to vector<16xi32>
    %ne3A_419 = arith.constant 0 : i32
    %ne3A_420 = vector.broadcast %ne3A_419 : i32 to vector<16xi32>
    %ne3A_421 = arith.cmpi ne, %get3A_418, %ne3A_420 : vector<16xi32>
    %get3A_422 = arith.constant 336 : index
    %get3A_423 = tpu.vector_load %arg6[%get3A_422] {strides = array<i32>} : memref<1024xi32, #tpu.memory_space<vmem>>, vector<16xi32>,
    %get3A_424 = vector.shape_cast %get3A_423 : vector<16xi32> to vector<16xi32>
    %select_n3A_425 = arith.select %ne3A_421, %add3A_415, %get3A_424 : vector<16xi1>, vector<16xi32>
    %swap3A_426 = arith.constant 336 : index
    %swap3A_427 = tpu.vector_load %arg6[%swap3A_426] {strides = array<i32>} : memref<1024xi32, #tpu.memory_space<vmem>>, vector<16xi32>,
    %swap3A_428 = vector.shape_cast %swap3A_427 : vector<16xi32> to vector<16xi32>
    %swap3A_429 = vector.shape_cast %select_n3A_425 : vector<16xi32> to vector<16xi32>
    tpu.vector_store %arg6[%swap3A_426], %swap3A_429 {strides = array<i32>} : memref<1024xi32, #tpu.memory_space<vmem>>, vector<16xi32>,
    %add3A_430 = arith.constant 352 : i32
    %add3A_431 = arith.addi %mul3A_34, %add3A_430 : i32
    %add3A_432 = vector.broadcast %add3A_431 : i32 to vector<16xi32>
    %add3A_433 = arith.addi %add3A_432, %iota3A : vector<16xi32>
    %get3A_434 = arith.constant 352 : index
    %get3A_435 = tpu.vector_load %arg7[%get3A_434] {strides = array<i32>} : memref<1024xi32, #tpu.memory_space<vmem>>, vector<16xi32>,
    %get3A_436 = vector.shape_cast %get3A_435 : vector<16xi32> to vector<16xi32>
    %ne3A_437 = arith.constant 0 : i32
    %ne3A_438 = vector.broadcast %ne3A_437 : i32 to vector<16xi32>
    %ne3A_439 = arith.cmpi ne, %get3A_436, %ne3A_438 : vector<16xi32>
    %get3A_440 = arith.constant 352 : index
    %get3A_441 = tpu.vector_load %arg6[%get3A_440] {strides = array<i32>} : memref<1024xi32, #tpu.memory_space<vmem>>, vector<16xi32>,
    %get3A_442 = vector.shape_cast %get3A_441 : vector<16xi32> to vector<16xi32>
    %select_n3A_443 = arith.select %ne3A_439, %add3A_433, %get3A_442 : vector<16xi1>, vector<16xi32>
    %swap3A_444 = arith.constant 352 : index
    %swap3A_445 = tpu.vector_load %arg6[%swap3A_444] {strides = array<i32>} : memref<1024xi32, #tpu.memory_space<vmem>>, vector<16xi32>,
    %swap3A_446 = vector.shape_cast %swap3A_445 : vector<16xi32> to vector<16xi32>
    %swap3A_447 = vector.shape_cast %select_n3A_443 : vector<16xi32> to vector<16xi32>
    tpu.vector_store %arg6[%swap3A_444], %swap3A_447 {strides = array<i32>} : memref<1024xi32, #tpu.memory_space<vmem>>, vector<16xi32>,
    %add3A_448 = arith.constant 368 : i32
    %add3A_449 = arith.addi %mul3A_34, %add3A_448 : i32
    %add3A_450 = vector.broadcast %add3A_449 : i32 to vector<16xi32>
    %add3A_451 = arith.addi %add3A_450, %iota3A : vector<16xi32>
    %get3A_452 = arith.constant 368 : index
    %get3A_453 = tpu.vector_load %arg7[%get3A_452] {strides = array<i32>} : memref<1024xi32, #tpu.memory_space<vmem>>, vector<16xi32>,
    %get3A_454 = vector.shape_cast %get3A_453 : vector<16xi32> to vector<16xi32>
    %ne3A_455 = arith.constant 0 : i32
    %ne3A_456 = vector.broadcast %ne3A_455 : i32 to vector<16xi32>
    %ne3A_457 = arith.cmpi ne, %get3A_454, %ne3A_456 : vector<16xi32>
    %get3A_458 = arith.constant 368 : index
    %get3A_459 = tpu.vector_load %arg6[%get3A_458] {strides = array<i32>} : memref<1024xi32, #tpu.memory_space<vmem>>, vector<16xi32>,
    %get3A_460 = vector.shape_cast %get3A_459 : vector<16xi32> to vector<16xi32>
    %select_n3A_461 = arith.select %ne3A_457, %add3A_451, %get3A_460 : vector<16xi1>, vector<16xi32>
    %swap3A_462 = arith.constant 368 : index
    %swap3A_463 = tpu.vector_load %arg6[%swap3A_462] {strides = array<i32>} : memref<1024xi32, #tpu.memory_space<vmem>>, vector<16xi32>,
    %swap3A_464 = vector.shape_cast %swap3A_463 : vector<16xi32> to vector<16xi32>
    %swap3A_465 = vector.shape_cast %select_n3A_461 : vector<16xi32> to vector<16xi32>
    tpu.vector_store %arg6[%swap3A_462], %swap3A_465 {strides = array<i32>} : memref<1024xi32, #tpu.memory_space<vmem>>, vector<16xi32>,
    %add3A_466 = arith.constant 384 : i32
    %add3A_467 = arith.addi %mul3A_34, %add3A_466 : i32
    %add3A_468 = vector.broadcast %add3A_467 : i32 to vector<16xi32>
    %add3A_469 = arith.addi %add3A_468, %iota3A : vector<16xi32>
    %get3A_470 = arith.constant 384 : index
    %get3A_471 = tpu.vector_load %arg7[%get3A_470] {strides = array<i32>} : memref<1024xi32, #tpu.memory_space<vmem>>, vector<16xi32>,
    %get3A_472 = vector.shape_cast %get3A_471 : vector<16xi32> to vector<16xi32>
    %ne3A_473 = arith.constant 0 : i32
    %ne3A_474 = vector.broadcast %ne3A_473 : i32 to vector<16xi32>
    %ne3A_475 = arith.cmpi ne, %get3A_472, %ne3A_474 : vector<16xi32>
    %get3A_476 = arith.constant 384 : index
    %get3A_477 = tpu.vector_load %arg6[%get3A_476] {strides = array<i32>} : memref<1024xi32, #tpu.memory_space<vmem>>, vector<16xi32>,
    %get3A_478 = vector.shape_cast %get3A_477 : vector<16xi32> to vector<16xi32>
    %select_n3A_479 = arith.select %ne3A_475, %add3A_469, %get3A_478 : vector<16xi1>, vector<16xi32>
    %swap3A_480 = arith.constant 384 : index
    %swap3A_481 = tpu.vector_load %arg6[%swap3A_480] {strides = array<i32>} : memref<1024xi32, #tpu.memory_space<vmem>>, vector<16xi32>,
    %swap3A_482 = vector.shape_cast %swap3A_481 : vector<16xi32> to vector<16xi32>
    %swap3A_483 = vector.shape_cast %select_n3A_479 : vector<16xi32> to vector<16xi32>
    tpu.vector_store %arg6[%swap3A_480], %swap3A_483 {strides = array<i32>} : memref<1024xi32, #tpu.memory_space<vmem>>, vector<16xi32>,
    %add3A_484 = arith.constant 400 : i32
    %add3A_485 = arith.addi %mul3A_34, %add3A_484 : i32
    %add3A_486 = vector.broadcast %add3A_485 : i32 to vector<16xi32>
    %add3A_487 = arith.addi %add3A_486, %iota3A : vector<16xi32>
    %get3A_488 = arith.constant 400 : index
    %get3A_489 = tpu.vector_load %arg7[%get3A_488] {strides = array<i32>} : memref<1024xi32, #tpu.memory_space<vmem>>, vector<16xi32>,
    %get3A_490 = vector.shape_cast %get3A_489 : vector<16xi32> to vector<16xi32>
    %ne3A_491 = arith.constant 0 : i32
    %ne3A_492 = vector.broadcast %ne3A_491 : i32 to vector<16xi32>
    %ne3A_493 = arith.cmpi ne, %get3A_490, %ne3A_492 : vector<16xi32>
    %get3A_494 = arith.constant 400 : index
    %get3A_495 = tpu.vector_load %arg6[%get3A_494] {strides = array<i32>} : memref<1024xi32, #tpu.memory_space<vmem>>, vector<16xi32>,
    %get3A_496 = vector.shape_cast %get3A_495 : vector<16xi32> to vector<16xi32>
    %select_n3A_497 = arith.select %ne3A_493, %add3A_487, %get3A_496 : vector<16xi1>, vector<16xi32>
    %swap3A_498 = arith.constant 400 : index
    %swap3A_499 = tpu.vector_load %arg6[%swap3A_498] {strides = array<i32>} : memref<1024xi32, #tpu.memory_space<vmem>>, vector<16xi32>,
    %swap3A_500 = vector.shape_cast %swap3A_499 : vector<16xi32> to vector<16xi32>
    %swap3A_501 = vector.shape_cast %select_n3A_497 : vector<16xi32> to vector<16xi32>
    tpu.vector_store %arg6[%swap3A_498], %swap3A_501 {strides = array<i32>} : memref<1024xi32, #tpu.memory_space<vmem>>, vector<16xi32>,
    %add3A_502 = arith.constant 416 : i32
    %add3A_503 = arith.addi %mul3A_34, %add3A_502 : i32
    %add3A_504 = vector.broadcast %add3A_503 : i32 to vector<16xi32>
    %add3A_505 = arith.addi %add3A_504, %iota3A : vector<16xi32>
    %get3A_506 = arith.constant 416 : index
    %get3A_507 = tpu.vector_load %arg7[%get3A_506] {strides = array<i32>} : memref<1024xi32, #tpu.memory_space<vmem>>, vector<16xi32>,
    %get3A_508 = vector.shape_cast %get3A_507 : vector<16xi32> to vector<16xi32>
    %ne3A_509 = arith.constant 0 : i32
    %ne3A_510 = vector.broadcast %ne3A_509 : i32 to vector<16xi32>
    %ne3A_511 = arith.cmpi ne, %get3A_508, %ne3A_510 : vector<16xi32>
    %get3A_512 = arith.constant 416 : index
    %get3A_513 = tpu.vector_load %arg6[%get3A_512] {strides = array<i32>} : memref<1024xi32, #tpu.memory_space<vmem>>, vector<16xi32>,
    %get3A_514 = vector.shape_cast %get3A_513 : vector<16xi32> to vector<16xi32>
    %select_n3A_515 = arith.select %ne3A_511, %add3A_505, %get3A_514 : vector<16xi1>, vector<16xi32>
    %swap3A_516 = arith.constant 416 : index
    %swap3A_517 = tpu.vector_load %arg6[%swap3A_516] {strides = array<i32>} : memref<1024xi32, #tpu.memory_space<vmem>>, vector<16xi32>,
    %swap3A_518 = vector.shape_cast %swap3A_517 : vector<16xi32> to vector<16xi32>
    %swap3A_519 = vector.shape_cast %select_n3A_515 : vector<16xi32> to vector<16xi32>
    tpu.vector_store %arg6[%swap3A_516], %swap3A_519 {strides = array<i32>} : memref<1024xi32, #tpu.memory_space<vmem>>, vector<16xi32>,
    %add3A_520 = arith.constant 432 : i32
    %add3A_521 = arith.addi %mul3A_34, %add3A_520 : i32
    %add3A_522 = vector.broadcast %add3A_521 : i32 to vector<16xi32>
    %add3A_523 = arith.addi %add3A_522, %iota3A : vector<16xi32>
    %get3A_524 = arith.constant 432 : index
    %get3A_525 = tpu.vector_load %arg7[%get3A_524] {strides = array<i32>} : memref<1024xi32, #tpu.memory_space<vmem>>, vector<16xi32>,
    %get3A_526 = vector.shape_cast %get3A_525 : vector<16xi32> to vector<16xi32>
    %ne3A_527 = arith.constant 0 : i32
    %ne3A_528 = vector.broadcast %ne3A_527 : i32 to vector<16xi32>
    %ne3A_529 = arith.cmpi ne, %get3A_526, %ne3A_528 : vector<16xi32>
    %get3A_530 = arith.constant 432 : index
    %get3A_531 = tpu.vector_load %arg6[%get3A_530] {strides = array<i32>} : memref<1024xi32, #tpu.memory_space<vmem>>, vector<16xi32>,
    %get3A_532 = vector.shape_cast %get3A_531 : vector<16xi32> to vector<16xi32>
    %select_n3A_533 = arith.select %ne3A_529, %add3A_523, %get3A_532 : vector<16xi1>, vector<16xi32>
    %swap3A_534 = arith.constant 432 : index
    %swap3A_535 = tpu.vector_load %arg6[%swap3A_534] {strides = array<i32>} : memref<1024xi32, #tpu.memory_space<vmem>>, vector<16xi32>,
    %swap3A_536 = vector.shape_cast %swap3A_535 : vector<16xi32> to vector<16xi32>
    %swap3A_537 = vector.shape_cast %select_n3A_533 : vector<16xi32> to vector<16xi32>
    tpu.vector_store %arg6[%swap3A_534], %swap3A_537 {strides = array<i32>} : memref<1024xi32, #tpu.memory_space<vmem>>, vector<16xi32>,
    %add3A_538 = arith.constant 448 : i32
    %add3A_539 = arith.addi %mul3A_34, %add3A_538 : i32
    %add3A_540 = vector.broadcast %add3A_539 : i32 to vector<16xi32>
    %add3A_541 = arith.addi %add3A_540, %iota3A : vector<16xi32>
    %get3A_542 = arith.constant 448 : index
    %get3A_543 = tpu.vector_load %arg7[%get3A_542] {strides = array<i32>} : memref<1024xi32, #tpu.memory_space<vmem>>, vector<16xi32>,
    %get3A_544 = vector.shape_cast %get3A_543 : vector<16xi32> to vector<16xi32>
    %ne3A_545 = arith.constant 0 : i32
    %ne3A_546 = vector.broadcast %ne3A_545 : i32 to vector<16xi32>
    %ne3A_547 = arith.cmpi ne, %get3A_544, %ne3A_546 : vector<16xi32>
    %get3A_548 = arith.constant 448 : index
    %get3A_549 = tpu.vector_load %arg6[%get3A_548] {strides = array<i32>} : memref<1024xi32, #tpu.memory_space<vmem>>, vector<16xi32>,
    %get3A_550 = vector.shape_cast %get3A_549 : vector<16xi32> to vector<16xi32>
    %select_n3A_551 = arith.select %ne3A_547, %add3A_541, %get3A_550 : vector<16xi1>, vector<16xi32>
    %swap3A_552 = arith.constant 448 : index
    %swap3A_553 = tpu.vector_load %arg6[%swap3A_552] {strides = array<i32>} : memref<1024xi32, #tpu.memory_space<vmem>>, vector<16xi32>,
    %swap3A_554 = vector.shape_cast %swap3A_553 : vector<16xi32> to vector<16xi32>
    %swap3A_555 = vector.shape_cast %select_n3A_551 : vector<16xi32> to vector<16xi32>
    tpu.vector_store %arg6[%swap3A_552], %swap3A_555 {strides = array<i32>} : memref<1024xi32, #tpu.memory_space<vmem>>, vector<16xi32>,
    %add3A_556 = arith.constant 464 : i32
    %add3A_557 = arith.addi %mul3A_34, %add3A_556 : i32
    %add3A_558 = vector.broadcast %add3A_557 : i32 to vector<16xi32>
    %add3A_559 = arith.addi %add3A_558, %iota3A : vector<16xi32>
    %get3A_560 = arith.constant 464 : index
    %get3A_561 = tpu.vector_load %arg7[%get3A_560] {strides = array<i32>} : memref<1024xi32, #tpu.memory_space<vmem>>, vector<16xi32>,
    %get3A_562 = vector.shape_cast %get3A_561 : vector<16xi32> to vector<16xi32>
    %ne3A_563 = arith.constant 0 : i32
    %ne3A_564 = vector.broadcast %ne3A_563 : i32 to vector<16xi32>
    %ne3A_565 = arith.cmpi ne, %get3A_562, %ne3A_564 : vector<16xi32>
    %get3A_566 = arith.constant 464 : index
    %get3A_567 = tpu.vector_load %arg6[%get3A_566] {strides = array<i32>} : memref<1024xi32, #tpu.memory_space<vmem>>, vector<16xi32>,
    %get3A_568 = vector.shape_cast %get3A_567 : vector<16xi32> to vector<16xi32>
    %select_n3A_569 = arith.select %ne3A_565, %add3A_559, %get3A_568 : vector<16xi1>, vector<16xi32>
    %swap3A_570 = arith.constant 464 : index
    %swap3A_571 = tpu.vector_load %arg6[%swap3A_570] {strides = array<i32>} : memref<1024xi32, #tpu.memory_space<vmem>>, vector<16xi32>,
    %swap3A_572 = vector.shape_cast %swap3A_571 : vector<16xi32> to vector<16xi32>
    %swap3A_573 = vector.shape_cast %select_n3A_569 : vector<16xi32> to vector<16xi32>
    tpu.vector_store %arg6[%swap3A_570], %swap3A_573 {strides = array<i32>} : memref<1024xi32, #tpu.memory_space<vmem>>, vector<16xi32>,
    %add3A_574 = arith.constant 480 : i32
    %add3A_575 = arith.addi %mul3A_34, %add3A_574 : i32
    %add3A_576 = vector.broadcast %add3A_575 : i32 to vector<16xi32>
    %add3A_577 = arith.addi %add3A_576, %iota3A : vector<16xi32>
    %get3A_578 = arith.constant 480 : index
    %get3A_579 = tpu.vector_load %arg7[%get3A_578] {strides = array<i32>} : memref<1024xi32, #tpu.memory_space<vmem>>, vector<16xi32>,
    %get3A_580 = vector.shape_cast %get3A_579 : vector<16xi32> to vector<16xi32>
    %ne3A_581 = arith.constant 0 : i32
    %ne3A_582 = vector.broadcast %ne3A_581 : i32 to vector<16xi32>
    %ne3A_583 = arith.cmpi ne, %get3A_580, %ne3A_582 : vector<16xi32>
    %get3A_584 = arith.constant 480 : index
    %get3A_585 = tpu.vector_load %arg6[%get3A_584] {strides = array<i32>} : memref<1024xi32, #tpu.memory_space<vmem>>, vector<16xi32>,
    %get3A_586 = vector.shape_cast %get3A_585 : vector<16xi32> to vector<16xi32>
    %select_n3A_587 = arith.select %ne3A_583, %add3A_577, %get3A_586 : vector<16xi1>, vector<16xi32>
    %swap3A_588 = arith.constant 480 : index
    %swap3A_589 = tpu.vector_load %arg6[%swap3A_588] {strides = array<i32>} : memref<1024xi32, #tpu.memory_space<vmem>>, vector<16xi32>,
    %swap3A_590 = vector.shape_cast %swap3A_589 : vector<16xi32> to vector<16xi32>
    %swap3A_591 = vector.shape_cast %select_n3A_587 : vector<16xi32> to vector<16xi32>
    tpu.vector_store %arg6[%swap3A_588], %swap3A_591 {strides = array<i32>} : memref<1024xi32, #tpu.memory_space<vmem>>, vector<16xi32>,
    %add3A_592 = arith.constant 496 : i32
    %add3A_593 = arith.addi %mul3A_34, %add3A_592 : i32
    %add3A_594 = vector.broadcast %add3A_593 : i32 to vector<16xi32>
    %add3A_595 = arith.addi %add3A_594, %iota3A : vector<16xi32>
    %get3A_596 = arith.constant 496 : index
    %get3A_597 = tpu.vector_load %arg7[%get3A_596] {strides = array<i32>} : memref<1024xi32, #tpu.memory_space<vmem>>, vector<16xi32>,
    %get3A_598 = vector.shape_cast %get3A_597 : vector<16xi32> to vector<16xi32>
    %ne3A_599 = arith.constant 0 : i32
    %ne3A_600 = vector.broadcast %ne3A_599 : i32 to vector<16xi32>
    %ne3A_601 = arith.cmpi ne, %get3A_598, %ne3A_600 : vector<16xi32>
    %get3A_602 = arith.constant 496 : index
    %get3A_603 = tpu.vector_load %arg6[%get3A_602] {strides = array<i32>} : memref<1024xi32, #tpu.memory_space<vmem>>, vector<16xi32>,
    %get3A_604 = vector.shape_cast %get3A_603 : vector<16xi32> to vector<16xi32>
    %select_n3A_605 = arith.select %ne3A_601, %add3A_595, %get3A_604 : vector<16xi1>, vector<16xi32>
    %swap3A_606 = arith.constant 496 : index
    %swap3A_607 = tpu.vector_load %arg6[%swap3A_606] {strides = array<i32>} : memref<1024xi32, #tpu.memory_space<vmem>>, vector<16xi32>,
    %swap3A_608 = vector.shape_cast %swap3A_607 : vector<16xi32> to vector<16xi32>
    %swap3A_609 = vector.shape_cast %select_n3A_605 : vector<16xi32> to vector<16xi32>
    tpu.vector_store %arg6[%swap3A_606], %swap3A_609 {strides = array<i32>} : memref<1024xi32, #tpu.memory_space<vmem>>, vector<16xi32>,
    %add3A_610 = arith.constant 512 : i32
    %add3A_611 = arith.addi %mul3A_34, %add3A_610 : i32
    %add3A_612 = vector.broadcast %add3A_611 : i32 to vector<16xi32>
    %add3A_613 = arith.addi %add3A_612, %iota3A : vector<16xi32>
    %get3A_614 = arith.constant 512 : index
    %get3A_615 = tpu.vector_load %arg7[%get3A_614] {strides = array<i32>} : memref<1024xi32, #tpu.memory_space<vmem>>, vector<16xi32>,
    %get3A_616 = vector.shape_cast %get3A_615 : vector<16xi32> to vector<16xi32>
    %ne3A_617 = arith.constant 0 : i32
    %ne3A_618 = vector.broadcast %ne3A_617 : i32 to vector<16xi32>
    %ne3A_619 = arith.cmpi ne, %get3A_616, %ne3A_618 : vector<16xi32>
    %get3A_620 = arith.constant 512 : index
    %get3A_621 = tpu.vector_load %arg6[%get3A_620] {strides = array<i32>} : memref<1024xi32, #tpu.memory_space<vmem>>, vector<16xi32>,
    %get3A_622 = vector.shape_cast %get3A_621 : vector<16xi32> to vector<16xi32>
    %select_n3A_623 = arith.select %ne3A_619, %add3A_613, %get3A_622 : vector<16xi1>, vector<16xi32>
    %swap3A_624 = arith.constant 512 : index
    %swap3A_625 = tpu.vector_load %arg6[%swap3A_624] {strides = array<i32>} : memref<1024xi32, #tpu.memory_space<vmem>>, vector<16xi32>,
    %swap3A_626 = vector.shape_cast %swap3A_625 : vector<16xi32> to vector<16xi32>
    %swap3A_627 = vector.shape_cast %select_n3A_623 : vector<16xi32> to vector<16xi32>
    tpu.vector_store %arg6[%swap3A_624], %swap3A_627 {strides = array<i32>} : memref<1024xi32, #tpu.memory_space<vmem>>, vector<16xi32>,
    %add3A_628 = arith.constant 528 : i32
    %add3A_629 = arith.addi %mul3A_34, %add3A_628 : i32
    %add3A_630 = vector.broadcast %add3A_629 : i32 to vector<16xi32>
    %add3A_631 = arith.addi %add3A_630, %iota3A : vector<16xi32>
    %get3A_632 = arith.constant 528 : index
    %get3A_633 = tpu.vector_load %arg7[%get3A_632] {strides = array<i32>} : memref<1024xi32, #tpu.memory_space<vmem>>, vector<16xi32>,
    %get3A_634 = vector.shape_cast %get3A_633 : vector<16xi32> to vector<16xi32>
    %ne3A_635 = arith.constant 0 : i32
    %ne3A_636 = vector.broadcast %ne3A_635 : i32 to vector<16xi32>
    %ne3A_637 = arith.cmpi ne, %get3A_634, %ne3A_636 : vector<16xi32>
    %get3A_638 = arith.constant 528 : index
    %get3A_639 = tpu.vector_load %arg6[%get3A_638] {strides = array<i32>} : memref<1024xi32, #tpu.memory_space<vmem>>, vector<16xi32>,
    %get3A_640 = vector.shape_cast %get3A_639 : vector<16xi32> to vector<16xi32>
    %select_n3A_641 = arith.select %ne3A_637, %add3A_631, %get3A_640 : vector<16xi1>, vector<16xi32>
    %swap3A_642 = arith.constant 528 : index
    %swap3A_643 = tpu.vector_load %arg6[%swap3A_642] {strides = array<i32>} : memref<1024xi32, #tpu.memory_space<vmem>>, vector<16xi32>,
    %swap3A_644 = vector.shape_cast %swap3A_643 : vector<16xi32> to vector<16xi32>
    %swap3A_645 = vector.shape_cast %select_n3A_641 : vector<16xi32> to vector<16xi32>
    tpu.vector_store %arg6[%swap3A_642], %swap3A_645 {strides = array<i32>} : memref<1024xi32, #tpu.memory_space<vmem>>, vector<16xi32>,
    %add3A_646 = arith.constant 544 : i32
    %add3A_647 = arith.addi %mul3A_34, %add3A_646 : i32
    %add3A_648 = vector.broadcast %add3A_647 : i32 to vector<16xi32>
    %add3A_649 = arith.addi %add3A_648, %iota3A : vector<16xi32>
    %get3A_650 = arith.constant 544 : index
    %get3A_651 = tpu.vector_load %arg7[%get3A_650] {strides = array<i32>} : memref<1024xi32, #tpu.memory_space<vmem>>, vector<16xi32>,
    %get3A_652 = vector.shape_cast %get3A_651 : vector<16xi32> to vector<16xi32>
    %ne3A_653 = arith.constant 0 : i32
    %ne3A_654 = vector.broadcast %ne3A_653 : i32 to vector<16xi32>
    %ne3A_655 = arith.cmpi ne, %get3A_652, %ne3A_654 : vector<16xi32>
    %get3A_656 = arith.constant 544 : index
    %get3A_657 = tpu.vector_load %arg6[%get3A_656] {strides = array<i32>} : memref<1024xi32, #tpu.memory_space<vmem>>, vector<16xi32>,
    %get3A_658 = vector.shape_cast %get3A_657 : vector<16xi32> to vector<16xi32>
    %select_n3A_659 = arith.select %ne3A_655, %add3A_649, %get3A_658 : vector<16xi1>, vector<16xi32>
    %swap3A_660 = arith.constant 544 : index
    %swap3A_661 = tpu.vector_load %arg6[%swap3A_660] {strides = array<i32>} : memref<1024xi32, #tpu.memory_space<vmem>>, vector<16xi32>,
    %swap3A_662 = vector.shape_cast %swap3A_661 : vector<16xi32> to vector<16xi32>
    %swap3A_663 = vector.shape_cast %select_n3A_659 : vector<16xi32> to vector<16xi32>
    tpu.vector_store %arg6[%swap3A_660], %swap3A_663 {strides = array<i32>} : memref<1024xi32, #tpu.memory_space<vmem>>, vector<16xi32>,
    %add3A_664 = arith.constant 560 : i32
    %add3A_665 = arith.addi %mul3A_34, %add3A_664 : i32
    %add3A_666 = vector.broadcast %add3A_665 : i32 to vector<16xi32>
    %add3A_667 = arith.addi %add3A_666, %iota3A : vector<16xi32>
    %get3A_668 = arith.constant 560 : index
    %get3A_669 = tpu.vector_load %arg7[%get3A_668] {strides = array<i32>} : memref<1024xi32, #tpu.memory_space<vmem>>, vector<16xi32>,
    %get3A_670 = vector.shape_cast %get3A_669 : vector<16xi32> to vector<16xi32>
    %ne3A_671 = arith.constant 0 : i32
    %ne3A_672 = vector.broadcast %ne3A_671 : i32 to vector<16xi32>
    %ne3A_673 = arith.cmpi ne, %get3A_670, %ne3A_672 : vector<16xi32>
    %get3A_674 = arith.constant 560 : index
    %get3A_675 = tpu.vector_load %arg6[%get3A_674] {strides = array<i32>} : memref<1024xi32, #tpu.memory_space<vmem>>, vector<16xi32>,
    %get3A_676 = vector.shape_cast %get3A_675 : vector<16xi32> to vector<16xi32>
    %select_n3A_677 = arith.select %ne3A_673, %add3A_667, %get3A_676 : vector<16xi1>, vector<16xi32>
    %swap3A_678 = arith.constant 560 : index
    %swap3A_679 = tpu.vector_load %arg6[%swap3A_678] {strides = array<i32>} : memref<1024xi32, #tpu.memory_space<vmem>>, vector<16xi32>,
    %swap3A_680 = vector.shape_cast %swap3A_679 : vector<16xi32> to vector<16xi32>
    %swap3A_681 = vector.shape_cast %select_n3A_677 : vector<16xi32> to vector<16xi32>
    tpu.vector_store %arg6[%swap3A_678], %swap3A_681 {strides = array<i32>} : memref<1024xi32, #tpu.memory_space<vmem>>, vector<16xi32>,
    %add3A_682 = arith.constant 576 : i32
    %add3A_683 = arith.addi %mul3A_34, %add3A_682 : i32
    %add3A_684 = vector.broadcast %add3A_683 : i32 to vector<16xi32>
    %add3A_685 = arith.addi %add3A_684, %iota3A : vector<16xi32>
    %get3A_686 = arith.constant 576 : index
    %get3A_687 = tpu.vector_load %arg7[%get3A_686] {strides = array<i32>} : memref<1024xi32, #tpu.memory_space<vmem>>, vector<16xi32>,
    %get3A_688 = vector.shape_cast %get3A_687 : vector<16xi32> to vector<16xi32>
    %ne3A_689 = arith.constant 0 : i32
    %ne3A_690 = vector.broadcast %ne3A_689 : i32 to vector<16xi32>
    %ne3A_691 = arith.cmpi ne, %get3A_688, %ne3A_690 : vector<16xi32>
    %get3A_692 = arith.constant 576 : index
    %get3A_693 = tpu.vector_load %arg6[%get3A_692] {strides = array<i32>} : memref<1024xi32, #tpu.memory_space<vmem>>, vector<16xi32>,
    %get3A_694 = vector.shape_cast %get3A_693 : vector<16xi32> to vector<16xi32>
    %select_n3A_695 = arith.select %ne3A_691, %add3A_685, %get3A_694 : vector<16xi1>, vector<16xi32>
    %swap3A_696 = arith.constant 576 : index
    %swap3A_697 = tpu.vector_load %arg6[%swap3A_696] {strides = array<i32>} : memref<1024xi32, #tpu.memory_space<vmem>>, vector<16xi32>,
    %swap3A_698 = vector.shape_cast %swap3A_697 : vector<16xi32> to vector<16xi32>
    %swap3A_699 = vector.shape_cast %select_n3A_695 : vector<16xi32> to vector<16xi32>
    tpu.vector_store %arg6[%swap3A_696], %swap3A_699 {strides = array<i32>} : memref<1024xi32, #tpu.memory_space<vmem>>, vector<16xi32>,
    %add3A_700 = arith.constant 592 : i32
    %add3A_701 = arith.addi %mul3A_34, %add3A_700 : i32
    %add3A_702 = vector.broadcast %add3A_701 : i32 to vector<16xi32>
    %add3A_703 = arith.addi %add3A_702, %iota3A : vector<16xi32>
    %get3A_704 = arith.constant 592 : index
    %get3A_705 = tpu.vector_load %arg7[%get3A_704] {strides = array<i32>} : memref<1024xi32, #tpu.memory_space<vmem>>, vector<16xi32>,
    %get3A_706 = vector.shape_cast %get3A_705 : vector<16xi32> to vector<16xi32>
    %ne3A_707 = arith.constant 0 : i32
    %ne3A_708 = vector.broadcast %ne3A_707 : i32 to vector<16xi32>
    %ne3A_709 = arith.cmpi ne, %get3A_706, %ne3A_708 : vector<16xi32>
    %get3A_710 = arith.constant 592 : index
    %get3A_711 = tpu.vector_load %arg6[%get3A_710] {strides = array<i32>} : memref<1024xi32, #tpu.memory_space<vmem>>, vector<16xi32>,
    %get3A_712 = vector.shape_cast %get3A_711 : vector<16xi32> to vector<16xi32>
    %select_n3A_713 = arith.select %ne3A_709, %add3A_703, %get3A_712 : vector<16xi1>, vector<16xi32>
    %swap3A_714 = arith.constant 592 : index
    %swap3A_715 = tpu.vector_load %arg6[%swap3A_714] {strides = array<i32>} : memref<1024xi32, #tpu.memory_space<vmem>>, vector<16xi32>,
    %swap3A_716 = vector.shape_cast %swap3A_715 : vector<16xi32> to vector<16xi32>
    %swap3A_717 = vector.shape_cast %select_n3A_713 : vector<16xi32> to vector<16xi32>
    tpu.vector_store %arg6[%swap3A_714], %swap3A_717 {strides = array<i32>} : memref<1024xi32, #tpu.memory_space<vmem>>, vector<16xi32>,
    %add3A_718 = arith.constant 608 : i32
    %add3A_719 = arith.addi %mul3A_34, %add3A_718 : i32
    %add3A_720 = vector.broadcast %add3A_719 : i32 to vector<16xi32>
    %add3A_721 = arith.addi %add3A_720, %iota3A : vector<16xi32>
    %get3A_722 = arith.constant 608 : index
    %get3A_723 = tpu.vector_load %arg7[%get3A_722] {strides = array<i32>} : memref<1024xi32, #tpu.memory_space<vmem>>, vector<16xi32>,
    %get3A_724 = vector.shape_cast %get3A_723 : vector<16xi32> to vector<16xi32>
    %ne3A_725 = arith.constant 0 : i32
    %ne3A_726 = vector.broadcast %ne3A_725 : i32 to vector<16xi32>
    %ne3A_727 = arith.cmpi ne, %get3A_724, %ne3A_726 : vector<16xi32>
    %get3A_728 = arith.constant 608 : index
    %get3A_729 = tpu.vector_load %arg6[%get3A_728] {strides = array<i32>} : memref<1024xi32, #tpu.memory_space<vmem>>, vector<16xi32>,
    %get3A_730 = vector.shape_cast %get3A_729 : vector<16xi32> to vector<16xi32>
    %select_n3A_731 = arith.select %ne3A_727, %add3A_721, %get3A_730 : vector<16xi1>, vector<16xi32>
    %swap3A_732 = arith.constant 608 : index
    %swap3A_733 = tpu.vector_load %arg6[%swap3A_732] {strides = array<i32>} : memref<1024xi32, #tpu.memory_space<vmem>>, vector<16xi32>,
    %swap3A_734 = vector.shape_cast %swap3A_733 : vector<16xi32> to vector<16xi32>
    %swap3A_735 = vector.shape_cast %select_n3A_731 : vector<16xi32> to vector<16xi32>
    tpu.vector_store %arg6[%swap3A_732], %swap3A_735 {strides = array<i32>} : memref<1024xi32, #tpu.memory_space<vmem>>, vector<16xi32>,
    %add3A_736 = arith.constant 624 : i32
    %add3A_737 = arith.addi %mul3A_34, %add3A_736 : i32
    %add3A_738 = vector.broadcast %add3A_737 : i32 to vector<16xi32>
    %add3A_739 = arith.addi %add3A_738, %iota3A : vector<16xi32>
    %get3A_740 = arith.constant 624 : index
    %get3A_741 = tpu.vector_load %arg7[%get3A_740] {strides = array<i32>} : memref<1024xi32, #tpu.memory_space<vmem>>, vector<16xi32>,
    %get3A_742 = vector.shape_cast %get3A_741 : vector<16xi32> to vector<16xi32>
    %ne3A_743 = arith.constant 0 : i32
    %ne3A_744 = vector.broadcast %ne3A_743 : i32 to vector<16xi32>
    %ne3A_745 = arith.cmpi ne, %get3A_742, %ne3A_744 : vector<16xi32>
    %get3A_746 = arith.constant 624 : index
    %get3A_747 = tpu.vector_load %arg6[%get3A_746] {strides = array<i32>} : memref<1024xi32, #tpu.memory_space<vmem>>, vector<16xi32>,
    %get3A_748 = vector.shape_cast %get3A_747 : vector<16xi32> to vector<16xi32>
    %select_n3A_749 = arith.select %ne3A_745, %add3A_739, %get3A_748 : vector<16xi1>, vector<16xi32>
    %swap3A_750 = arith.constant 624 : index
    %swap3A_751 = tpu.vector_load %arg6[%swap3A_750] {strides = array<i32>} : memref<1024xi32, #tpu.memory_space<vmem>>, vector<16xi32>,
    %swap3A_752 = vector.shape_cast %swap3A_751 : vector<16xi32> to vector<16xi32>
    %swap3A_753 = vector.shape_cast %select_n3A_749 : vector<16xi32> to vector<16xi32>
    tpu.vector_store %arg6[%swap3A_750], %swap3A_753 {strides = array<i32>} : memref<1024xi32, #tpu.memory_space<vmem>>, vector<16xi32>,
    %add3A_754 = arith.constant 640 : i32
    %add3A_755 = arith.addi %mul3A_34, %add3A_754 : i32
    %add3A_756 = vector.broadcast %add3A_755 : i32 to vector<16xi32>
    %add3A_757 = arith.addi %add3A_756, %iota3A : vector<16xi32>
    %get3A_758 = arith.constant 640 : index
    %get3A_759 = tpu.vector_load %arg7[%get3A_758] {strides = array<i32>} : memref<1024xi32, #tpu.memory_space<vmem>>, vector<16xi32>,
    %get3A_760 = vector.shape_cast %get3A_759 : vector<16xi32> to vector<16xi32>
    %ne3A_761 = arith.constant 0 : i32
    %ne3A_762 = vector.broadcast %ne3A_761 : i32 to vector<16xi32>
    %ne3A_763 = arith.cmpi ne, %get3A_760, %ne3A_762 : vector<16xi32>
    %get3A_764 = arith.constant 640 : index
    %get3A_765 = tpu.vector_load %arg6[%get3A_764] {strides = array<i32>} : memref<1024xi32, #tpu.memory_space<vmem>>, vector<16xi32>,
    %get3A_766 = vector.shape_cast %get3A_765 : vector<16xi32> to vector<16xi32>
    %select_n3A_767 = arith.select %ne3A_763, %add3A_757, %get3A_766 : vector<16xi1>, vector<16xi32>
    %swap3A_768 = arith.constant 640 : index
    %swap3A_769 = tpu.vector_load %arg6[%swap3A_768] {strides = array<i32>} : memref<1024xi32, #tpu.memory_space<vmem>>, vector<16xi32>,
    %swap3A_770 = vector.shape_cast %swap3A_769 : vector<16xi32> to vector<16xi32>
    %swap3A_771 = vector.shape_cast %select_n3A_767 : vector<16xi32> to vector<16xi32>
    tpu.vector_store %arg6[%swap3A_768], %swap3A_771 {strides = array<i32>} : memref<1024xi32, #tpu.memory_space<vmem>>, vector<16xi32>,
    %add3A_772 = arith.constant 656 : i32
    %add3A_773 = arith.addi %mul3A_34, %add3A_772 : i32
    %add3A_774 = vector.broadcast %add3A_773 : i32 to vector<16xi32>
    %add3A_775 = arith.addi %add3A_774, %iota3A : vector<16xi32>
    %get3A_776 = arith.constant 656 : index
    %get3A_777 = tpu.vector_load %arg7[%get3A_776] {strides = array<i32>} : memref<1024xi32, #tpu.memory_space<vmem>>, vector<16xi32>,
    %get3A_778 = vector.shape_cast %get3A_777 : vector<16xi32> to vector<16xi32>
    %ne3A_779 = arith.constant 0 : i32
    %ne3A_780 = vector.broadcast %ne3A_779 : i32 to vector<16xi32>
    %ne3A_781 = arith.cmpi ne, %get3A_778, %ne3A_780 : vector<16xi32>
    %get3A_782 = arith.constant 656 : index
    %get3A_783 = tpu.vector_load %arg6[%get3A_782] {strides = array<i32>} : memref<1024xi32, #tpu.memory_space<vmem>>, vector<16xi32>,
    %get3A_784 = vector.shape_cast %get3A_783 : vector<16xi32> to vector<16xi32>
    %select_n3A_785 = arith.select %ne3A_781, %add3A_775, %get3A_784 : vector<16xi1>, vector<16xi32>
    %swap3A_786 = arith.constant 656 : index
    %swap3A_787 = tpu.vector_load %arg6[%swap3A_786] {strides = array<i32>} : memref<1024xi32, #tpu.memory_space<vmem>>, vector<16xi32>,
    %swap3A_788 = vector.shape_cast %swap3A_787 : vector<16xi32> to vector<16xi32>
    %swap3A_789 = vector.shape_cast %select_n3A_785 : vector<16xi32> to vector<16xi32>
    tpu.vector_store %arg6[%swap3A_786], %swap3A_789 {strides = array<i32>} : memref<1024xi32, #tpu.memory_space<vmem>>, vector<16xi32>,
    %add3A_790 = arith.constant 672 : i32
    %add3A_791 = arith.addi %mul3A_34, %add3A_790 : i32
    %add3A_792 = vector.broadcast %add3A_791 : i32 to vector<16xi32>
    %add3A_793 = arith.addi %add3A_792, %iota3A : vector<16xi32>
    %get3A_794 = arith.constant 672 : index
    %get3A_795 = tpu.vector_load %arg7[%get3A_794] {strides = array<i32>} : memref<1024xi32, #tpu.memory_space<vmem>>, vector<16xi32>,
    %get3A_796 = vector.shape_cast %get3A_795 : vector<16xi32> to vector<16xi32>
    %ne3A_797 = arith.constant 0 : i32
    %ne3A_798 = vector.broadcast %ne3A_797 : i32 to vector<16xi32>
    %ne3A_799 = arith.cmpi ne, %get3A_796, %ne3A_798 : vector<16xi32>
    %get3A_800 = arith.constant 672 : index
    %get3A_801 = tpu.vector_load %arg6[%get3A_800] {strides = array<i32>} : memref<1024xi32, #tpu.memory_space<vmem>>, vector<16xi32>,
    %get3A_802 = vector.shape_cast %get3A_801 : vector<16xi32> to vector<16xi32>
    %select_n3A_803 = arith.select %ne3A_799, %add3A_793, %get3A_802 : vector<16xi1>, vector<16xi32>
    %swap3A_804 = arith.constant 672 : index
    %swap3A_805 = tpu.vector_load %arg6[%swap3A_804] {strides = array<i32>} : memref<1024xi32, #tpu.memory_space<vmem>>, vector<16xi32>,
    %swap3A_806 = vector.shape_cast %swap3A_805 : vector<16xi32> to vector<16xi32>
    %swap3A_807 = vector.shape_cast %select_n3A_803 : vector<16xi32> to vector<16xi32>
    tpu.vector_store %arg6[%swap3A_804], %swap3A_807 {strides = array<i32>} : memref<1024xi32, #tpu.memory_space<vmem>>, vector<16xi32>,
    %add3A_808 = arith.constant 688 : i32
    %add3A_809 = arith.addi %mul3A_34, %add3A_808 : i32
    %add3A_810 = vector.broadcast %add3A_809 : i32 to vector<16xi32>
    %add3A_811 = arith.addi %add3A_810, %iota3A : vector<16xi32>
    %get3A_812 = arith.constant 688 : index
    %get3A_813 = tpu.vector_load %arg7[%get3A_812] {strides = array<i32>} : memref<1024xi32, #tpu.memory_space<vmem>>, vector<16xi32>,
    %get3A_814 = vector.shape_cast %get3A_813 : vector<16xi32> to vector<16xi32>
    %ne3A_815 = arith.constant 0 : i32
    %ne3A_816 = vector.broadcast %ne3A_815 : i32 to vector<16xi32>
    %ne3A_817 = arith.cmpi ne, %get3A_814, %ne3A_816 : vector<16xi32>
    %get3A_818 = arith.constant 688 : index
    %get3A_819 = tpu.vector_load %arg6[%get3A_818] {strides = array<i32>} : memref<1024xi32, #tpu.memory_space<vmem>>, vector<16xi32>,
    %get3A_820 = vector.shape_cast %get3A_819 : vector<16xi32> to vector<16xi32>
    %select_n3A_821 = arith.select %ne3A_817, %add3A_811, %get3A_820 : vector<16xi1>, vector<16xi32>
    %swap3A_822 = arith.constant 688 : index
    %swap3A_823 = tpu.vector_load %arg6[%swap3A_822] {strides = array<i32>} : memref<1024xi32, #tpu.memory_space<vmem>>, vector<16xi32>,
    %swap3A_824 = vector.shape_cast %swap3A_823 : vector<16xi32> to vector<16xi32>
    %swap3A_825 = vector.shape_cast %select_n3A_821 : vector<16xi32> to vector<16xi32>
    tpu.vector_store %arg6[%swap3A_822], %swap3A_825 {strides = array<i32>} : memref<1024xi32, #tpu.memory_space<vmem>>, vector<16xi32>,
    %add3A_826 = arith.constant 704 : i32
    %add3A_827 = arith.addi %mul3A_34, %add3A_826 : i32
    %add3A_828 = vector.broadcast %add3A_827 : i32 to vector<16xi32>
    %add3A_829 = arith.addi %add3A_828, %iota3A : vector<16xi32>
    %get3A_830 = arith.constant 704 : index
    %get3A_831 = tpu.vector_load %arg7[%get3A_830] {strides = array<i32>} : memref<1024xi32, #tpu.memory_space<vmem>>, vector<16xi32>,
    %get3A_832 = vector.shape_cast %get3A_831 : vector<16xi32> to vector<16xi32>
    %ne3A_833 = arith.constant 0 : i32
    %ne3A_834 = vector.broadcast %ne3A_833 : i32 to vector<16xi32>
    %ne3A_835 = arith.cmpi ne, %get3A_832, %ne3A_834 : vector<16xi32>
    %get3A_836 = arith.constant 704 : index
    %get3A_837 = tpu.vector_load %arg6[%get3A_836] {strides = array<i32>} : memref<1024xi32, #tpu.memory_space<vmem>>, vector<16xi32>,
    %get3A_838 = vector.shape_cast %get3A_837 : vector<16xi32> to vector<16xi32>
    %select_n3A_839 = arith.select %ne3A_835, %add3A_829, %get3A_838 : vector<16xi1>, vector<16xi32>
    %swap3A_840 = arith.constant 704 : index
    %swap3A_841 = tpu.vector_load %arg6[%swap3A_840] {strides = array<i32>} : memref<1024xi32, #tpu.memory_space<vmem>>, vector<16xi32>,
    %swap3A_842 = vector.shape_cast %swap3A_841 : vector<16xi32> to vector<16xi32>
    %swap3A_843 = vector.shape_cast %select_n3A_839 : vector<16xi32> to vector<16xi32>
    tpu.vector_store %arg6[%swap3A_840], %swap3A_843 {strides = array<i32>} : memref<1024xi32, #tpu.memory_space<vmem>>, vector<16xi32>,
    %add3A_844 = arith.constant 720 : i32
    %add3A_845 = arith.addi %mul3A_34, %add3A_844 : i32
    %add3A_846 = vector.broadcast %add3A_845 : i32 to vector<16xi32>
    %add3A_847 = arith.addi %add3A_846, %iota3A : vector<16xi32>
    %get3A_848 = arith.constant 720 : index
    %get3A_849 = tpu.vector_load %arg7[%get3A_848] {strides = array<i32>} : memref<1024xi32, #tpu.memory_space<vmem>>, vector<16xi32>,
    %get3A_850 = vector.shape_cast %get3A_849 : vector<16xi32> to vector<16xi32>
    %ne3A_851 = arith.constant 0 : i32
    %ne3A_852 = vector.broadcast %ne3A_851 : i32 to vector<16xi32>
    %ne3A_853 = arith.cmpi ne, %get3A_850, %ne3A_852 : vector<16xi32>
    %get3A_854 = arith.constant 720 : index
    %get3A_855 = tpu.vector_load %arg6[%get3A_854] {strides = array<i32>} : memref<1024xi32, #tpu.memory_space<vmem>>, vector<16xi32>,
    %get3A_856 = vector.shape_cast %get3A_855 : vector<16xi32> to vector<16xi32>
    %select_n3A_857 = arith.select %ne3A_853, %add3A_847, %get3A_856 : vector<16xi1>, vector<16xi32>
    %swap3A_858 = arith.constant 720 : index
    %swap3A_859 = tpu.vector_load %arg6[%swap3A_858] {strides = array<i32>} : memref<1024xi32, #tpu.memory_space<vmem>>, vector<16xi32>,
    %swap3A_860 = vector.shape_cast %swap3A_859 : vector<16xi32> to vector<16xi32>
    %swap3A_861 = vector.shape_cast %select_n3A_857 : vector<16xi32> to vector<16xi32>
    tpu.vector_store %arg6[%swap3A_858], %swap3A_861 {strides = array<i32>} : memref<1024xi32, #tpu.memory_space<vmem>>, vector<16xi32>,
    %add3A_862 = arith.constant 736 : i32
    %add3A_863 = arith.addi %mul3A_34, %add3A_862 : i32
    %add3A_864 = vector.broadcast %add3A_863 : i32 to vector<16xi32>
    %add3A_865 = arith.addi %add3A_864, %iota3A : vector<16xi32>
    %get3A_866 = arith.constant 736 : index
    %get3A_867 = tpu.vector_load %arg7[%get3A_866] {strides = array<i32>} : memref<1024xi32, #tpu.memory_space<vmem>>, vector<16xi32>,
    %get3A_868 = vector.shape_cast %get3A_867 : vector<16xi32> to vector<16xi32>
    %ne3A_869 = arith.constant 0 : i32
    %ne3A_870 = vector.broadcast %ne3A_869 : i32 to vector<16xi32>
    %ne3A_871 = arith.cmpi ne, %get3A_868, %ne3A_870 : vector<16xi32>
    %get3A_872 = arith.constant 736 : index
    %get3A_873 = tpu.vector_load %arg6[%get3A_872] {strides = array<i32>} : memref<1024xi32, #tpu.memory_space<vmem>>, vector<16xi32>,
    %get3A_874 = vector.shape_cast %get3A_873 : vector<16xi32> to vector<16xi32>
    %select_n3A_875 = arith.select %ne3A_871, %add3A_865, %get3A_874 : vector<16xi1>, vector<16xi32>
    %swap3A_876 = arith.constant 736 : index
    %swap3A_877 = tpu.vector_load %arg6[%swap3A_876] {strides = array<i32>} : memref<1024xi32, #tpu.memory_space<vmem>>, vector<16xi32>,
    %swap3A_878 = vector.shape_cast %swap3A_877 : vector<16xi32> to vector<16xi32>
    %swap3A_879 = vector.shape_cast %select_n3A_875 : vector<16xi32> to vector<16xi32>
    tpu.vector_store %arg6[%swap3A_876], %swap3A_879 {strides = array<i32>} : memref<1024xi32, #tpu.memory_space<vmem>>, vector<16xi32>,
    %add3A_880 = arith.constant 752 : i32
    %add3A_881 = arith.addi %mul3A_34, %add3A_880 : i32
    %add3A_882 = vector.broadcast %add3A_881 : i32 to vector<16xi32>
    %add3A_883 = arith.addi %add3A_882, %iota3A : vector<16xi32>
    %get3A_884 = arith.constant 752 : index
    %get3A_885 = tpu.vector_load %arg7[%get3A_884] {strides = array<i32>} : memref<1024xi32, #tpu.memory_space<vmem>>, vector<16xi32>,
    %get3A_886 = vector.shape_cast %get3A_885 : vector<16xi32> to vector<16xi32>
    %ne3A_887 = arith.constant 0 : i32
    %ne3A_888 = vector.broadcast %ne3A_887 : i32 to vector<16xi32>
    %ne3A_889 = arith.cmpi ne, %get3A_886, %ne3A_888 : vector<16xi32>
    %get3A_890 = arith.constant 752 : index
    %get3A_891 = tpu.vector_load %arg6[%get3A_890] {strides = array<i32>} : memref<1024xi32, #tpu.memory_space<vmem>>, vector<16xi32>,
    %get3A_892 = vector.shape_cast %get3A_891 : vector<16xi32> to vector<16xi32>
    %select_n3A_893 = arith.select %ne3A_889, %add3A_883, %get3A_892 : vector<16xi1>, vector<16xi32>
    %swap3A_894 = arith.constant 752 : index
    %swap3A_895 = tpu.vector_load %arg6[%swap3A_894] {strides = array<i32>} : memref<1024xi32, #tpu.memory_space<vmem>>, vector<16xi32>,
    %swap3A_896 = vector.shape_cast %swap3A_895 : vector<16xi32> to vector<16xi32>
    %swap3A_897 = vector.shape_cast %select_n3A_893 : vector<16xi32> to vector<16xi32>
    tpu.vector_store %arg6[%swap3A_894], %swap3A_897 {strides = array<i32>} : memref<1024xi32, #tpu.memory_space<vmem>>, vector<16xi32>,
    %add3A_898 = arith.constant 768 : i32
    %add3A_899 = arith.addi %mul3A_34, %add3A_898 : i32
    %add3A_900 = vector.broadcast %add3A_899 : i32 to vector<16xi32>
    %add3A_901 = arith.addi %add3A_900, %iota3A : vector<16xi32>
    %get3A_902 = arith.constant 768 : index
    %get3A_903 = tpu.vector_load %arg7[%get3A_902] {strides = array<i32>} : memref<1024xi32, #tpu.memory_space<vmem>>, vector<16xi32>,
    %get3A_904 = vector.shape_cast %get3A_903 : vector<16xi32> to vector<16xi32>
    %ne3A_905 = arith.constant 0 : i32
    %ne3A_906 = vector.broadcast %ne3A_905 : i32 to vector<16xi32>
    %ne3A_907 = arith.cmpi ne, %get3A_904, %ne3A_906 : vector<16xi32>
    %get3A_908 = arith.constant 768 : index
    %get3A_909 = tpu.vector_load %arg6[%get3A_908] {strides = array<i32>} : memref<1024xi32, #tpu.memory_space<vmem>>, vector<16xi32>,
    %get3A_910 = vector.shape_cast %get3A_909 : vector<16xi32> to vector<16xi32>
    %select_n3A_911 = arith.select %ne3A_907, %add3A_901, %get3A_910 : vector<16xi1>, vector<16xi32>
    %swap3A_912 = arith.constant 768 : index
    %swap3A_913 = tpu.vector_load %arg6[%swap3A_912] {strides = array<i32>} : memref<1024xi32, #tpu.memory_space<vmem>>, vector<16xi32>,
    %swap3A_914 = vector.shape_cast %swap3A_913 : vector<16xi32> to vector<16xi32>
    %swap3A_915 = vector.shape_cast %select_n3A_911 : vector<16xi32> to vector<16xi32>
    tpu.vector_store %arg6[%swap3A_912], %swap3A_915 {strides = array<i32>} : memref<1024xi32, #tpu.memory_space<vmem>>, vector<16xi32>,
    %add3A_916 = arith.constant 784 : i32
    %add3A_917 = arith.addi %mul3A_34, %add3A_916 : i32
    %add3A_918 = vector.broadcast %add3A_917 : i32 to vector<16xi32>
    %add3A_919 = arith.addi %add3A_918, %iota3A : vector<16xi32>
    %get3A_920 = arith.constant 784 : index
    %get3A_921 = tpu.vector_load %arg7[%get3A_920] {strides = array<i32>} : memref<1024xi32, #tpu.memory_space<vmem>>, vector<16xi32>,
    %get3A_922 = vector.shape_cast %get3A_921 : vector<16xi32> to vector<16xi32>
    %ne3A_923 = arith.constant 0 : i32
    %ne3A_924 = vector.broadcast %ne3A_923 : i32 to vector<16xi32>
    %ne3A_925 = arith.cmpi ne, %get3A_922, %ne3A_924 : vector<16xi32>
    %get3A_926 = arith.constant 784 : index
    %get3A_927 = tpu.vector_load %arg6[%get3A_926] {strides = array<i32>} : memref<1024xi32, #tpu.memory_space<vmem>>, vector<16xi32>,
    %get3A_928 = vector.shape_cast %get3A_927 : vector<16xi32> to vector<16xi32>
    %select_n3A_929 = arith.select %ne3A_925, %add3A_919, %get3A_928 : vector<16xi1>, vector<16xi32>
    %swap3A_930 = arith.constant 784 : index
    %swap3A_931 = tpu.vector_load %arg6[%swap3A_930] {strides = array<i32>} : memref<1024xi32, #tpu.memory_space<vmem>>, vector<16xi32>,
    %swap3A_932 = vector.shape_cast %swap3A_931 : vector<16xi32> to vector<16xi32>
    %swap3A_933 = vector.shape_cast %select_n3A_929 : vector<16xi32> to vector<16xi32>
    tpu.vector_store %arg6[%swap3A_930], %swap3A_933 {strides = array<i32>} : memref<1024xi32, #tpu.memory_space<vmem>>, vector<16xi32>,
    %add3A_934 = arith.constant 800 : i32
    %add3A_935 = arith.addi %mul3A_34, %add3A_934 : i32
    %add3A_936 = vector.broadcast %add3A_935 : i32 to vector<16xi32>
    %add3A_937 = arith.addi %add3A_936, %iota3A : vector<16xi32>
    %get3A_938 = arith.constant 800 : index
    %get3A_939 = tpu.vector_load %arg7[%get3A_938] {strides = array<i32>} : memref<1024xi32, #tpu.memory_space<vmem>>, vector<16xi32>,
    %get3A_940 = vector.shape_cast %get3A_939 : vector<16xi32> to vector<16xi32>
    %ne3A_941 = arith.constant 0 : i32
    %ne3A_942 = vector.broadcast %ne3A_941 : i32 to vector<16xi32>
    %ne3A_943 = arith.cmpi ne, %get3A_940, %ne3A_942 : vector<16xi32>
    %get3A_944 = arith.constant 800 : index
    %get3A_945 = tpu.vector_load %arg6[%get3A_944] {strides = array<i32>} : memref<1024xi32, #tpu.memory_space<vmem>>, vector<16xi32>,
    %get3A_946 = vector.shape_cast %get3A_945 : vector<16xi32> to vector<16xi32>
    %select_n3A_947 = arith.select %ne3A_943, %add3A_937, %get3A_946 : vector<16xi1>, vector<16xi32>
    %swap3A_948 = arith.constant 800 : index
    %swap3A_949 = tpu.vector_load %arg6[%swap3A_948] {strides = array<i32>} : memref<1024xi32, #tpu.memory_space<vmem>>, vector<16xi32>,
    %swap3A_950 = vector.shape_cast %swap3A_949 : vector<16xi32> to vector<16xi32>
    %swap3A_951 = vector.shape_cast %select_n3A_947 : vector<16xi32> to vector<16xi32>
    tpu.vector_store %arg6[%swap3A_948], %swap3A_951 {strides = array<i32>} : memref<1024xi32, #tpu.memory_space<vmem>>, vector<16xi32>,
    %add3A_952 = arith.constant 816 : i32
    %add3A_953 = arith.addi %mul3A_34, %add3A_952 : i32
    %add3A_954 = vector.broadcast %add3A_953 : i32 to vector<16xi32>
    %add3A_955 = arith.addi %add3A_954, %iota3A : vector<16xi32>
    %get3A_956 = arith.constant 816 : index
    %get3A_957 = tpu.vector_load %arg7[%get3A_956] {strides = array<i32>} : memref<1024xi32, #tpu.memory_space<vmem>>, vector<16xi32>,
    %get3A_958 = vector.shape_cast %get3A_957 : vector<16xi32> to vector<16xi32>
    %ne3A_959 = arith.constant 0 : i32
    %ne3A_960 = vector.broadcast %ne3A_959 : i32 to vector<16xi32>
    %ne3A_961 = arith.cmpi ne, %get3A_958, %ne3A_960 : vector<16xi32>
    %get3A_962 = arith.constant 816 : index
    %get3A_963 = tpu.vector_load %arg6[%get3A_962] {strides = array<i32>} : memref<1024xi32, #tpu.memory_space<vmem>>, vector<16xi32>,
    %get3A_964 = vector.shape_cast %get3A_963 : vector<16xi32> to vector<16xi32>
    %select_n3A_965 = arith.select %ne3A_961, %add3A_955, %get3A_964 : vector<16xi1>, vector<16xi32>
    %swap3A_966 = arith.constant 816 : index
    %swap3A_967 = tpu.vector_load %arg6[%swap3A_966] {strides = array<i32>} : memref<1024xi32, #tpu.memory_space<vmem>>, vector<16xi32>,
    %swap3A_968 = vector.shape_cast %swap3A_967 : vector<16xi32> to vector<16xi32>
    %swap3A_969 = vector.shape_cast %select_n3A_965 : vector<16xi32> to vector<16xi32>
    tpu.vector_store %arg6[%swap3A_966], %swap3A_969 {strides = array<i32>} : memref<1024xi32, #tpu.memory_space<vmem>>, vector<16xi32>,
    %add3A_970 = arith.constant 832 : i32
    %add3A_971 = arith.addi %mul3A_34, %add3A_970 : i32
    %add3A_972 = vector.broadcast %add3A_971 : i32 to vector<16xi32>
    %add3A_973 = arith.addi %add3A_972, %iota3A : vector<16xi32>
    %get3A_974 = arith.constant 832 : index
    %get3A_975 = tpu.vector_load %arg7[%get3A_974] {strides = array<i32>} : memref<1024xi32, #tpu.memory_space<vmem>>, vector<16xi32>,
    %get3A_976 = vector.shape_cast %get3A_975 : vector<16xi32> to vector<16xi32>
    %ne3A_977 = arith.constant 0 : i32
    %ne3A_978 = vector.broadcast %ne3A_977 : i32 to vector<16xi32>
    %ne3A_979 = arith.cmpi ne, %get3A_976, %ne3A_978 : vector<16xi32>
    %get3A_980 = arith.constant 832 : index
    %get3A_981 = tpu.vector_load %arg6[%get3A_980] {strides = array<i32>} : memref<1024xi32, #tpu.memory_space<vmem>>, vector<16xi32>,
    %get3A_982 = vector.shape_cast %get3A_981 : vector<16xi32> to vector<16xi32>
    %select_n3A_983 = arith.select %ne3A_979, %add3A_973, %get3A_982 : vector<16xi1>, vector<16xi32>
    %swap3A_984 = arith.constant 832 : index
    %swap3A_985 = tpu.vector_load %arg6[%swap3A_984] {strides = array<i32>} : memref<1024xi32, #tpu.memory_space<vmem>>, vector<16xi32>,
    %swap3A_986 = vector.shape_cast %swap3A_985 : vector<16xi32> to vector<16xi32>
    %swap3A_987 = vector.shape_cast %select_n3A_983 : vector<16xi32> to vector<16xi32>
    tpu.vector_store %arg6[%swap3A_984], %swap3A_987 {strides = array<i32>} : memref<1024xi32, #tpu.memory_space<vmem>>, vector<16xi32>,
    %add3A_988 = arith.constant 848 : i32
    %add3A_989 = arith.addi %mul3A_34, %add3A_988 : i32
    %add3A_990 = vector.broadcast %add3A_989 : i32 to vector<16xi32>
    %add3A_991 = arith.addi %add3A_990, %iota3A : vector<16xi32>
    %get3A_992 = arith.constant 848 : index
    %get3A_993 = tpu.vector_load %arg7[%get3A_992] {strides = array<i32>} : memref<1024xi32, #tpu.memory_space<vmem>>, vector<16xi32>,
    %get3A_994 = vector.shape_cast %get3A_993 : vector<16xi32> to vector<16xi32>
    %ne3A_995 = arith.constant 0 : i32
    %ne3A_996 = vector.broadcast %ne3A_995 : i32 to vector<16xi32>
    %ne3A_997 = arith.cmpi ne, %get3A_994, %ne3A_996 : vector<16xi32>
    %get3A_998 = arith.constant 848 : index
    %get3A_999 = tpu.vector_load %arg6[%get3A_998] {strides = array<i32>} : memref<1024xi32, #tpu.memory_space<vmem>>, vector<16xi32>,
    %get3A_1000 = vector.shape_cast %get3A_999 : vector<16xi32> to vector<16xi32>
    %select_n3A_1001 = arith.select %ne3A_997, %add3A_991, %get3A_1000 : vector<16xi1>, vector<16xi32>
    %swap3A_1002 = arith.constant 848 : index
    %swap3A_1003 = tpu.vector_load %arg6[%swap3A_1002] {strides = array<i32>} : memref<1024xi32, #tpu.memory_space<vmem>>, vector<16xi32>,
    %swap3A_1004 = vector.shape_cast %swap3A_1003 : vector<16xi32> to vector<16xi32>
    %swap3A_1005 = vector.shape_cast %select_n3A_1001 : vector<16xi32> to vector<16xi32>
    tpu.vector_store %arg6[%swap3A_1002], %swap3A_1005 {strides = array<i32>} : memref<1024xi32, #tpu.memory_space<vmem>>, vector<16xi32>,
    %add3A_1006 = arith.constant 864 : i32
    %add3A_1007 = arith.addi %mul3A_34, %add3A_1006 : i32
    %add3A_1008 = vector.broadcast %add3A_1007 : i32 to vector<16xi32>
    %add3A_1009 = arith.addi %add3A_1008, %iota3A : vector<16xi32>
    %get3A_1010 = arith.constant 864 : index
    %get3A_1011 = tpu.vector_load %arg7[%get3A_1010] {strides = array<i32>} : memref<1024xi32, #tpu.memory_space<vmem>>, vector<16xi32>,
    %get3A_1012 = vector.shape_cast %get3A_1011 : vector<16xi32> to vector<16xi32>
    %ne3A_1013 = arith.constant 0 : i32
    %ne3A_1014 = vector.broadcast %ne3A_1013 : i32 to vector<16xi32>
    %ne3A_1015 = arith.cmpi ne, %get3A_1012, %ne3A_1014 : vector<16xi32>
    %get3A_1016 = arith.constant 864 : index
    %get3A_1017 = tpu.vector_load %arg6[%get3A_1016] {strides = array<i32>} : memref<1024xi32, #tpu.memory_space<vmem>>, vector<16xi32>,
    %get3A_1018 = vector.shape_cast %get3A_1017 : vector<16xi32> to vector<16xi32>
    %select_n3A_1019 = arith.select %ne3A_1015, %add3A_1009, %get3A_1018 : vector<16xi1>, vector<16xi32>
    %swap3A_1020 = arith.constant 864 : index
    %swap3A_1021 = tpu.vector_load %arg6[%swap3A_1020] {strides = array<i32>} : memref<1024xi32, #tpu.memory_space<vmem>>, vector<16xi32>,
    %swap3A_1022 = vector.shape_cast %swap3A_1021 : vector<16xi32> to vector<16xi32>
    %swap3A_1023 = vector.shape_cast %select_n3A_1019 : vector<16xi32> to vector<16xi32>
    tpu.vector_store %arg6[%swap3A_1020], %swap3A_1023 {strides = array<i32>} : memref<1024xi32, #tpu.memory_space<vmem>>, vector<16xi32>,
    %add3A_1024 = arith.constant 880 : i32
    %add3A_1025 = arith.addi %mul3A_34, %add3A_1024 : i32
    %add3A_1026 = vector.broadcast %add3A_1025 : i32 to vector<16xi32>
    %add3A_1027 = arith.addi %add3A_1026, %iota3A : vector<16xi32>
    %get3A_1028 = arith.constant 880 : index
    %get3A_1029 = tpu.vector_load %arg7[%get3A_1028] {strides = array<i32>} : memref<1024xi32, #tpu.memory_space<vmem>>, vector<16xi32>,
    %get3A_1030 = vector.shape_cast %get3A_1029 : vector<16xi32> to vector<16xi32>
    %ne3A_1031 = arith.constant 0 : i32
    %ne3A_1032 = vector.broadcast %ne3A_1031 : i32 to vector<16xi32>
    %ne3A_1033 = arith.cmpi ne, %get3A_1030, %ne3A_1032 : vector<16xi32>
    %get3A_1034 = arith.constant 880 : index
    %get3A_1035 = tpu.vector_load %arg6[%get3A_1034] {strides = array<i32>} : memref<1024xi32, #tpu.memory_space<vmem>>, vector<16xi32>,
    %get3A_1036 = vector.shape_cast %get3A_1035 : vector<16xi32> to vector<16xi32>
    %select_n3A_1037 = arith.select %ne3A_1033, %add3A_1027, %get3A_1036 : vector<16xi1>, vector<16xi32>
    %swap3A_1038 = arith.constant 880 : index
    %swap3A_1039 = tpu.vector_load %arg6[%swap3A_1038] {strides = array<i32>} : memref<1024xi32, #tpu.memory_space<vmem>>, vector<16xi32>,
    %swap3A_1040 = vector.shape_cast %swap3A_1039 : vector<16xi32> to vector<16xi32>
    %swap3A_1041 = vector.shape_cast %select_n3A_1037 : vector<16xi32> to vector<16xi32>
    tpu.vector_store %arg6[%swap3A_1038], %swap3A_1041 {strides = array<i32>} : memref<1024xi32, #tpu.memory_space<vmem>>, vector<16xi32>,
    %add3A_1042 = arith.constant 896 : i32
    %add3A_1043 = arith.addi %mul3A_34, %add3A_1042 : i32
    %add3A_1044 = vector.broadcast %add3A_1043 : i32 to vector<16xi32>
    %add3A_1045 = arith.addi %add3A_1044, %iota3A : vector<16xi32>
    %get3A_1046 = arith.constant 896 : index
    %get3A_1047 = tpu.vector_load %arg7[%get3A_1046] {strides = array<i32>} : memref<1024xi32, #tpu.memory_space<vmem>>, vector<16xi32>,
    %get3A_1048 = vector.shape_cast %get3A_1047 : vector<16xi32> to vector<16xi32>
    %ne3A_1049 = arith.constant 0 : i32
    %ne3A_1050 = vector.broadcast %ne3A_1049 : i32 to vector<16xi32>
    %ne3A_1051 = arith.cmpi ne, %get3A_1048, %ne3A_1050 : vector<16xi32>
    %get3A_1052 = arith.constant 896 : index
    %get3A_1053 = tpu.vector_load %arg6[%get3A_1052] {strides = array<i32>} : memref<1024xi32, #tpu.memory_space<vmem>>, vector<16xi32>,
    %get3A_1054 = vector.shape_cast %get3A_1053 : vector<16xi32> to vector<16xi32>
    %select_n3A_1055 = arith.select %ne3A_1051, %add3A_1045, %get3A_1054 : vector<16xi1>, vector<16xi32>
    %swap3A_1056 = arith.constant 896 : index
    %swap3A_1057 = tpu.vector_load %arg6[%swap3A_1056] {strides = array<i32>} : memref<1024xi32, #tpu.memory_space<vmem>>, vector<16xi32>,
    %swap3A_1058 = vector.shape_cast %swap3A_1057 : vector<16xi32> to vector<16xi32>
    %swap3A_1059 = vector.shape_cast %select_n3A_1055 : vector<16xi32> to vector<16xi32>
    tpu.vector_store %arg6[%swap3A_1056], %swap3A_1059 {strides = array<i32>} : memref<1024xi32, #tpu.memory_space<vmem>>, vector<16xi32>,
    %add3A_1060 = arith.constant 912 : i32
    %add3A_1061 = arith.addi %mul3A_34, %add3A_1060 : i32
    %add3A_1062 = vector.broadcast %add3A_1061 : i32 to vector<16xi32>
    %add3A_1063 = arith.addi %add3A_1062, %iota3A : vector<16xi32>
    %get3A_1064 = arith.constant 912 : index
    %get3A_1065 = tpu.vector_load %arg7[%get3A_1064] {strides = array<i32>} : memref<1024xi32, #tpu.memory_space<vmem>>, vector<16xi32>,
    %get3A_1066 = vector.shape_cast %get3A_1065 : vector<16xi32> to vector<16xi32>
    %ne3A_1067 = arith.constant 0 : i32
    %ne3A_1068 = vector.broadcast %ne3A_1067 : i32 to vector<16xi32>
    %ne3A_1069 = arith.cmpi ne, %get3A_1066, %ne3A_1068 : vector<16xi32>
    %get3A_1070 = arith.constant 912 : index
    %get3A_1071 = tpu.vector_load %arg6[%get3A_1070] {strides = array<i32>} : memref<1024xi32, #tpu.memory_space<vmem>>, vector<16xi32>,
    %get3A_1072 = vector.shape_cast %get3A_1071 : vector<16xi32> to vector<16xi32>
    %select_n3A_1073 = arith.select %ne3A_1069, %add3A_1063, %get3A_1072 : vector<16xi1>, vector<16xi32>
    %swap3A_1074 = arith.constant 912 : index
    %swap3A_1075 = tpu.vector_load %arg6[%swap3A_1074] {strides = array<i32>} : memref<1024xi32, #tpu.memory_space<vmem>>, vector<16xi32>,
    %swap3A_1076 = vector.shape_cast %swap3A_1075 : vector<16xi32> to vector<16xi32>
    %swap3A_1077 = vector.shape_cast %select_n3A_1073 : vector<16xi32> to vector<16xi32>
    tpu.vector_store %arg6[%swap3A_1074], %swap3A_1077 {strides = array<i32>} : memref<1024xi32, #tpu.memory_space<vmem>>, vector<16xi32>,
    %add3A_1078 = arith.constant 928 : i32
    %add3A_1079 = arith.addi %mul3A_34, %add3A_1078 : i32
    %add3A_1080 = vector.broadcast %add3A_1079 : i32 to vector<16xi32>
    %add3A_1081 = arith.addi %add3A_1080, %iota3A : vector<16xi32>
    %get3A_1082 = arith.constant 928 : index
    %get3A_1083 = tpu.vector_load %arg7[%get3A_1082] {strides = array<i32>} : memref<1024xi32, #tpu.memory_space<vmem>>, vector<16xi32>,
    %get3A_1084 = vector.shape_cast %get3A_1083 : vector<16xi32> to vector<16xi32>
    %ne3A_1085 = arith.constant 0 : i32
    %ne3A_1086 = vector.broadcast %ne3A_1085 : i32 to vector<16xi32>
    %ne3A_1087 = arith.cmpi ne, %get3A_1084, %ne3A_1086 : vector<16xi32>
    %get3A_1088 = arith.constant 928 : index
    %get3A_1089 = tpu.vector_load %arg6[%get3A_1088] {strides = array<i32>} : memref<1024xi32, #tpu.memory_space<vmem>>, vector<16xi32>,
    %get3A_1090 = vector.shape_cast %get3A_1089 : vector<16xi32> to vector<16xi32>
    %select_n3A_1091 = arith.select %ne3A_1087, %add3A_1081, %get3A_1090 : vector<16xi1>, vector<16xi32>
    %swap3A_1092 = arith.constant 928 : index
    %swap3A_1093 = tpu.vector_load %arg6[%swap3A_1092] {strides = array<i32>} : memref<1024xi32, #tpu.memory_space<vmem>>, vector<16xi32>,
    %swap3A_1094 = vector.shape_cast %swap3A_1093 : vector<16xi32> to vector<16xi32>
    %swap3A_1095 = vector.shape_cast %select_n3A_1091 : vector<16xi32> to vector<16xi32>
    tpu.vector_store %arg6[%swap3A_1092], %swap3A_1095 {strides = array<i32>} : memref<1024xi32, #tpu.memory_space<vmem>>, vector<16xi32>,
    %add3A_1096 = arith.constant 944 : i32
    %add3A_1097 = arith.addi %mul3A_34, %add3A_1096 : i32
    %add3A_1098 = vector.broadcast %add3A_1097 : i32 to vector<16xi32>
    %add3A_1099 = arith.addi %add3A_1098, %iota3A : vector<16xi32>
    %get3A_1100 = arith.constant 944 : index
    %get3A_1101 = tpu.vector_load %arg7[%get3A_1100] {strides = array<i32>} : memref<1024xi32, #tpu.memory_space<vmem>>, vector<16xi32>,
    %get3A_1102 = vector.shape_cast %get3A_1101 : vector<16xi32> to vector<16xi32>
    %ne3A_1103 = arith.constant 0 : i32
    %ne3A_1104 = vector.broadcast %ne3A_1103 : i32 to vector<16xi32>
    %ne3A_1105 = arith.cmpi ne, %get3A_1102, %ne3A_1104 : vector<16xi32>
    %get3A_1106 = arith.constant 944 : index
    %get3A_1107 = tpu.vector_load %arg6[%get3A_1106] {strides = array<i32>} : memref<1024xi32, #tpu.memory_space<vmem>>, vector<16xi32>,
    %get3A_1108 = vector.shape_cast %get3A_1107 : vector<16xi32> to vector<16xi32>
    %select_n3A_1109 = arith.select %ne3A_1105, %add3A_1099, %get3A_1108 : vector<16xi1>, vector<16xi32>
    %swap3A_1110 = arith.constant 944 : index
    %swap3A_1111 = tpu.vector_load %arg6[%swap3A_1110] {strides = array<i32>} : memref<1024xi32, #tpu.memory_space<vmem>>, vector<16xi32>,
    %swap3A_1112 = vector.shape_cast %swap3A_1111 : vector<16xi32> to vector<16xi32>
    %swap3A_1113 = vector.shape_cast %select_n3A_1109 : vector<16xi32> to vector<16xi32>
    tpu.vector_store %arg6[%swap3A_1110], %swap3A_1113 {strides = array<i32>} : memref<1024xi32, #tpu.memory_space<vmem>>, vector<16xi32>,
    %add3A_1114 = arith.constant 960 : i32
    %add3A_1115 = arith.addi %mul3A_34, %add3A_1114 : i32
    %add3A_1116 = vector.broadcast %add3A_1115 : i32 to vector<16xi32>
    %add3A_1117 = arith.addi %add3A_1116, %iota3A : vector<16xi32>
    %get3A_1118 = arith.constant 960 : index
    %get3A_1119 = tpu.vector_load %arg7[%get3A_1118] {strides = array<i32>} : memref<1024xi32, #tpu.memory_space<vmem>>, vector<16xi32>,
    %get3A_1120 = vector.shape_cast %get3A_1119 : vector<16xi32> to vector<16xi32>
    %ne3A_1121 = arith.constant 0 : i32
    %ne3A_1122 = vector.broadcast %ne3A_1121 : i32 to vector<16xi32>
    %ne3A_1123 = arith.cmpi ne, %get3A_1120, %ne3A_1122 : vector<16xi32>
    %get3A_1124 = arith.constant 960 : index
    %get3A_1125 = tpu.vector_load %arg6[%get3A_1124] {strides = array<i32>} : memref<1024xi32, #tpu.memory_space<vmem>>, vector<16xi32>,
    %get3A_1126 = vector.shape_cast %get3A_1125 : vector<16xi32> to vector<16xi32>
    %select_n3A_1127 = arith.select %ne3A_1123, %add3A_1117, %get3A_1126 : vector<16xi1>, vector<16xi32>
    %swap3A_1128 = arith.constant 960 : index
    %swap3A_1129 = tpu.vector_load %arg6[%swap3A_1128] {strides = array<i32>} : memref<1024xi32, #tpu.memory_space<vmem>>, vector<16xi32>,
    %swap3A_1130 = vector.shape_cast %swap3A_1129 : vector<16xi32> to vector<16xi32>
    %swap3A_1131 = vector.shape_cast %select_n3A_1127 : vector<16xi32> to vector<16xi32>
    tpu.vector_store %arg6[%swap3A_1128], %swap3A_1131 {strides = array<i32>} : memref<1024xi32, #tpu.memory_space<vmem>>, vector<16xi32>,
    %add3A_1132 = arith.constant 976 : i32
    %add3A_1133 = arith.addi %mul3A_34, %add3A_1132 : i32
    %add3A_1134 = vector.broadcast %add3A_1133 : i32 to vector<16xi32>
    %add3A_1135 = arith.addi %add3A_1134, %iota3A : vector<16xi32>
    %get3A_1136 = arith.constant 976 : index
    %get3A_1137 = tpu.vector_load %arg7[%get3A_1136] {strides = array<i32>} : memref<1024xi32, #tpu.memory_space<vmem>>, vector<16xi32>,
    %get3A_1138 = vector.shape_cast %get3A_1137 : vector<16xi32> to vector<16xi32>
    %ne3A_1139 = arith.constant 0 : i32
    %ne3A_1140 = vector.broadcast %ne3A_1139 : i32 to vector<16xi32>
    %ne3A_1141 = arith.cmpi ne, %get3A_1138, %ne3A_1140 : vector<16xi32>
    %get3A_1142 = arith.constant 976 : index
    %get3A_1143 = tpu.vector_load %arg6[%get3A_1142] {strides = array<i32>} : memref<1024xi32, #tpu.memory_space<vmem>>, vector<16xi32>,
    %get3A_1144 = vector.shape_cast %get3A_1143 : vector<16xi32> to vector<16xi32>
    %select_n3A_1145 = arith.select %ne3A_1141, %add3A_1135, %get3A_1144 : vector<16xi1>, vector<16xi32>
    %swap3A_1146 = arith.constant 976 : index
    %swap3A_1147 = tpu.vector_load %arg6[%swap3A_1146] {strides = array<i32>} : memref<1024xi32, #tpu.memory_space<vmem>>, vector<16xi32>,
    %swap3A_1148 = vector.shape_cast %swap3A_1147 : vector<16xi32> to vector<16xi32>
    %swap3A_1149 = vector.shape_cast %select_n3A_1145 : vector<16xi32> to vector<16xi32>
    tpu.vector_store %arg6[%swap3A_1146], %swap3A_1149 {strides = array<i32>} : memref<1024xi32, #tpu.memory_space<vmem>>, vector<16xi32>,
    %add3A_1150 = arith.constant 992 : i32
    %add3A_1151 = arith.addi %mul3A_34, %add3A_1150 : i32
    %add3A_1152 = vector.broadcast %add3A_1151 : i32 to vector<16xi32>
    %add3A_1153 = arith.addi %add3A_1152, %iota3A : vector<16xi32>
    %get3A_1154 = arith.constant 992 : index
    %get3A_1155 = tpu.vector_load %arg7[%get3A_1154] {strides = array<i32>} : memref<1024xi32, #tpu.memory_space<vmem>>, vector<16xi32>,
    %get3A_1156 = vector.shape_cast %get3A_1155 : vector<16xi32> to vector<16xi32>
    %ne3A_1157 = arith.constant 0 : i32
    %ne3A_1158 = vector.broadcast %ne3A_1157 : i32 to vector<16xi32>
    %ne3A_1159 = arith.cmpi ne, %get3A_1156, %ne3A_1158 : vector<16xi32>
    %get3A_1160 = arith.constant 992 : index
    %get3A_1161 = tpu.vector_load %arg6[%get3A_1160] {strides = array<i32>} : memref<1024xi32, #tpu.memory_space<vmem>>, vector<16xi32>,
    %get3A_1162 = vector.shape_cast %get3A_1161 : vector<16xi32> to vector<16xi32>
    %select_n3A_1163 = arith.select %ne3A_1159, %add3A_1153, %get3A_1162 : vector<16xi1>, vector<16xi32>
    %swap3A_1164 = arith.constant 992 : index
    %swap3A_1165 = tpu.vector_load %arg6[%swap3A_1164] {strides = array<i32>} : memref<1024xi32, #tpu.memory_space<vmem>>, vector<16xi32>,
    %swap3A_1166 = vector.shape_cast %swap3A_1165 : vector<16xi32> to vector<16xi32>
    %swap3A_1167 = vector.shape_cast %select_n3A_1163 : vector<16xi32> to vector<16xi32>
    tpu.vector_store %arg6[%swap3A_1164], %swap3A_1167 {strides = array<i32>} : memref<1024xi32, #tpu.memory_space<vmem>>, vector<16xi32>,
    %add3A_1168 = arith.constant 1008 : i32
    %add3A_1169 = arith.addi %mul3A_34, %add3A_1168 : i32
    %add3A_1170 = vector.broadcast %add3A_1169 : i32 to vector<16xi32>
    %add3A_1171 = arith.addi %add3A_1170, %iota3A : vector<16xi32>
    %get3A_1172 = arith.constant 1008 : index
    %get3A_1173 = tpu.vector_load %arg7[%get3A_1172] {strides = array<i32>} : memref<1024xi32, #tpu.memory_space<vmem>>, vector<16xi32>,
    %get3A_1174 = vector.shape_cast %get3A_1173 : vector<16xi32> to vector<16xi32>
    %ne3A_1175 = arith.constant 0 : i32
    %ne3A_1176 = vector.broadcast %ne3A_1175 : i32 to vector<16xi32>
    %ne3A_1177 = arith.cmpi ne, %get3A_1174, %ne3A_1176 : vector<16xi32>
    %get3A_1178 = arith.constant 1008 : index
    %get3A_1179 = tpu.vector_load %arg6[%get3A_1178] {strides = array<i32>} : memref<1024xi32, #tpu.memory_space<vmem>>, vector<16xi32>,
    %get3A_1180 = vector.shape_cast %get3A_1179 : vector<16xi32> to vector<16xi32>
    %select_n3A_1181 = arith.select %ne3A_1177, %add3A_1171, %get3A_1180 : vector<16xi1>, vector<16xi32>
    %swap3A_1182 = arith.constant 1008 : index
    %swap3A_1183 = tpu.vector_load %arg6[%swap3A_1182] {strides = array<i32>} : memref<1024xi32, #tpu.memory_space<vmem>>, vector<16xi32>,
    %swap3A_1184 = vector.shape_cast %swap3A_1183 : vector<16xi32> to vector<16xi32>
    %swap3A_1185 = vector.shape_cast %select_n3A_1181 : vector<16xi32> to vector<16xi32>
    tpu.vector_store %arg6[%swap3A_1182], %swap3A_1185 {strides = array<i32>} : memref<1024xi32, #tpu.memory_space<vmem>>, vector<16xi32>,
    %dma_start3A = arith.constant 0 : i32
    %dma_start3A_1186 = arith.constant 0 : i32
    %dma_start3A_1187 = tpu.memref_slice %arg8[%dma_start3A, %dma_start3A_1186] : memref<256x128xf32, #tpu.memory_space<vmem>> -> memref<128x128xf32, #tpu.memory_space<vmem>>
    %dma_start3A_1188 = arith.constant 0 : i32
    %dma_start3A_1189 = tpu.memref_slice %arg6[%dma_start3A_1188] : memref<1024xi32, #tpu.memory_space<vmem>> -> memref<128xi32, #tpu.memory_space<vmem>>
    %dma_start3A_1190 = arith.constant 0 : i32
    %dma_start3A_1191 = arith.constant 0 : i32
    %dma_start3A_1192 = tpu.memref_slice %arg2[%dma_start3A_1190, %dma_start3A_1191] : memref<100000x128xf32, #tpu.memory_space<hbm>> -> memref<100000x128xf32, #tpu.memory_space<hbm>>
    tpu.enqueue_indirect_dma source(%dma_start3A_1192 : memref<100000x128xf32, #tpu.memory_space<hbm>>) target(%dma_start3A_1187 : memref<128x128xf32, #tpu.memory_space<vmem>>) offsets(%dma_start3A_1189 : memref<128xi32, #tpu.memory_space<vmem>>) semaphore(%arg10 : memref<!tpu.dma_semaphore, #tpu.memory_space<semaphore_mem>>)
    %dma_start3A_1193 = arith.constant 128 : i32
    %dma_start3A_1194 = arith.constant 0 : i32
    %dma_start3A_1195 = tpu.memref_slice %arg8[%dma_start3A_1193, %dma_start3A_1194] : memref<256x128xf32, #tpu.memory_space<vmem>> -> memref<128x128xf32, #tpu.memory_space<vmem>>
    %dma_start3A_1196 = arith.constant 128 : i32
    %dma_start3A_1197 = tpu.memref_slice %arg6[%dma_start3A_1196] : memref<1024xi32, #tpu.memory_space<vmem>> -> memref<128xi32, #tpu.memory_space<vmem>>
    %dma_start3A_1198 = arith.constant 0 : i32
    %dma_start3A_1199 = arith.constant 0 : i32
    %dma_start3A_1200 = tpu.memref_slice %arg2[%dma_start3A_1198, %dma_start3A_1199] : memref<100000x128xf32, #tpu.memory_space<hbm>> -> memref<100000x128xf32, #tpu.memory_space<hbm>>
    tpu.enqueue_indirect_dma source(%dma_start3A_1200 : memref<100000x128xf32, #tpu.memory_space<hbm>>) target(%dma_start3A_1195 : memref<128x128xf32, #tpu.memory_space<vmem>>) offsets(%dma_start3A_1197 : memref<128xi32, #tpu.memory_space<vmem>>) semaphore(%arg10 : memref<!tpu.dma_semaphore, #tpu.memory_space<semaphore_mem>>)
    %dma_start3A_1201 = arith.constant 0 : i32
    %dma_start3A_1202 = arith.constant 0 : i32
    %dma_start3A_1203 = tpu.memref_slice %arg9[%dma_start3A_1201, %dma_start3A_1202] : memref<256x128xf32, #tpu.memory_space<vmem>> -> memref<128x128xf32, #tpu.memory_space<vmem>>
    %dma_start3A_1204 = arith.constant 256 : i32
    %dma_start3A_1205 = tpu.memref_slice %arg6[%dma_start3A_1204] : memref<1024xi32, #tpu.memory_space<vmem>> -> memref<128xi32, #tpu.memory_space<vmem>>
    %dma_start3A_1206 = arith.constant 0 : i32
    %dma_start3A_1207 = arith.constant 0 : i32
    %dma_start3A_1208 = tpu.memref_slice %arg2[%dma_start3A_1206, %dma_start3A_1207] : memref<100000x128xf32, #tpu.memory_space<hbm>> -> memref<100000x128xf32, #tpu.memory_space<hbm>>
    tpu.enqueue_indirect_dma source(%dma_start3A_1208 : memref<100000x128xf32, #tpu.memory_space<hbm>>) target(%dma_start3A_1203 : memref<128x128xf32, #tpu.memory_space<vmem>>) offsets(%dma_start3A_1205 : memref<128xi32, #tpu.memory_space<vmem>>) semaphore(%arg11 : memref<!tpu.dma_semaphore, #tpu.memory_space<semaphore_mem>>)
    %dma_start3A_1209 = arith.constant 128 : i32
    %dma_start3A_1210 = arith.constant 0 : i32
    %dma_start3A_1211 = tpu.memref_slice %arg9[%dma_start3A_1209, %dma_start3A_1210] : memref<256x128xf32, #tpu.memory_space<vmem>> -> memref<128x128xf32, #tpu.memory_space<vmem>>
    %dma_start3A_1212 = arith.constant 384 : i32
    %dma_start3A_1213 = tpu.memref_slice %arg6[%dma_start3A_1212] : memref<1024xi32, #tpu.memory_space<vmem>> -> memref<128xi32, #tpu.memory_space<vmem>>
    %dma_start3A_1214 = arith.constant 0 : i32
    %dma_start3A_1215 = arith.constant 0 : i32
    %dma_start3A_1216 = tpu.memref_slice %arg2[%dma_start3A_1214, %dma_start3A_1215] : memref<100000x128xf32, #tpu.memory_space<hbm>> -> memref<100000x128xf32, #tpu.memory_space<hbm>>
    tpu.enqueue_indirect_dma source(%dma_start3A_1216 : memref<100000x128xf32, #tpu.memory_space<hbm>>) target(%dma_start3A_1211 : memref<128x128xf32, #tpu.memory_space<vmem>>) offsets(%dma_start3A_1213 : memref<128xi32, #tpu.memory_space<vmem>>) semaphore(%arg11 : memref<!tpu.dma_semaphore, #tpu.memory_space<semaphore_mem>>)
    %dma_wait3A = arith.constant 0 : i32
    %dma_wait3A_1217 = arith.constant 0 : i32
    %dma_wait3A_1218 = tpu.memref_slice %arg8[%dma_wait3A, %dma_wait3A_1217] : memref<256x128xf32, #tpu.memory_space<vmem>> -> memref<128x128xf32, #tpu.memory_space<vmem>>
    %dma_wait3A_1219 = arith.constant 0 : i32
    %dma_wait3A_1220 = tpu.memref_slice %arg6[%dma_wait3A_1219] : memref<1024xi32, #tpu.memory_space<vmem>> -> memref<128xi32, #tpu.memory_space<vmem>>
    %dma_wait3A_1221 = arith.constant 0 : i32
    %dma_wait3A_1222 = arith.constant 0 : i32
    %dma_wait3A_1223 = tpu.memref_slice %arg2[%dma_wait3A_1221, %dma_wait3A_1222] : memref<100000x128xf32, #tpu.memory_space<hbm>> -> memref<100000x128xf32, #tpu.memory_space<hbm>>
    tpu.wait_indirect_dma semaphore(%arg10 : memref<!tpu.dma_semaphore, #tpu.memory_space<semaphore_mem>>) src(%dma_wait3A_1223 : memref<100000x128xf32, #tpu.memory_space<hbm>>) dst(%dma_wait3A_1218 : memref<128x128xf32, #tpu.memory_space<vmem>>)
    %dma_wait3A_1224 = arith.constant 128 : i32
    %dma_wait3A_1225 = arith.constant 0 : i32
    %dma_wait3A_1226 = tpu.memref_slice %arg8[%dma_wait3A_1224, %dma_wait3A_1225] : memref<256x128xf32, #tpu.memory_space<vmem>> -> memref<128x128xf32, #tpu.memory_space<vmem>>
    %dma_wait3A_1227 = arith.constant 128 : i32
    %dma_wait3A_1228 = tpu.memref_slice %arg6[%dma_wait3A_1227] : memref<1024xi32, #tpu.memory_space<vmem>> -> memref<128xi32, #tpu.memory_space<vmem>>
    %dma_wait3A_1229 = arith.constant 0 : i32
    %dma_wait3A_1230 = arith.constant 0 : i32
    %dma_wait3A_1231 = tpu.memref_slice %arg2[%dma_wait3A_1229, %dma_wait3A_1230] : memref<100000x128xf32, #tpu.memory_space<hbm>> -> memref<100000x128xf32, #tpu.memory_space<hbm>>
    tpu.wait_indirect_dma semaphore(%arg10 : memref<!tpu.dma_semaphore, #tpu.memory_space<semaphore_mem>>) src(%dma_wait3A_1231 : memref<100000x128xf32, #tpu.memory_space<hbm>>) dst(%dma_wait3A_1226 : memref<128x128xf32, #tpu.memory_space<vmem>>)
    %scan3A = arith.constant 0 : i32
    %scan3A_1232 = arith.constant 0 : i32
    %scan3A_1233 = arith.constant 16 : i32
    %scan3A_1234 = arith.addi %scan3A_1232, %scan3A_1233 : i32
    %scan3A_1235 = arith.constant 1 : i32
    scf.for %scan3A_1343 = %scan3A_1232 to %scan3A_1234 step %scan3A_1235  : i32 {
      %mul3A_1344 = arith.constant 16 : i32
      %mul3A_1345 = arith.muli %scan3A_1343, %mul3A_1344 : i32
      %add3A_1346 = arith.constant 0 : i32
      %add3A_1347 = arith.addi %add3A_1346, %mul3A_1345 : i32
      %get3A_1348 = arith.index_cast %add3A_1347 : i32 to index
      %get3A_1349 = tpu.vector_load %arg7[%get3A_1348] {strides = array<i32>} : memref<1024xi32, #tpu.memory_space<vmem>>, vector<16xi32>,
      %get3A_1350 = vector.shape_cast %get3A_1349 : vector<16xi32> to vector<16xi32>
      %slice3A = vector.extract_strided_slice %get3A_1350 {offsets = [0], sizes = [1], strides = [1]} : vector<16xi32> to vector<1xi32>
      %squeeze3A = vector.extract %slice3A[0] : i32 from vector<1xi32>
      %ne3A_1351 = arith.constant 0 : i32
      %ne3A_1352 = arith.cmpi ne, %squeeze3A, %ne3A_1351 : i32
      %convert_element_type3A = arith.extui %ne3A_1352 : i1 to i32
      %cond3A = arith.constant 0 : i32
      %cond3A_1353 = arith.cmpi ne, %convert_element_type3A, %cond3A : i32
      scf.if %cond3A_1353 {
        %mul3A_1459 = arith.constant 16 : i32
        %mul3A_1460 = arith.muli %scan3A_1343, %mul3A_1459 : i32
        %add3A_1461 = arith.constant 0 : i32
        %add3A_1462 = arith.addi %mul3A_1460, %add3A_1461 : i32
        %swap3A_1463 = arith.index_cast %add3A_1462 : i32 to index
        %swap3A_1464 = arith.constant 0 : index
        %swap3A_1465 = tpu.vector_load %arg8[%swap3A_1463, %swap3A_1464] {strides = array<i32>} : memref<256x128xf32, #tpu.memory_space<vmem>>, vector<1x16xf32>,
        %swap3A_1466 = vector.shape_cast %swap3A_1465 : vector<1x16xf32> to vector<16xf32>
        %swap3A_1467 = vector.shape_cast %broadcast_in_dim3A_35 : vector<16xf32> to vector<1x16xf32>
        tpu.vector_store %arg8[%swap3A_1463, %swap3A_1464], %swap3A_1467 {strides = array<i32>} : memref<256x128xf32, #tpu.memory_space<vmem>>, vector<1x16xf32>,
        %swap3A_1468 = arith.index_cast %add3A_1462 : i32 to index
        %swap3A_1469 = arith.constant 16 : index
        %swap3A_1470 = tpu.vector_load %arg8[%swap3A_1468, %swap3A_1469] {strides = array<i32>} : memref<256x128xf32, #tpu.memory_space<vmem>>, vector<1x16xf32>,
        %swap3A_1471 = vector.shape_cast %swap3A_1470 : vector<1x16xf32> to vector<16xf32>
        %swap3A_1472 = vector.shape_cast %broadcast_in_dim3A_35 : vector<16xf32> to vector<1x16xf32>
        tpu.vector_store %arg8[%swap3A_1468, %swap3A_1469], %swap3A_1472 {strides = array<i32>} : memref<256x128xf32, #tpu.memory_space<vmem>>, vector<1x16xf32>,
        %swap3A_1473 = arith.index_cast %add3A_1462 : i32 to index
        %swap3A_1474 = arith.constant 32 : index
        %swap3A_1475 = tpu.vector_load %arg8[%swap3A_1473, %swap3A_1474] {strides = array<i32>} : memref<256x128xf32, #tpu.memory_space<vmem>>, vector<1x16xf32>,
        %swap3A_1476 = vector.shape_cast %swap3A_1475 : vector<1x16xf32> to vector<16xf32>
        %swap3A_1477 = vector.shape_cast %broadcast_in_dim3A_35 : vector<16xf32> to vector<1x16xf32>
        tpu.vector_store %arg8[%swap3A_1473, %swap3A_1474], %swap3A_1477 {strides = array<i32>} : memref<256x128xf32, #tpu.memory_space<vmem>>, vector<1x16xf32>,
        %swap3A_1478 = arith.index_cast %add3A_1462 : i32 to index
        %swap3A_1479 = arith.constant 48 : index
        %swap3A_1480 = tpu.vector_load %arg8[%swap3A_1478, %swap3A_1479] {strides = array<i32>} : memref<256x128xf32, #tpu.memory_space<vmem>>, vector<1x16xf32>,
        %swap3A_1481 = vector.shape_cast %swap3A_1480 : vector<1x16xf32> to vector<16xf32>
        %swap3A_1482 = vector.shape_cast %broadcast_in_dim3A_35 : vector<16xf32> to vector<1x16xf32>
        tpu.vector_store %arg8[%swap3A_1478, %swap3A_1479], %swap3A_1482 {strides = array<i32>} : memref<256x128xf32, #tpu.memory_space<vmem>>, vector<1x16xf32>,
      } else {
      }
      %slice3A_1354 = vector.extract_strided_slice %get3A_1350 {offsets = [1], sizes = [1], strides = [1]} : vector<16xi32> to vector<1xi32>
      %squeeze3A_1355 = vector.extract %slice3A_1354[0] : i32 from vector<1xi32>
      %ne3A_1356 = arith.constant 0 : i32
      %ne3A_1357 = arith.cmpi ne, %squeeze3A_1355, %ne3A_1356 : i32
      %convert_element_type3A_1358 = arith.extui %ne3A_1357 : i1 to i32
      %cond3A_1359 = arith.constant 0 : i32
      %cond3A_1360 = arith.cmpi ne, %convert_element_type3A_1358, %cond3A_1359 : i32
      scf.if %cond3A_1360 {
        %mul3A_1459 = arith.constant 16 : i32
        %mul3A_1460 = arith.muli %scan3A_1343, %mul3A_1459 : i32
        %add3A_1461 = arith.constant 1 : i32
        %add3A_1462 = arith.addi %mul3A_1460, %add3A_1461 : i32
        %swap3A_1463 = arith.index_cast %add3A_1462 : i32 to index
        %swap3A_1464 = arith.constant 0 : index
        %swap3A_1465 = tpu.vector_load %arg8[%swap3A_1463, %swap3A_1464] {strides = array<i32>} : memref<256x128xf32, #tpu.memory_space<vmem>>, vector<1x16xf32>,
        %swap3A_1466 = vector.shape_cast %swap3A_1465 : vector<1x16xf32> to vector<16xf32>
        %swap3A_1467 = vector.shape_cast %broadcast_in_dim3A_35 : vector<16xf32> to vector<1x16xf32>
        tpu.vector_store %arg8[%swap3A_1463, %swap3A_1464], %swap3A_1467 {strides = array<i32>} : memref<256x128xf32, #tpu.memory_space<vmem>>, vector<1x16xf32>,
        %swap3A_1468 = arith.index_cast %add3A_1462 : i32 to index
        %swap3A_1469 = arith.constant 16 : index
        %swap3A_1470 = tpu.vector_load %arg8[%swap3A_1468, %swap3A_1469] {strides = array<i32>} : memref<256x128xf32, #tpu.memory_space<vmem>>, vector<1x16xf32>,
        %swap3A_1471 = vector.shape_cast %swap3A_1470 : vector<1x16xf32> to vector<16xf32>
        %swap3A_1472 = vector.shape_cast %broadcast_in_dim3A_35 : vector<16xf32> to vector<1x16xf32>
        tpu.vector_store %arg8[%swap3A_1468, %swap3A_1469], %swap3A_1472 {strides = array<i32>} : memref<256x128xf32, #tpu.memory_space<vmem>>, vector<1x16xf32>,
        %swap3A_1473 = arith.index_cast %add3A_1462 : i32 to index
        %swap3A_1474 = arith.constant 32 : index
        %swap3A_1475 = tpu.vector_load %arg8[%swap3A_1473, %swap3A_1474] {strides = array<i32>} : memref<256x128xf32, #tpu.memory_space<vmem>>, vector<1x16xf32>,
        %swap3A_1476 = vector.shape_cast %swap3A_1475 : vector<1x16xf32> to vector<16xf32>
        %swap3A_1477 = vector.shape_cast %broadcast_in_dim3A_35 : vector<16xf32> to vector<1x16xf32>
        tpu.vector_store %arg8[%swap3A_1473, %swap3A_1474], %swap3A_1477 {strides = array<i32>} : memref<256x128xf32, #tpu.memory_space<vmem>>, vector<1x16xf32>,
        %swap3A_1478 = arith.index_cast %add3A_1462 : i32 to index
        %swap3A_1479 = arith.constant 48 : index
        %swap3A_1480 = tpu.vector_load %arg8[%swap3A_1478, %swap3A_1479] {strides = array<i32>} : memref<256x128xf32, #tpu.memory_space<vmem>>, vector<1x16xf32>,
        %swap3A_1481 = vector.shape_cast %swap3A_1480 : vector<1x16xf32> to vector<16xf32>
        %swap3A_1482 = vector.shape_cast %broadcast_in_dim3A_35 : vector<16xf32> to vector<1x16xf32>
        tpu.vector_store %arg8[%swap3A_1478, %swap3A_1479], %swap3A_1482 {strides = array<i32>} : memref<256x128xf32, #tpu.memory_space<vmem>>, vector<1x16xf32>,
      } else {
      }
      %slice3A_1361 = vector.extract_strided_slice %get3A_1350 {offsets = [2], sizes = [1], strides = [1]} : vector<16xi32> to vector<1xi32>
      %squeeze3A_1362 = vector.extract %slice3A_1361[0] : i32 from vector<1xi32>
      %ne3A_1363 = arith.constant 0 : i32
      %ne3A_1364 = arith.cmpi ne, %squeeze3A_1362, %ne3A_1363 : i32
      %convert_element_type3A_1365 = arith.extui %ne3A_1364 : i1 to i32
      %cond3A_1366 = arith.constant 0 : i32
      %cond3A_1367 = arith.cmpi ne, %convert_element_type3A_1365, %cond3A_1366 : i32
      scf.if %cond3A_1367 {
        %mul3A_1459 = arith.constant 16 : i32
        %mul3A_1460 = arith.muli %scan3A_1343, %mul3A_1459 : i32
        %add3A_1461 = arith.constant 2 : i32
        %add3A_1462 = arith.addi %mul3A_1460, %add3A_1461 : i32
        %swap3A_1463 = arith.index_cast %add3A_1462 : i32 to index
        %swap3A_1464 = arith.constant 0 : index
        %swap3A_1465 = tpu.vector_load %arg8[%swap3A_1463, %swap3A_1464] {strides = array<i32>} : memref<256x128xf32, #tpu.memory_space<vmem>>, vector<1x16xf32>,
        %swap3A_1466 = vector.shape_cast %swap3A_1465 : vector<1x16xf32> to vector<16xf32>
        %swap3A_1467 = vector.shape_cast %broadcast_in_dim3A_35 : vector<16xf32> to vector<1x16xf32>
        tpu.vector_store %arg8[%swap3A_1463, %swap3A_1464], %swap3A_1467 {strides = array<i32>} : memref<256x128xf32, #tpu.memory_space<vmem>>, vector<1x16xf32>,
        %swap3A_1468 = arith.index_cast %add3A_1462 : i32 to index
        %swap3A_1469 = arith.constant 16 : index
        %swap3A_1470 = tpu.vector_load %arg8[%swap3A_1468, %swap3A_1469] {strides = array<i32>} : memref<256x128xf32, #tpu.memory_space<vmem>>, vector<1x16xf32>,
        %swap3A_1471 = vector.shape_cast %swap3A_1470 : vector<1x16xf32> to vector<16xf32>
        %swap3A_1472 = vector.shape_cast %broadcast_in_dim3A_35 : vector<16xf32> to vector<1x16xf32>
        tpu.vector_store %arg8[%swap3A_1468, %swap3A_1469], %swap3A_1472 {strides = array<i32>} : memref<256x128xf32, #tpu.memory_space<vmem>>, vector<1x16xf32>,
        %swap3A_1473 = arith.index_cast %add3A_1462 : i32 to index
        %swap3A_1474 = arith.constant 32 : index
        %swap3A_1475 = tpu.vector_load %arg8[%swap3A_1473, %swap3A_1474] {strides = array<i32>} : memref<256x128xf32, #tpu.memory_space<vmem>>, vector<1x16xf32>,
        %swap3A_1476 = vector.shape_cast %swap3A_1475 : vector<1x16xf32> to vector<16xf32>
        %swap3A_1477 = vector.shape_cast %broadcast_in_dim3A_35 : vector<16xf32> to vector<1x16xf32>
        tpu.vector_store %arg8[%swap3A_1473, %swap3A_1474], %swap3A_1477 {strides = array<i32>} : memref<256x128xf32, #tpu.memory_space<vmem>>, vector<1x16xf32>,
        %swap3A_1478 = arith.index_cast %add3A_1462 : i32 to index
        %swap3A_1479 = arith.constant 48 : index
        %swap3A_1480 = tpu.vector_load %arg8[%swap3A_1478, %swap3A_1479] {strides = array<i32>} : memref<256x128xf32, #tpu.memory_space<vmem>>, vector<1x16xf32>,
        %swap3A_1481 = vector.shape_cast %swap3A_1480 : vector<1x16xf32> to vector<16xf32>
        %swap3A_1482 = vector.shape_cast %broadcast_in_dim3A_35 : vector<16xf32> to vector<1x16xf32>
        tpu.vector_store %arg8[%swap3A_1478, %swap3A_1479], %swap3A_1482 {strides = array<i32>} : memref<256x128xf32, #tpu.memory_space<vmem>>, vector<1x16xf32>,
      } else {
      }
      %slice3A_1368 = vector.extract_strided_slice %get3A_1350 {offsets = [3], sizes = [1], strides = [1]} : vector<16xi32> to vector<1xi32>
      %squeeze3A_1369 = vector.extract %slice3A_1368[0] : i32 from vector<1xi32>
      %ne3A_1370 = arith.constant 0 : i32
      %ne3A_1371 = arith.cmpi ne, %squeeze3A_1369, %ne3A_1370 : i32
      %convert_element_type3A_1372 = arith.extui %ne3A_1371 : i1 to i32
      %cond3A_1373 = arith.constant 0 : i32
      %cond3A_1374 = arith.cmpi ne, %convert_element_type3A_1372, %cond3A_1373 : i32
      scf.if %cond3A_1374 {
        %mul3A_1459 = arith.constant 16 : i32
        %mul3A_1460 = arith.muli %scan3A_1343, %mul3A_1459 : i32
        %add3A_1461 = arith.constant 3 : i32
        %add3A_1462 = arith.addi %mul3A_1460, %add3A_1461 : i32
        %swap3A_1463 = arith.index_cast %add3A_1462 : i32 to index
        %swap3A_1464 = arith.constant 0 : index
        %swap3A_1465 = tpu.vector_load %arg8[%swap3A_1463, %swap3A_1464] {strides = array<i32>} : memref<256x128xf32, #tpu.memory_space<vmem>>, vector<1x16xf32>,
        %swap3A_1466 = vector.shape_cast %swap3A_1465 : vector<1x16xf32> to vector<16xf32>
        %swap3A_1467 = vector.shape_cast %broadcast_in_dim3A_35 : vector<16xf32> to vector<1x16xf32>
        tpu.vector_store %arg8[%swap3A_1463, %swap3A_1464], %swap3A_1467 {strides = array<i32>} : memref<256x128xf32, #tpu.memory_space<vmem>>, vector<1x16xf32>,
        %swap3A_1468 = arith.index_cast %add3A_1462 : i32 to index
        %swap3A_1469 = arith.constant 16 : index
        %swap3A_1470 = tpu.vector_load %arg8[%swap3A_1468, %swap3A_1469] {strides = array<i32>} : memref<256x128xf32, #tpu.memory_space<vmem>>, vector<1x16xf32>,
        %swap3A_1471 = vector.shape_cast %swap3A_1470 : vector<1x16xf32> to vector<16xf32>
        %swap3A_1472 = vector.shape_cast %broadcast_in_dim3A_35 : vector<16xf32> to vector<1x16xf32>
        tpu.vector_store %arg8[%swap3A_1468, %swap3A_1469], %swap3A_1472 {strides = array<i32>} : memref<256x128xf32, #tpu.memory_space<vmem>>, vector<1x16xf32>,
        %swap3A_1473 = arith.index_cast %add3A_1462 : i32 to index
        %swap3A_1474 = arith.constant 32 : index
        %swap3A_1475 = tpu.vector_load %arg8[%swap3A_1473, %swap3A_1474] {strides = array<i32>} : memref<256x128xf32, #tpu.memory_space<vmem>>, vector<1x16xf32>,
        %swap3A_1476 = vector.shape_cast %swap3A_1475 : vector<1x16xf32> to vector<16xf32>
        %swap3A_1477 = vector.shape_cast %broadcast_in_dim3A_35 : vector<16xf32> to vector<1x16xf32>
        tpu.vector_store %arg8[%swap3A_1473, %swap3A_1474], %swap3A_1477 {strides = array<i32>} : memref<256x128xf32, #tpu.memory_space<vmem>>, vector<1x16xf32>,
        %swap3A_1478 = arith.index_cast %add3A_1462 : i32 to index
        %swap3A_1479 = arith.constant 48 : index
        %swap3A_1480 = tpu.vector_load %arg8[%swap3A_1478, %swap3A_1479] {strides = array<i32>} : memref<256x128xf32, #tpu.memory_space<vmem>>, vector<1x16xf32>,
        %swap3A_1481 = vector.shape_cast %swap3A_1480 : vector<1x16xf32> to vector<16xf32>
        %swap3A_1482 = vector.shape_cast %broadcast_in_dim3A_35 : vector<16xf32> to vector<1x16xf32>
        tpu.vector_store %arg8[%swap3A_1478, %swap3A_1479], %swap3A_1482 {strides = array<i32>} : memref<256x128xf32, #tpu.memory_space<vmem>>, vector<1x16xf32>,
      } else {
      }
      %slice3A_1375 = vector.extract_strided_slice %get3A_1350 {offsets = [4], sizes = [1], strides = [1]} : vector<16xi32> to vector<1xi32>
      %squeeze3A_1376 = vector.extract %slice3A_1375[0] : i32 from vector<1xi32>
      %ne3A_1377 = arith.constant 0 : i32
      %ne3A_1378 = arith.cmpi ne, %squeeze3A_1376, %ne3A_1377 : i32
      %convert_element_type3A_1379 = arith.extui %ne3A_1378 : i1 to i32
      %cond3A_1380 = arith.constant 0 : i32
      %cond3A_1381 = arith.cmpi ne, %convert_element_type3A_1379, %cond3A_1380 : i32
      scf.if %cond3A_1381 {
        %mul3A_1459 = arith.constant 16 : i32
        %mul3A_1460 = arith.muli %scan3A_1343, %mul3A_1459 : i32
        %add3A_1461 = arith.constant 4 : i32
        %add3A_1462 = arith.addi %mul3A_1460, %add3A_1461 : i32
        %swap3A_1463 = arith.index_cast %add3A_1462 : i32 to index
        %swap3A_1464 = arith.constant 0 : index
        %swap3A_1465 = tpu.vector_load %arg8[%swap3A_1463, %swap3A_1464] {strides = array<i32>} : memref<256x128xf32, #tpu.memory_space<vmem>>, vector<1x16xf32>,
        %swap3A_1466 = vector.shape_cast %swap3A_1465 : vector<1x16xf32> to vector<16xf32>
        %swap3A_1467 = vector.shape_cast %broadcast_in_dim3A_35 : vector<16xf32> to vector<1x16xf32>
        tpu.vector_store %arg8[%swap3A_1463, %swap3A_1464], %swap3A_1467 {strides = array<i32>} : memref<256x128xf32, #tpu.memory_space<vmem>>, vector<1x16xf32>,
        %swap3A_1468 = arith.index_cast %add3A_1462 : i32 to index
        %swap3A_1469 = arith.constant 16 : index
        %swap3A_1470 = tpu.vector_load %arg8[%swap3A_1468, %swap3A_1469] {strides = array<i32>} : memref<256x128xf32, #tpu.memory_space<vmem>>, vector<1x16xf32>,
        %swap3A_1471 = vector.shape_cast %swap3A_1470 : vector<1x16xf32> to vector<16xf32>
        %swap3A_1472 = vector.shape_cast %broadcast_in_dim3A_35 : vector<16xf32> to vector<1x16xf32>
        tpu.vector_store %arg8[%swap3A_1468, %swap3A_1469], %swap3A_1472 {strides = array<i32>} : memref<256x128xf32, #tpu.memory_space<vmem>>, vector<1x16xf32>,
        %swap3A_1473 = arith.index_cast %add3A_1462 : i32 to index
        %swap3A_1474 = arith.constant 32 : index
        %swap3A_1475 = tpu.vector_load %arg8[%swap3A_1473, %swap3A_1474] {strides = array<i32>} : memref<256x128xf32, #tpu.memory_space<vmem>>, vector<1x16xf32>,
        %swap3A_1476 = vector.shape_cast %swap3A_1475 : vector<1x16xf32> to vector<16xf32>
        %swap3A_1477 = vector.shape_cast %broadcast_in_dim3A_35 : vector<16xf32> to vector<1x16xf32>
        tpu.vector_store %arg8[%swap3A_1473, %swap3A_1474], %swap3A_1477 {strides = array<i32>} : memref<256x128xf32, #tpu.memory_space<vmem>>, vector<1x16xf32>,
        %swap3A_1478 = arith.index_cast %add3A_1462 : i32 to index
        %swap3A_1479 = arith.constant 48 : index
        %swap3A_1480 = tpu.vector_load %arg8[%swap3A_1478, %swap3A_1479] {strides = array<i32>} : memref<256x128xf32, #tpu.memory_space<vmem>>, vector<1x16xf32>,
        %swap3A_1481 = vector.shape_cast %swap3A_1480 : vector<1x16xf32> to vector<16xf32>
        %swap3A_1482 = vector.shape_cast %broadcast_in_dim3A_35 : vector<16xf32> to vector<1x16xf32>
        tpu.vector_store %arg8[%swap3A_1478, %swap3A_1479], %swap3A_1482 {strides = array<i32>} : memref<256x128xf32, #tpu.memory_space<vmem>>, vector<1x16xf32>,
      } else {
      }
      %slice3A_1382 = vector.extract_strided_slice %get3A_1350 {offsets = [5], sizes = [1], strides = [1]} : vector<16xi32> to vector<1xi32>
      %squeeze3A_1383 = vector.extract %slice3A_1382[0] : i32 from vector<1xi32>
      %ne3A_1384 = arith.constant 0 : i32
      %ne3A_1385 = arith.cmpi ne, %squeeze3A_1383, %ne3A_1384 : i32
      %convert_element_type3A_1386 = arith.extui %ne3A_1385 : i1 to i32
      %cond3A_1387 = arith.constant 0 : i32
      %cond3A_1388 = arith.cmpi ne, %convert_element_type3A_1386, %cond3A_1387 : i32
      scf.if %cond3A_1388 {
        %mul3A_1459 = arith.constant 16 : i32
        %mul3A_1460 = arith.muli %scan3A_1343, %mul3A_1459 : i32
        %add3A_1461 = arith.constant 5 : i32
        %add3A_1462 = arith.addi %mul3A_1460, %add3A_1461 : i32
        %swap3A_1463 = arith.index_cast %add3A_1462 : i32 to index
        %swap3A_1464 = arith.constant 0 : index
        %swap3A_1465 = tpu.vector_load %arg8[%swap3A_1463, %swap3A_1464] {strides = array<i32>} : memref<256x128xf32, #tpu.memory_space<vmem>>, vector<1x16xf32>,
        %swap3A_1466 = vector.shape_cast %swap3A_1465 : vector<1x16xf32> to vector<16xf32>
        %swap3A_1467 = vector.shape_cast %broadcast_in_dim3A_35 : vector<16xf32> to vector<1x16xf32>
        tpu.vector_store %arg8[%swap3A_1463, %swap3A_1464], %swap3A_1467 {strides = array<i32>} : memref<256x128xf32, #tpu.memory_space<vmem>>, vector<1x16xf32>,
        %swap3A_1468 = arith.index_cast %add3A_1462 : i32 to index
        %swap3A_1469 = arith.constant 16 : index
        %swap3A_1470 = tpu.vector_load %arg8[%swap3A_1468, %swap3A_1469] {strides = array<i32>} : memref<256x128xf32, #tpu.memory_space<vmem>>, vector<1x16xf32>,
        %swap3A_1471 = vector.shape_cast %swap3A_1470 : vector<1x16xf32> to vector<16xf32>
        %swap3A_1472 = vector.shape_cast %broadcast_in_dim3A_35 : vector<16xf32> to vector<1x16xf32>
        tpu.vector_store %arg8[%swap3A_1468, %swap3A_1469], %swap3A_1472 {strides = array<i32>} : memref<256x128xf32, #tpu.memory_space<vmem>>, vector<1x16xf32>,
        %swap3A_1473 = arith.index_cast %add3A_1462 : i32 to index
        %swap3A_1474 = arith.constant 32 : index
        %swap3A_1475 = tpu.vector_load %arg8[%swap3A_1473, %swap3A_1474] {strides = array<i32>} : memref<256x128xf32, #tpu.memory_space<vmem>>, vector<1x16xf32>,
        %swap3A_1476 = vector.shape_cast %swap3A_1475 : vector<1x16xf32> to vector<16xf32>
        %swap3A_1477 = vector.shape_cast %broadcast_in_dim3A_35 : vector<16xf32> to vector<1x16xf32>
        tpu.vector_store %arg8[%swap3A_1473, %swap3A_1474], %swap3A_1477 {strides = array<i32>} : memref<256x128xf32, #tpu.memory_space<vmem>>, vector<1x16xf32>,
        %swap3A_1478 = arith.index_cast %add3A_1462 : i32 to index
        %swap3A_1479 = arith.constant 48 : index
        %swap3A_1480 = tpu.vector_load %arg8[%swap3A_1478, %swap3A_1479] {strides = array<i32>} : memref<256x128xf32, #tpu.memory_space<vmem>>, vector<1x16xf32>,
        %swap3A_1481 = vector.shape_cast %swap3A_1480 : vector<1x16xf32> to vector<16xf32>
        %swap3A_1482 = vector.shape_cast %broadcast_in_dim3A_35 : vector<16xf32> to vector<1x16xf32>
        tpu.vector_store %arg8[%swap3A_1478, %swap3A_1479], %swap3A_1482 {strides = array<i32>} : memref<256x128xf32, #tpu.memory_space<vmem>>, vector<1x16xf32>,
      } else {
      }
      %slice3A_1389 = vector.extract_strided_slice %get3A_1350 {offsets = [6], sizes = [1], strides = [1]} : vector<16xi32> to vector<1xi32>
      %squeeze3A_1390 = vector.extract %slice3A_1389[0] : i32 from vector<1xi32>
      %ne3A_1391 = arith.constant 0 : i32
      %ne3A_1392 = arith.cmpi ne, %squeeze3A_1390, %ne3A_1391 : i32
      %convert_element_type3A_1393 = arith.extui %ne3A_1392 : i1 to i32
      %cond3A_1394 = arith.constant 0 : i32
      %cond3A_1395 = arith.cmpi ne, %convert_element_type3A_1393, %cond3A_1394 : i32
      scf.if %cond3A_1395 {
        %mul3A_1459 = arith.constant 16 : i32
        %mul3A_1460 = arith.muli %scan3A_1343, %mul3A_1459 : i32
        %add3A_1461 = arith.constant 6 : i32
        %add3A_1462 = arith.addi %mul3A_1460, %add3A_1461 : i32
        %swap3A_1463 = arith.index_cast %add3A_1462 : i32 to index
        %swap3A_1464 = arith.constant 0 : index
        %swap3A_1465 = tpu.vector_load %arg8[%swap3A_1463, %swap3A_1464] {strides = array<i32>} : memref<256x128xf32, #tpu.memory_space<vmem>>, vector<1x16xf32>,
        %swap3A_1466 = vector.shape_cast %swap3A_1465 : vector<1x16xf32> to vector<16xf32>
        %swap3A_1467 = vector.shape_cast %broadcast_in_dim3A_35 : vector<16xf32> to vector<1x16xf32>
        tpu.vector_store %arg8[%swap3A_1463, %swap3A_1464], %swap3A_1467 {strides = array<i32>} : memref<256x128xf32, #tpu.memory_space<vmem>>, vector<1x16xf32>,
        %swap3A_1468 = arith.index_cast %add3A_1462 : i32 to index
        %swap3A_1469 = arith.constant 16 : index
        %swap3A_1470 = tpu.vector_load %arg8[%swap3A_1468, %swap3A_1469] {strides = array<i32>} : memref<256x128xf32, #tpu.memory_space<vmem>>, vector<1x16xf32>,
        %swap3A_1471 = vector.shape_cast %swap3A_1470 : vector<1x16xf32> to vector<16xf32>
        %swap3A_1472 = vector.shape_cast %broadcast_in_dim3A_35 : vector<16xf32> to vector<1x16xf32>
        tpu.vector_store %arg8[%swap3A_1468, %swap3A_1469], %swap3A_1472 {strides = array<i32>} : memref<256x128xf32, #tpu.memory_space<vmem>>, vector<1x16xf32>,
        %swap3A_1473 = arith.index_cast %add3A_1462 : i32 to index
        %swap3A_1474 = arith.constant 32 : index
        %swap3A_1475 = tpu.vector_load %arg8[%swap3A_1473, %swap3A_1474] {strides = array<i32>} : memref<256x128xf32, #tpu.memory_space<vmem>>, vector<1x16xf32>,
        %swap3A_1476 = vector.shape_cast %swap3A_1475 : vector<1x16xf32> to vector<16xf32>
        %swap3A_1477 = vector.shape_cast %broadcast_in_dim3A_35 : vector<16xf32> to vector<1x16xf32>
        tpu.vector_store %arg8[%swap3A_1473, %swap3A_1474], %swap3A_1477 {strides = array<i32>} : memref<256x128xf32, #tpu.memory_space<vmem>>, vector<1x16xf32>,
        %swap3A_1478 = arith.index_cast %add3A_1462 : i32 to index
        %swap3A_1479 = arith.constant 48 : index
        %swap3A_1480 = tpu.vector_load %arg8[%swap3A_1478, %swap3A_1479] {strides = array<i32>} : memref<256x128xf32, #tpu.memory_space<vmem>>, vector<1x16xf32>,
        %swap3A_1481 = vector.shape_cast %swap3A_1480 : vector<1x16xf32> to vector<16xf32>
        %swap3A_1482 = vector.shape_cast %broadcast_in_dim3A_35 : vector<16xf32> to vector<1x16xf32>
        tpu.vector_store %arg8[%swap3A_1478, %swap3A_1479], %swap3A_1482 {strides = array<i32>} : memref<256x128xf32, #tpu.memory_space<vmem>>, vector<1x16xf32>,
      } else {
      }
      %slice3A_1396 = vector.extract_strided_slice %get3A_1350 {offsets = [7], sizes = [1], strides = [1]} : vector<16xi32> to vector<1xi32>
      %squeeze3A_1397 = vector.extract %slice3A_1396[0] : i32 from vector<1xi32>
      %ne3A_1398 = arith.constant 0 : i32
      %ne3A_1399 = arith.cmpi ne, %squeeze3A_1397, %ne3A_1398 : i32
      %convert_element_type3A_1400 = arith.extui %ne3A_1399 : i1 to i32
      %cond3A_1401 = arith.constant 0 : i32
      %cond3A_1402 = arith.cmpi ne, %convert_element_type3A_1400, %cond3A_1401 : i32
      scf.if %cond3A_1402 {
        %mul3A_1459 = arith.constant 16 : i32
        %mul3A_1460 = arith.muli %scan3A_1343, %mul3A_1459 : i32
        %add3A_1461 = arith.constant 7 : i32
        %add3A_1462 = arith.addi %mul3A_1460, %add3A_1461 : i32
        %swap3A_1463 = arith.index_cast %add3A_1462 : i32 to index
        %swap3A_1464 = arith.constant 0 : index
        %swap3A_1465 = tpu.vector_load %arg8[%swap3A_1463, %swap3A_1464] {strides = array<i32>} : memref<256x128xf32, #tpu.memory_space<vmem>>, vector<1x16xf32>,
        %swap3A_1466 = vector.shape_cast %swap3A_1465 : vector<1x16xf32> to vector<16xf32>
        %swap3A_1467 = vector.shape_cast %broadcast_in_dim3A_35 : vector<16xf32> to vector<1x16xf32>
        tpu.vector_store %arg8[%swap3A_1463, %swap3A_1464], %swap3A_1467 {strides = array<i32>} : memref<256x128xf32, #tpu.memory_space<vmem>>, vector<1x16xf32>,
        %swap3A_1468 = arith.index_cast %add3A_1462 : i32 to index
        %swap3A_1469 = arith.constant 16 : index
        %swap3A_1470 = tpu.vector_load %arg8[%swap3A_1468, %swap3A_1469] {strides = array<i32>} : memref<256x128xf32, #tpu.memory_space<vmem>>, vector<1x16xf32>,
        %swap3A_1471 = vector.shape_cast %swap3A_1470 : vector<1x16xf32> to vector<16xf32>
        %swap3A_1472 = vector.shape_cast %broadcast_in_dim3A_35 : vector<16xf32> to vector<1x16xf32>
        tpu.vector_store %arg8[%swap3A_1468, %swap3A_1469], %swap3A_1472 {strides = array<i32>} : memref<256x128xf32, #tpu.memory_space<vmem>>, vector<1x16xf32>,
        %swap3A_1473 = arith.index_cast %add3A_1462 : i32 to index
        %swap3A_1474 = arith.constant 32 : index
        %swap3A_1475 = tpu.vector_load %arg8[%swap3A_1473, %swap3A_1474] {strides = array<i32>} : memref<256x128xf32, #tpu.memory_space<vmem>>, vector<1x16xf32>,
        %swap3A_1476 = vector.shape_cast %swap3A_1475 : vector<1x16xf32> to vector<16xf32>
        %swap3A_1477 = vector.shape_cast %broadcast_in_dim3A_35 : vector<16xf32> to vector<1x16xf32>
        tpu.vector_store %arg8[%swap3A_1473, %swap3A_1474], %swap3A_1477 {strides = array<i32>} : memref<256x128xf32, #tpu.memory_space<vmem>>, vector<1x16xf32>,
        %swap3A_1478 = arith.index_cast %add3A_1462 : i32 to index
        %swap3A_1479 = arith.constant 48 : index
        %swap3A_1480 = tpu.vector_load %arg8[%swap3A_1478, %swap3A_1479] {strides = array<i32>} : memref<256x128xf32, #tpu.memory_space<vmem>>, vector<1x16xf32>,
        %swap3A_1481 = vector.shape_cast %swap3A_1480 : vector<1x16xf32> to vector<16xf32>
        %swap3A_1482 = vector.shape_cast %broadcast_in_dim3A_35 : vector<16xf32> to vector<1x16xf32>
        tpu.vector_store %arg8[%swap3A_1478, %swap3A_1479], %swap3A_1482 {strides = array<i32>} : memref<256x128xf32, #tpu.memory_space<vmem>>, vector<1x16xf32>,
      } else {
      }
      %slice3A_1403 = vector.extract_strided_slice %get3A_1350 {offsets = [8], sizes = [1], strides = [1]} : vector<16xi32> to vector<1xi32>
      %squeeze3A_1404 = vector.extract %slice3A_1403[0] : i32 from vector<1xi32>
      %ne3A_1405 = arith.constant 0 : i32
      %ne3A_1406 = arith.cmpi ne, %squeeze3A_1404, %ne3A_1405 : i32
      %convert_element_type3A_1407 = arith.extui %ne3A_1406 : i1 to i32
      %cond3A_1408 = arith.constant 0 : i32
      %cond3A_1409 = arith.cmpi ne, %convert_element_type3A_1407, %cond3A_1408 : i32
      scf.if %cond3A_1409 {
        %mul3A_1459 = arith.constant 16 : i32
        %mul3A_1460 = arith.muli %scan3A_1343, %mul3A_1459 : i32
        %add3A_1461 = arith.constant 8 : i32
        %add3A_1462 = arith.addi %mul3A_1460, %add3A_1461 : i32
        %swap3A_1463 = arith.index_cast %add3A_1462 : i32 to index
        %swap3A_1464 = arith.constant 0 : index
        %swap3A_1465 = tpu.vector_load %arg8[%swap3A_1463, %swap3A_1464] {strides = array<i32>} : memref<256x128xf32, #tpu.memory_space<vmem>>, vector<1x16xf32>,
        %swap3A_1466 = vector.shape_cast %swap3A_1465 : vector<1x16xf32> to vector<16xf32>
        %swap3A_1467 = vector.shape_cast %broadcast_in_dim3A_35 : vector<16xf32> to vector<1x16xf32>
        tpu.vector_store %arg8[%swap3A_1463, %swap3A_1464], %swap3A_1467 {strides = array<i32>} : memref<256x128xf32, #tpu.memory_space<vmem>>, vector<1x16xf32>,
        %swap3A_1468 = arith.index_cast %add3A_1462 : i32 to index
        %swap3A_1469 = arith.constant 16 : index
        %swap3A_1470 = tpu.vector_load %arg8[%swap3A_1468, %swap3A_1469] {strides = array<i32>} : memref<256x128xf32, #tpu.memory_space<vmem>>, vector<1x16xf32>,
        %swap3A_1471 = vector.shape_cast %swap3A_1470 : vector<1x16xf32> to vector<16xf32>
        %swap3A_1472 = vector.shape_cast %broadcast_in_dim3A_35 : vector<16xf32> to vector<1x16xf32>
        tpu.vector_store %arg8[%swap3A_1468, %swap3A_1469], %swap3A_1472 {strides = array<i32>} : memref<256x128xf32, #tpu.memory_space<vmem>>, vector<1x16xf32>,
        %swap3A_1473 = arith.index_cast %add3A_1462 : i32 to index
        %swap3A_1474 = arith.constant 32 : index
        %swap3A_1475 = tpu.vector_load %arg8[%swap3A_1473, %swap3A_1474] {strides = array<i32>} : memref<256x128xf32, #tpu.memory_space<vmem>>, vector<1x16xf32>,
        %swap3A_1476 = vector.shape_cast %swap3A_1475 : vector<1x16xf32> to vector<16xf32>
        %swap3A_1477 = vector.shape_cast %broadcast_in_dim3A_35 : vector<16xf32> to vector<1x16xf32>
        tpu.vector_store %arg8[%swap3A_1473, %swap3A_1474], %swap3A_1477 {strides = array<i32>} : memref<256x128xf32, #tpu.memory_space<vmem>>, vector<1x16xf32>,
        %swap3A_1478 = arith.index_cast %add3A_1462 : i32 to index
        %swap3A_1479 = arith.constant 48 : index
        %swap3A_1480 = tpu.vector_load %arg8[%swap3A_1478, %swap3A_1479] {strides = array<i32>} : memref<256x128xf32, #tpu.memory_space<vmem>>, vector<1x16xf32>,
        %swap3A_1481 = vector.shape_cast %swap3A_1480 : vector<1x16xf32> to vector<16xf32>
        %swap3A_1482 = vector.shape_cast %broadcast_in_dim3A_35 : vector<16xf32> to vector<1x16xf32>
        tpu.vector_store %arg8[%swap3A_1478, %swap3A_1479], %swap3A_1482 {strides = array<i32>} : memref<256x128xf32, #tpu.memory_space<vmem>>, vector<1x16xf32>,
      } else {
      }
      %slice3A_1410 = vector.extract_strided_slice %get3A_1350 {offsets = [9], sizes = [1], strides = [1]} : vector<16xi32> to vector<1xi32>
      %squeeze3A_1411 = vector.extract %slice3A_1410[0] : i32 from vector<1xi32>
      %ne3A_1412 = arith.constant 0 : i32
      %ne3A_1413 = arith.cmpi ne, %squeeze3A_1411, %ne3A_1412 : i32
      %convert_element_type3A_1414 = arith.extui %ne3A_1413 : i1 to i32
      %cond3A_1415 = arith.constant 0 : i32
      %cond3A_1416 = arith.cmpi ne, %convert_element_type3A_1414, %cond3A_1415 : i32
      scf.if %cond3A_1416 {
        %mul3A_1459 = arith.constant 16 : i32
        %mul3A_1460 = arith.muli %scan3A_1343, %mul3A_1459 : i32
        %add3A_1461 = arith.constant 9 : i32
        %add3A_1462 = arith.addi %mul3A_1460, %add3A_1461 : i32
        %swap3A_1463 = arith.index_cast %add3A_1462 : i32 to index
        %swap3A_1464 = arith.constant 0 : index
        %swap3A_1465 = tpu.vector_load %arg8[%swap3A_1463, %swap3A_1464] {strides = array<i32>} : memref<256x128xf32, #tpu.memory_space<vmem>>, vector<1x16xf32>,
        %swap3A_1466 = vector.shape_cast %swap3A_1465 : vector<1x16xf32> to vector<16xf32>
        %swap3A_1467 = vector.shape_cast %broadcast_in_dim3A_35 : vector<16xf32> to vector<1x16xf32>
        tpu.vector_store %arg8[%swap3A_1463, %swap3A_1464], %swap3A_1467 {strides = array<i32>} : memref<256x128xf32, #tpu.memory_space<vmem>>, vector<1x16xf32>,
        %swap3A_1468 = arith.index_cast %add3A_1462 : i32 to index
        %swap3A_1469 = arith.constant 16 : index
        %swap3A_1470 = tpu.vector_load %arg8[%swap3A_1468, %swap3A_1469] {strides = array<i32>} : memref<256x128xf32, #tpu.memory_space<vmem>>, vector<1x16xf32>,
        %swap3A_1471 = vector.shape_cast %swap3A_1470 : vector<1x16xf32> to vector<16xf32>
        %swap3A_1472 = vector.shape_cast %broadcast_in_dim3A_35 : vector<16xf32> to vector<1x16xf32>
        tpu.vector_store %arg8[%swap3A_1468, %swap3A_1469], %swap3A_1472 {strides = array<i32>} : memref<256x128xf32, #tpu.memory_space<vmem>>, vector<1x16xf32>,
        %swap3A_1473 = arith.index_cast %add3A_1462 : i32 to index
        %swap3A_1474 = arith.constant 32 : index
        %swap3A_1475 = tpu.vector_load %arg8[%swap3A_1473, %swap3A_1474] {strides = array<i32>} : memref<256x128xf32, #tpu.memory_space<vmem>>, vector<1x16xf32>,
        %swap3A_1476 = vector.shape_cast %swap3A_1475 : vector<1x16xf32> to vector<16xf32>
        %swap3A_1477 = vector.shape_cast %broadcast_in_dim3A_35 : vector<16xf32> to vector<1x16xf32>
        tpu.vector_store %arg8[%swap3A_1473, %swap3A_1474], %swap3A_1477 {strides = array<i32>} : memref<256x128xf32, #tpu.memory_space<vmem>>, vector<1x16xf32>,
        %swap3A_1478 = arith.index_cast %add3A_1462 : i32 to index
        %swap3A_1479 = arith.constant 48 : index
        %swap3A_1480 = tpu.vector_load %arg8[%swap3A_1478, %swap3A_1479] {strides = array<i32>} : memref<256x128xf32, #tpu.memory_space<vmem>>, vector<1x16xf32>,
        %swap3A_1481 = vector.shape_cast %swap3A_1480 : vector<1x16xf32> to vector<16xf32>
        %swap3A_1482 = vector.shape_cast %broadcast_in_dim3A_35 : vector<16xf32> to vector<1x16xf32>
        tpu.vector_store %arg8[%swap3A_1478, %swap3A_1479], %swap3A_1482 {strides = array<i32>} : memref<256x128xf32, #tpu.memory_space<vmem>>, vector<1x16xf32>,
      } else {
      }
      %slice3A_1417 = vector.extract_strided_slice %get3A_1350 {offsets = [10], sizes = [1], strides = [1]} : vector<16xi32> to vector<1xi32>
      %squeeze3A_1418 = vector.extract %slice3A_1417[0] : i32 from vector<1xi32>
      %ne3A_1419 = arith.constant 0 : i32
      %ne3A_1420 = arith.cmpi ne, %squeeze3A_1418, %ne3A_1419 : i32
      %convert_element_type3A_1421 = arith.extui %ne3A_1420 : i1 to i32
      %cond3A_1422 = arith.constant 0 : i32
      %cond3A_1423 = arith.cmpi ne, %convert_element_type3A_1421, %cond3A_1422 : i32
      scf.if %cond3A_1423 {
        %mul3A_1459 = arith.constant 16 : i32
        %mul3A_1460 = arith.muli %scan3A_1343, %mul3A_1459 : i32
        %add3A_1461 = arith.constant 10 : i32
        %add3A_1462 = arith.addi %mul3A_1460, %add3A_1461 : i32
        %swap3A_1463 = arith.index_cast %add3A_1462 : i32 to index
        %swap3A_1464 = arith.constant 0 : index
        %swap3A_1465 = tpu.vector_load %arg8[%swap3A_1463, %swap3A_1464] {strides = array<i32>} : memref<256x128xf32, #tpu.memory_space<vmem>>, vector<1x16xf32>,
        %swap3A_1466 = vector.shape_cast %swap3A_1465 : vector<1x16xf32> to vector<16xf32>
        %swap3A_1467 = vector.shape_cast %broadcast_in_dim3A_35 : vector<16xf32> to vector<1x16xf32>
        tpu.vector_store %arg8[%swap3A_1463, %swap3A_1464], %swap3A_1467 {strides = array<i32>} : memref<256x128xf32, #tpu.memory_space<vmem>>, vector<1x16xf32>,
        %swap3A_1468 = arith.index_cast %add3A_1462 : i32 to index
        %swap3A_1469 = arith.constant 16 : index
        %swap3A_1470 = tpu.vector_load %arg8[%swap3A_1468, %swap3A_1469] {strides = array<i32>} : memref<256x128xf32, #tpu.memory_space<vmem>>, vector<1x16xf32>,
        %swap3A_1471 = vector.shape_cast %swap3A_1470 : vector<1x16xf32> to vector<16xf32>
        %swap3A_1472 = vector.shape_cast %broadcast_in_dim3A_35 : vector<16xf32> to vector<1x16xf32>
        tpu.vector_store %arg8[%swap3A_1468, %swap3A_1469], %swap3A_1472 {strides = array<i32>} : memref<256x128xf32, #tpu.memory_space<vmem>>, vector<1x16xf32>,
        %swap3A_1473 = arith.index_cast %add3A_1462 : i32 to index
        %swap3A_1474 = arith.constant 32 : index
        %swap3A_1475 = tpu.vector_load %arg8[%swap3A_1473, %swap3A_1474] {strides = array<i32>} : memref<256x128xf32, #tpu.memory_space<vmem>>, vector<1x16xf32>,
        %swap3A_1476 = vector.shape_cast %swap3A_1475 : vector<1x16xf32> to vector<16xf32>
        %swap3A_1477 = vector.shape_cast %broadcast_in_dim3A_35 : vector<16xf32> to vector<1x16xf32>
        tpu.vector_store %arg8[%swap3A_1473, %swap3A_1474], %swap3A_1477 {strides = array<i32>} : memref<256x128xf32, #tpu.memory_space<vmem>>, vector<1x16xf32>,
        %swap3A_1478 = arith.index_cast %add3A_1462 : i32 to index
        %swap3A_1479 = arith.constant 48 : index
        %swap3A_1480 = tpu.vector_load %arg8[%swap3A_1478, %swap3A_1479] {strides = array<i32>} : memref<256x128xf32, #tpu.memory_space<vmem>>, vector<1x16xf32>,
        %swap3A_1481 = vector.shape_cast %swap3A_1480 : vector<1x16xf32> to vector<16xf32>
        %swap3A_1482 = vector.shape_cast %broadcast_in_dim3A_35 : vector<16xf32> to vector<1x16xf32>
        tpu.vector_store %arg8[%swap3A_1478, %swap3A_1479], %swap3A_1482 {strides = array<i32>} : memref<256x128xf32, #tpu.memory_space<vmem>>, vector<1x16xf32>,
      } else {
      }
      %slice3A_1424 = vector.extract_strided_slice %get3A_1350 {offsets = [11], sizes = [1], strides = [1]} : vector<16xi32> to vector<1xi32>
      %squeeze3A_1425 = vector.extract %slice3A_1424[0] : i32 from vector<1xi32>
      %ne3A_1426 = arith.constant 0 : i32
      %ne3A_1427 = arith.cmpi ne, %squeeze3A_1425, %ne3A_1426 : i32
      %convert_element_type3A_1428 = arith.extui %ne3A_1427 : i1 to i32
      %cond3A_1429 = arith.constant 0 : i32
      %cond3A_1430 = arith.cmpi ne, %convert_element_type3A_1428, %cond3A_1429 : i32
      scf.if %cond3A_1430 {
        %mul3A_1459 = arith.constant 16 : i32
        %mul3A_1460 = arith.muli %scan3A_1343, %mul3A_1459 : i32
        %add3A_1461 = arith.constant 11 : i32
        %add3A_1462 = arith.addi %mul3A_1460, %add3A_1461 : i32
        %swap3A_1463 = arith.index_cast %add3A_1462 : i32 to index
        %swap3A_1464 = arith.constant 0 : index
        %swap3A_1465 = tpu.vector_load %arg8[%swap3A_1463, %swap3A_1464] {strides = array<i32>} : memref<256x128xf32, #tpu.memory_space<vmem>>, vector<1x16xf32>,
        %swap3A_1466 = vector.shape_cast %swap3A_1465 : vector<1x16xf32> to vector<16xf32>
        %swap3A_1467 = vector.shape_cast %broadcast_in_dim3A_35 : vector<16xf32> to vector<1x16xf32>
        tpu.vector_store %arg8[%swap3A_1463, %swap3A_1464], %swap3A_1467 {strides = array<i32>} : memref<256x128xf32, #tpu.memory_space<vmem>>, vector<1x16xf32>,
        %swap3A_1468 = arith.index_cast %add3A_1462 : i32 to index
        %swap3A_1469 = arith.constant 16 : index
        %swap3A_1470 = tpu.vector_load %arg8[%swap3A_1468, %swap3A_1469] {strides = array<i32>} : memref<256x128xf32, #tpu.memory_space<vmem>>, vector<1x16xf32>,
        %swap3A_1471 = vector.shape_cast %swap3A_1470 : vector<1x16xf32> to vector<16xf32>
        %swap3A_1472 = vector.shape_cast %broadcast_in_dim3A_35 : vector<16xf32> to vector<1x16xf32>
        tpu.vector_store %arg8[%swap3A_1468, %swap3A_1469], %swap3A_1472 {strides = array<i32>} : memref<256x128xf32, #tpu.memory_space<vmem>>, vector<1x16xf32>,
        %swap3A_1473 = arith.index_cast %add3A_1462 : i32 to index
        %swap3A_1474 = arith.constant 32 : index
        %swap3A_1475 = tpu.vector_load %arg8[%swap3A_1473, %swap3A_1474] {strides = array<i32>} : memref<256x128xf32, #tpu.memory_space<vmem>>, vector<1x16xf32>,
        %swap3A_1476 = vector.shape_cast %swap3A_1475 : vector<1x16xf32> to vector<16xf32>
        %swap3A_1477 = vector.shape_cast %broadcast_in_dim3A_35 : vector<16xf32> to vector<1x16xf32>
        tpu.vector_store %arg8[%swap3A_1473, %swap3A_1474], %swap3A_1477 {strides = array<i32>} : memref<256x128xf32, #tpu.memory_space<vmem>>, vector<1x16xf32>,
        %swap3A_1478 = arith.index_cast %add3A_1462 : i32 to index
        %swap3A_1479 = arith.constant 48 : index
        %swap3A_1480 = tpu.vector_load %arg8[%swap3A_1478, %swap3A_1479] {strides = array<i32>} : memref<256x128xf32, #tpu.memory_space<vmem>>, vector<1x16xf32>,
        %swap3A_1481 = vector.shape_cast %swap3A_1480 : vector<1x16xf32> to vector<16xf32>
        %swap3A_1482 = vector.shape_cast %broadcast_in_dim3A_35 : vector<16xf32> to vector<1x16xf32>
        tpu.vector_store %arg8[%swap3A_1478, %swap3A_1479], %swap3A_1482 {strides = array<i32>} : memref<256x128xf32, #tpu.memory_space<vmem>>, vector<1x16xf32>,
      } else {
      }
      %slice3A_1431 = vector.extract_strided_slice %get3A_1350 {offsets = [12], sizes = [1], strides = [1]} : vector<16xi32> to vector<1xi32>
      %squeeze3A_1432 = vector.extract %slice3A_1431[0] : i32 from vector<1xi32>
      %ne3A_1433 = arith.constant 0 : i32
      %ne3A_1434 = arith.cmpi ne, %squeeze3A_1432, %ne3A_1433 : i32
      %convert_element_type3A_1435 = arith.extui %ne3A_1434 : i1 to i32
      %cond3A_1436 = arith.constant 0 : i32
      %cond3A_1437 = arith.cmpi ne, %convert_element_type3A_1435, %cond3A_1436 : i32
      scf.if %cond3A_1437 {
        %mul3A_1459 = arith.constant 16 : i32
        %mul3A_1460 = arith.muli %scan3A_1343, %mul3A_1459 : i32
        %add3A_1461 = arith.constant 12 : i32
        %add3A_1462 = arith.addi %mul3A_1460, %add3A_1461 : i32
        %swap3A_1463 = arith.index_cast %add3A_1462 : i32 to index
        %swap3A_1464 = arith.constant 0 : index
        %swap3A_1465 = tpu.vector_load %arg8[%swap3A_1463, %swap3A_1464] {strides = array<i32>} : memref<256x128xf32, #tpu.memory_space<vmem>>, vector<1x16xf32>,
        %swap3A_1466 = vector.shape_cast %swap3A_1465 : vector<1x16xf32> to vector<16xf32>
        %swap3A_1467 = vector.shape_cast %broadcast_in_dim3A_35 : vector<16xf32> to vector<1x16xf32>
        tpu.vector_store %arg8[%swap3A_1463, %swap3A_1464], %swap3A_1467 {strides = array<i32>} : memref<256x128xf32, #tpu.memory_space<vmem>>, vector<1x16xf32>,
        %swap3A_1468 = arith.index_cast %add3A_1462 : i32 to index
        %swap3A_1469 = arith.constant 16 : index
        %swap3A_1470 = tpu.vector_load %arg8[%swap3A_1468, %swap3A_1469] {strides = array<i32>} : memref<256x128xf32, #tpu.memory_space<vmem>>, vector<1x16xf32>,
        %swap3A_1471 = vector.shape_cast %swap3A_1470 : vector<1x16xf32> to vector<16xf32>
        %swap3A_1472 = vector.shape_cast %broadcast_in_dim3A_35 : vector<16xf32> to vector<1x16xf32>
        tpu.vector_store %arg8[%swap3A_1468, %swap3A_1469], %swap3A_1472 {strides = array<i32>} : memref<256x128xf32, #tpu.memory_space<vmem>>, vector<1x16xf32>,
        %swap3A_1473 = arith.index_cast %add3A_1462 : i32 to index
        %swap3A_1474 = arith.constant 32 : index
        %swap3A_1475 = tpu.vector_load %arg8[%swap3A_1473, %swap3A_1474] {strides = array<i32>} : memref<256x128xf32, #tpu.memory_space<vmem>>, vector<1x16xf32>,
        %swap3A_1476 = vector.shape_cast %swap3A_1475 : vector<1x16xf32> to vector<16xf32>
        %swap3A_1477 = vector.shape_cast %broadcast_in_dim3A_35 : vector<16xf32> to vector<1x16xf32>
        tpu.vector_store %arg8[%swap3A_1473, %swap3A_1474], %swap3A_1477 {strides = array<i32>} : memref<256x128xf32, #tpu.memory_space<vmem>>, vector<1x16xf32>,
        %swap3A_1478 = arith.index_cast %add3A_1462 : i32 to index
        %swap3A_1479 = arith.constant 48 : index
        %swap3A_1480 = tpu.vector_load %arg8[%swap3A_1478, %swap3A_1479] {strides = array<i32>} : memref<256x128xf32, #tpu.memory_space<vmem>>, vector<1x16xf32>,
        %swap3A_1481 = vector.shape_cast %swap3A_1480 : vector<1x16xf32> to vector<16xf32>
        %swap3A_1482 = vector.shape_cast %broadcast_in_dim3A_35 : vector<16xf32> to vector<1x16xf32>
        tpu.vector_store %arg8[%swap3A_1478, %swap3A_1479], %swap3A_1482 {strides = array<i32>} : memref<256x128xf32, #tpu.memory_space<vmem>>, vector<1x16xf32>,
      } else {
      }
      %slice3A_1438 = vector.extract_strided_slice %get3A_1350 {offsets = [13], sizes = [1], strides = [1]} : vector<16xi32> to vector<1xi32>
      %squeeze3A_1439 = vector.extract %slice3A_1438[0] : i32 from vector<1xi32>
      %ne3A_1440 = arith.constant 0 : i32
      %ne3A_1441 = arith.cmpi ne, %squeeze3A_1439, %ne3A_1440 : i32
      %convert_element_type3A_1442 = arith.extui %ne3A_1441 : i1 to i32
      %cond3A_1443 = arith.constant 0 : i32
      %cond3A_1444 = arith.cmpi ne, %convert_element_type3A_1442, %cond3A_1443 : i32
      scf.if %cond3A_1444 {
        %mul3A_1459 = arith.constant 16 : i32
        %mul3A_1460 = arith.muli %scan3A_1343, %mul3A_1459 : i32
        %add3A_1461 = arith.constant 13 : i32
        %add3A_1462 = arith.addi %mul3A_1460, %add3A_1461 : i32
        %swap3A_1463 = arith.index_cast %add3A_1462 : i32 to index
        %swap3A_1464 = arith.constant 0 : index
        %swap3A_1465 = tpu.vector_load %arg8[%swap3A_1463, %swap3A_1464] {strides = array<i32>} : memref<256x128xf32, #tpu.memory_space<vmem>>, vector<1x16xf32>,
        %swap3A_1466 = vector.shape_cast %swap3A_1465 : vector<1x16xf32> to vector<16xf32>
        %swap3A_1467 = vector.shape_cast %broadcast_in_dim3A_35 : vector<16xf32> to vector<1x16xf32>
        tpu.vector_store %arg8[%swap3A_1463, %swap3A_1464], %swap3A_1467 {strides = array<i32>} : memref<256x128xf32, #tpu.memory_space<vmem>>, vector<1x16xf32>,
        %swap3A_1468 = arith.index_cast %add3A_1462 : i32 to index
        %swap3A_1469 = arith.constant 16 : index
        %swap3A_1470 = tpu.vector_load %arg8[%swap3A_1468, %swap3A_1469] {strides = array<i32>} : memref<256x128xf32, #tpu.memory_space<vmem>>, vector<1x16xf32>,
        %swap3A_1471 = vector.shape_cast %swap3A_1470 : vector<1x16xf32> to vector<16xf32>
        %swap3A_1472 = vector.shape_cast %broadcast_in_dim3A_35 : vector<16xf32> to vector<1x16xf32>
        tpu.vector_store %arg8[%swap3A_1468, %swap3A_1469], %swap3A_1472 {strides = array<i32>} : memref<256x128xf32, #tpu.memory_space<vmem>>, vector<1x16xf32>,
        %swap3A_1473 = arith.index_cast %add3A_1462 : i32 to index
        %swap3A_1474 = arith.constant 32 : index
        %swap3A_1475 = tpu.vector_load %arg8[%swap3A_1473, %swap3A_1474] {strides = array<i32>} : memref<256x128xf32, #tpu.memory_space<vmem>>, vector<1x16xf32>,
        %swap3A_1476 = vector.shape_cast %swap3A_1475 : vector<1x16xf32> to vector<16xf32>
        %swap3A_1477 = vector.shape_cast %broadcast_in_dim3A_35 : vector<16xf32> to vector<1x16xf32>
        tpu.vector_store %arg8[%swap3A_1473, %swap3A_1474], %swap3A_1477 {strides = array<i32>} : memref<256x128xf32, #tpu.memory_space<vmem>>, vector<1x16xf32>,
        %swap3A_1478 = arith.index_cast %add3A_1462 : i32 to index
        %swap3A_1479 = arith.constant 48 : index
        %swap3A_1480 = tpu.vector_load %arg8[%swap3A_1478, %swap3A_1479] {strides = array<i32>} : memref<256x128xf32, #tpu.memory_space<vmem>>, vector<1x16xf32>,
        %swap3A_1481 = vector.shape_cast %swap3A_1480 : vector<1x16xf32> to vector<16xf32>
        %swap3A_1482 = vector.shape_cast %broadcast_in_dim3A_35 : vector<16xf32> to vector<1x16xf32>
        tpu.vector_store %arg8[%swap3A_1478, %swap3A_1479], %swap3A_1482 {strides = array<i32>} : memref<256x128xf32, #tpu.memory_space<vmem>>, vector<1x16xf32>,
      } else {
      }
      %slice3A_1445 = vector.extract_strided_slice %get3A_1350 {offsets = [14], sizes = [1], strides = [1]} : vector<16xi32> to vector<1xi32>
      %squeeze3A_1446 = vector.extract %slice3A_1445[0] : i32 from vector<1xi32>
      %ne3A_1447 = arith.constant 0 : i32
      %ne3A_1448 = arith.cmpi ne, %squeeze3A_1446, %ne3A_1447 : i32
      %convert_element_type3A_1449 = arith.extui %ne3A_1448 : i1 to i32
      %cond3A_1450 = arith.constant 0 : i32
      %cond3A_1451 = arith.cmpi ne, %convert_element_type3A_1449, %cond3A_1450 : i32
      scf.if %cond3A_1451 {
        %mul3A_1459 = arith.constant 16 : i32
        %mul3A_1460 = arith.muli %scan3A_1343, %mul3A_1459 : i32
        %add3A_1461 = arith.constant 14 : i32
        %add3A_1462 = arith.addi %mul3A_1460, %add3A_1461 : i32
        %swap3A_1463 = arith.index_cast %add3A_1462 : i32 to index
        %swap3A_1464 = arith.constant 0 : index
        %swap3A_1465 = tpu.vector_load %arg8[%swap3A_1463, %swap3A_1464] {strides = array<i32>} : memref<256x128xf32, #tpu.memory_space<vmem>>, vector<1x16xf32>,
        %swap3A_1466 = vector.shape_cast %swap3A_1465 : vector<1x16xf32> to vector<16xf32>
        %swap3A_1467 = vector.shape_cast %broadcast_in_dim3A_35 : vector<16xf32> to vector<1x16xf32>
        tpu.vector_store %arg8[%swap3A_1463, %swap3A_1464], %swap3A_1467 {strides = array<i32>} : memref<256x128xf32, #tpu.memory_space<vmem>>, vector<1x16xf32>,
        %swap3A_1468 = arith.index_cast %add3A_1462 : i32 to index
        %swap3A_1469 = arith.constant 16 : index
        %swap3A_1470 = tpu.vector_load %arg8[%swap3A_1468, %swap3A_1469] {strides = array<i32>} : memref<256x128xf32, #tpu.memory_space<vmem>>, vector<1x16xf32>,
        %swap3A_1471 = vector.shape_cast %swap3A_1470 : vector<1x16xf32> to vector<16xf32>
        %swap3A_1472 = vector.shape_cast %broadcast_in_dim3A_35 : vector<16xf32> to vector<1x16xf32>
        tpu.vector_store %arg8[%swap3A_1468, %swap3A_1469], %swap3A_1472 {strides = array<i32>} : memref<256x128xf32, #tpu.memory_space<vmem>>, vector<1x16xf32>,
        %swap3A_1473 = arith.index_cast %add3A_1462 : i32 to index
        %swap3A_1474 = arith.constant 32 : index
        %swap3A_1475 = tpu.vector_load %arg8[%swap3A_1473, %swap3A_1474] {strides = array<i32>} : memref<256x128xf32, #tpu.memory_space<vmem>>, vector<1x16xf32>,
        %swap3A_1476 = vector.shape_cast %swap3A_1475 : vector<1x16xf32> to vector<16xf32>
        %swap3A_1477 = vector.shape_cast %broadcast_in_dim3A_35 : vector<16xf32> to vector<1x16xf32>
        tpu.vector_store %arg8[%swap3A_1473, %swap3A_1474], %swap3A_1477 {strides = array<i32>} : memref<256x128xf32, #tpu.memory_space<vmem>>, vector<1x16xf32>,
        %swap3A_1478 = arith.index_cast %add3A_1462 : i32 to index
        %swap3A_1479 = arith.constant 48 : index
        %swap3A_1480 = tpu.vector_load %arg8[%swap3A_1478, %swap3A_1479] {strides = array<i32>} : memref<256x128xf32, #tpu.memory_space<vmem>>, vector<1x16xf32>,
        %swap3A_1481 = vector.shape_cast %swap3A_1480 : vector<1x16xf32> to vector<16xf32>
        %swap3A_1482 = vector.shape_cast %broadcast_in_dim3A_35 : vector<16xf32> to vector<1x16xf32>
        tpu.vector_store %arg8[%swap3A_1478, %swap3A_1479], %swap3A_1482 {strides = array<i32>} : memref<256x128xf32, #tpu.memory_space<vmem>>, vector<1x16xf32>,
      } else {
      }
      %slice3A_1452 = vector.extract_strided_slice %get3A_1350 {offsets = [15], sizes = [1], strides = [1]} : vector<16xi32> to vector<1xi32>
      %squeeze3A_1453 = vector.extract %slice3A_1452[0] : i32 from vector<1xi32>
      %ne3A_1454 = arith.constant 0 : i32
      %ne3A_1455 = arith.cmpi ne, %squeeze3A_1453, %ne3A_1454 : i32
      %convert_element_type3A_1456 = arith.extui %ne3A_1455 : i1 to i32
      %cond3A_1457 = arith.constant 0 : i32
      %cond3A_1458 = arith.cmpi ne, %convert_element_type3A_1456, %cond3A_1457 : i32
      scf.if %cond3A_1458 {
        %mul3A_1459 = arith.constant 16 : i32
        %mul3A_1460 = arith.muli %scan3A_1343, %mul3A_1459 : i32
        %add3A_1461 = arith.constant 15 : i32
        %add3A_1462 = arith.addi %mul3A_1460, %add3A_1461 : i32
        %swap3A_1463 = arith.index_cast %add3A_1462 : i32 to index
        %swap3A_1464 = arith.constant 0 : index
        %swap3A_1465 = tpu.vector_load %arg8[%swap3A_1463, %swap3A_1464] {strides = array<i32>} : memref<256x128xf32, #tpu.memory_space<vmem>>, vector<1x16xf32>,
        %swap3A_1466 = vector.shape_cast %swap3A_1465 : vector<1x16xf32> to vector<16xf32>
        %swap3A_1467 = vector.shape_cast %broadcast_in_dim3A_35 : vector<16xf32> to vector<1x16xf32>
        tpu.vector_store %arg8[%swap3A_1463, %swap3A_1464], %swap3A_1467 {strides = array<i32>} : memref<256x128xf32, #tpu.memory_space<vmem>>, vector<1x16xf32>,
        %swap3A_1468 = arith.index_cast %add3A_1462 : i32 to index
        %swap3A_1469 = arith.constant 16 : index
        %swap3A_1470 = tpu.vector_load %arg8[%swap3A_1468, %swap3A_1469] {strides = array<i32>} : memref<256x128xf32, #tpu.memory_space<vmem>>, vector<1x16xf32>,
        %swap3A_1471 = vector.shape_cast %swap3A_1470 : vector<1x16xf32> to vector<16xf32>
        %swap3A_1472 = vector.shape_cast %broadcast_in_dim3A_35 : vector<16xf32> to vector<1x16xf32>
        tpu.vector_store %arg8[%swap3A_1468, %swap3A_1469], %swap3A_1472 {strides = array<i32>} : memref<256x128xf32, #tpu.memory_space<vmem>>, vector<1x16xf32>,
        %swap3A_1473 = arith.index_cast %add3A_1462 : i32 to index
        %swap3A_1474 = arith.constant 32 : index
        %swap3A_1475 = tpu.vector_load %arg8[%swap3A_1473, %swap3A_1474] {strides = array<i32>} : memref<256x128xf32, #tpu.memory_space<vmem>>, vector<1x16xf32>,
        %swap3A_1476 = vector.shape_cast %swap3A_1475 : vector<1x16xf32> to vector<16xf32>
        %swap3A_1477 = vector.shape_cast %broadcast_in_dim3A_35 : vector<16xf32> to vector<1x16xf32>
        tpu.vector_store %arg8[%swap3A_1473, %swap3A_1474], %swap3A_1477 {strides = array<i32>} : memref<256x128xf32, #tpu.memory_space<vmem>>, vector<1x16xf32>,
        %swap3A_1478 = arith.index_cast %add3A_1462 : i32 to index
        %swap3A_1479 = arith.constant 48 : index
        %swap3A_1480 = tpu.vector_load %arg8[%swap3A_1478, %swap3A_1479] {strides = array<i32>} : memref<256x128xf32, #tpu.memory_space<vmem>>, vector<1x16xf32>,
        %swap3A_1481 = vector.shape_cast %swap3A_1480 : vector<1x16xf32> to vector<16xf32>
        %swap3A_1482 = vector.shape_cast %broadcast_in_dim3A_35 : vector<16xf32> to vector<1x16xf32>
        tpu.vector_store %arg8[%swap3A_1478, %swap3A_1479], %swap3A_1482 {strides = array<i32>} : memref<256x128xf32, #tpu.memory_space<vmem>>, vector<1x16xf32>,
      } else {
      }
    }
    %scan3A_1236 = arith.constant 16 : i32
    %add3A_1237 = arith.constant 0 : i32
    %add3A_1238 = arith.addi %multiple_of3A, %add3A_1237 : i32
    "tpu.region"() ({
      %run_scoped3A = tpu.sem_alloc : memref<!tpu.dma_semaphore, #tpu.memory_space<semaphore_mem>>
      %dma_start3A_1343 = arith.constant 0 : i32
      %dma_start3A_1344 = arith.constant 0 : i32
      %dma_start3A_1345 = tpu.memref_slice %arg8[%dma_start3A_1343, %dma_start3A_1344] : memref<256x128xf32, #tpu.memory_space<vmem>> -> memref<256x64xf32, #tpu.memory_space<vmem>>
      %dma_start3A_1346 = arith.constant 0 : i32
      %dma_start3A_1347 = tpu.memref_slice %arg5[%select_n3A, %add3A_1238, %dma_start3A_1346] : memref<4x8192x64xf32, #tpu.memory_space<hbm>> -> memref<1x256x64xf32, #tpu.memory_space<hbm>>
      %dma_start3A_1348 = tpu.memref_squeeze %dma_start3A_1347 : memref<1x256x64xf32, #tpu.memory_space<hbm>> -> memref<256x64xf32, #tpu.memory_space<hbm>>
      %dma_start3A_1349 = arith.constant 0 : i32
      %dma_start3A_1350 = tpu.memref_slice %arg5[%select_n3A, %add3A_1238, %dma_start3A_1349] : memref<4x8192x64xf32, #tpu.memory_space<hbm>> -> memref<1x256x64xf32, #tpu.memory_space<hbm>>
      %dma_start3A_1351 = tpu.memref_squeeze %dma_start3A_1350 : memref<1x256x64xf32, #tpu.memory_space<hbm>> -> memref<256x64xf32, #tpu.memory_space<hbm>>
      %dma_start3A_1352 = arith.constant 0 : i32
      %dma_start3A_1353 = arith.constant 0 : i32
      %dma_start3A_1354 = tpu.memref_slice %arg8[%dma_start3A_1352, %dma_start3A_1353] : memref<256x128xf32, #tpu.memory_space<vmem>> -> memref<256x64xf32, #tpu.memory_space<vmem>>
      tpu.enqueue_dma source(%dma_start3A_1354 : memref<256x64xf32, #tpu.memory_space<vmem>>) target(%dma_start3A_1351 : memref<256x64xf32, #tpu.memory_space<hbm>>) target_semaphore(%run_scoped3A : memref<!tpu.dma_semaphore, #tpu.memory_space<semaphore_mem>>)
      %dma_wait3A_1355 = arith.constant 0 : i32
      %dma_wait3A_1356 = arith.constant 0 : i32
      %dma_wait3A_1357 = tpu.memref_slice %arg8[%dma_wait3A_1355, %dma_wait3A_1356] : memref<256x128xf32, #tpu.memory_space<vmem>> -> memref<256x64xf32, #tpu.memory_space<vmem>>
      %dma_wait3A_1358 = arith.constant 0 : i32
      %dma_wait3A_1359 = tpu.memref_slice %arg5[%select_n3A, %add3A_1238, %dma_wait3A_1358] : memref<4x8192x64xf32, #tpu.memory_space<hbm>> -> memref<1x256x64xf32, #tpu.memory_space<hbm>>
      %dma_wait3A_1360 = tpu.memref_squeeze %dma_wait3A_1359 : memref<1x256x64xf32, #tpu.memory_space<hbm>> -> memref<256x64xf32, #tpu.memory_space<hbm>>
      %dma_wait3A_1361 = arith.constant 0 : i32
      %dma_wait3A_1362 = tpu.memref_slice %arg5[%select_n3A, %add3A_1238, %dma_wait3A_1361] : memref<4x8192x64xf32, #tpu.memory_space<hbm>> -> memref<1x256x64xf32, #tpu.memory_space<hbm>>
      %dma_wait3A_1363 = tpu.memref_squeeze %dma_wait3A_1362 : memref<1x256x64xf32, #tpu.memory_space<hbm>> -> memref<256x64xf32, #tpu.memory_space<hbm>>
      %dma_wait3A_1364 = arith.constant 0 : i32
      %dma_wait3A_1365 = arith.constant 0 : i32
      %dma_wait3A_1366 = tpu.memref_slice %arg8[%dma_wait3A_1364, %dma_wait3A_1365] : memref<256x128xf32, #tpu.memory_space<vmem>> -> memref<256x64xf32, #tpu.memory_space<vmem>>
      tpu.wait_dma2 semaphore(%run_scoped3A : memref<!tpu.dma_semaphore, #tpu.memory_space<semaphore_mem>>) src(%dma_wait3A_1366 : memref<256x64xf32, #tpu.memory_space<vmem>>) dst(%dma_wait3A_1363 : memref<256x64xf32, #tpu.memory_space<hbm>>)
      tpu.yield
    }) : () -> ()
    %dma_start3A_1239 = arith.constant 0 : i32
    %dma_start3A_1240 = arith.constant 0 : i32
    %dma_start3A_1241 = tpu.memref_slice %arg8[%dma_start3A_1239, %dma_start3A_1240] : memref<256x128xf32, #tpu.memory_space<vmem>> -> memref<128x128xf32, #tpu.memory_space<vmem>>
    %dma_start3A_1242 = arith.constant 512 : i32
    %dma_start3A_1243 = tpu.memref_slice %arg6[%dma_start3A_1242] : memref<1024xi32, #tpu.memory_space<vmem>> -> memref<128xi32, #tpu.memory_space<vmem>>
    %dma_start3A_1244 = arith.constant 0 : i32
    %dma_start3A_1245 = arith.constant 0 : i32
    %dma_start3A_1246 = tpu.memref_slice %arg2[%dma_start3A_1244, %dma_start3A_1245] : memref<100000x128xf32, #tpu.memory_space<hbm>> -> memref<100000x128xf32, #tpu.memory_space<hbm>>
    tpu.enqueue_indirect_dma source(%dma_start3A_1246 : memref<100000x128xf32, #tpu.memory_space<hbm>>) target(%dma_start3A_1241 : memref<128x128xf32, #tpu.memory_space<vmem>>) offsets(%dma_start3A_1243 : memref<128xi32, #tpu.memory_space<vmem>>) semaphore(%arg10 : memref<!tpu.dma_semaphore, #tpu.memory_space<semaphore_mem>>)
    %dma_start3A_1247 = arith.constant 128 : i32
    %dma_start3A_1248 = arith.constant 0 : i32
    %dma_start3A_1249 = tpu.memref_slice %arg8[%dma_start3A_1247, %dma_start3A_1248] : memref<256x128xf32, #tpu.memory_space<vmem>> -> memref<128x128xf32, #tpu.memory_space<vmem>>
    %dma_start3A_1250 = arith.constant 640 : i32
    %dma_start3A_1251 = tpu.memref_slice %arg6[%dma_start3A_1250] : memref<1024xi32, #tpu.memory_space<vmem>> -> memref<128xi32, #tpu.memory_space<vmem>>
    %dma_start3A_1252 = arith.constant 0 : i32
    %dma_start3A_1253 = arith.constant 0 : i32
    %dma_start3A_1254 = tpu.memref_slice %arg2[%dma_start3A_1252, %dma_start3A_1253] : memref<100000x128xf32, #tpu.memory_space<hbm>> -> memref<100000x128xf32, #tpu.memory_space<hbm>>
    tpu.enqueue_indirect_dma source(%dma_start3A_1254 : memref<100000x128xf32, #tpu.memory_space<hbm>>) target(%dma_start3A_1249 : memref<128x128xf32, #tpu.memory_space<vmem>>) offsets(%dma_start3A_1251 : memref<128xi32, #tpu.memory_space<vmem>>) semaphore(%arg10 : memref<!tpu.dma_semaphore, #tpu.memory_space<semaphore_mem>>)
    %dma_wait3A_1255 = arith.constant 0 : i32
    %dma_wait3A_1256 = arith.constant 0 : i32
    %dma_wait3A_1257 = tpu.memref_slice %arg9[%dma_wait3A_1255, %dma_wait3A_1256] : memref<256x128xf32, #tpu.memory_space<vmem>> -> memref<128x128xf32, #tpu.memory_space<vmem>>
    %dma_wait3A_1258 = arith.constant 256 : i32
    %dma_wait3A_1259 = tpu.memref_slice %arg6[%dma_wait3A_1258] : memref<1024xi32, #tpu.memory_space<vmem>> -> memref<128xi32, #tpu.memory_space<vmem>>
    %dma_wait3A_1260 = arith.constant 0 : i32
    %dma_wait3A_1261 = arith.constant 0 : i32
    %dma_wait3A_1262 = tpu.memref_slice %arg2[%dma_wait3A_1260, %dma_wait3A_1261] : memref<100000x128xf32, #tpu.memory_space<hbm>> -> memref<100000x128xf32, #tpu.memory_space<hbm>>
    tpu.wait_indirect_dma semaphore(%arg11 : memref<!tpu.dma_semaphore, #tpu.memory_space<semaphore_mem>>) src(%dma_wait3A_1262 : memref<100000x128xf32, #tpu.memory_space<hbm>>) dst(%dma_wait3A_1257 : memref<128x128xf32, #tpu.memory_space<vmem>>)
    %dma_wait3A_1263 = arith.constant 128 : i32
    %dma_wait3A_1264 = arith.constant 0 : i32
    %dma_wait3A_1265 = tpu.memref_slice %arg9[%dma_wait3A_1263, %dma_wait3A_1264] : memref<256x128xf32, #tpu.memory_space<vmem>> -> memref<128x128xf32, #tpu.memory_space<vmem>>
    %dma_wait3A_1266 = arith.constant 384 : i32
    %dma_wait3A_1267 = tpu.memref_slice %arg6[%dma_wait3A_1266] : memref<1024xi32, #tpu.memory_space<vmem>> -> memref<128xi32, #tpu.memory_space<vmem>>
    %dma_wait3A_1268 = arith.constant 0 : i32
    %dma_wait3A_1269 = arith.constant 0 : i32
    %dma_wait3A_1270 = tpu.memref_slice %arg2[%dma_wait3A_1268, %dma_wait3A_1269] : memref<100000x128xf32, #tpu.memory_space<hbm>> -> memref<100000x128xf32, #tpu.memory_space<hbm>>
    tpu.wait_indirect_dma semaphore(%arg11 : memref<!tpu.dma_semaphore, #tpu.memory_space<semaphore_mem>>) src(%dma_wait3A_1270 : memref<100000x128xf32, #tpu.memory_space<hbm>>) dst(%dma_wait3A_1265 : memref<128x128xf32, #tpu.memory_space<vmem>>)
    %scan3A_1271 = arith.constant 0 : i32
    %scan3A_1272 = arith.constant 0 : i32
    %scan3A_1273 = arith.constant 16 : i32
    %scan3A_1274 = arith.addi %scan3A_1272, %scan3A_1273 : i32
    %scan3A_1275 = arith.constant 1 : i32
    scf.for %scan3A_1343 = %scan3A_1272 to %scan3A_1274 step %scan3A_1275  : i32 {
      %mul3A_1344 = arith.constant 16 : i32
      %mul3A_1345 = arith.muli %scan3A_1343, %mul3A_1344 : i32
      %add3A_1346 = arith.constant 256 : i32
      %add3A_1347 = arith.addi %add3A_1346, %mul3A_1345 : i32
      %get3A_1348 = arith.index_cast %add3A_1347 : i32 to index
      %get3A_1349 = tpu.vector_load %arg7[%get3A_1348] {strides = array<i32>} : memref<1024xi32, #tpu.memory_space<vmem>>, vector<16xi32>,
      %get3A_1350 = vector.shape_cast %get3A_1349 : vector<16xi32> to vector<16xi32>
      %slice3A = vector.extract_strided_slice %get3A_1350 {offsets = [0], sizes = [1], strides = [1]} : vector<16xi32> to vector<1xi32>
      %squeeze3A = vector.extract %slice3A[0] : i32 from vector<1xi32>
      %ne3A_1351 = arith.constant 0 : i32
      %ne3A_1352 = arith.cmpi ne, %squeeze3A, %ne3A_1351 : i32
      %convert_element_type3A = arith.extui %ne3A_1352 : i1 to i32
      %cond3A = arith.constant 0 : i32
      %cond3A_1353 = arith.cmpi ne, %convert_element_type3A, %cond3A : i32
      scf.if %cond3A_1353 {
        %mul3A_1459 = arith.constant 16 : i32
        %mul3A_1460 = arith.muli %scan3A_1343, %mul3A_1459 : i32
        %add3A_1461 = arith.constant 0 : i32
        %add3A_1462 = arith.addi %mul3A_1460, %add3A_1461 : i32
        %swap3A_1463 = arith.index_cast %add3A_1462 : i32 to index
        %swap3A_1464 = arith.constant 0 : index
        %swap3A_1465 = tpu.vector_load %arg9[%swap3A_1463, %swap3A_1464] {strides = array<i32>} : memref<256x128xf32, #tpu.memory_space<vmem>>, vector<1x16xf32>,
        %swap3A_1466 = vector.shape_cast %swap3A_1465 : vector<1x16xf32> to vector<16xf32>
        %swap3A_1467 = vector.shape_cast %broadcast_in_dim3A_35 : vector<16xf32> to vector<1x16xf32>
        tpu.vector_store %arg9[%swap3A_1463, %swap3A_1464], %swap3A_1467 {strides = array<i32>} : memref<256x128xf32, #tpu.memory_space<vmem>>, vector<1x16xf32>,
        %swap3A_1468 = arith.index_cast %add3A_1462 : i32 to index
        %swap3A_1469 = arith.constant 16 : index
        %swap3A_1470 = tpu.vector_load %arg9[%swap3A_1468, %swap3A_1469] {strides = array<i32>} : memref<256x128xf32, #tpu.memory_space<vmem>>, vector<1x16xf32>,
        %swap3A_1471 = vector.shape_cast %swap3A_1470 : vector<1x16xf32> to vector<16xf32>
        %swap3A_1472 = vector.shape_cast %broadcast_in_dim3A_35 : vector<16xf32> to vector<1x16xf32>
        tpu.vector_store %arg9[%swap3A_1468, %swap3A_1469], %swap3A_1472 {strides = array<i32>} : memref<256x128xf32, #tpu.memory_space<vmem>>, vector<1x16xf32>,
        %swap3A_1473 = arith.index_cast %add3A_1462 : i32 to index
        %swap3A_1474 = arith.constant 32 : index
        %swap3A_1475 = tpu.vector_load %arg9[%swap3A_1473, %swap3A_1474] {strides = array<i32>} : memref<256x128xf32, #tpu.memory_space<vmem>>, vector<1x16xf32>,
        %swap3A_1476 = vector.shape_cast %swap3A_1475 : vector<1x16xf32> to vector<16xf32>
        %swap3A_1477 = vector.shape_cast %broadcast_in_dim3A_35 : vector<16xf32> to vector<1x16xf32>
        tpu.vector_store %arg9[%swap3A_1473, %swap3A_1474], %swap3A_1477 {strides = array<i32>} : memref<256x128xf32, #tpu.memory_space<vmem>>, vector<1x16xf32>,
        %swap3A_1478 = arith.index_cast %add3A_1462 : i32 to index
        %swap3A_1479 = arith.constant 48 : index
        %swap3A_1480 = tpu.vector_load %arg9[%swap3A_1478, %swap3A_1479] {strides = array<i32>} : memref<256x128xf32, #tpu.memory_space<vmem>>, vector<1x16xf32>,
        %swap3A_1481 = vector.shape_cast %swap3A_1480 : vector<1x16xf32> to vector<16xf32>
        %swap3A_1482 = vector.shape_cast %broadcast_in_dim3A_35 : vector<16xf32> to vector<1x16xf32>
        tpu.vector_store %arg9[%swap3A_1478, %swap3A_1479], %swap3A_1482 {strides = array<i32>} : memref<256x128xf32, #tpu.memory_space<vmem>>, vector<1x16xf32>,
      } else {
      }
      %slice3A_1354 = vector.extract_strided_slice %get3A_1350 {offsets = [1], sizes = [1], strides = [1]} : vector<16xi32> to vector<1xi32>
      %squeeze3A_1355 = vector.extract %slice3A_1354[0] : i32 from vector<1xi32>
      %ne3A_1356 = arith.constant 0 : i32
      %ne3A_1357 = arith.cmpi ne, %squeeze3A_1355, %ne3A_1356 : i32
      %convert_element_type3A_1358 = arith.extui %ne3A_1357 : i1 to i32
      %cond3A_1359 = arith.constant 0 : i32
      %cond3A_1360 = arith.cmpi ne, %convert_element_type3A_1358, %cond3A_1359 : i32
      scf.if %cond3A_1360 {
        %mul3A_1459 = arith.constant 16 : i32
        %mul3A_1460 = arith.muli %scan3A_1343, %mul3A_1459 : i32
        %add3A_1461 = arith.constant 1 : i32
        %add3A_1462 = arith.addi %mul3A_1460, %add3A_1461 : i32
        %swap3A_1463 = arith.index_cast %add3A_1462 : i32 to index
        %swap3A_1464 = arith.constant 0 : index
        %swap3A_1465 = tpu.vector_load %arg9[%swap3A_1463, %swap3A_1464] {strides = array<i32>} : memref<256x128xf32, #tpu.memory_space<vmem>>, vector<1x16xf32>,
        %swap3A_1466 = vector.shape_cast %swap3A_1465 : vector<1x16xf32> to vector<16xf32>
        %swap3A_1467 = vector.shape_cast %broadcast_in_dim3A_35 : vector<16xf32> to vector<1x16xf32>
        tpu.vector_store %arg9[%swap3A_1463, %swap3A_1464], %swap3A_1467 {strides = array<i32>} : memref<256x128xf32, #tpu.memory_space<vmem>>, vector<1x16xf32>,
        %swap3A_1468 = arith.index_cast %add3A_1462 : i32 to index
        %swap3A_1469 = arith.constant 16 : index
        %swap3A_1470 = tpu.vector_load %arg9[%swap3A_1468, %swap3A_1469] {strides = array<i32>} : memref<256x128xf32, #tpu.memory_space<vmem>>, vector<1x16xf32>,
        %swap3A_1471 = vector.shape_cast %swap3A_1470 : vector<1x16xf32> to vector<16xf32>
        %swap3A_1472 = vector.shape_cast %broadcast_in_dim3A_35 : vector<16xf32> to vector<1x16xf32>
        tpu.vector_store %arg9[%swap3A_1468, %swap3A_1469], %swap3A_1472 {strides = array<i32>} : memref<256x128xf32, #tpu.memory_space<vmem>>, vector<1x16xf32>,
        %swap3A_1473 = arith.index_cast %add3A_1462 : i32 to index
        %swap3A_1474 = arith.constant 32 : index
        %swap3A_1475 = tpu.vector_load %arg9[%swap3A_1473, %swap3A_1474] {strides = array<i32>} : memref<256x128xf32, #tpu.memory_space<vmem>>, vector<1x16xf32>,
        %swap3A_1476 = vector.shape_cast %swap3A_1475 : vector<1x16xf32> to vector<16xf32>
        %swap3A_1477 = vector.shape_cast %broadcast_in_dim3A_35 : vector<16xf32> to vector<1x16xf32>
        tpu.vector_store %arg9[%swap3A_1473, %swap3A_1474], %swap3A_1477 {strides = array<i32>} : memref<256x128xf32, #tpu.memory_space<vmem>>, vector<1x16xf32>,
        %swap3A_1478 = arith.index_cast %add3A_1462 : i32 to index
        %swap3A_1479 = arith.constant 48 : index
        %swap3A_1480 = tpu.vector_load %arg9[%swap3A_1478, %swap3A_1479] {strides = array<i32>} : memref<256x128xf32, #tpu.memory_space<vmem>>, vector<1x16xf32>,
        %swap3A_1481 = vector.shape_cast %swap3A_1480 : vector<1x16xf32> to vector<16xf32>
        %swap3A_1482 = vector.shape_cast %broadcast_in_dim3A_35 : vector<16xf32> to vector<1x16xf32>
        tpu.vector_store %arg9[%swap3A_1478, %swap3A_1479], %swap3A_1482 {strides = array<i32>} : memref<256x128xf32, #tpu.memory_space<vmem>>, vector<1x16xf32>,
      } else {
      }
      %slice3A_1361 = vector.extract_strided_slice %get3A_1350 {offsets = [2], sizes = [1], strides = [1]} : vector<16xi32> to vector<1xi32>
      %squeeze3A_1362 = vector.extract %slice3A_1361[0] : i32 from vector<1xi32>
      %ne3A_1363 = arith.constant 0 : i32
      %ne3A_1364 = arith.cmpi ne, %squeeze3A_1362, %ne3A_1363 : i32
      %convert_element_type3A_1365 = arith.extui %ne3A_1364 : i1 to i32
      %cond3A_1366 = arith.constant 0 : i32
      %cond3A_1367 = arith.cmpi ne, %convert_element_type3A_1365, %cond3A_1366 : i32
      scf.if %cond3A_1367 {
        %mul3A_1459 = arith.constant 16 : i32
        %mul3A_1460 = arith.muli %scan3A_1343, %mul3A_1459 : i32
        %add3A_1461 = arith.constant 2 : i32
        %add3A_1462 = arith.addi %mul3A_1460, %add3A_1461 : i32
        %swap3A_1463 = arith.index_cast %add3A_1462 : i32 to index
        %swap3A_1464 = arith.constant 0 : index
        %swap3A_1465 = tpu.vector_load %arg9[%swap3A_1463, %swap3A_1464] {strides = array<i32>} : memref<256x128xf32, #tpu.memory_space<vmem>>, vector<1x16xf32>,
        %swap3A_1466 = vector.shape_cast %swap3A_1465 : vector<1x16xf32> to vector<16xf32>
        %swap3A_1467 = vector.shape_cast %broadcast_in_dim3A_35 : vector<16xf32> to vector<1x16xf32>
        tpu.vector_store %arg9[%swap3A_1463, %swap3A_1464], %swap3A_1467 {strides = array<i32>} : memref<256x128xf32, #tpu.memory_space<vmem>>, vector<1x16xf32>,
        %swap3A_1468 = arith.index_cast %add3A_1462 : i32 to index
        %swap3A_1469 = arith.constant 16 : index
        %swap3A_1470 = tpu.vector_load %arg9[%swap3A_1468, %swap3A_1469] {strides = array<i32>} : memref<256x128xf32, #tpu.memory_space<vmem>>, vector<1x16xf32>,
        %swap3A_1471 = vector.shape_cast %swap3A_1470 : vector<1x16xf32> to vector<16xf32>
        %swap3A_1472 = vector.shape_cast %broadcast_in_dim3A_35 : vector<16xf32> to vector<1x16xf32>
        tpu.vector_store %arg9[%swap3A_1468, %swap3A_1469], %swap3A_1472 {strides = array<i32>} : memref<256x128xf32, #tpu.memory_space<vmem>>, vector<1x16xf32>,
        %swap3A_1473 = arith.index_cast %add3A_1462 : i32 to index
        %swap3A_1474 = arith.constant 32 : index
        %swap3A_1475 = tpu.vector_load %arg9[%swap3A_1473, %swap3A_1474] {strides = array<i32>} : memref<256x128xf32, #tpu.memory_space<vmem>>, vector<1x16xf32>,
        %swap3A_1476 = vector.shape_cast %swap3A_1475 : vector<1x16xf32> to vector<16xf32>
        %swap3A_1477 = vector.shape_cast %broadcast_in_dim3A_35 : vector<16xf32> to vector<1x16xf32>
        tpu.vector_store %arg9[%swap3A_1473, %swap3A_1474], %swap3A_1477 {strides = array<i32>} : memref<256x128xf32, #tpu.memory_space<vmem>>, vector<1x16xf32>,
        %swap3A_1478 = arith.index_cast %add3A_1462 : i32 to index
        %swap3A_1479 = arith.constant 48 : index
        %swap3A_1480 = tpu.vector_load %arg9[%swap3A_1478, %swap3A_1479] {strides = array<i32>} : memref<256x128xf32, #tpu.memory_space<vmem>>, vector<1x16xf32>,
        %swap3A_1481 = vector.shape_cast %swap3A_1480 : vector<1x16xf32> to vector<16xf32>
        %swap3A_1482 = vector.shape_cast %broadcast_in_dim3A_35 : vector<16xf32> to vector<1x16xf32>
        tpu.vector_store %arg9[%swap3A_1478, %swap3A_1479], %swap3A_1482 {strides = array<i32>} : memref<256x128xf32, #tpu.memory_space<vmem>>, vector<1x16xf32>,
      } else {
      }
      %slice3A_1368 = vector.extract_strided_slice %get3A_1350 {offsets = [3], sizes = [1], strides = [1]} : vector<16xi32> to vector<1xi32>
      %squeeze3A_1369 = vector.extract %slice3A_1368[0] : i32 from vector<1xi32>
      %ne3A_1370 = arith.constant 0 : i32
      %ne3A_1371 = arith.cmpi ne, %squeeze3A_1369, %ne3A_1370 : i32
      %convert_element_type3A_1372 = arith.extui %ne3A_1371 : i1 to i32
      %cond3A_1373 = arith.constant 0 : i32
      %cond3A_1374 = arith.cmpi ne, %convert_element_type3A_1372, %cond3A_1373 : i32
      scf.if %cond3A_1374 {
        %mul3A_1459 = arith.constant 16 : i32
        %mul3A_1460 = arith.muli %scan3A_1343, %mul3A_1459 : i32
        %add3A_1461 = arith.constant 3 : i32
        %add3A_1462 = arith.addi %mul3A_1460, %add3A_1461 : i32
        %swap3A_1463 = arith.index_cast %add3A_1462 : i32 to index
        %swap3A_1464 = arith.constant 0 : index
        %swap3A_1465 = tpu.vector_load %arg9[%swap3A_1463, %swap3A_1464] {strides = array<i32>} : memref<256x128xf32, #tpu.memory_space<vmem>>, vector<1x16xf32>,
        %swap3A_1466 = vector.shape_cast %swap3A_1465 : vector<1x16xf32> to vector<16xf32>
        %swap3A_1467 = vector.shape_cast %broadcast_in_dim3A_35 : vector<16xf32> to vector<1x16xf32>
        tpu.vector_store %arg9[%swap3A_1463, %swap3A_1464], %swap3A_1467 {strides = array<i32>} : memref<256x128xf32, #tpu.memory_space<vmem>>, vector<1x16xf32>,
        %swap3A_1468 = arith.index_cast %add3A_1462 : i32 to index
        %swap3A_1469 = arith.constant 16 : index
        %swap3A_1470 = tpu.vector_load %arg9[%swap3A_1468, %swap3A_1469] {strides = array<i32>} : memref<256x128xf32, #tpu.memory_space<vmem>>, vector<1x16xf32>,
        %swap3A_1471 = vector.shape_cast %swap3A_1470 : vector<1x16xf32> to vector<16xf32>
        %swap3A_1472 = vector.shape_cast %broadcast_in_dim3A_35 : vector<16xf32> to vector<1x16xf32>
        tpu.vector_store %arg9[%swap3A_1468, %swap3A_1469], %swap3A_1472 {strides = array<i32>} : memref<256x128xf32, #tpu.memory_space<vmem>>, vector<1x16xf32>,
        %swap3A_1473 = arith.index_cast %add3A_1462 : i32 to index
        %swap3A_1474 = arith.constant 32 : index
        %swap3A_1475 = tpu.vector_load %arg9[%swap3A_1473, %swap3A_1474] {strides = array<i32>} : memref<256x128xf32, #tpu.memory_space<vmem>>, vector<1x16xf32>,
        %swap3A_1476 = vector.shape_cast %swap3A_1475 : vector<1x16xf32> to vector<16xf32>
        %swap3A_1477 = vector.shape_cast %broadcast_in_dim3A_35 : vector<16xf32> to vector<1x16xf32>
        tpu.vector_store %arg9[%swap3A_1473, %swap3A_1474], %swap3A_1477 {strides = array<i32>} : memref<256x128xf32, #tpu.memory_space<vmem>>, vector<1x16xf32>,
        %swap3A_1478 = arith.index_cast %add3A_1462 : i32 to index
        %swap3A_1479 = arith.constant 48 : index
        %swap3A_1480 = tpu.vector_load %arg9[%swap3A_1478, %swap3A_1479] {strides = array<i32>} : memref<256x128xf32, #tpu.memory_space<vmem>>, vector<1x16xf32>,
        %swap3A_1481 = vector.shape_cast %swap3A_1480 : vector<1x16xf32> to vector<16xf32>
        %swap3A_1482 = vector.shape_cast %broadcast_in_dim3A_35 : vector<16xf32> to vector<1x16xf32>
        tpu.vector_store %arg9[%swap3A_1478, %swap3A_1479], %swap3A_1482 {strides = array<i32>} : memref<256x128xf32, #tpu.memory_space<vmem>>, vector<1x16xf32>,
      } else {
      }
      %slice3A_1375 = vector.extract_strided_slice %get3A_1350 {offsets = [4], sizes = [1], strides = [1]} : vector<16xi32> to vector<1xi32>
      %squeeze3A_1376 = vector.extract %slice3A_1375[0] : i32 from vector<1xi32>
      %ne3A_1377 = arith.constant 0 : i32
      %ne3A_1378 = arith.cmpi ne, %squeeze3A_1376, %ne3A_1377 : i32
      %convert_element_type3A_1379 = arith.extui %ne3A_1378 : i1 to i32
      %cond3A_1380 = arith.constant 0 : i32
      %cond3A_1381 = arith.cmpi ne, %convert_element_type3A_1379, %cond3A_1380 : i32
      scf.if %cond3A_1381 {
        %mul3A_1459 = arith.constant 16 : i32
        %mul3A_1460 = arith.muli %scan3A_1343, %mul3A_1459 : i32
        %add3A_1461 = arith.constant 4 : i32
        %add3A_1462 = arith.addi %mul3A_1460, %add3A_1461 : i32
        %swap3A_1463 = arith.index_cast %add3A_1462 : i32 to index
        %swap3A_1464 = arith.constant 0 : index
        %swap3A_1465 = tpu.vector_load %arg9[%swap3A_1463, %swap3A_1464] {strides = array<i32>} : memref<256x128xf32, #tpu.memory_space<vmem>>, vector<1x16xf32>,
        %swap3A_1466 = vector.shape_cast %swap3A_1465 : vector<1x16xf32> to vector<16xf32>
        %swap3A_1467 = vector.shape_cast %broadcast_in_dim3A_35 : vector<16xf32> to vector<1x16xf32>
        tpu.vector_store %arg9[%swap3A_1463, %swap3A_1464], %swap3A_1467 {strides = array<i32>} : memref<256x128xf32, #tpu.memory_space<vmem>>, vector<1x16xf32>,
        %swap3A_1468 = arith.index_cast %add3A_1462 : i32 to index
        %swap3A_1469 = arith.constant 16 : index
        %swap3A_1470 = tpu.vector_load %arg9[%swap3A_1468, %swap3A_1469] {strides = array<i32>} : memref<256x128xf32, #tpu.memory_space<vmem>>, vector<1x16xf32>,
        %swap3A_1471 = vector.shape_cast %swap3A_1470 : vector<1x16xf32> to vector<16xf32>
        %swap3A_1472 = vector.shape_cast %broadcast_in_dim3A_35 : vector<16xf32> to vector<1x16xf32>
        tpu.vector_store %arg9[%swap3A_1468, %swap3A_1469], %swap3A_1472 {strides = array<i32>} : memref<256x128xf32, #tpu.memory_space<vmem>>, vector<1x16xf32>,
        %swap3A_1473 = arith.index_cast %add3A_1462 : i32 to index
        %swap3A_1474 = arith.constant 32 : index
        %swap3A_1475 = tpu.vector_load %arg9[%swap3A_1473, %swap3A_1474] {strides = array<i32>} : memref<256x128xf32, #tpu.memory_space<vmem>>, vector<1x16xf32>,
        %swap3A_1476 = vector.shape_cast %swap3A_1475 : vector<1x16xf32> to vector<16xf32>
        %swap3A_1477 = vector.shape_cast %broadcast_in_dim3A_35 : vector<16xf32> to vector<1x16xf32>
        tpu.vector_store %arg9[%swap3A_1473, %swap3A_1474], %swap3A_1477 {strides = array<i32>} : memref<256x128xf32, #tpu.memory_space<vmem>>, vector<1x16xf32>,
        %swap3A_1478 = arith.index_cast %add3A_1462 : i32 to index
        %swap3A_1479 = arith.constant 48 : index
        %swap3A_1480 = tpu.vector_load %arg9[%swap3A_1478, %swap3A_1479] {strides = array<i32>} : memref<256x128xf32, #tpu.memory_space<vmem>>, vector<1x16xf32>,
        %swap3A_1481 = vector.shape_cast %swap3A_1480 : vector<1x16xf32> to vector<16xf32>
        %swap3A_1482 = vector.shape_cast %broadcast_in_dim3A_35 : vector<16xf32> to vector<1x16xf32>
        tpu.vector_store %arg9[%swap3A_1478, %swap3A_1479], %swap3A_1482 {strides = array<i32>} : memref<256x128xf32, #tpu.memory_space<vmem>>, vector<1x16xf32>,
      } else {
      }
      %slice3A_1382 = vector.extract_strided_slice %get3A_1350 {offsets = [5], sizes = [1], strides = [1]} : vector<16xi32> to vector<1xi32>
      %squeeze3A_1383 = vector.extract %slice3A_1382[0] : i32 from vector<1xi32>
      %ne3A_1384 = arith.constant 0 : i32
      %ne3A_1385 = arith.cmpi ne, %squeeze3A_1383, %ne3A_1384 : i32
      %convert_element_type3A_1386 = arith.extui %ne3A_1385 : i1 to i32
      %cond3A_1387 = arith.constant 0 : i32
      %cond3A_1388 = arith.cmpi ne, %convert_element_type3A_1386, %cond3A_1387 : i32
      scf.if %cond3A_1388 {
        %mul3A_1459 = arith.constant 16 : i32
        %mul3A_1460 = arith.muli %scan3A_1343, %mul3A_1459 : i32
        %add3A_1461 = arith.constant 5 : i32
        %add3A_1462 = arith.addi %mul3A_1460, %add3A_1461 : i32
        %swap3A_1463 = arith.index_cast %add3A_1462 : i32 to index
        %swap3A_1464 = arith.constant 0 : index
        %swap3A_1465 = tpu.vector_load %arg9[%swap3A_1463, %swap3A_1464] {strides = array<i32>} : memref<256x128xf32, #tpu.memory_space<vmem>>, vector<1x16xf32>,
        %swap3A_1466 = vector.shape_cast %swap3A_1465 : vector<1x16xf32> to vector<16xf32>
        %swap3A_1467 = vector.shape_cast %broadcast_in_dim3A_35 : vector<16xf32> to vector<1x16xf32>
        tpu.vector_store %arg9[%swap3A_1463, %swap3A_1464], %swap3A_1467 {strides = array<i32>} : memref<256x128xf32, #tpu.memory_space<vmem>>, vector<1x16xf32>,
        %swap3A_1468 = arith.index_cast %add3A_1462 : i32 to index
        %swap3A_1469 = arith.constant 16 : index
        %swap3A_1470 = tpu.vector_load %arg9[%swap3A_1468, %swap3A_1469] {strides = array<i32>} : memref<256x128xf32, #tpu.memory_space<vmem>>, vector<1x16xf32>,
        %swap3A_1471 = vector.shape_cast %swap3A_1470 : vector<1x16xf32> to vector<16xf32>
        %swap3A_1472 = vector.shape_cast %broadcast_in_dim3A_35 : vector<16xf32> to vector<1x16xf32>
        tpu.vector_store %arg9[%swap3A_1468, %swap3A_1469], %swap3A_1472 {strides = array<i32>} : memref<256x128xf32, #tpu.memory_space<vmem>>, vector<1x16xf32>,
        %swap3A_1473 = arith.index_cast %add3A_1462 : i32 to index
        %swap3A_1474 = arith.constant 32 : index
        %swap3A_1475 = tpu.vector_load %arg9[%swap3A_1473, %swap3A_1474] {strides = array<i32>} : memref<256x128xf32, #tpu.memory_space<vmem>>, vector<1x16xf32>,
        %swap3A_1476 = vector.shape_cast %swap3A_1475 : vector<1x16xf32> to vector<16xf32>
        %swap3A_1477 = vector.shape_cast %broadcast_in_dim3A_35 : vector<16xf32> to vector<1x16xf32>
        tpu.vector_store %arg9[%swap3A_1473, %swap3A_1474], %swap3A_1477 {strides = array<i32>} : memref<256x128xf32, #tpu.memory_space<vmem>>, vector<1x16xf32>,
        %swap3A_1478 = arith.index_cast %add3A_1462 : i32 to index
        %swap3A_1479 = arith.constant 48 : index
        %swap3A_1480 = tpu.vector_load %arg9[%swap3A_1478, %swap3A_1479] {strides = array<i32>} : memref<256x128xf32, #tpu.memory_space<vmem>>, vector<1x16xf32>,
        %swap3A_1481 = vector.shape_cast %swap3A_1480 : vector<1x16xf32> to vector<16xf32>
        %swap3A_1482 = vector.shape_cast %broadcast_in_dim3A_35 : vector<16xf32> to vector<1x16xf32>
        tpu.vector_store %arg9[%swap3A_1478, %swap3A_1479], %swap3A_1482 {strides = array<i32>} : memref<256x128xf32, #tpu.memory_space<vmem>>, vector<1x16xf32>,
      } else {
      }
      %slice3A_1389 = vector.extract_strided_slice %get3A_1350 {offsets = [6], sizes = [1], strides = [1]} : vector<16xi32> to vector<1xi32>
      %squeeze3A_1390 = vector.extract %slice3A_1389[0] : i32 from vector<1xi32>
      %ne3A_1391 = arith.constant 0 : i32
      %ne3A_1392 = arith.cmpi ne, %squeeze3A_1390, %ne3A_1391 : i32
      %convert_element_type3A_1393 = arith.extui %ne3A_1392 : i1 to i32
      %cond3A_1394 = arith.constant 0 : i32
      %cond3A_1395 = arith.cmpi ne, %convert_element_type3A_1393, %cond3A_1394 : i32
      scf.if %cond3A_1395 {
        %mul3A_1459 = arith.constant 16 : i32
        %mul3A_1460 = arith.muli %scan3A_1343, %mul3A_1459 : i32
        %add3A_1461 = arith.constant 6 : i32
        %add3A_1462 = arith.addi %mul3A_1460, %add3A_1461 : i32
        %swap3A_1463 = arith.index_cast %add3A_1462 : i32 to index
        %swap3A_1464 = arith.constant 0 : index
        %swap3A_1465 = tpu.vector_load %arg9[%swap3A_1463, %swap3A_1464] {strides = array<i32>} : memref<256x128xf32, #tpu.memory_space<vmem>>, vector<1x16xf32>,
        %swap3A_1466 = vector.shape_cast %swap3A_1465 : vector<1x16xf32> to vector<16xf32>
        %swap3A_1467 = vector.shape_cast %broadcast_in_dim3A_35 : vector<16xf32> to vector<1x16xf32>
        tpu.vector_store %arg9[%swap3A_1463, %swap3A_1464], %swap3A_1467 {strides = array<i32>} : memref<256x128xf32, #tpu.memory_space<vmem>>, vector<1x16xf32>,
        %swap3A_1468 = arith.index_cast %add3A_1462 : i32 to index
        %swap3A_1469 = arith.constant 16 : index
        %swap3A_1470 = tpu.vector_load %arg9[%swap3A_1468, %swap3A_1469] {strides = array<i32>} : memref<256x128xf32, #tpu.memory_space<vmem>>, vector<1x16xf32>,
        %swap3A_1471 = vector.shape_cast %swap3A_1470 : vector<1x16xf32> to vector<16xf32>
        %swap3A_1472 = vector.shape_cast %broadcast_in_dim3A_35 : vector<16xf32> to vector<1x16xf32>
        tpu.vector_store %arg9[%swap3A_1468, %swap3A_1469], %swap3A_1472 {strides = array<i32>} : memref<256x128xf32, #tpu.memory_space<vmem>>, vector<1x16xf32>,
        %swap3A_1473 = arith.index_cast %add3A_1462 : i32 to index
        %swap3A_1474 = arith.constant 32 : index
        %swap3A_1475 = tpu.vector_load %arg9[%swap3A_1473, %swap3A_1474] {strides = array<i32>} : memref<256x128xf32, #tpu.memory_space<vmem>>, vector<1x16xf32>,
        %swap3A_1476 = vector.shape_cast %swap3A_1475 : vector<1x16xf32> to vector<16xf32>
        %swap3A_1477 = vector.shape_cast %broadcast_in_dim3A_35 : vector<16xf32> to vector<1x16xf32>
        tpu.vector_store %arg9[%swap3A_1473, %swap3A_1474], %swap3A_1477 {strides = array<i32>} : memref<256x128xf32, #tpu.memory_space<vmem>>, vector<1x16xf32>,
        %swap3A_1478 = arith.index_cast %add3A_1462 : i32 to index
        %swap3A_1479 = arith.constant 48 : index
        %swap3A_1480 = tpu.vector_load %arg9[%swap3A_1478, %swap3A_1479] {strides = array<i32>} : memref<256x128xf32, #tpu.memory_space<vmem>>, vector<1x16xf32>,
        %swap3A_1481 = vector.shape_cast %swap3A_1480 : vector<1x16xf32> to vector<16xf32>
        %swap3A_1482 = vector.shape_cast %broadcast_in_dim3A_35 : vector<16xf32> to vector<1x16xf32>
        tpu.vector_store %arg9[%swap3A_1478, %swap3A_1479], %swap3A_1482 {strides = array<i32>} : memref<256x128xf32, #tpu.memory_space<vmem>>, vector<1x16xf32>,
      } else {
      }
      %slice3A_1396 = vector.extract_strided_slice %get3A_1350 {offsets = [7], sizes = [1], strides = [1]} : vector<16xi32> to vector<1xi32>
      %squeeze3A_1397 = vector.extract %slice3A_1396[0] : i32 from vector<1xi32>
      %ne3A_1398 = arith.constant 0 : i32
      %ne3A_1399 = arith.cmpi ne, %squeeze3A_1397, %ne3A_1398 : i32
      %convert_element_type3A_1400 = arith.extui %ne3A_1399 : i1 to i32
      %cond3A_1401 = arith.constant 0 : i32
      %cond3A_1402 = arith.cmpi ne, %convert_element_type3A_1400, %cond3A_1401 : i32
      scf.if %cond3A_1402 {
        %mul3A_1459 = arith.constant 16 : i32
        %mul3A_1460 = arith.muli %scan3A_1343, %mul3A_1459 : i32
        %add3A_1461 = arith.constant 7 : i32
        %add3A_1462 = arith.addi %mul3A_1460, %add3A_1461 : i32
        %swap3A_1463 = arith.index_cast %add3A_1462 : i32 to index
        %swap3A_1464 = arith.constant 0 : index
        %swap3A_1465 = tpu.vector_load %arg9[%swap3A_1463, %swap3A_1464] {strides = array<i32>} : memref<256x128xf32, #tpu.memory_space<vmem>>, vector<1x16xf32>,
        %swap3A_1466 = vector.shape_cast %swap3A_1465 : vector<1x16xf32> to vector<16xf32>
        %swap3A_1467 = vector.shape_cast %broadcast_in_dim3A_35 : vector<16xf32> to vector<1x16xf32>
        tpu.vector_store %arg9[%swap3A_1463, %swap3A_1464], %swap3A_1467 {strides = array<i32>} : memref<256x128xf32, #tpu.memory_space<vmem>>, vector<1x16xf32>,
        %swap3A_1468 = arith.index_cast %add3A_1462 : i32 to index
        %swap3A_1469 = arith.constant 16 : index
        %swap3A_1470 = tpu.vector_load %arg9[%swap3A_1468, %swap3A_1469] {strides = array<i32>} : memref<256x128xf32, #tpu.memory_space<vmem>>, vector<1x16xf32>,
        %swap3A_1471 = vector.shape_cast %swap3A_1470 : vector<1x16xf32> to vector<16xf32>
        %swap3A_1472 = vector.shape_cast %broadcast_in_dim3A_35 : vector<16xf32> to vector<1x16xf32>
        tpu.vector_store %arg9[%swap3A_1468, %swap3A_1469], %swap3A_1472 {strides = array<i32>} : memref<256x128xf32, #tpu.memory_space<vmem>>, vector<1x16xf32>,
        %swap3A_1473 = arith.index_cast %add3A_1462 : i32 to index
        %swap3A_1474 = arith.constant 32 : index
        %swap3A_1475 = tpu.vector_load %arg9[%swap3A_1473, %swap3A_1474] {strides = array<i32>} : memref<256x128xf32, #tpu.memory_space<vmem>>, vector<1x16xf32>,
        %swap3A_1476 = vector.shape_cast %swap3A_1475 : vector<1x16xf32> to vector<16xf32>
        %swap3A_1477 = vector.shape_cast %broadcast_in_dim3A_35 : vector<16xf32> to vector<1x16xf32>
        tpu.vector_store %arg9[%swap3A_1473, %swap3A_1474], %swap3A_1477 {strides = array<i32>} : memref<256x128xf32, #tpu.memory_space<vmem>>, vector<1x16xf32>,
        %swap3A_1478 = arith.index_cast %add3A_1462 : i32 to index
        %swap3A_1479 = arith.constant 48 : index
        %swap3A_1480 = tpu.vector_load %arg9[%swap3A_1478, %swap3A_1479] {strides = array<i32>} : memref<256x128xf32, #tpu.memory_space<vmem>>, vector<1x16xf32>,
        %swap3A_1481 = vector.shape_cast %swap3A_1480 : vector<1x16xf32> to vector<16xf32>
        %swap3A_1482 = vector.shape_cast %broadcast_in_dim3A_35 : vector<16xf32> to vector<1x16xf32>
        tpu.vector_store %arg9[%swap3A_1478, %swap3A_1479], %swap3A_1482 {strides = array<i32>} : memref<256x128xf32, #tpu.memory_space<vmem>>, vector<1x16xf32>,
      } else {
      }
      %slice3A_1403 = vector.extract_strided_slice %get3A_1350 {offsets = [8], sizes = [1], strides = [1]} : vector<16xi32> to vector<1xi32>
      %squeeze3A_1404 = vector.extract %slice3A_1403[0] : i32 from vector<1xi32>
      %ne3A_1405 = arith.constant 0 : i32
      %ne3A_1406 = arith.cmpi ne, %squeeze3A_1404, %ne3A_1405 : i32
      %convert_element_type3A_1407 = arith.extui %ne3A_1406 : i1 to i32
      %cond3A_1408 = arith.constant 0 : i32
      %cond3A_1409 = arith.cmpi ne, %convert_element_type3A_1407, %cond3A_1408 : i32
      scf.if %cond3A_1409 {
        %mul3A_1459 = arith.constant 16 : i32
        %mul3A_1460 = arith.muli %scan3A_1343, %mul3A_1459 : i32
        %add3A_1461 = arith.constant 8 : i32
        %add3A_1462 = arith.addi %mul3A_1460, %add3A_1461 : i32
        %swap3A_1463 = arith.index_cast %add3A_1462 : i32 to index
        %swap3A_1464 = arith.constant 0 : index
        %swap3A_1465 = tpu.vector_load %arg9[%swap3A_1463, %swap3A_1464] {strides = array<i32>} : memref<256x128xf32, #tpu.memory_space<vmem>>, vector<1x16xf32>,
        %swap3A_1466 = vector.shape_cast %swap3A_1465 : vector<1x16xf32> to vector<16xf32>
        %swap3A_1467 = vector.shape_cast %broadcast_in_dim3A_35 : vector<16xf32> to vector<1x16xf32>
        tpu.vector_store %arg9[%swap3A_1463, %swap3A_1464], %swap3A_1467 {strides = array<i32>} : memref<256x128xf32, #tpu.memory_space<vmem>>, vector<1x16xf32>,
        %swap3A_1468 = arith.index_cast %add3A_1462 : i32 to index
        %swap3A_1469 = arith.constant 16 : index
        %swap3A_1470 = tpu.vector_load %arg9[%swap3A_1468, %swap3A_1469] {strides = array<i32>} : memref<256x128xf32, #tpu.memory_space<vmem>>, vector<1x16xf32>,
        %swap3A_1471 = vector.shape_cast %swap3A_1470 : vector<1x16xf32> to vector<16xf32>
        %swap3A_1472 = vector.shape_cast %broadcast_in_dim3A_35 : vector<16xf32> to vector<1x16xf32>
        tpu.vector_store %arg9[%swap3A_1468, %swap3A_1469], %swap3A_1472 {strides = array<i32>} : memref<256x128xf32, #tpu.memory_space<vmem>>, vector<1x16xf32>,
        %swap3A_1473 = arith.index_cast %add3A_1462 : i32 to index
        %swap3A_1474 = arith.constant 32 : index
        %swap3A_1475 = tpu.vector_load %arg9[%swap3A_1473, %swap3A_1474] {strides = array<i32>} : memref<256x128xf32, #tpu.memory_space<vmem>>, vector<1x16xf32>,
        %swap3A_1476 = vector.shape_cast %swap3A_1475 : vector<1x16xf32> to vector<16xf32>
        %swap3A_1477 = vector.shape_cast %broadcast_in_dim3A_35 : vector<16xf32> to vector<1x16xf32>
        tpu.vector_store %arg9[%swap3A_1473, %swap3A_1474], %swap3A_1477 {strides = array<i32>} : memref<256x128xf32, #tpu.memory_space<vmem>>, vector<1x16xf32>,
        %swap3A_1478 = arith.index_cast %add3A_1462 : i32 to index
        %swap3A_1479 = arith.constant 48 : index
        %swap3A_1480 = tpu.vector_load %arg9[%swap3A_1478, %swap3A_1479] {strides = array<i32>} : memref<256x128xf32, #tpu.memory_space<vmem>>, vector<1x16xf32>,
        %swap3A_1481 = vector.shape_cast %swap3A_1480 : vector<1x16xf32> to vector<16xf32>
        %swap3A_1482 = vector.shape_cast %broadcast_in_dim3A_35 : vector<16xf32> to vector<1x16xf32>
        tpu.vector_store %arg9[%swap3A_1478, %swap3A_1479], %swap3A_1482 {strides = array<i32>} : memref<256x128xf32, #tpu.memory_space<vmem>>, vector<1x16xf32>,
      } else {
      }
      %slice3A_1410 = vector.extract_strided_slice %get3A_1350 {offsets = [9], sizes = [1], strides = [1]} : vector<16xi32> to vector<1xi32>
      %squeeze3A_1411 = vector.extract %slice3A_1410[0] : i32 from vector<1xi32>
      %ne3A_1412 = arith.constant 0 : i32
      %ne3A_1413 = arith.cmpi ne, %squeeze3A_1411, %ne3A_1412 : i32
      %convert_element_type3A_1414 = arith.extui %ne3A_1413 : i1 to i32
      %cond3A_1415 = arith.constant 0 : i32
      %cond3A_1416 = arith.cmpi ne, %convert_element_type3A_1414, %cond3A_1415 : i32
      scf.if %cond3A_1416 {
        %mul3A_1459 = arith.constant 16 : i32
        %mul3A_1460 = arith.muli %scan3A_1343, %mul3A_1459 : i32
        %add3A_1461 = arith.constant 9 : i32
        %add3A_1462 = arith.addi %mul3A_1460, %add3A_1461 : i32
        %swap3A_1463 = arith.index_cast %add3A_1462 : i32 to index
        %swap3A_1464 = arith.constant 0 : index
        %swap3A_1465 = tpu.vector_load %arg9[%swap3A_1463, %swap3A_1464] {strides = array<i32>} : memref<256x128xf32, #tpu.memory_space<vmem>>, vector<1x16xf32>,
        %swap3A_1466 = vector.shape_cast %swap3A_1465 : vector<1x16xf32> to vector<16xf32>
        %swap3A_1467 = vector.shape_cast %broadcast_in_dim3A_35 : vector<16xf32> to vector<1x16xf32>
        tpu.vector_store %arg9[%swap3A_1463, %swap3A_1464], %swap3A_1467 {strides = array<i32>} : memref<256x128xf32, #tpu.memory_space<vmem>>, vector<1x16xf32>,
        %swap3A_1468 = arith.index_cast %add3A_1462 : i32 to index
        %swap3A_1469 = arith.constant 16 : index
        %swap3A_1470 = tpu.vector_load %arg9[%swap3A_1468, %swap3A_1469] {strides = array<i32>} : memref<256x128xf32, #tpu.memory_space<vmem>>, vector<1x16xf32>,
        %swap3A_1471 = vector.shape_cast %swap3A_1470 : vector<1x16xf32> to vector<16xf32>
        %swap3A_1472 = vector.shape_cast %broadcast_in_dim3A_35 : vector<16xf32> to vector<1x16xf32>
        tpu.vector_store %arg9[%swap3A_1468, %swap3A_1469], %swap3A_1472 {strides = array<i32>} : memref<256x128xf32, #tpu.memory_space<vmem>>, vector<1x16xf32>,
        %swap3A_1473 = arith.index_cast %add3A_1462 : i32 to index
        %swap3A_1474 = arith.constant 32 : index
        %swap3A_1475 = tpu.vector_load %arg9[%swap3A_1473, %swap3A_1474] {strides = array<i32>} : memref<256x128xf32, #tpu.memory_space<vmem>>, vector<1x16xf32>,
        %swap3A_1476 = vector.shape_cast %swap3A_1475 : vector<1x16xf32> to vector<16xf32>
        %swap3A_1477 = vector.shape_cast %broadcast_in_dim3A_35 : vector<16xf32> to vector<1x16xf32>
        tpu.vector_store %arg9[%swap3A_1473, %swap3A_1474], %swap3A_1477 {strides = array<i32>} : memref<256x128xf32, #tpu.memory_space<vmem>>, vector<1x16xf32>,
        %swap3A_1478 = arith.index_cast %add3A_1462 : i32 to index
        %swap3A_1479 = arith.constant 48 : index
        %swap3A_1480 = tpu.vector_load %arg9[%swap3A_1478, %swap3A_1479] {strides = array<i32>} : memref<256x128xf32, #tpu.memory_space<vmem>>, vector<1x16xf32>,
        %swap3A_1481 = vector.shape_cast %swap3A_1480 : vector<1x16xf32> to vector<16xf32>
        %swap3A_1482 = vector.shape_cast %broadcast_in_dim3A_35 : vector<16xf32> to vector<1x16xf32>
        tpu.vector_store %arg9[%swap3A_1478, %swap3A_1479], %swap3A_1482 {strides = array<i32>} : memref<256x128xf32, #tpu.memory_space<vmem>>, vector<1x16xf32>,
      } else {
      }
      %slice3A_1417 = vector.extract_strided_slice %get3A_1350 {offsets = [10], sizes = [1], strides = [1]} : vector<16xi32> to vector<1xi32>
      %squeeze3A_1418 = vector.extract %slice3A_1417[0] : i32 from vector<1xi32>
      %ne3A_1419 = arith.constant 0 : i32
      %ne3A_1420 = arith.cmpi ne, %squeeze3A_1418, %ne3A_1419 : i32
      %convert_element_type3A_1421 = arith.extui %ne3A_1420 : i1 to i32
      %cond3A_1422 = arith.constant 0 : i32
      %cond3A_1423 = arith.cmpi ne, %convert_element_type3A_1421, %cond3A_1422 : i32
      scf.if %cond3A_1423 {
        %mul3A_1459 = arith.constant 16 : i32
        %mul3A_1460 = arith.muli %scan3A_1343, %mul3A_1459 : i32
        %add3A_1461 = arith.constant 10 : i32
        %add3A_1462 = arith.addi %mul3A_1460, %add3A_1461 : i32
        %swap3A_1463 = arith.index_cast %add3A_1462 : i32 to index
        %swap3A_1464 = arith.constant 0 : index
        %swap3A_1465 = tpu.vector_load %arg9[%swap3A_1463, %swap3A_1464] {strides = array<i32>} : memref<256x128xf32, #tpu.memory_space<vmem>>, vector<1x16xf32>,
        %swap3A_1466 = vector.shape_cast %swap3A_1465 : vector<1x16xf32> to vector<16xf32>
        %swap3A_1467 = vector.shape_cast %broadcast_in_dim3A_35 : vector<16xf32> to vector<1x16xf32>
        tpu.vector_store %arg9[%swap3A_1463, %swap3A_1464], %swap3A_1467 {strides = array<i32>} : memref<256x128xf32, #tpu.memory_space<vmem>>, vector<1x16xf32>,
        %swap3A_1468 = arith.index_cast %add3A_1462 : i32 to index
        %swap3A_1469 = arith.constant 16 : index
        %swap3A_1470 = tpu.vector_load %arg9[%swap3A_1468, %swap3A_1469] {strides = array<i32>} : memref<256x128xf32, #tpu.memory_space<vmem>>, vector<1x16xf32>,
        %swap3A_1471 = vector.shape_cast %swap3A_1470 : vector<1x16xf32> to vector<16xf32>
        %swap3A_1472 = vector.shape_cast %broadcast_in_dim3A_35 : vector<16xf32> to vector<1x16xf32>
        tpu.vector_store %arg9[%swap3A_1468, %swap3A_1469], %swap3A_1472 {strides = array<i32>} : memref<256x128xf32, #tpu.memory_space<vmem>>, vector<1x16xf32>,
        %swap3A_1473 = arith.index_cast %add3A_1462 : i32 to index
        %swap3A_1474 = arith.constant 32 : index
        %swap3A_1475 = tpu.vector_load %arg9[%swap3A_1473, %swap3A_1474] {strides = array<i32>} : memref<256x128xf32, #tpu.memory_space<vmem>>, vector<1x16xf32>,
        %swap3A_1476 = vector.shape_cast %swap3A_1475 : vector<1x16xf32> to vector<16xf32>
        %swap3A_1477 = vector.shape_cast %broadcast_in_dim3A_35 : vector<16xf32> to vector<1x16xf32>
        tpu.vector_store %arg9[%swap3A_1473, %swap3A_1474], %swap3A_1477 {strides = array<i32>} : memref<256x128xf32, #tpu.memory_space<vmem>>, vector<1x16xf32>,
        %swap3A_1478 = arith.index_cast %add3A_1462 : i32 to index
        %swap3A_1479 = arith.constant 48 : index
        %swap3A_1480 = tpu.vector_load %arg9[%swap3A_1478, %swap3A_1479] {strides = array<i32>} : memref<256x128xf32, #tpu.memory_space<vmem>>, vector<1x16xf32>,
        %swap3A_1481 = vector.shape_cast %swap3A_1480 : vector<1x16xf32> to vector<16xf32>
        %swap3A_1482 = vector.shape_cast %broadcast_in_dim3A_35 : vector<16xf32> to vector<1x16xf32>
        tpu.vector_store %arg9[%swap3A_1478, %swap3A_1479], %swap3A_1482 {strides = array<i32>} : memref<256x128xf32, #tpu.memory_space<vmem>>, vector<1x16xf32>,
      } else {
      }
      %slice3A_1424 = vector.extract_strided_slice %get3A_1350 {offsets = [11], sizes = [1], strides = [1]} : vector<16xi32> to vector<1xi32>
      %squeeze3A_1425 = vector.extract %slice3A_1424[0] : i32 from vector<1xi32>
      %ne3A_1426 = arith.constant 0 : i32
      %ne3A_1427 = arith.cmpi ne, %squeeze3A_1425, %ne3A_1426 : i32
      %convert_element_type3A_1428 = arith.extui %ne3A_1427 : i1 to i32
      %cond3A_1429 = arith.constant 0 : i32
      %cond3A_1430 = arith.cmpi ne, %convert_element_type3A_1428, %cond3A_1429 : i32
      scf.if %cond3A_1430 {
        %mul3A_1459 = arith.constant 16 : i32
        %mul3A_1460 = arith.muli %scan3A_1343, %mul3A_1459 : i32
        %add3A_1461 = arith.constant 11 : i32
        %add3A_1462 = arith.addi %mul3A_1460, %add3A_1461 : i32
        %swap3A_1463 = arith.index_cast %add3A_1462 : i32 to index
        %swap3A_1464 = arith.constant 0 : index
        %swap3A_1465 = tpu.vector_load %arg9[%swap3A_1463, %swap3A_1464] {strides = array<i32>} : memref<256x128xf32, #tpu.memory_space<vmem>>, vector<1x16xf32>,
        %swap3A_1466 = vector.shape_cast %swap3A_1465 : vector<1x16xf32> to vector<16xf32>
        %swap3A_1467 = vector.shape_cast %broadcast_in_dim3A_35 : vector<16xf32> to vector<1x16xf32>
        tpu.vector_store %arg9[%swap3A_1463, %swap3A_1464], %swap3A_1467 {strides = array<i32>} : memref<256x128xf32, #tpu.memory_space<vmem>>, vector<1x16xf32>,
        %swap3A_1468 = arith.index_cast %add3A_1462 : i32 to index
        %swap3A_1469 = arith.constant 16 : index
        %swap3A_1470 = tpu.vector_load %arg9[%swap3A_1468, %swap3A_1469] {strides = array<i32>} : memref<256x128xf32, #tpu.memory_space<vmem>>, vector<1x16xf32>,
        %swap3A_1471 = vector.shape_cast %swap3A_1470 : vector<1x16xf32> to vector<16xf32>
        %swap3A_1472 = vector.shape_cast %broadcast_in_dim3A_35 : vector<16xf32> to vector<1x16xf32>
        tpu.vector_store %arg9[%swap3A_1468, %swap3A_1469], %swap3A_1472 {strides = array<i32>} : memref<256x128xf32, #tpu.memory_space<vmem>>, vector<1x16xf32>,
        %swap3A_1473 = arith.index_cast %add3A_1462 : i32 to index
        %swap3A_1474 = arith.constant 32 : index
        %swap3A_1475 = tpu.vector_load %arg9[%swap3A_1473, %swap3A_1474] {strides = array<i32>} : memref<256x128xf32, #tpu.memory_space<vmem>>, vector<1x16xf32>,
        %swap3A_1476 = vector.shape_cast %swap3A_1475 : vector<1x16xf32> to vector<16xf32>
        %swap3A_1477 = vector.shape_cast %broadcast_in_dim3A_35 : vector<16xf32> to vector<1x16xf32>
        tpu.vector_store %arg9[%swap3A_1473, %swap3A_1474], %swap3A_1477 {strides = array<i32>} : memref<256x128xf32, #tpu.memory_space<vmem>>, vector<1x16xf32>,
        %swap3A_1478 = arith.index_cast %add3A_1462 : i32 to index
        %swap3A_1479 = arith.constant 48 : index
        %swap3A_1480 = tpu.vector_load %arg9[%swap3A_1478, %swap3A_1479] {strides = array<i32>} : memref<256x128xf32, #tpu.memory_space<vmem>>, vector<1x16xf32>,
        %swap3A_1481 = vector.shape_cast %swap3A_1480 : vector<1x16xf32> to vector<16xf32>
        %swap3A_1482 = vector.shape_cast %broadcast_in_dim3A_35 : vector<16xf32> to vector<1x16xf32>
        tpu.vector_store %arg9[%swap3A_1478, %swap3A_1479], %swap3A_1482 {strides = array<i32>} : memref<256x128xf32, #tpu.memory_space<vmem>>, vector<1x16xf32>,
      } else {
      }
      %slice3A_1431 = vector.extract_strided_slice %get3A_1350 {offsets = [12], sizes = [1], strides = [1]} : vector<16xi32> to vector<1xi32>
      %squeeze3A_1432 = vector.extract %slice3A_1431[0] : i32 from vector<1xi32>
      %ne3A_1433 = arith.constant 0 : i32
      %ne3A_1434 = arith.cmpi ne, %squeeze3A_1432, %ne3A_1433 : i32
      %convert_element_type3A_1435 = arith.extui %ne3A_1434 : i1 to i32
      %cond3A_1436 = arith.constant 0 : i32
      %cond3A_1437 = arith.cmpi ne, %convert_element_type3A_1435, %cond3A_1436 : i32
      scf.if %cond3A_1437 {
        %mul3A_1459 = arith.constant 16 : i32
        %mul3A_1460 = arith.muli %scan3A_1343, %mul3A_1459 : i32
        %add3A_1461 = arith.constant 12 : i32
        %add3A_1462 = arith.addi %mul3A_1460, %add3A_1461 : i32
        %swap3A_1463 = arith.index_cast %add3A_1462 : i32 to index
        %swap3A_1464 = arith.constant 0 : index
        %swap3A_1465 = tpu.vector_load %arg9[%swap3A_1463, %swap3A_1464] {strides = array<i32>} : memref<256x128xf32, #tpu.memory_space<vmem>>, vector<1x16xf32>,
        %swap3A_1466 = vector.shape_cast %swap3A_1465 : vector<1x16xf32> to vector<16xf32>
        %swap3A_1467 = vector.shape_cast %broadcast_in_dim3A_35 : vector<16xf32> to vector<1x16xf32>
        tpu.vector_store %arg9[%swap3A_1463, %swap3A_1464], %swap3A_1467 {strides = array<i32>} : memref<256x128xf32, #tpu.memory_space<vmem>>, vector<1x16xf32>,
        %swap3A_1468 = arith.index_cast %add3A_1462 : i32 to index
        %swap3A_1469 = arith.constant 16 : index
        %swap3A_1470 = tpu.vector_load %arg9[%swap3A_1468, %swap3A_1469] {strides = array<i32>} : memref<256x128xf32, #tpu.memory_space<vmem>>, vector<1x16xf32>,
        %swap3A_1471 = vector.shape_cast %swap3A_1470 : vector<1x16xf32> to vector<16xf32>
        %swap3A_1472 = vector.shape_cast %broadcast_in_dim3A_35 : vector<16xf32> to vector<1x16xf32>
        tpu.vector_store %arg9[%swap3A_1468, %swap3A_1469], %swap3A_1472 {strides = array<i32>} : memref<256x128xf32, #tpu.memory_space<vmem>>, vector<1x16xf32>,
        %swap3A_1473 = arith.index_cast %add3A_1462 : i32 to index
        %swap3A_1474 = arith.constant 32 : index
        %swap3A_1475 = tpu.vector_load %arg9[%swap3A_1473, %swap3A_1474] {strides = array<i32>} : memref<256x128xf32, #tpu.memory_space<vmem>>, vector<1x16xf32>,
        %swap3A_1476 = vector.shape_cast %swap3A_1475 : vector<1x16xf32> to vector<16xf32>
        %swap3A_1477 = vector.shape_cast %broadcast_in_dim3A_35 : vector<16xf32> to vector<1x16xf32>
        tpu.vector_store %arg9[%swap3A_1473, %swap3A_1474], %swap3A_1477 {strides = array<i32>} : memref<256x128xf32, #tpu.memory_space<vmem>>, vector<1x16xf32>,
        %swap3A_1478 = arith.index_cast %add3A_1462 : i32 to index
        %swap3A_1479 = arith.constant 48 : index
        %swap3A_1480 = tpu.vector_load %arg9[%swap3A_1478, %swap3A_1479] {strides = array<i32>} : memref<256x128xf32, #tpu.memory_space<vmem>>, vector<1x16xf32>,
        %swap3A_1481 = vector.shape_cast %swap3A_1480 : vector<1x16xf32> to vector<16xf32>
        %swap3A_1482 = vector.shape_cast %broadcast_in_dim3A_35 : vector<16xf32> to vector<1x16xf32>
        tpu.vector_store %arg9[%swap3A_1478, %swap3A_1479], %swap3A_1482 {strides = array<i32>} : memref<256x128xf32, #tpu.memory_space<vmem>>, vector<1x16xf32>,
      } else {
      }
      %slice3A_1438 = vector.extract_strided_slice %get3A_1350 {offsets = [13], sizes = [1], strides = [1]} : vector<16xi32> to vector<1xi32>
      %squeeze3A_1439 = vector.extract %slice3A_1438[0] : i32 from vector<1xi32>
      %ne3A_1440 = arith.constant 0 : i32
      %ne3A_1441 = arith.cmpi ne, %squeeze3A_1439, %ne3A_1440 : i32
      %convert_element_type3A_1442 = arith.extui %ne3A_1441 : i1 to i32
      %cond3A_1443 = arith.constant 0 : i32
      %cond3A_1444 = arith.cmpi ne, %convert_element_type3A_1442, %cond3A_1443 : i32
      scf.if %cond3A_1444 {
        %mul3A_1459 = arith.constant 16 : i32
        %mul3A_1460 = arith.muli %scan3A_1343, %mul3A_1459 : i32
        %add3A_1461 = arith.constant 13 : i32
        %add3A_1462 = arith.addi %mul3A_1460, %add3A_1461 : i32
        %swap3A_1463 = arith.index_cast %add3A_1462 : i32 to index
        %swap3A_1464 = arith.constant 0 : index
        %swap3A_1465 = tpu.vector_load %arg9[%swap3A_1463, %swap3A_1464] {strides = array<i32>} : memref<256x128xf32, #tpu.memory_space<vmem>>, vector<1x16xf32>,
        %swap3A_1466 = vector.shape_cast %swap3A_1465 : vector<1x16xf32> to vector<16xf32>
        %swap3A_1467 = vector.shape_cast %broadcast_in_dim3A_35 : vector<16xf32> to vector<1x16xf32>
        tpu.vector_store %arg9[%swap3A_1463, %swap3A_1464], %swap3A_1467 {strides = array<i32>} : memref<256x128xf32, #tpu.memory_space<vmem>>, vector<1x16xf32>,
        %swap3A_1468 = arith.index_cast %add3A_1462 : i32 to index
        %swap3A_1469 = arith.constant 16 : index
        %swap3A_1470 = tpu.vector_load %arg9[%swap3A_1468, %swap3A_1469] {strides = array<i32>} : memref<256x128xf32, #tpu.memory_space<vmem>>, vector<1x16xf32>,
        %swap3A_1471 = vector.shape_cast %swap3A_1470 : vector<1x16xf32> to vector<16xf32>
        %swap3A_1472 = vector.shape_cast %broadcast_in_dim3A_35 : vector<16xf32> to vector<1x16xf32>
        tpu.vector_store %arg9[%swap3A_1468, %swap3A_1469], %swap3A_1472 {strides = array<i32>} : memref<256x128xf32, #tpu.memory_space<vmem>>, vector<1x16xf32>,
        %swap3A_1473 = arith.index_cast %add3A_1462 : i32 to index
        %swap3A_1474 = arith.constant 32 : index
        %swap3A_1475 = tpu.vector_load %arg9[%swap3A_1473, %swap3A_1474] {strides = array<i32>} : memref<256x128xf32, #tpu.memory_space<vmem>>, vector<1x16xf32>,
        %swap3A_1476 = vector.shape_cast %swap3A_1475 : vector<1x16xf32> to vector<16xf32>
        %swap3A_1477 = vector.shape_cast %broadcast_in_dim3A_35 : vector<16xf32> to vector<1x16xf32>
        tpu.vector_store %arg9[%swap3A_1473, %swap3A_1474], %swap3A_1477 {strides = array<i32>} : memref<256x128xf32, #tpu.memory_space<vmem>>, vector<1x16xf32>,
        %swap3A_1478 = arith.index_cast %add3A_1462 : i32 to index
        %swap3A_1479 = arith.constant 48 : index
        %swap3A_1480 = tpu.vector_load %arg9[%swap3A_1478, %swap3A_1479] {strides = array<i32>} : memref<256x128xf32, #tpu.memory_space<vmem>>, vector<1x16xf32>,
        %swap3A_1481 = vector.shape_cast %swap3A_1480 : vector<1x16xf32> to vector<16xf32>
        %swap3A_1482 = vector.shape_cast %broadcast_in_dim3A_35 : vector<16xf32> to vector<1x16xf32>
        tpu.vector_store %arg9[%swap3A_1478, %swap3A_1479], %swap3A_1482 {strides = array<i32>} : memref<256x128xf32, #tpu.memory_space<vmem>>, vector<1x16xf32>,
      } else {
      }
      %slice3A_1445 = vector.extract_strided_slice %get3A_1350 {offsets = [14], sizes = [1], strides = [1]} : vector<16xi32> to vector<1xi32>
      %squeeze3A_1446 = vector.extract %slice3A_1445[0] : i32 from vector<1xi32>
      %ne3A_1447 = arith.constant 0 : i32
      %ne3A_1448 = arith.cmpi ne, %squeeze3A_1446, %ne3A_1447 : i32
      %convert_element_type3A_1449 = arith.extui %ne3A_1448 : i1 to i32
      %cond3A_1450 = arith.constant 0 : i32
      %cond3A_1451 = arith.cmpi ne, %convert_element_type3A_1449, %cond3A_1450 : i32
      scf.if %cond3A_1451 {
        %mul3A_1459 = arith.constant 16 : i32
        %mul3A_1460 = arith.muli %scan3A_1343, %mul3A_1459 : i32
        %add3A_1461 = arith.constant 14 : i32
        %add3A_1462 = arith.addi %mul3A_1460, %add3A_1461 : i32
        %swap3A_1463 = arith.index_cast %add3A_1462 : i32 to index
        %swap3A_1464 = arith.constant 0 : index
        %swap3A_1465 = tpu.vector_load %arg9[%swap3A_1463, %swap3A_1464] {strides = array<i32>} : memref<256x128xf32, #tpu.memory_space<vmem>>, vector<1x16xf32>,
        %swap3A_1466 = vector.shape_cast %swap3A_1465 : vector<1x16xf32> to vector<16xf32>
        %swap3A_1467 = vector.shape_cast %broadcast_in_dim3A_35 : vector<16xf32> to vector<1x16xf32>
        tpu.vector_store %arg9[%swap3A_1463, %swap3A_1464], %swap3A_1467 {strides = array<i32>} : memref<256x128xf32, #tpu.memory_space<vmem>>, vector<1x16xf32>,
        %swap3A_1468 = arith.index_cast %add3A_1462 : i32 to index
        %swap3A_1469 = arith.constant 16 : index
        %swap3A_1470 = tpu.vector_load %arg9[%swap3A_1468, %swap3A_1469] {strides = array<i32>} : memref<256x128xf32, #tpu.memory_space<vmem>>, vector<1x16xf32>,
        %swap3A_1471 = vector.shape_cast %swap3A_1470 : vector<1x16xf32> to vector<16xf32>
        %swap3A_1472 = vector.shape_cast %broadcast_in_dim3A_35 : vector<16xf32> to vector<1x16xf32>
        tpu.vector_store %arg9[%swap3A_1468, %swap3A_1469], %swap3A_1472 {strides = array<i32>} : memref<256x128xf32, #tpu.memory_space<vmem>>, vector<1x16xf32>,
        %swap3A_1473 = arith.index_cast %add3A_1462 : i32 to index
        %swap3A_1474 = arith.constant 32 : index
        %swap3A_1475 = tpu.vector_load %arg9[%swap3A_1473, %swap3A_1474] {strides = array<i32>} : memref<256x128xf32, #tpu.memory_space<vmem>>, vector<1x16xf32>,
        %swap3A_1476 = vector.shape_cast %swap3A_1475 : vector<1x16xf32> to vector<16xf32>
        %swap3A_1477 = vector.shape_cast %broadcast_in_dim3A_35 : vector<16xf32> to vector<1x16xf32>
        tpu.vector_store %arg9[%swap3A_1473, %swap3A_1474], %swap3A_1477 {strides = array<i32>} : memref<256x128xf32, #tpu.memory_space<vmem>>, vector<1x16xf32>,
        %swap3A_1478 = arith.index_cast %add3A_1462 : i32 to index
        %swap3A_1479 = arith.constant 48 : index
        %swap3A_1480 = tpu.vector_load %arg9[%swap3A_1478, %swap3A_1479] {strides = array<i32>} : memref<256x128xf32, #tpu.memory_space<vmem>>, vector<1x16xf32>,
        %swap3A_1481 = vector.shape_cast %swap3A_1480 : vector<1x16xf32> to vector<16xf32>
        %swap3A_1482 = vector.shape_cast %broadcast_in_dim3A_35 : vector<16xf32> to vector<1x16xf32>
        tpu.vector_store %arg9[%swap3A_1478, %swap3A_1479], %swap3A_1482 {strides = array<i32>} : memref<256x128xf32, #tpu.memory_space<vmem>>, vector<1x16xf32>,
      } else {
      }
      %slice3A_1452 = vector.extract_strided_slice %get3A_1350 {offsets = [15], sizes = [1], strides = [1]} : vector<16xi32> to vector<1xi32>
      %squeeze3A_1453 = vector.extract %slice3A_1452[0] : i32 from vector<1xi32>
      %ne3A_1454 = arith.constant 0 : i32
      %ne3A_1455 = arith.cmpi ne, %squeeze3A_1453, %ne3A_1454 : i32
      %convert_element_type3A_1456 = arith.extui %ne3A_1455 : i1 to i32
      %cond3A_1457 = arith.constant 0 : i32
      %cond3A_1458 = arith.cmpi ne, %convert_element_type3A_1456, %cond3A_1457 : i32
      scf.if %cond3A_1458 {
        %mul3A_1459 = arith.constant 16 : i32
        %mul3A_1460 = arith.muli %scan3A_1343, %mul3A_1459 : i32
        %add3A_1461 = arith.constant 15 : i32
        %add3A_1462 = arith.addi %mul3A_1460, %add3A_1461 : i32
        %swap3A_1463 = arith.index_cast %add3A_1462 : i32 to index
        %swap3A_1464 = arith.constant 0 : index
        %swap3A_1465 = tpu.vector_load %arg9[%swap3A_1463, %swap3A_1464] {strides = array<i32>} : memref<256x128xf32, #tpu.memory_space<vmem>>, vector<1x16xf32>,
        %swap3A_1466 = vector.shape_cast %swap3A_1465 : vector<1x16xf32> to vector<16xf32>
        %swap3A_1467 = vector.shape_cast %broadcast_in_dim3A_35 : vector<16xf32> to vector<1x16xf32>
        tpu.vector_store %arg9[%swap3A_1463, %swap3A_1464], %swap3A_1467 {strides = array<i32>} : memref<256x128xf32, #tpu.memory_space<vmem>>, vector<1x16xf32>,
        %swap3A_1468 = arith.index_cast %add3A_1462 : i32 to index
        %swap3A_1469 = arith.constant 16 : index
        %swap3A_1470 = tpu.vector_load %arg9[%swap3A_1468, %swap3A_1469] {strides = array<i32>} : memref<256x128xf32, #tpu.memory_space<vmem>>, vector<1x16xf32>,
        %swap3A_1471 = vector.shape_cast %swap3A_1470 : vector<1x16xf32> to vector<16xf32>
        %swap3A_1472 = vector.shape_cast %broadcast_in_dim3A_35 : vector<16xf32> to vector<1x16xf32>
        tpu.vector_store %arg9[%swap3A_1468, %swap3A_1469], %swap3A_1472 {strides = array<i32>} : memref<256x128xf32, #tpu.memory_space<vmem>>, vector<1x16xf32>,
        %swap3A_1473 = arith.index_cast %add3A_1462 : i32 to index
        %swap3A_1474 = arith.constant 32 : index
        %swap3A_1475 = tpu.vector_load %arg9[%swap3A_1473, %swap3A_1474] {strides = array<i32>} : memref<256x128xf32, #tpu.memory_space<vmem>>, vector<1x16xf32>,
        %swap3A_1476 = vector.shape_cast %swap3A_1475 : vector<1x16xf32> to vector<16xf32>
        %swap3A_1477 = vector.shape_cast %broadcast_in_dim3A_35 : vector<16xf32> to vector<1x16xf32>
        tpu.vector_store %arg9[%swap3A_1473, %swap3A_1474], %swap3A_1477 {strides = array<i32>} : memref<256x128xf32, #tpu.memory_space<vmem>>, vector<1x16xf32>,
        %swap3A_1478 = arith.index_cast %add3A_1462 : i32 to index
        %swap3A_1479 = arith.constant 48 : index
        %swap3A_1480 = tpu.vector_load %arg9[%swap3A_1478, %swap3A_1479] {strides = array<i32>} : memref<256x128xf32, #tpu.memory_space<vmem>>, vector<1x16xf32>,
        %swap3A_1481 = vector.shape_cast %swap3A_1480 : vector<1x16xf32> to vector<16xf32>
        %swap3A_1482 = vector.shape_cast %broadcast_in_dim3A_35 : vector<16xf32> to vector<1x16xf32>
        tpu.vector_store %arg9[%swap3A_1478, %swap3A_1479], %swap3A_1482 {strides = array<i32>} : memref<256x128xf32, #tpu.memory_space<vmem>>, vector<1x16xf32>,
      } else {
      }
    }
    %scan3A_1276 = arith.constant 16 : i32
    %add3A_1277 = arith.constant 256 : i32
    %add3A_1278 = arith.addi %multiple_of3A, %add3A_1277 : i32
    "tpu.region"() ({
      %run_scoped3A = tpu.sem_alloc : memref<!tpu.dma_semaphore, #tpu.memory_space<semaphore_mem>>
      %dma_start3A_1343 = arith.constant 0 : i32
      %dma_start3A_1344 = arith.constant 0 : i32
      %dma_start3A_1345 = tpu.memref_slice %arg9[%dma_start3A_1343, %dma_start3A_1344] : memref<256x128xf32, #tpu.memory_space<vmem>> -> memref<256x64xf32, #tpu.memory_space<vmem>>
      %dma_start3A_1346 = arith.constant 0 : i32
      %dma_start3A_1347 = tpu.memref_slice %arg5[%select_n3A, %add3A_1278, %dma_start3A_1346] : memref<4x8192x64xf32, #tpu.memory_space<hbm>> -> memref<1x256x64xf32, #tpu.memory_space<hbm>>
      %dma_start3A_1348 = tpu.memref_squeeze %dma_start3A_1347 : memref<1x256x64xf32, #tpu.memory_space<hbm>> -> memref<256x64xf32, #tpu.memory_space<hbm>>
      %dma_start3A_1349 = arith.constant 0 : i32
      %dma_start3A_1350 = tpu.memref_slice %arg5[%select_n3A, %add3A_1278, %dma_start3A_1349] : memref<4x8192x64xf32, #tpu.memory_space<hbm>> -> memref<1x256x64xf32, #tpu.memory_space<hbm>>
      %dma_start3A_1351 = tpu.memref_squeeze %dma_start3A_1350 : memref<1x256x64xf32, #tpu.memory_space<hbm>> -> memref<256x64xf32, #tpu.memory_space<hbm>>
      %dma_start3A_1352 = arith.constant 0 : i32
      %dma_start3A_1353 = arith.constant 0 : i32
      %dma_start3A_1354 = tpu.memref_slice %arg9[%dma_start3A_1352, %dma_start3A_1353] : memref<256x128xf32, #tpu.memory_space<vmem>> -> memref<256x64xf32, #tpu.memory_space<vmem>>
      tpu.enqueue_dma source(%dma_start3A_1354 : memref<256x64xf32, #tpu.memory_space<vmem>>) target(%dma_start3A_1351 : memref<256x64xf32, #tpu.memory_space<hbm>>) target_semaphore(%run_scoped3A : memref<!tpu.dma_semaphore, #tpu.memory_space<semaphore_mem>>)
      %dma_wait3A_1355 = arith.constant 0 : i32
      %dma_wait3A_1356 = arith.constant 0 : i32
      %dma_wait3A_1357 = tpu.memref_slice %arg9[%dma_wait3A_1355, %dma_wait3A_1356] : memref<256x128xf32, #tpu.memory_space<vmem>> -> memref<256x64xf32, #tpu.memory_space<vmem>>
      %dma_wait3A_1358 = arith.constant 0 : i32
      %dma_wait3A_1359 = tpu.memref_slice %arg5[%select_n3A, %add3A_1278, %dma_wait3A_1358] : memref<4x8192x64xf32, #tpu.memory_space<hbm>> -> memref<1x256x64xf32, #tpu.memory_space<hbm>>
      %dma_wait3A_1360 = tpu.memref_squeeze %dma_wait3A_1359 : memref<1x256x64xf32, #tpu.memory_space<hbm>> -> memref<256x64xf32, #tpu.memory_space<hbm>>
      %dma_wait3A_1361 = arith.constant 0 : i32
      %dma_wait3A_1362 = tpu.memref_slice %arg5[%select_n3A, %add3A_1278, %dma_wait3A_1361] : memref<4x8192x64xf32, #tpu.memory_space<hbm>> -> memref<1x256x64xf32, #tpu.memory_space<hbm>>
      %dma_wait3A_1363 = tpu.memref_squeeze %dma_wait3A_1362 : memref<1x256x64xf32, #tpu.memory_space<hbm>> -> memref<256x64xf32, #tpu.memory_space<hbm>>
      %dma_wait3A_1364 = arith.constant 0 : i32
      %dma_wait3A_1365 = arith.constant 0 : i32
      %dma_wait3A_1366 = tpu.memref_slice %arg9[%dma_wait3A_1364, %dma_wait3A_1365] : memref<256x128xf32, #tpu.memory_space<vmem>> -> memref<256x64xf32, #tpu.memory_space<vmem>>
      tpu.wait_dma2 semaphore(%run_scoped3A : memref<!tpu.dma_semaphore, #tpu.memory_space<semaphore_mem>>) src(%dma_wait3A_1366 : memref<256x64xf32, #tpu.memory_space<vmem>>) dst(%dma_wait3A_1363 : memref<256x64xf32, #tpu.memory_space<hbm>>)
      tpu.yield
    }) : () -> ()
    %dma_start3A_1279 = arith.constant 0 : i32
    %dma_start3A_1280 = arith.constant 0 : i32
    %dma_start3A_1281 = tpu.memref_slice %arg9[%dma_start3A_1279, %dma_start3A_1280] : memref<256x128xf32, #tpu.memory_space<vmem>> -> memref<128x128xf32, #tpu.memory_space<vmem>>
    %dma_start3A_1282 = arith.constant 768 : i32
    %dma_start3A_1283 = tpu.memref_slice %arg6[%dma_start3A_1282] : memref<1024xi32, #tpu.memory_space<vmem>> -> memref<128xi32, #tpu.memory_space<vmem>>
    %dma_start3A_1284 = arith.constant 0 : i32
    %dma_start3A_1285 = arith.constant 0 : i32
    %dma_start3A_1286 = tpu.memref_slice %arg2[%dma_start3A_1284, %dma_start3A_1285] : memref<100000x128xf32, #tpu.memory_space<hbm>> -> memref<100000x128xf32, #tpu.memory_space<hbm>>
    tpu.enqueue_indirect_dma source(%dma_start3A_1286 : memref<100000x128xf32, #tpu.memory_space<hbm>>) target(%dma_start3A_1281 : memref<128x128xf32, #tpu.memory_space<vmem>>) offsets(%dma_start3A_1283 : memref<128xi32, #tpu.memory_space<vmem>>) semaphore(%arg11 : memref<!tpu.dma_semaphore, #tpu.memory_space<semaphore_mem>>)
    %dma_start3A_1287 = arith.constant 128 : i32
    %dma_start3A_1288 = arith.constant 0 : i32
    %dma_start3A_1289 = tpu.memref_slice %arg9[%dma_start3A_1287, %dma_start3A_1288] : memref<256x128xf32, #tpu.memory_space<vmem>> -> memref<128x128xf32, #tpu.memory_space<vmem>>
    %dma_start3A_1290 = arith.constant 896 : i32
    %dma_start3A_1291 = tpu.memref_slice %arg6[%dma_start3A_1290] : memref<1024xi32, #tpu.memory_space<vmem>> -> memref<128xi32, #tpu.memory_space<vmem>>
    %dma_start3A_1292 = arith.constant 0 : i32
    %dma_start3A_1293 = arith.constant 0 : i32
    %dma_start3A_1294 = tpu.memref_slice %arg2[%dma_start3A_1292, %dma_start3A_1293] : memref<100000x128xf32, #tpu.memory_space<hbm>> -> memref<100000x128xf32, #tpu.memory_space<hbm>>
    tpu.enqueue_indirect_dma source(%dma_start3A_1294 : memref<100000x128xf32, #tpu.memory_space<hbm>>) target(%dma_start3A_1289 : memref<128x128xf32, #tpu.memory_space<vmem>>) offsets(%dma_start3A_1291 : memref<128xi32, #tpu.memory_space<vmem>>) semaphore(%arg11 : memref<!tpu.dma_semaphore, #tpu.memory_space<semaphore_mem>>)
    %dma_wait3A_1295 = arith.constant 0 : i32
    %dma_wait3A_1296 = arith.constant 0 : i32
    %dma_wait3A_1297 = tpu.memref_slice %arg8[%dma_wait3A_1295, %dma_wait3A_1296] : memref<256x128xf32, #tpu.memory_space<vmem>> -> memref<128x128xf32, #tpu.memory_space<vmem>>
    %dma_wait3A_1298 = arith.constant 512 : i32
    %dma_wait3A_1299 = tpu.memref_slice %arg6[%dma_wait3A_1298] : memref<1024xi32, #tpu.memory_space<vmem>> -> memref<128xi32, #tpu.memory_space<vmem>>
    %dma_wait3A_1300 = arith.constant 0 : i32
    %dma_wait3A_1301 = arith.constant 0 : i32
    %dma_wait3A_1302 = tpu.memref_slice %arg2[%dma_wait3A_1300, %dma_wait3A_1301] : memref<100000x128xf32, #tpu.memory_space<hbm>> -> memref<100000x128xf32, #tpu.memory_space<hbm>>
    tpu.wait_indirect_dma semaphore(%arg10 : memref<!tpu.dma_semaphore, #tpu.memory_space<semaphore_mem>>) src(%dma_wait3A_1302 : memref<100000x128xf32, #tpu.memory_space<hbm>>) dst(%dma_wait3A_1297 : memref<128x128xf32, #tpu.memory_space<vmem>>)
    %dma_wait3A_1303 = arith.constant 128 : i32
    %dma_wait3A_1304 = arith.constant 0 : i32
    %dma_wait3A_1305 = tpu.memref_slice %arg8[%dma_wait3A_1303, %dma_wait3A_1304] : memref<256x128xf32, #tpu.memory_space<vmem>> -> memref<128x128xf32, #tpu.memory_space<vmem>>
    %dma_wait3A_1306 = arith.constant 640 : i32
    %dma_wait3A_1307 = tpu.memref_slice %arg6[%dma_wait3A_1306] : memref<1024xi32, #tpu.memory_space<vmem>> -> memref<128xi32, #tpu.memory_space<vmem>>
    %dma_wait3A_1308 = arith.constant 0 : i32
    %dma_wait3A_1309 = arith.constant 0 : i32
    %dma_wait3A_1310 = tpu.memref_slice %arg2[%dma_wait3A_1308, %dma_wait3A_1309] : memref<100000x128xf32, #tpu.memory_space<hbm>> -> memref<100000x128xf32, #tpu.memory_space<hbm>>
    tpu.wait_indirect_dma semaphore(%arg10 : memref<!tpu.dma_semaphore, #tpu.memory_space<semaphore_mem>>) src(%dma_wait3A_1310 : memref<100000x128xf32, #tpu.memory_space<hbm>>) dst(%dma_wait3A_1305 : memref<128x128xf32, #tpu.memory_space<vmem>>)
    %scan3A_1311 = arith.constant 0 : i32
    %scan3A_1312 = arith.constant 0 : i32
    %scan3A_1313 = arith.constant 16 : i32
    %scan3A_1314 = arith.addi %scan3A_1312, %scan3A_1313 : i32
    %scan3A_1315 = arith.constant 1 : i32
    scf.for %scan3A_1343 = %scan3A_1312 to %scan3A_1314 step %scan3A_1315  : i32 {
      %mul3A_1344 = arith.constant 16 : i32
      %mul3A_1345 = arith.muli %scan3A_1343, %mul3A_1344 : i32
      %add3A_1346 = arith.constant 512 : i32
      %add3A_1347 = arith.addi %add3A_1346, %mul3A_1345 : i32
      %get3A_1348 = arith.index_cast %add3A_1347 : i32 to index
      %get3A_1349 = tpu.vector_load %arg7[%get3A_1348] {strides = array<i32>} : memref<1024xi32, #tpu.memory_space<vmem>>, vector<16xi32>,
      %get3A_1350 = vector.shape_cast %get3A_1349 : vector<16xi32> to vector<16xi32>
      %slice3A = vector.extract_strided_slice %get3A_1350 {offsets = [0], sizes = [1], strides = [1]} : vector<16xi32> to vector<1xi32>
      %squeeze3A = vector.extract %slice3A[0] : i32 from vector<1xi32>
      %ne3A_1351 = arith.constant 0 : i32
      %ne3A_1352 = arith.cmpi ne, %squeeze3A, %ne3A_1351 : i32
      %convert_element_type3A = arith.extui %ne3A_1352 : i1 to i32
      %cond3A = arith.constant 0 : i32
      %cond3A_1353 = arith.cmpi ne, %convert_element_type3A, %cond3A : i32
      scf.if %cond3A_1353 {
        %mul3A_1459 = arith.constant 16 : i32
        %mul3A_1460 = arith.muli %scan3A_1343, %mul3A_1459 : i32
        %add3A_1461 = arith.constant 0 : i32
        %add3A_1462 = arith.addi %mul3A_1460, %add3A_1461 : i32
        %swap3A_1463 = arith.index_cast %add3A_1462 : i32 to index
        %swap3A_1464 = arith.constant 0 : index
        %swap3A_1465 = tpu.vector_load %arg8[%swap3A_1463, %swap3A_1464] {strides = array<i32>} : memref<256x128xf32, #tpu.memory_space<vmem>>, vector<1x16xf32>,
        %swap3A_1466 = vector.shape_cast %swap3A_1465 : vector<1x16xf32> to vector<16xf32>
        %swap3A_1467 = vector.shape_cast %broadcast_in_dim3A_35 : vector<16xf32> to vector<1x16xf32>
        tpu.vector_store %arg8[%swap3A_1463, %swap3A_1464], %swap3A_1467 {strides = array<i32>} : memref<256x128xf32, #tpu.memory_space<vmem>>, vector<1x16xf32>,
        %swap3A_1468 = arith.index_cast %add3A_1462 : i32 to index
        %swap3A_1469 = arith.constant 16 : index
        %swap3A_1470 = tpu.vector_load %arg8[%swap3A_1468, %swap3A_1469] {strides = array<i32>} : memref<256x128xf32, #tpu.memory_space<vmem>>, vector<1x16xf32>,
        %swap3A_1471 = vector.shape_cast %swap3A_1470 : vector<1x16xf32> to vector<16xf32>
        %swap3A_1472 = vector.shape_cast %broadcast_in_dim3A_35 : vector<16xf32> to vector<1x16xf32>
        tpu.vector_store %arg8[%swap3A_1468, %swap3A_1469], %swap3A_1472 {strides = array<i32>} : memref<256x128xf32, #tpu.memory_space<vmem>>, vector<1x16xf32>,
        %swap3A_1473 = arith.index_cast %add3A_1462 : i32 to index
        %swap3A_1474 = arith.constant 32 : index
        %swap3A_1475 = tpu.vector_load %arg8[%swap3A_1473, %swap3A_1474] {strides = array<i32>} : memref<256x128xf32, #tpu.memory_space<vmem>>, vector<1x16xf32>,
        %swap3A_1476 = vector.shape_cast %swap3A_1475 : vector<1x16xf32> to vector<16xf32>
        %swap3A_1477 = vector.shape_cast %broadcast_in_dim3A_35 : vector<16xf32> to vector<1x16xf32>
        tpu.vector_store %arg8[%swap3A_1473, %swap3A_1474], %swap3A_1477 {strides = array<i32>} : memref<256x128xf32, #tpu.memory_space<vmem>>, vector<1x16xf32>,
        %swap3A_1478 = arith.index_cast %add3A_1462 : i32 to index
        %swap3A_1479 = arith.constant 48 : index
        %swap3A_1480 = tpu.vector_load %arg8[%swap3A_1478, %swap3A_1479] {strides = array<i32>} : memref<256x128xf32, #tpu.memory_space<vmem>>, vector<1x16xf32>,
        %swap3A_1481 = vector.shape_cast %swap3A_1480 : vector<1x16xf32> to vector<16xf32>
        %swap3A_1482 = vector.shape_cast %broadcast_in_dim3A_35 : vector<16xf32> to vector<1x16xf32>
        tpu.vector_store %arg8[%swap3A_1478, %swap3A_1479], %swap3A_1482 {strides = array<i32>} : memref<256x128xf32, #tpu.memory_space<vmem>>, vector<1x16xf32>,
      } else {
      }
      %slice3A_1354 = vector.extract_strided_slice %get3A_1350 {offsets = [1], sizes = [1], strides = [1]} : vector<16xi32> to vector<1xi32>
      %squeeze3A_1355 = vector.extract %slice3A_1354[0] : i32 from vector<1xi32>
      %ne3A_1356 = arith.constant 0 : i32
      %ne3A_1357 = arith.cmpi ne, %squeeze3A_1355, %ne3A_1356 : i32
      %convert_element_type3A_1358 = arith.extui %ne3A_1357 : i1 to i32
      %cond3A_1359 = arith.constant 0 : i32
      %cond3A_1360 = arith.cmpi ne, %convert_element_type3A_1358, %cond3A_1359 : i32
      scf.if %cond3A_1360 {
        %mul3A_1459 = arith.constant 16 : i32
        %mul3A_1460 = arith.muli %scan3A_1343, %mul3A_1459 : i32
        %add3A_1461 = arith.constant 1 : i32
        %add3A_1462 = arith.addi %mul3A_1460, %add3A_1461 : i32
        %swap3A_1463 = arith.index_cast %add3A_1462 : i32 to index
        %swap3A_1464 = arith.constant 0 : index
        %swap3A_1465 = tpu.vector_load %arg8[%swap3A_1463, %swap3A_1464] {strides = array<i32>} : memref<256x128xf32, #tpu.memory_space<vmem>>, vector<1x16xf32>,
        %swap3A_1466 = vector.shape_cast %swap3A_1465 : vector<1x16xf32> to vector<16xf32>
        %swap3A_1467 = vector.shape_cast %broadcast_in_dim3A_35 : vector<16xf32> to vector<1x16xf32>
        tpu.vector_store %arg8[%swap3A_1463, %swap3A_1464], %swap3A_1467 {strides = array<i32>} : memref<256x128xf32, #tpu.memory_space<vmem>>, vector<1x16xf32>,
        %swap3A_1468 = arith.index_cast %add3A_1462 : i32 to index
        %swap3A_1469 = arith.constant 16 : index
        %swap3A_1470 = tpu.vector_load %arg8[%swap3A_1468, %swap3A_1469] {strides = array<i32>} : memref<256x128xf32, #tpu.memory_space<vmem>>, vector<1x16xf32>,
        %swap3A_1471 = vector.shape_cast %swap3A_1470 : vector<1x16xf32> to vector<16xf32>
        %swap3A_1472 = vector.shape_cast %broadcast_in_dim3A_35 : vector<16xf32> to vector<1x16xf32>
        tpu.vector_store %arg8[%swap3A_1468, %swap3A_1469], %swap3A_1472 {strides = array<i32>} : memref<256x128xf32, #tpu.memory_space<vmem>>, vector<1x16xf32>,
        %swap3A_1473 = arith.index_cast %add3A_1462 : i32 to index
        %swap3A_1474 = arith.constant 32 : index
        %swap3A_1475 = tpu.vector_load %arg8[%swap3A_1473, %swap3A_1474] {strides = array<i32>} : memref<256x128xf32, #tpu.memory_space<vmem>>, vector<1x16xf32>,
        %swap3A_1476 = vector.shape_cast %swap3A_1475 : vector<1x16xf32> to vector<16xf32>
        %swap3A_1477 = vector.shape_cast %broadcast_in_dim3A_35 : vector<16xf32> to vector<1x16xf32>
        tpu.vector_store %arg8[%swap3A_1473, %swap3A_1474], %swap3A_1477 {strides = array<i32>} : memref<256x128xf32, #tpu.memory_space<vmem>>, vector<1x16xf32>,
        %swap3A_1478 = arith.index_cast %add3A_1462 : i32 to index
        %swap3A_1479 = arith.constant 48 : index
        %swap3A_1480 = tpu.vector_load %arg8[%swap3A_1478, %swap3A_1479] {strides = array<i32>} : memref<256x128xf32, #tpu.memory_space<vmem>>, vector<1x16xf32>,
        %swap3A_1481 = vector.shape_cast %swap3A_1480 : vector<1x16xf32> to vector<16xf32>
        %swap3A_1482 = vector.shape_cast %broadcast_in_dim3A_35 : vector<16xf32> to vector<1x16xf32>
        tpu.vector_store %arg8[%swap3A_1478, %swap3A_1479], %swap3A_1482 {strides = array<i32>} : memref<256x128xf32, #tpu.memory_space<vmem>>, vector<1x16xf32>,
      } else {
      }
      %slice3A_1361 = vector.extract_strided_slice %get3A_1350 {offsets = [2], sizes = [1], strides = [1]} : vector<16xi32> to vector<1xi32>
      %squeeze3A_1362 = vector.extract %slice3A_1361[0] : i32 from vector<1xi32>
      %ne3A_1363 = arith.constant 0 : i32
      %ne3A_1364 = arith.cmpi ne, %squeeze3A_1362, %ne3A_1363 : i32
      %convert_element_type3A_1365 = arith.extui %ne3A_1364 : i1 to i32
      %cond3A_1366 = arith.constant 0 : i32
      %cond3A_1367 = arith.cmpi ne, %convert_element_type3A_1365, %cond3A_1366 : i32
      scf.if %cond3A_1367 {
        %mul3A_1459 = arith.constant 16 : i32
        %mul3A_1460 = arith.muli %scan3A_1343, %mul3A_1459 : i32
        %add3A_1461 = arith.constant 2 : i32
        %add3A_1462 = arith.addi %mul3A_1460, %add3A_1461 : i32
        %swap3A_1463 = arith.index_cast %add3A_1462 : i32 to index
        %swap3A_1464 = arith.constant 0 : index
        %swap3A_1465 = tpu.vector_load %arg8[%swap3A_1463, %swap3A_1464] {strides = array<i32>} : memref<256x128xf32, #tpu.memory_space<vmem>>, vector<1x16xf32>,
        %swap3A_1466 = vector.shape_cast %swap3A_1465 : vector<1x16xf32> to vector<16xf32>
        %swap3A_1467 = vector.shape_cast %broadcast_in_dim3A_35 : vector<16xf32> to vector<1x16xf32>
        tpu.vector_store %arg8[%swap3A_1463, %swap3A_1464], %swap3A_1467 {strides = array<i32>} : memref<256x128xf32, #tpu.memory_space<vmem>>, vector<1x16xf32>,
        %swap3A_1468 = arith.index_cast %add3A_1462 : i32 to index
        %swap3A_1469 = arith.constant 16 : index
        %swap3A_1470 = tpu.vector_load %arg8[%swap3A_1468, %swap3A_1469] {strides = array<i32>} : memref<256x128xf32, #tpu.memory_space<vmem>>, vector<1x16xf32>,
        %swap3A_1471 = vector.shape_cast %swap3A_1470 : vector<1x16xf32> to vector<16xf32>
        %swap3A_1472 = vector.shape_cast %broadcast_in_dim3A_35 : vector<16xf32> to vector<1x16xf32>
        tpu.vector_store %arg8[%swap3A_1468, %swap3A_1469], %swap3A_1472 {strides = array<i32>} : memref<256x128xf32, #tpu.memory_space<vmem>>, vector<1x16xf32>,
        %swap3A_1473 = arith.index_cast %add3A_1462 : i32 to index
        %swap3A_1474 = arith.constant 32 : index
        %swap3A_1475 = tpu.vector_load %arg8[%swap3A_1473, %swap3A_1474] {strides = array<i32>} : memref<256x128xf32, #tpu.memory_space<vmem>>, vector<1x16xf32>,
        %swap3A_1476 = vector.shape_cast %swap3A_1475 : vector<1x16xf32> to vector<16xf32>
        %swap3A_1477 = vector.shape_cast %broadcast_in_dim3A_35 : vector<16xf32> to vector<1x16xf32>
        tpu.vector_store %arg8[%swap3A_1473, %swap3A_1474], %swap3A_1477 {strides = array<i32>} : memref<256x128xf32, #tpu.memory_space<vmem>>, vector<1x16xf32>,
        %swap3A_1478 = arith.index_cast %add3A_1462 : i32 to index
        %swap3A_1479 = arith.constant 48 : index
        %swap3A_1480 = tpu.vector_load %arg8[%swap3A_1478, %swap3A_1479] {strides = array<i32>} : memref<256x128xf32, #tpu.memory_space<vmem>>, vector<1x16xf32>,
        %swap3A_1481 = vector.shape_cast %swap3A_1480 : vector<1x16xf32> to vector<16xf32>
        %swap3A_1482 = vector.shape_cast %broadcast_in_dim3A_35 : vector<16xf32> to vector<1x16xf32>
        tpu.vector_store %arg8[%swap3A_1478, %swap3A_1479], %swap3A_1482 {strides = array<i32>} : memref<256x128xf32, #tpu.memory_space<vmem>>, vector<1x16xf32>,
      } else {
      }
      %slice3A_1368 = vector.extract_strided_slice %get3A_1350 {offsets = [3], sizes = [1], strides = [1]} : vector<16xi32> to vector<1xi32>
      %squeeze3A_1369 = vector.extract %slice3A_1368[0] : i32 from vector<1xi32>
      %ne3A_1370 = arith.constant 0 : i32
      %ne3A_1371 = arith.cmpi ne, %squeeze3A_1369, %ne3A_1370 : i32
      %convert_element_type3A_1372 = arith.extui %ne3A_1371 : i1 to i32
      %cond3A_1373 = arith.constant 0 : i32
      %cond3A_1374 = arith.cmpi ne, %convert_element_type3A_1372, %cond3A_1373 : i32
      scf.if %cond3A_1374 {
        %mul3A_1459 = arith.constant 16 : i32
        %mul3A_1460 = arith.muli %scan3A_1343, %mul3A_1459 : i32
        %add3A_1461 = arith.constant 3 : i32
        %add3A_1462 = arith.addi %mul3A_1460, %add3A_1461 : i32
        %swap3A_1463 = arith.index_cast %add3A_1462 : i32 to index
        %swap3A_1464 = arith.constant 0 : index
        %swap3A_1465 = tpu.vector_load %arg8[%swap3A_1463, %swap3A_1464] {strides = array<i32>} : memref<256x128xf32, #tpu.memory_space<vmem>>, vector<1x16xf32>,
        %swap3A_1466 = vector.shape_cast %swap3A_1465 : vector<1x16xf32> to vector<16xf32>
        %swap3A_1467 = vector.shape_cast %broadcast_in_dim3A_35 : vector<16xf32> to vector<1x16xf32>
        tpu.vector_store %arg8[%swap3A_1463, %swap3A_1464], %swap3A_1467 {strides = array<i32>} : memref<256x128xf32, #tpu.memory_space<vmem>>, vector<1x16xf32>,
        %swap3A_1468 = arith.index_cast %add3A_1462 : i32 to index
        %swap3A_1469 = arith.constant 16 : index
        %swap3A_1470 = tpu.vector_load %arg8[%swap3A_1468, %swap3A_1469] {strides = array<i32>} : memref<256x128xf32, #tpu.memory_space<vmem>>, vector<1x16xf32>,
        %swap3A_1471 = vector.shape_cast %swap3A_1470 : vector<1x16xf32> to vector<16xf32>
        %swap3A_1472 = vector.shape_cast %broadcast_in_dim3A_35 : vector<16xf32> to vector<1x16xf32>
        tpu.vector_store %arg8[%swap3A_1468, %swap3A_1469], %swap3A_1472 {strides = array<i32>} : memref<256x128xf32, #tpu.memory_space<vmem>>, vector<1x16xf32>,
        %swap3A_1473 = arith.index_cast %add3A_1462 : i32 to index
        %swap3A_1474 = arith.constant 32 : index
        %swap3A_1475 = tpu.vector_load %arg8[%swap3A_1473, %swap3A_1474] {strides = array<i32>} : memref<256x128xf32, #tpu.memory_space<vmem>>, vector<1x16xf32>,
        %swap3A_1476 = vector.shape_cast %swap3A_1475 : vector<1x16xf32> to vector<16xf32>
        %swap3A_1477 = vector.shape_cast %broadcast_in_dim3A_35 : vector<16xf32> to vector<1x16xf32>
        tpu.vector_store %arg8[%swap3A_1473, %swap3A_1474], %swap3A_1477 {strides = array<i32>} : memref<256x128xf32, #tpu.memory_space<vmem>>, vector<1x16xf32>,
        %swap3A_1478 = arith.index_cast %add3A_1462 : i32 to index
        %swap3A_1479 = arith.constant 48 : index
        %swap3A_1480 = tpu.vector_load %arg8[%swap3A_1478, %swap3A_1479] {strides = array<i32>} : memref<256x128xf32, #tpu.memory_space<vmem>>, vector<1x16xf32>,
        %swap3A_1481 = vector.shape_cast %swap3A_1480 : vector<1x16xf32> to vector<16xf32>
        %swap3A_1482 = vector.shape_cast %broadcast_in_dim3A_35 : vector<16xf32> to vector<1x16xf32>
        tpu.vector_store %arg8[%swap3A_1478, %swap3A_1479], %swap3A_1482 {strides = array<i32>} : memref<256x128xf32, #tpu.memory_space<vmem>>, vector<1x16xf32>,
      } else {
      }
      %slice3A_1375 = vector.extract_strided_slice %get3A_1350 {offsets = [4], sizes = [1], strides = [1]} : vector<16xi32> to vector<1xi32>
      %squeeze3A_1376 = vector.extract %slice3A_1375[0] : i32 from vector<1xi32>
      %ne3A_1377 = arith.constant 0 : i32
      %ne3A_1378 = arith.cmpi ne, %squeeze3A_1376, %ne3A_1377 : i32
      %convert_element_type3A_1379 = arith.extui %ne3A_1378 : i1 to i32
      %cond3A_1380 = arith.constant 0 : i32
      %cond3A_1381 = arith.cmpi ne, %convert_element_type3A_1379, %cond3A_1380 : i32
      scf.if %cond3A_1381 {
        %mul3A_1459 = arith.constant 16 : i32
        %mul3A_1460 = arith.muli %scan3A_1343, %mul3A_1459 : i32
        %add3A_1461 = arith.constant 4 : i32
        %add3A_1462 = arith.addi %mul3A_1460, %add3A_1461 : i32
        %swap3A_1463 = arith.index_cast %add3A_1462 : i32 to index
        %swap3A_1464 = arith.constant 0 : index
        %swap3A_1465 = tpu.vector_load %arg8[%swap3A_1463, %swap3A_1464] {strides = array<i32>} : memref<256x128xf32, #tpu.memory_space<vmem>>, vector<1x16xf32>,
        %swap3A_1466 = vector.shape_cast %swap3A_1465 : vector<1x16xf32> to vector<16xf32>
        %swap3A_1467 = vector.shape_cast %broadcast_in_dim3A_35 : vector<16xf32> to vector<1x16xf32>
        tpu.vector_store %arg8[%swap3A_1463, %swap3A_1464], %swap3A_1467 {strides = array<i32>} : memref<256x128xf32, #tpu.memory_space<vmem>>, vector<1x16xf32>,
        %swap3A_1468 = arith.index_cast %add3A_1462 : i32 to index
        %swap3A_1469 = arith.constant 16 : index
        %swap3A_1470 = tpu.vector_load %arg8[%swap3A_1468, %swap3A_1469] {strides = array<i32>} : memref<256x128xf32, #tpu.memory_space<vmem>>, vector<1x16xf32>,
        %swap3A_1471 = vector.shape_cast %swap3A_1470 : vector<1x16xf32> to vector<16xf32>
        %swap3A_1472 = vector.shape_cast %broadcast_in_dim3A_35 : vector<16xf32> to vector<1x16xf32>
        tpu.vector_store %arg8[%swap3A_1468, %swap3A_1469], %swap3A_1472 {strides = array<i32>} : memref<256x128xf32, #tpu.memory_space<vmem>>, vector<1x16xf32>,
        %swap3A_1473 = arith.index_cast %add3A_1462 : i32 to index
        %swap3A_1474 = arith.constant 32 : index
        %swap3A_1475 = tpu.vector_load %arg8[%swap3A_1473, %swap3A_1474] {strides = array<i32>} : memref<256x128xf32, #tpu.memory_space<vmem>>, vector<1x16xf32>,
        %swap3A_1476 = vector.shape_cast %swap3A_1475 : vector<1x16xf32> to vector<16xf32>
        %swap3A_1477 = vector.shape_cast %broadcast_in_dim3A_35 : vector<16xf32> to vector<1x16xf32>
        tpu.vector_store %arg8[%swap3A_1473, %swap3A_1474], %swap3A_1477 {strides = array<i32>} : memref<256x128xf32, #tpu.memory_space<vmem>>, vector<1x16xf32>,
        %swap3A_1478 = arith.index_cast %add3A_1462 : i32 to index
        %swap3A_1479 = arith.constant 48 : index
        %swap3A_1480 = tpu.vector_load %arg8[%swap3A_1478, %swap3A_1479] {strides = array<i32>} : memref<256x128xf32, #tpu.memory_space<vmem>>, vector<1x16xf32>,
        %swap3A_1481 = vector.shape_cast %swap3A_1480 : vector<1x16xf32> to vector<16xf32>
        %swap3A_1482 = vector.shape_cast %broadcast_in_dim3A_35 : vector<16xf32> to vector<1x16xf32>
        tpu.vector_store %arg8[%swap3A_1478, %swap3A_1479], %swap3A_1482 {strides = array<i32>} : memref<256x128xf32, #tpu.memory_space<vmem>>, vector<1x16xf32>,
      } else {
      }
      %slice3A_1382 = vector.extract_strided_slice %get3A_1350 {offsets = [5], sizes = [1], strides = [1]} : vector<16xi32> to vector<1xi32>
      %squeeze3A_1383 = vector.extract %slice3A_1382[0] : i32 from vector<1xi32>
      %ne3A_1384 = arith.constant 0 : i32
      %ne3A_1385 = arith.cmpi ne, %squeeze3A_1383, %ne3A_1384 : i32
      %convert_element_type3A_1386 = arith.extui %ne3A_1385 : i1 to i32
      %cond3A_1387 = arith.constant 0 : i32
      %cond3A_1388 = arith.cmpi ne, %convert_element_type3A_1386, %cond3A_1387 : i32
      scf.if %cond3A_1388 {
        %mul3A_1459 = arith.constant 16 : i32
        %mul3A_1460 = arith.muli %scan3A_1343, %mul3A_1459 : i32
        %add3A_1461 = arith.constant 5 : i32
        %add3A_1462 = arith.addi %mul3A_1460, %add3A_1461 : i32
        %swap3A_1463 = arith.index_cast %add3A_1462 : i32 to index
        %swap3A_1464 = arith.constant 0 : index
        %swap3A_1465 = tpu.vector_load %arg8[%swap3A_1463, %swap3A_1464] {strides = array<i32>} : memref<256x128xf32, #tpu.memory_space<vmem>>, vector<1x16xf32>,
        %swap3A_1466 = vector.shape_cast %swap3A_1465 : vector<1x16xf32> to vector<16xf32>
        %swap3A_1467 = vector.shape_cast %broadcast_in_dim3A_35 : vector<16xf32> to vector<1x16xf32>
        tpu.vector_store %arg8[%swap3A_1463, %swap3A_1464], %swap3A_1467 {strides = array<i32>} : memref<256x128xf32, #tpu.memory_space<vmem>>, vector<1x16xf32>,
        %swap3A_1468 = arith.index_cast %add3A_1462 : i32 to index
        %swap3A_1469 = arith.constant 16 : index
        %swap3A_1470 = tpu.vector_load %arg8[%swap3A_1468, %swap3A_1469] {strides = array<i32>} : memref<256x128xf32, #tpu.memory_space<vmem>>, vector<1x16xf32>,
        %swap3A_1471 = vector.shape_cast %swap3A_1470 : vector<1x16xf32> to vector<16xf32>
        %swap3A_1472 = vector.shape_cast %broadcast_in_dim3A_35 : vector<16xf32> to vector<1x16xf32>
        tpu.vector_store %arg8[%swap3A_1468, %swap3A_1469], %swap3A_1472 {strides = array<i32>} : memref<256x128xf32, #tpu.memory_space<vmem>>, vector<1x16xf32>,
        %swap3A_1473 = arith.index_cast %add3A_1462 : i32 to index
        %swap3A_1474 = arith.constant 32 : index
        %swap3A_1475 = tpu.vector_load %arg8[%swap3A_1473, %swap3A_1474] {strides = array<i32>} : memref<256x128xf32, #tpu.memory_space<vmem>>, vector<1x16xf32>,
        %swap3A_1476 = vector.shape_cast %swap3A_1475 : vector<1x16xf32> to vector<16xf32>
        %swap3A_1477 = vector.shape_cast %broadcast_in_dim3A_35 : vector<16xf32> to vector<1x16xf32>
        tpu.vector_store %arg8[%swap3A_1473, %swap3A_1474], %swap3A_1477 {strides = array<i32>} : memref<256x128xf32, #tpu.memory_space<vmem>>, vector<1x16xf32>,
        %swap3A_1478 = arith.index_cast %add3A_1462 : i32 to index
        %swap3A_1479 = arith.constant 48 : index
        %swap3A_1480 = tpu.vector_load %arg8[%swap3A_1478, %swap3A_1479] {strides = array<i32>} : memref<256x128xf32, #tpu.memory_space<vmem>>, vector<1x16xf32>,
        %swap3A_1481 = vector.shape_cast %swap3A_1480 : vector<1x16xf32> to vector<16xf32>
        %swap3A_1482 = vector.shape_cast %broadcast_in_dim3A_35 : vector<16xf32> to vector<1x16xf32>
        tpu.vector_store %arg8[%swap3A_1478, %swap3A_1479], %swap3A_1482 {strides = array<i32>} : memref<256x128xf32, #tpu.memory_space<vmem>>, vector<1x16xf32>,
      } else {
      }
      %slice3A_1389 = vector.extract_strided_slice %get3A_1350 {offsets = [6], sizes = [1], strides = [1]} : vector<16xi32> to vector<1xi32>
      %squeeze3A_1390 = vector.extract %slice3A_1389[0] : i32 from vector<1xi32>
      %ne3A_1391 = arith.constant 0 : i32
      %ne3A_1392 = arith.cmpi ne, %squeeze3A_1390, %ne3A_1391 : i32
      %convert_element_type3A_1393 = arith.extui %ne3A_1392 : i1 to i32
      %cond3A_1394 = arith.constant 0 : i32
      %cond3A_1395 = arith.cmpi ne, %convert_element_type3A_1393, %cond3A_1394 : i32
      scf.if %cond3A_1395 {
        %mul3A_1459 = arith.constant 16 : i32
        %mul3A_1460 = arith.muli %scan3A_1343, %mul3A_1459 : i32
        %add3A_1461 = arith.constant 6 : i32
        %add3A_1462 = arith.addi %mul3A_1460, %add3A_1461 : i32
        %swap3A_1463 = arith.index_cast %add3A_1462 : i32 to index
        %swap3A_1464 = arith.constant 0 : index
        %swap3A_1465 = tpu.vector_load %arg8[%swap3A_1463, %swap3A_1464] {strides = array<i32>} : memref<256x128xf32, #tpu.memory_space<vmem>>, vector<1x16xf32>,
        %swap3A_1466 = vector.shape_cast %swap3A_1465 : vector<1x16xf32> to vector<16xf32>
        %swap3A_1467 = vector.shape_cast %broadcast_in_dim3A_35 : vector<16xf32> to vector<1x16xf32>
        tpu.vector_store %arg8[%swap3A_1463, %swap3A_1464], %swap3A_1467 {strides = array<i32>} : memref<256x128xf32, #tpu.memory_space<vmem>>, vector<1x16xf32>,
        %swap3A_1468 = arith.index_cast %add3A_1462 : i32 to index
        %swap3A_1469 = arith.constant 16 : index
        %swap3A_1470 = tpu.vector_load %arg8[%swap3A_1468, %swap3A_1469] {strides = array<i32>} : memref<256x128xf32, #tpu.memory_space<vmem>>, vector<1x16xf32>,
        %swap3A_1471 = vector.shape_cast %swap3A_1470 : vector<1x16xf32> to vector<16xf32>
        %swap3A_1472 = vector.shape_cast %broadcast_in_dim3A_35 : vector<16xf32> to vector<1x16xf32>
        tpu.vector_store %arg8[%swap3A_1468, %swap3A_1469], %swap3A_1472 {strides = array<i32>} : memref<256x128xf32, #tpu.memory_space<vmem>>, vector<1x16xf32>,
        %swap3A_1473 = arith.index_cast %add3A_1462 : i32 to index
        %swap3A_1474 = arith.constant 32 : index
        %swap3A_1475 = tpu.vector_load %arg8[%swap3A_1473, %swap3A_1474] {strides = array<i32>} : memref<256x128xf32, #tpu.memory_space<vmem>>, vector<1x16xf32>,
        %swap3A_1476 = vector.shape_cast %swap3A_1475 : vector<1x16xf32> to vector<16xf32>
        %swap3A_1477 = vector.shape_cast %broadcast_in_dim3A_35 : vector<16xf32> to vector<1x16xf32>
        tpu.vector_store %arg8[%swap3A_1473, %swap3A_1474], %swap3A_1477 {strides = array<i32>} : memref<256x128xf32, #tpu.memory_space<vmem>>, vector<1x16xf32>,
        %swap3A_1478 = arith.index_cast %add3A_1462 : i32 to index
        %swap3A_1479 = arith.constant 48 : index
        %swap3A_1480 = tpu.vector_load %arg8[%swap3A_1478, %swap3A_1479] {strides = array<i32>} : memref<256x128xf32, #tpu.memory_space<vmem>>, vector<1x16xf32>,
        %swap3A_1481 = vector.shape_cast %swap3A_1480 : vector<1x16xf32> to vector<16xf32>
        %swap3A_1482 = vector.shape_cast %broadcast_in_dim3A_35 : vector<16xf32> to vector<1x16xf32>
        tpu.vector_store %arg8[%swap3A_1478, %swap3A_1479], %swap3A_1482 {strides = array<i32>} : memref<256x128xf32, #tpu.memory_space<vmem>>, vector<1x16xf32>,
      } else {
      }
      %slice3A_1396 = vector.extract_strided_slice %get3A_1350 {offsets = [7], sizes = [1], strides = [1]} : vector<16xi32> to vector<1xi32>
      %squeeze3A_1397 = vector.extract %slice3A_1396[0] : i32 from vector<1xi32>
      %ne3A_1398 = arith.constant 0 : i32
      %ne3A_1399 = arith.cmpi ne, %squeeze3A_1397, %ne3A_1398 : i32
      %convert_element_type3A_1400 = arith.extui %ne3A_1399 : i1 to i32
      %cond3A_1401 = arith.constant 0 : i32
      %cond3A_1402 = arith.cmpi ne, %convert_element_type3A_1400, %cond3A_1401 : i32
      scf.if %cond3A_1402 {
        %mul3A_1459 = arith.constant 16 : i32
        %mul3A_1460 = arith.muli %scan3A_1343, %mul3A_1459 : i32
        %add3A_1461 = arith.constant 7 : i32
        %add3A_1462 = arith.addi %mul3A_1460, %add3A_1461 : i32
        %swap3A_1463 = arith.index_cast %add3A_1462 : i32 to index
        %swap3A_1464 = arith.constant 0 : index
        %swap3A_1465 = tpu.vector_load %arg8[%swap3A_1463, %swap3A_1464] {strides = array<i32>} : memref<256x128xf32, #tpu.memory_space<vmem>>, vector<1x16xf32>,
        %swap3A_1466 = vector.shape_cast %swap3A_1465 : vector<1x16xf32> to vector<16xf32>
        %swap3A_1467 = vector.shape_cast %broadcast_in_dim3A_35 : vector<16xf32> to vector<1x16xf32>
        tpu.vector_store %arg8[%swap3A_1463, %swap3A_1464], %swap3A_1467 {strides = array<i32>} : memref<256x128xf32, #tpu.memory_space<vmem>>, vector<1x16xf32>,
        %swap3A_1468 = arith.index_cast %add3A_1462 : i32 to index
        %swap3A_1469 = arith.constant 16 : index
        %swap3A_1470 = tpu.vector_load %arg8[%swap3A_1468, %swap3A_1469] {strides = array<i32>} : memref<256x128xf32, #tpu.memory_space<vmem>>, vector<1x16xf32>,
        %swap3A_1471 = vector.shape_cast %swap3A_1470 : vector<1x16xf32> to vector<16xf32>
        %swap3A_1472 = vector.shape_cast %broadcast_in_dim3A_35 : vector<16xf32> to vector<1x16xf32>
        tpu.vector_store %arg8[%swap3A_1468, %swap3A_1469], %swap3A_1472 {strides = array<i32>} : memref<256x128xf32, #tpu.memory_space<vmem>>, vector<1x16xf32>,
        %swap3A_1473 = arith.index_cast %add3A_1462 : i32 to index
        %swap3A_1474 = arith.constant 32 : index
        %swap3A_1475 = tpu.vector_load %arg8[%swap3A_1473, %swap3A_1474] {strides = array<i32>} : memref<256x128xf32, #tpu.memory_space<vmem>>, vector<1x16xf32>,
        %swap3A_1476 = vector.shape_cast %swap3A_1475 : vector<1x16xf32> to vector<16xf32>
        %swap3A_1477 = vector.shape_cast %broadcast_in_dim3A_35 : vector<16xf32> to vector<1x16xf32>
        tpu.vector_store %arg8[%swap3A_1473, %swap3A_1474], %swap3A_1477 {strides = array<i32>} : memref<256x128xf32, #tpu.memory_space<vmem>>, vector<1x16xf32>,
        %swap3A_1478 = arith.index_cast %add3A_1462 : i32 to index
        %swap3A_1479 = arith.constant 48 : index
        %swap3A_1480 = tpu.vector_load %arg8[%swap3A_1478, %swap3A_1479] {strides = array<i32>} : memref<256x128xf32, #tpu.memory_space<vmem>>, vector<1x16xf32>,
        %swap3A_1481 = vector.shape_cast %swap3A_1480 : vector<1x16xf32> to vector<16xf32>
        %swap3A_1482 = vector.shape_cast %broadcast_in_dim3A_35 : vector<16xf32> to vector<1x16xf32>
        tpu.vector_store %arg8[%swap3A_1478, %swap3A_1479], %swap3A_1482 {strides = array<i32>} : memref<256x128xf32, #tpu.memory_space<vmem>>, vector<1x16xf32>,
      } else {
      }
      %slice3A_1403 = vector.extract_strided_slice %get3A_1350 {offsets = [8], sizes = [1], strides = [1]} : vector<16xi32> to vector<1xi32>
      %squeeze3A_1404 = vector.extract %slice3A_1403[0] : i32 from vector<1xi32>
      %ne3A_1405 = arith.constant 0 : i32
      %ne3A_1406 = arith.cmpi ne, %squeeze3A_1404, %ne3A_1405 : i32
      %convert_element_type3A_1407 = arith.extui %ne3A_1406 : i1 to i32
      %cond3A_1408 = arith.constant 0 : i32
      %cond3A_1409 = arith.cmpi ne, %convert_element_type3A_1407, %cond3A_1408 : i32
      scf.if %cond3A_1409 {
        %mul3A_1459 = arith.constant 16 : i32
        %mul3A_1460 = arith.muli %scan3A_1343, %mul3A_1459 : i32
        %add3A_1461 = arith.constant 8 : i32
        %add3A_1462 = arith.addi %mul3A_1460, %add3A_1461 : i32
        %swap3A_1463 = arith.index_cast %add3A_1462 : i32 to index
        %swap3A_1464 = arith.constant 0 : index
        %swap3A_1465 = tpu.vector_load %arg8[%swap3A_1463, %swap3A_1464] {strides = array<i32>} : memref<256x128xf32, #tpu.memory_space<vmem>>, vector<1x16xf32>,
        %swap3A_1466 = vector.shape_cast %swap3A_1465 : vector<1x16xf32> to vector<16xf32>
        %swap3A_1467 = vector.shape_cast %broadcast_in_dim3A_35 : vector<16xf32> to vector<1x16xf32>
        tpu.vector_store %arg8[%swap3A_1463, %swap3A_1464], %swap3A_1467 {strides = array<i32>} : memref<256x128xf32, #tpu.memory_space<vmem>>, vector<1x16xf32>,
        %swap3A_1468 = arith.index_cast %add3A_1462 : i32 to index
        %swap3A_1469 = arith.constant 16 : index
        %swap3A_1470 = tpu.vector_load %arg8[%swap3A_1468, %swap3A_1469] {strides = array<i32>} : memref<256x128xf32, #tpu.memory_space<vmem>>, vector<1x16xf32>,
        %swap3A_1471 = vector.shape_cast %swap3A_1470 : vector<1x16xf32> to vector<16xf32>
        %swap3A_1472 = vector.shape_cast %broadcast_in_dim3A_35 : vector<16xf32> to vector<1x16xf32>
        tpu.vector_store %arg8[%swap3A_1468, %swap3A_1469], %swap3A_1472 {strides = array<i32>} : memref<256x128xf32, #tpu.memory_space<vmem>>, vector<1x16xf32>,
        %swap3A_1473 = arith.index_cast %add3A_1462 : i32 to index
        %swap3A_1474 = arith.constant 32 : index
        %swap3A_1475 = tpu.vector_load %arg8[%swap3A_1473, %swap3A_1474] {strides = array<i32>} : memref<256x128xf32, #tpu.memory_space<vmem>>, vector<1x16xf32>,
        %swap3A_1476 = vector.shape_cast %swap3A_1475 : vector<1x16xf32> to vector<16xf32>
        %swap3A_1477 = vector.shape_cast %broadcast_in_dim3A_35 : vector<16xf32> to vector<1x16xf32>
        tpu.vector_store %arg8[%swap3A_1473, %swap3A_1474], %swap3A_1477 {strides = array<i32>} : memref<256x128xf32, #tpu.memory_space<vmem>>, vector<1x16xf32>,
        %swap3A_1478 = arith.index_cast %add3A_1462 : i32 to index
        %swap3A_1479 = arith.constant 48 : index
        %swap3A_1480 = tpu.vector_load %arg8[%swap3A_1478, %swap3A_1479] {strides = array<i32>} : memref<256x128xf32, #tpu.memory_space<vmem>>, vector<1x16xf32>,
        %swap3A_1481 = vector.shape_cast %swap3A_1480 : vector<1x16xf32> to vector<16xf32>
        %swap3A_1482 = vector.shape_cast %broadcast_in_dim3A_35 : vector<16xf32> to vector<1x16xf32>
        tpu.vector_store %arg8[%swap3A_1478, %swap3A_1479], %swap3A_1482 {strides = array<i32>} : memref<256x128xf32, #tpu.memory_space<vmem>>, vector<1x16xf32>,
      } else {
      }
      %slice3A_1410 = vector.extract_strided_slice %get3A_1350 {offsets = [9], sizes = [1], strides = [1]} : vector<16xi32> to vector<1xi32>
      %squeeze3A_1411 = vector.extract %slice3A_1410[0] : i32 from vector<1xi32>
      %ne3A_1412 = arith.constant 0 : i32
      %ne3A_1413 = arith.cmpi ne, %squeeze3A_1411, %ne3A_1412 : i32
      %convert_element_type3A_1414 = arith.extui %ne3A_1413 : i1 to i32
      %cond3A_1415 = arith.constant 0 : i32
      %cond3A_1416 = arith.cmpi ne, %convert_element_type3A_1414, %cond3A_1415 : i32
      scf.if %cond3A_1416 {
        %mul3A_1459 = arith.constant 16 : i32
        %mul3A_1460 = arith.muli %scan3A_1343, %mul3A_1459 : i32
        %add3A_1461 = arith.constant 9 : i32
        %add3A_1462 = arith.addi %mul3A_1460, %add3A_1461 : i32
        %swap3A_1463 = arith.index_cast %add3A_1462 : i32 to index
        %swap3A_1464 = arith.constant 0 : index
        %swap3A_1465 = tpu.vector_load %arg8[%swap3A_1463, %swap3A_1464] {strides = array<i32>} : memref<256x128xf32, #tpu.memory_space<vmem>>, vector<1x16xf32>,
        %swap3A_1466 = vector.shape_cast %swap3A_1465 : vector<1x16xf32> to vector<16xf32>
        %swap3A_1467 = vector.shape_cast %broadcast_in_dim3A_35 : vector<16xf32> to vector<1x16xf32>
        tpu.vector_store %arg8[%swap3A_1463, %swap3A_1464], %swap3A_1467 {strides = array<i32>} : memref<256x128xf32, #tpu.memory_space<vmem>>, vector<1x16xf32>,
        %swap3A_1468 = arith.index_cast %add3A_1462 : i32 to index
        %swap3A_1469 = arith.constant 16 : index
        %swap3A_1470 = tpu.vector_load %arg8[%swap3A_1468, %swap3A_1469] {strides = array<i32>} : memref<256x128xf32, #tpu.memory_space<vmem>>, vector<1x16xf32>,
        %swap3A_1471 = vector.shape_cast %swap3A_1470 : vector<1x16xf32> to vector<16xf32>
        %swap3A_1472 = vector.shape_cast %broadcast_in_dim3A_35 : vector<16xf32> to vector<1x16xf32>
        tpu.vector_store %arg8[%swap3A_1468, %swap3A_1469], %swap3A_1472 {strides = array<i32>} : memref<256x128xf32, #tpu.memory_space<vmem>>, vector<1x16xf32>,
        %swap3A_1473 = arith.index_cast %add3A_1462 : i32 to index
        %swap3A_1474 = arith.constant 32 : index
        %swap3A_1475 = tpu.vector_load %arg8[%swap3A_1473, %swap3A_1474] {strides = array<i32>} : memref<256x128xf32, #tpu.memory_space<vmem>>, vector<1x16xf32>,
        %swap3A_1476 = vector.shape_cast %swap3A_1475 : vector<1x16xf32> to vector<16xf32>
        %swap3A_1477 = vector.shape_cast %broadcast_in_dim3A_35 : vector<16xf32> to vector<1x16xf32>
        tpu.vector_store %arg8[%swap3A_1473, %swap3A_1474], %swap3A_1477 {strides = array<i32>} : memref<256x128xf32, #tpu.memory_space<vmem>>, vector<1x16xf32>,
        %swap3A_1478 = arith.index_cast %add3A_1462 : i32 to index
        %swap3A_1479 = arith.constant 48 : index
        %swap3A_1480 = tpu.vector_load %arg8[%swap3A_1478, %swap3A_1479] {strides = array<i32>} : memref<256x128xf32, #tpu.memory_space<vmem>>, vector<1x16xf32>,
        %swap3A_1481 = vector.shape_cast %swap3A_1480 : vector<1x16xf32> to vector<16xf32>
        %swap3A_1482 = vector.shape_cast %broadcast_in_dim3A_35 : vector<16xf32> to vector<1x16xf32>
        tpu.vector_store %arg8[%swap3A_1478, %swap3A_1479], %swap3A_1482 {strides = array<i32>} : memref<256x128xf32, #tpu.memory_space<vmem>>, vector<1x16xf32>,
      } else {
      }
      %slice3A_1417 = vector.extract_strided_slice %get3A_1350 {offsets = [10], sizes = [1], strides = [1]} : vector<16xi32> to vector<1xi32>
      %squeeze3A_1418 = vector.extract %slice3A_1417[0] : i32 from vector<1xi32>
      %ne3A_1419 = arith.constant 0 : i32
      %ne3A_1420 = arith.cmpi ne, %squeeze3A_1418, %ne3A_1419 : i32
      %convert_element_type3A_1421 = arith.extui %ne3A_1420 : i1 to i32
      %cond3A_1422 = arith.constant 0 : i32
      %cond3A_1423 = arith.cmpi ne, %convert_element_type3A_1421, %cond3A_1422 : i32
      scf.if %cond3A_1423 {
        %mul3A_1459 = arith.constant 16 : i32
        %mul3A_1460 = arith.muli %scan3A_1343, %mul3A_1459 : i32
        %add3A_1461 = arith.constant 10 : i32
        %add3A_1462 = arith.addi %mul3A_1460, %add3A_1461 : i32
        %swap3A_1463 = arith.index_cast %add3A_1462 : i32 to index
        %swap3A_1464 = arith.constant 0 : index
        %swap3A_1465 = tpu.vector_load %arg8[%swap3A_1463, %swap3A_1464] {strides = array<i32>} : memref<256x128xf32, #tpu.memory_space<vmem>>, vector<1x16xf32>,
        %swap3A_1466 = vector.shape_cast %swap3A_1465 : vector<1x16xf32> to vector<16xf32>
        %swap3A_1467 = vector.shape_cast %broadcast_in_dim3A_35 : vector<16xf32> to vector<1x16xf32>
        tpu.vector_store %arg8[%swap3A_1463, %swap3A_1464], %swap3A_1467 {strides = array<i32>} : memref<256x128xf32, #tpu.memory_space<vmem>>, vector<1x16xf32>,
        %swap3A_1468 = arith.index_cast %add3A_1462 : i32 to index
        %swap3A_1469 = arith.constant 16 : index
        %swap3A_1470 = tpu.vector_load %arg8[%swap3A_1468, %swap3A_1469] {strides = array<i32>} : memref<256x128xf32, #tpu.memory_space<vmem>>, vector<1x16xf32>,
        %swap3A_1471 = vector.shape_cast %swap3A_1470 : vector<1x16xf32> to vector<16xf32>
        %swap3A_1472 = vector.shape_cast %broadcast_in_dim3A_35 : vector<16xf32> to vector<1x16xf32>
        tpu.vector_store %arg8[%swap3A_1468, %swap3A_1469], %swap3A_1472 {strides = array<i32>} : memref<256x128xf32, #tpu.memory_space<vmem>>, vector<1x16xf32>,
        %swap3A_1473 = arith.index_cast %add3A_1462 : i32 to index
        %swap3A_1474 = arith.constant 32 : index
        %swap3A_1475 = tpu.vector_load %arg8[%swap3A_1473, %swap3A_1474] {strides = array<i32>} : memref<256x128xf32, #tpu.memory_space<vmem>>, vector<1x16xf32>,
        %swap3A_1476 = vector.shape_cast %swap3A_1475 : vector<1x16xf32> to vector<16xf32>
        %swap3A_1477 = vector.shape_cast %broadcast_in_dim3A_35 : vector<16xf32> to vector<1x16xf32>
        tpu.vector_store %arg8[%swap3A_1473, %swap3A_1474], %swap3A_1477 {strides = array<i32>} : memref<256x128xf32, #tpu.memory_space<vmem>>, vector<1x16xf32>,
        %swap3A_1478 = arith.index_cast %add3A_1462 : i32 to index
        %swap3A_1479 = arith.constant 48 : index
        %swap3A_1480 = tpu.vector_load %arg8[%swap3A_1478, %swap3A_1479] {strides = array<i32>} : memref<256x128xf32, #tpu.memory_space<vmem>>, vector<1x16xf32>,
        %swap3A_1481 = vector.shape_cast %swap3A_1480 : vector<1x16xf32> to vector<16xf32>
        %swap3A_1482 = vector.shape_cast %broadcast_in_dim3A_35 : vector<16xf32> to vector<1x16xf32>
        tpu.vector_store %arg8[%swap3A_1478, %swap3A_1479], %swap3A_1482 {strides = array<i32>} : memref<256x128xf32, #tpu.memory_space<vmem>>, vector<1x16xf32>,
      } else {
      }
      %slice3A_1424 = vector.extract_strided_slice %get3A_1350 {offsets = [11], sizes = [1], strides = [1]} : vector<16xi32> to vector<1xi32>
      %squeeze3A_1425 = vector.extract %slice3A_1424[0] : i32 from vector<1xi32>
      %ne3A_1426 = arith.constant 0 : i32
      %ne3A_1427 = arith.cmpi ne, %squeeze3A_1425, %ne3A_1426 : i32
      %convert_element_type3A_1428 = arith.extui %ne3A_1427 : i1 to i32
      %cond3A_1429 = arith.constant 0 : i32
      %cond3A_1430 = arith.cmpi ne, %convert_element_type3A_1428, %cond3A_1429 : i32
      scf.if %cond3A_1430 {
        %mul3A_1459 = arith.constant 16 : i32
        %mul3A_1460 = arith.muli %scan3A_1343, %mul3A_1459 : i32
        %add3A_1461 = arith.constant 11 : i32
        %add3A_1462 = arith.addi %mul3A_1460, %add3A_1461 : i32
        %swap3A_1463 = arith.index_cast %add3A_1462 : i32 to index
        %swap3A_1464 = arith.constant 0 : index
        %swap3A_1465 = tpu.vector_load %arg8[%swap3A_1463, %swap3A_1464] {strides = array<i32>} : memref<256x128xf32, #tpu.memory_space<vmem>>, vector<1x16xf32>,
        %swap3A_1466 = vector.shape_cast %swap3A_1465 : vector<1x16xf32> to vector<16xf32>
        %swap3A_1467 = vector.shape_cast %broadcast_in_dim3A_35 : vector<16xf32> to vector<1x16xf32>
        tpu.vector_store %arg8[%swap3A_1463, %swap3A_1464], %swap3A_1467 {strides = array<i32>} : memref<256x128xf32, #tpu.memory_space<vmem>>, vector<1x16xf32>,
        %swap3A_1468 = arith.index_cast %add3A_1462 : i32 to index
        %swap3A_1469 = arith.constant 16 : index
        %swap3A_1470 = tpu.vector_load %arg8[%swap3A_1468, %swap3A_1469] {strides = array<i32>} : memref<256x128xf32, #tpu.memory_space<vmem>>, vector<1x16xf32>,
        %swap3A_1471 = vector.shape_cast %swap3A_1470 : vector<1x16xf32> to vector<16xf32>
        %swap3A_1472 = vector.shape_cast %broadcast_in_dim3A_35 : vector<16xf32> to vector<1x16xf32>
        tpu.vector_store %arg8[%swap3A_1468, %swap3A_1469], %swap3A_1472 {strides = array<i32>} : memref<256x128xf32, #tpu.memory_space<vmem>>, vector<1x16xf32>,
        %swap3A_1473 = arith.index_cast %add3A_1462 : i32 to index
        %swap3A_1474 = arith.constant 32 : index
        %swap3A_1475 = tpu.vector_load %arg8[%swap3A_1473, %swap3A_1474] {strides = array<i32>} : memref<256x128xf32, #tpu.memory_space<vmem>>, vector<1x16xf32>,
        %swap3A_1476 = vector.shape_cast %swap3A_1475 : vector<1x16xf32> to vector<16xf32>
        %swap3A_1477 = vector.shape_cast %broadcast_in_dim3A_35 : vector<16xf32> to vector<1x16xf32>
        tpu.vector_store %arg8[%swap3A_1473, %swap3A_1474], %swap3A_1477 {strides = array<i32>} : memref<256x128xf32, #tpu.memory_space<vmem>>, vector<1x16xf32>,
        %swap3A_1478 = arith.index_cast %add3A_1462 : i32 to index
        %swap3A_1479 = arith.constant 48 : index
        %swap3A_1480 = tpu.vector_load %arg8[%swap3A_1478, %swap3A_1479] {strides = array<i32>} : memref<256x128xf32, #tpu.memory_space<vmem>>, vector<1x16xf32>,
        %swap3A_1481 = vector.shape_cast %swap3A_1480 : vector<1x16xf32> to vector<16xf32>
        %swap3A_1482 = vector.shape_cast %broadcast_in_dim3A_35 : vector<16xf32> to vector<1x16xf32>
        tpu.vector_store %arg8[%swap3A_1478, %swap3A_1479], %swap3A_1482 {strides = array<i32>} : memref<256x128xf32, #tpu.memory_space<vmem>>, vector<1x16xf32>,
      } else {
      }
      %slice3A_1431 = vector.extract_strided_slice %get3A_1350 {offsets = [12], sizes = [1], strides = [1]} : vector<16xi32> to vector<1xi32>
      %squeeze3A_1432 = vector.extract %slice3A_1431[0] : i32 from vector<1xi32>
      %ne3A_1433 = arith.constant 0 : i32
      %ne3A_1434 = arith.cmpi ne, %squeeze3A_1432, %ne3A_1433 : i32
      %convert_element_type3A_1435 = arith.extui %ne3A_1434 : i1 to i32
      %cond3A_1436 = arith.constant 0 : i32
      %cond3A_1437 = arith.cmpi ne, %convert_element_type3A_1435, %cond3A_1436 : i32
      scf.if %cond3A_1437 {
        %mul3A_1459 = arith.constant 16 : i32
        %mul3A_1460 = arith.muli %scan3A_1343, %mul3A_1459 : i32
        %add3A_1461 = arith.constant 12 : i32
        %add3A_1462 = arith.addi %mul3A_1460, %add3A_1461 : i32
        %swap3A_1463 = arith.index_cast %add3A_1462 : i32 to index
        %swap3A_1464 = arith.constant 0 : index
        %swap3A_1465 = tpu.vector_load %arg8[%swap3A_1463, %swap3A_1464] {strides = array<i32>} : memref<256x128xf32, #tpu.memory_space<vmem>>, vector<1x16xf32>,
        %swap3A_1466 = vector.shape_cast %swap3A_1465 : vector<1x16xf32> to vector<16xf32>
        %swap3A_1467 = vector.shape_cast %broadcast_in_dim3A_35 : vector<16xf32> to vector<1x16xf32>
        tpu.vector_store %arg8[%swap3A_1463, %swap3A_1464], %swap3A_1467 {strides = array<i32>} : memref<256x128xf32, #tpu.memory_space<vmem>>, vector<1x16xf32>,
        %swap3A_1468 = arith.index_cast %add3A_1462 : i32 to index
        %swap3A_1469 = arith.constant 16 : index
        %swap3A_1470 = tpu.vector_load %arg8[%swap3A_1468, %swap3A_1469] {strides = array<i32>} : memref<256x128xf32, #tpu.memory_space<vmem>>, vector<1x16xf32>,
        %swap3A_1471 = vector.shape_cast %swap3A_1470 : vector<1x16xf32> to vector<16xf32>
        %swap3A_1472 = vector.shape_cast %broadcast_in_dim3A_35 : vector<16xf32> to vector<1x16xf32>
        tpu.vector_store %arg8[%swap3A_1468, %swap3A_1469], %swap3A_1472 {strides = array<i32>} : memref<256x128xf32, #tpu.memory_space<vmem>>, vector<1x16xf32>,
        %swap3A_1473 = arith.index_cast %add3A_1462 : i32 to index
        %swap3A_1474 = arith.constant 32 : index
        %swap3A_1475 = tpu.vector_load %arg8[%swap3A_1473, %swap3A_1474] {strides = array<i32>} : memref<256x128xf32, #tpu.memory_space<vmem>>, vector<1x16xf32>,
        %swap3A_1476 = vector.shape_cast %swap3A_1475 : vector<1x16xf32> to vector<16xf32>
        %swap3A_1477 = vector.shape_cast %broadcast_in_dim3A_35 : vector<16xf32> to vector<1x16xf32>
        tpu.vector_store %arg8[%swap3A_1473, %swap3A_1474], %swap3A_1477 {strides = array<i32>} : memref<256x128xf32, #tpu.memory_space<vmem>>, vector<1x16xf32>,
        %swap3A_1478 = arith.index_cast %add3A_1462 : i32 to index
        %swap3A_1479 = arith.constant 48 : index
        %swap3A_1480 = tpu.vector_load %arg8[%swap3A_1478, %swap3A_1479] {strides = array<i32>} : memref<256x128xf32, #tpu.memory_space<vmem>>, vector<1x16xf32>,
        %swap3A_1481 = vector.shape_cast %swap3A_1480 : vector<1x16xf32> to vector<16xf32>
        %swap3A_1482 = vector.shape_cast %broadcast_in_dim3A_35 : vector<16xf32> to vector<1x16xf32>
        tpu.vector_store %arg8[%swap3A_1478, %swap3A_1479], %swap3A_1482 {strides = array<i32>} : memref<256x128xf32, #tpu.memory_space<vmem>>, vector<1x16xf32>,
      } else {
      }
      %slice3A_1438 = vector.extract_strided_slice %get3A_1350 {offsets = [13], sizes = [1], strides = [1]} : vector<16xi32> to vector<1xi32>
      %squeeze3A_1439 = vector.extract %slice3A_1438[0] : i32 from vector<1xi32>
      %ne3A_1440 = arith.constant 0 : i32
      %ne3A_1441 = arith.cmpi ne, %squeeze3A_1439, %ne3A_1440 : i32
      %convert_element_type3A_1442 = arith.extui %ne3A_1441 : i1 to i32
      %cond3A_1443 = arith.constant 0 : i32
      %cond3A_1444 = arith.cmpi ne, %convert_element_type3A_1442, %cond3A_1443 : i32
      scf.if %cond3A_1444 {
        %mul3A_1459 = arith.constant 16 : i32
        %mul3A_1460 = arith.muli %scan3A_1343, %mul3A_1459 : i32
        %add3A_1461 = arith.constant 13 : i32
        %add3A_1462 = arith.addi %mul3A_1460, %add3A_1461 : i32
        %swap3A_1463 = arith.index_cast %add3A_1462 : i32 to index
        %swap3A_1464 = arith.constant 0 : index
        %swap3A_1465 = tpu.vector_load %arg8[%swap3A_1463, %swap3A_1464] {strides = array<i32>} : memref<256x128xf32, #tpu.memory_space<vmem>>, vector<1x16xf32>,
        %swap3A_1466 = vector.shape_cast %swap3A_1465 : vector<1x16xf32> to vector<16xf32>
        %swap3A_1467 = vector.shape_cast %broadcast_in_dim3A_35 : vector<16xf32> to vector<1x16xf32>
        tpu.vector_store %arg8[%swap3A_1463, %swap3A_1464], %swap3A_1467 {strides = array<i32>} : memref<256x128xf32, #tpu.memory_space<vmem>>, vector<1x16xf32>,
        %swap3A_1468 = arith.index_cast %add3A_1462 : i32 to index
        %swap3A_1469 = arith.constant 16 : index
        %swap3A_1470 = tpu.vector_load %arg8[%swap3A_1468, %swap3A_1469] {strides = array<i32>} : memref<256x128xf32, #tpu.memory_space<vmem>>, vector<1x16xf32>,
        %swap3A_1471 = vector.shape_cast %swap3A_1470 : vector<1x16xf32> to vector<16xf32>
        %swap3A_1472 = vector.shape_cast %broadcast_in_dim3A_35 : vector<16xf32> to vector<1x16xf32>
        tpu.vector_store %arg8[%swap3A_1468, %swap3A_1469], %swap3A_1472 {strides = array<i32>} : memref<256x128xf32, #tpu.memory_space<vmem>>, vector<1x16xf32>,
        %swap3A_1473 = arith.index_cast %add3A_1462 : i32 to index
        %swap3A_1474 = arith.constant 32 : index
        %swap3A_1475 = tpu.vector_load %arg8[%swap3A_1473, %swap3A_1474] {strides = array<i32>} : memref<256x128xf32, #tpu.memory_space<vmem>>, vector<1x16xf32>,
        %swap3A_1476 = vector.shape_cast %swap3A_1475 : vector<1x16xf32> to vector<16xf32>
        %swap3A_1477 = vector.shape_cast %broadcast_in_dim3A_35 : vector<16xf32> to vector<1x16xf32>
        tpu.vector_store %arg8[%swap3A_1473, %swap3A_1474], %swap3A_1477 {strides = array<i32>} : memref<256x128xf32, #tpu.memory_space<vmem>>, vector<1x16xf32>,
        %swap3A_1478 = arith.index_cast %add3A_1462 : i32 to index
        %swap3A_1479 = arith.constant 48 : index
        %swap3A_1480 = tpu.vector_load %arg8[%swap3A_1478, %swap3A_1479] {strides = array<i32>} : memref<256x128xf32, #tpu.memory_space<vmem>>, vector<1x16xf32>,
        %swap3A_1481 = vector.shape_cast %swap3A_1480 : vector<1x16xf32> to vector<16xf32>
        %swap3A_1482 = vector.shape_cast %broadcast_in_dim3A_35 : vector<16xf32> to vector<1x16xf32>
        tpu.vector_store %arg8[%swap3A_1478, %swap3A_1479], %swap3A_1482 {strides = array<i32>} : memref<256x128xf32, #tpu.memory_space<vmem>>, vector<1x16xf32>,
      } else {
      }
      %slice3A_1445 = vector.extract_strided_slice %get3A_1350 {offsets = [14], sizes = [1], strides = [1]} : vector<16xi32> to vector<1xi32>
      %squeeze3A_1446 = vector.extract %slice3A_1445[0] : i32 from vector<1xi32>
      %ne3A_1447 = arith.constant 0 : i32
      %ne3A_1448 = arith.cmpi ne, %squeeze3A_1446, %ne3A_1447 : i32
      %convert_element_type3A_1449 = arith.extui %ne3A_1448 : i1 to i32
      %cond3A_1450 = arith.constant 0 : i32
      %cond3A_1451 = arith.cmpi ne, %convert_element_type3A_1449, %cond3A_1450 : i32
      scf.if %cond3A_1451 {
        %mul3A_1459 = arith.constant 16 : i32
        %mul3A_1460 = arith.muli %scan3A_1343, %mul3A_1459 : i32
        %add3A_1461 = arith.constant 14 : i32
        %add3A_1462 = arith.addi %mul3A_1460, %add3A_1461 : i32
        %swap3A_1463 = arith.index_cast %add3A_1462 : i32 to index
        %swap3A_1464 = arith.constant 0 : index
        %swap3A_1465 = tpu.vector_load %arg8[%swap3A_1463, %swap3A_1464] {strides = array<i32>} : memref<256x128xf32, #tpu.memory_space<vmem>>, vector<1x16xf32>,
        %swap3A_1466 = vector.shape_cast %swap3A_1465 : vector<1x16xf32> to vector<16xf32>
        %swap3A_1467 = vector.shape_cast %broadcast_in_dim3A_35 : vector<16xf32> to vector<1x16xf32>
        tpu.vector_store %arg8[%swap3A_1463, %swap3A_1464], %swap3A_1467 {strides = array<i32>} : memref<256x128xf32, #tpu.memory_space<vmem>>, vector<1x16xf32>,
        %swap3A_1468 = arith.index_cast %add3A_1462 : i32 to index
        %swap3A_1469 = arith.constant 16 : index
        %swap3A_1470 = tpu.vector_load %arg8[%swap3A_1468, %swap3A_1469] {strides = array<i32>} : memref<256x128xf32, #tpu.memory_space<vmem>>, vector<1x16xf32>,
        %swap3A_1471 = vector.shape_cast %swap3A_1470 : vector<1x16xf32> to vector<16xf32>
        %swap3A_1472 = vector.shape_cast %broadcast_in_dim3A_35 : vector<16xf32> to vector<1x16xf32>
        tpu.vector_store %arg8[%swap3A_1468, %swap3A_1469], %swap3A_1472 {strides = array<i32>} : memref<256x128xf32, #tpu.memory_space<vmem>>, vector<1x16xf32>,
        %swap3A_1473 = arith.index_cast %add3A_1462 : i32 to index
        %swap3A_1474 = arith.constant 32 : index
        %swap3A_1475 = tpu.vector_load %arg8[%swap3A_1473, %swap3A_1474] {strides = array<i32>} : memref<256x128xf32, #tpu.memory_space<vmem>>, vector<1x16xf32>,
        %swap3A_1476 = vector.shape_cast %swap3A_1475 : vector<1x16xf32> to vector<16xf32>
        %swap3A_1477 = vector.shape_cast %broadcast_in_dim3A_35 : vector<16xf32> to vector<1x16xf32>
        tpu.vector_store %arg8[%swap3A_1473, %swap3A_1474], %swap3A_1477 {strides = array<i32>} : memref<256x128xf32, #tpu.memory_space<vmem>>, vector<1x16xf32>,
        %swap3A_1478 = arith.index_cast %add3A_1462 : i32 to index
        %swap3A_1479 = arith.constant 48 : index
        %swap3A_1480 = tpu.vector_load %arg8[%swap3A_1478, %swap3A_1479] {strides = array<i32>} : memref<256x128xf32, #tpu.memory_space<vmem>>, vector<1x16xf32>,
        %swap3A_1481 = vector.shape_cast %swap3A_1480 : vector<1x16xf32> to vector<16xf32>
        %swap3A_1482 = vector.shape_cast %broadcast_in_dim3A_35 : vector<16xf32> to vector<1x16xf32>
        tpu.vector_store %arg8[%swap3A_1478, %swap3A_1479], %swap3A_1482 {strides = array<i32>} : memref<256x128xf32, #tpu.memory_space<vmem>>, vector<1x16xf32>,
      } else {
      }
      %slice3A_1452 = vector.extract_strided_slice %get3A_1350 {offsets = [15], sizes = [1], strides = [1]} : vector<16xi32> to vector<1xi32>
      %squeeze3A_1453 = vector.extract %slice3A_1452[0] : i32 from vector<1xi32>
      %ne3A_1454 = arith.constant 0 : i32
      %ne3A_1455 = arith.cmpi ne, %squeeze3A_1453, %ne3A_1454 : i32
      %convert_element_type3A_1456 = arith.extui %ne3A_1455 : i1 to i32
      %cond3A_1457 = arith.constant 0 : i32
      %cond3A_1458 = arith.cmpi ne, %convert_element_type3A_1456, %cond3A_1457 : i32
      scf.if %cond3A_1458 {
        %mul3A_1459 = arith.constant 16 : i32
        %mul3A_1460 = arith.muli %scan3A_1343, %mul3A_1459 : i32
        %add3A_1461 = arith.constant 15 : i32
        %add3A_1462 = arith.addi %mul3A_1460, %add3A_1461 : i32
        %swap3A_1463 = arith.index_cast %add3A_1462 : i32 to index
        %swap3A_1464 = arith.constant 0 : index
        %swap3A_1465 = tpu.vector_load %arg8[%swap3A_1463, %swap3A_1464] {strides = array<i32>} : memref<256x128xf32, #tpu.memory_space<vmem>>, vector<1x16xf32>,
        %swap3A_1466 = vector.shape_cast %swap3A_1465 : vector<1x16xf32> to vector<16xf32>
        %swap3A_1467 = vector.shape_cast %broadcast_in_dim3A_35 : vector<16xf32> to vector<1x16xf32>
        tpu.vector_store %arg8[%swap3A_1463, %swap3A_1464], %swap3A_1467 {strides = array<i32>} : memref<256x128xf32, #tpu.memory_space<vmem>>, vector<1x16xf32>,
        %swap3A_1468 = arith.index_cast %add3A_1462 : i32 to index
        %swap3A_1469 = arith.constant 16 : index
        %swap3A_1470 = tpu.vector_load %arg8[%swap3A_1468, %swap3A_1469] {strides = array<i32>} : memref<256x128xf32, #tpu.memory_space<vmem>>, vector<1x16xf32>,
        %swap3A_1471 = vector.shape_cast %swap3A_1470 : vector<1x16xf32> to vector<16xf32>
        %swap3A_1472 = vector.shape_cast %broadcast_in_dim3A_35 : vector<16xf32> to vector<1x16xf32>
        tpu.vector_store %arg8[%swap3A_1468, %swap3A_1469], %swap3A_1472 {strides = array<i32>} : memref<256x128xf32, #tpu.memory_space<vmem>>, vector<1x16xf32>,
        %swap3A_1473 = arith.index_cast %add3A_1462 : i32 to index
        %swap3A_1474 = arith.constant 32 : index
        %swap3A_1475 = tpu.vector_load %arg8[%swap3A_1473, %swap3A_1474] {strides = array<i32>} : memref<256x128xf32, #tpu.memory_space<vmem>>, vector<1x16xf32>,
        %swap3A_1476 = vector.shape_cast %swap3A_1475 : vector<1x16xf32> to vector<16xf32>
        %swap3A_1477 = vector.shape_cast %broadcast_in_dim3A_35 : vector<16xf32> to vector<1x16xf32>
        tpu.vector_store %arg8[%swap3A_1473, %swap3A_1474], %swap3A_1477 {strides = array<i32>} : memref<256x128xf32, #tpu.memory_space<vmem>>, vector<1x16xf32>,
        %swap3A_1478 = arith.index_cast %add3A_1462 : i32 to index
        %swap3A_1479 = arith.constant 48 : index
        %swap3A_1480 = tpu.vector_load %arg8[%swap3A_1478, %swap3A_1479] {strides = array<i32>} : memref<256x128xf32, #tpu.memory_space<vmem>>, vector<1x16xf32>,
        %swap3A_1481 = vector.shape_cast %swap3A_1480 : vector<1x16xf32> to vector<16xf32>
        %swap3A_1482 = vector.shape_cast %broadcast_in_dim3A_35 : vector<16xf32> to vector<1x16xf32>
        tpu.vector_store %arg8[%swap3A_1478, %swap3A_1479], %swap3A_1482 {strides = array<i32>} : memref<256x128xf32, #tpu.memory_space<vmem>>, vector<1x16xf32>,
      } else {
      }
    }
    %scan3A_1316 = arith.constant 16 : i32
    %add3A_1317 = arith.constant 512 : i32
    %add3A_1318 = arith.addi %multiple_of3A, %add3A_1317 : i32
    "tpu.region"() ({
      %run_scoped3A = tpu.sem_alloc : memref<!tpu.dma_semaphore, #tpu.memory_space<semaphore_mem>>
      %dma_start3A_1343 = arith.constant 0 : i32
      %dma_start3A_1344 = arith.constant 0 : i32
      %dma_start3A_1345 = tpu.memref_slice %arg8[%dma_start3A_1343, %dma_start3A_1344] : memref<256x128xf32, #tpu.memory_space<vmem>> -> memref<256x64xf32, #tpu.memory_space<vmem>>
      %dma_start3A_1346 = arith.constant 0 : i32
      %dma_start3A_1347 = tpu.memref_slice %arg5[%select_n3A, %add3A_1318, %dma_start3A_1346] : memref<4x8192x64xf32, #tpu.memory_space<hbm>> -> memref<1x256x64xf32, #tpu.memory_space<hbm>>
      %dma_start3A_1348 = tpu.memref_squeeze %dma_start3A_1347 : memref<1x256x64xf32, #tpu.memory_space<hbm>> -> memref<256x64xf32, #tpu.memory_space<hbm>>
      %dma_start3A_1349 = arith.constant 0 : i32
      %dma_start3A_1350 = tpu.memref_slice %arg5[%select_n3A, %add3A_1318, %dma_start3A_1349] : memref<4x8192x64xf32, #tpu.memory_space<hbm>> -> memref<1x256x64xf32, #tpu.memory_space<hbm>>
      %dma_start3A_1351 = tpu.memref_squeeze %dma_start3A_1350 : memref<1x256x64xf32, #tpu.memory_space<hbm>> -> memref<256x64xf32, #tpu.memory_space<hbm>>
      %dma_start3A_1352 = arith.constant 0 : i32
      %dma_start3A_1353 = arith.constant 0 : i32
      %dma_start3A_1354 = tpu.memref_slice %arg8[%dma_start3A_1352, %dma_start3A_1353] : memref<256x128xf32, #tpu.memory_space<vmem>> -> memref<256x64xf32, #tpu.memory_space<vmem>>
      tpu.enqueue_dma source(%dma_start3A_1354 : memref<256x64xf32, #tpu.memory_space<vmem>>) target(%dma_start3A_1351 : memref<256x64xf32, #tpu.memory_space<hbm>>) target_semaphore(%run_scoped3A : memref<!tpu.dma_semaphore, #tpu.memory_space<semaphore_mem>>)
      %dma_wait3A_1355 = arith.constant 0 : i32
      %dma_wait3A_1356 = arith.constant 0 : i32
      %dma_wait3A_1357 = tpu.memref_slice %arg8[%dma_wait3A_1355, %dma_wait3A_1356] : memref<256x128xf32, #tpu.memory_space<vmem>> -> memref<256x64xf32, #tpu.memory_space<vmem>>
      %dma_wait3A_1358 = arith.constant 0 : i32
      %dma_wait3A_1359 = tpu.memref_slice %arg5[%select_n3A, %add3A_1318, %dma_wait3A_1358] : memref<4x8192x64xf32, #tpu.memory_space<hbm>> -> memref<1x256x64xf32, #tpu.memory_space<hbm>>
      %dma_wait3A_1360 = tpu.memref_squeeze %dma_wait3A_1359 : memref<1x256x64xf32, #tpu.memory_space<hbm>> -> memref<256x64xf32, #tpu.memory_space<hbm>>
      %dma_wait3A_1361 = arith.constant 0 : i32
      %dma_wait3A_1362 = tpu.memref_slice %arg5[%select_n3A, %add3A_1318, %dma_wait3A_1361] : memref<4x8192x64xf32, #tpu.memory_space<hbm>> -> memref<1x256x64xf32, #tpu.memory_space<hbm>>
      %dma_wait3A_1363 = tpu.memref_squeeze %dma_wait3A_1362 : memref<1x256x64xf32, #tpu.memory_space<hbm>> -> memref<256x64xf32, #tpu.memory_space<hbm>>
      %dma_wait3A_1364 = arith.constant 0 : i32
      %dma_wait3A_1365 = arith.constant 0 : i32
      %dma_wait3A_1366 = tpu.memref_slice %arg8[%dma_wait3A_1364, %dma_wait3A_1365] : memref<256x128xf32, #tpu.memory_space<vmem>> -> memref<256x64xf32, #tpu.memory_space<vmem>>
      tpu.wait_dma2 semaphore(%run_scoped3A : memref<!tpu.dma_semaphore, #tpu.memory_space<semaphore_mem>>) src(%dma_wait3A_1366 : memref<256x64xf32, #tpu.memory_space<vmem>>) dst(%dma_wait3A_1363 : memref<256x64xf32, #tpu.memory_space<hbm>>)
      tpu.yield
    }) : () -> ()
    %dma_wait3A_1319 = arith.constant 0 : i32
    %dma_wait3A_1320 = arith.constant 0 : i32
    %dma_wait3A_1321 = tpu.memref_slice %arg9[%dma_wait3A_1319, %dma_wait3A_1320] : memref<256x128xf32, #tpu.memory_space<vmem>> -> memref<128x128xf32, #tpu.memory_space<vmem>>
    %dma_wait3A_1322 = arith.constant 768 : i32
    %dma_wait3A_1323 = tpu.memref_slice %arg6[%dma_wait3A_1322] : memref<1024xi32, #tpu.memory_space<vmem>> -> memref<128xi32, #tpu.memory_space<vmem>>
    %dma_wait3A_1324 = arith.constant 0 : i32
    %dma_wait3A_1325 = arith.constant 0 : i32
    %dma_wait3A_1326 = tpu.memref_slice %arg2[%dma_wait3A_1324, %dma_wait3A_1325] : memref<100000x128xf32, #tpu.memory_space<hbm>> -> memref<100000x128xf32, #tpu.memory_space<hbm>>
    tpu.wait_indirect_dma semaphore(%arg11 : memref<!tpu.dma_semaphore, #tpu.memory_space<semaphore_mem>>) src(%dma_wait3A_1326 : memref<100000x128xf32, #tpu.memory_space<hbm>>) dst(%dma_wait3A_1321 : memref<128x128xf32, #tpu.memory_space<vmem>>)
    %dma_wait3A_1327 = arith.constant 128 : i32
    %dma_wait3A_1328 = arith.constant 0 : i32
    %dma_wait3A_1329 = tpu.memref_slice %arg9[%dma_wait3A_1327, %dma_wait3A_1328] : memref<256x128xf32, #tpu.memory_space<vmem>> -> memref<128x128xf32, #tpu.memory_space<vmem>>
    %dma_wait3A_1330 = arith.constant 896 : i32
    %dma_wait3A_1331 = tpu.memref_slice %arg6[%dma_wait3A_1330] : memref<1024xi32, #tpu.memory_space<vmem>> -> memref<128xi32, #tpu.memory_space<vmem>>
    %dma_wait3A_1332 = arith.constant 0 : i32
    %dma_wait3A_1333 = arith.constant 0 : i32
    %dma_wait3A_1334 = tpu.memref_slice %arg2[%dma_wait3A_1332, %dma_wait3A_1333] : memref<100000x128xf32, #tpu.memory_space<hbm>> -> memref<100000x128xf32, #tpu.memory_space<hbm>>
    tpu.wait_indirect_dma semaphore(%arg11 : memref<!tpu.dma_semaphore, #tpu.memory_space<semaphore_mem>>) src(%dma_wait3A_1334 : memref<100000x128xf32, #tpu.memory_space<hbm>>) dst(%dma_wait3A_1329 : memref<128x128xf32, #tpu.memory_space<vmem>>)
    %scan3A_1335 = arith.constant 0 : i32
    %scan3A_1336 = arith.constant 0 : i32
    %scan3A_1337 = arith.constant 16 : i32
    %scan3A_1338 = arith.addi %scan3A_1336, %scan3A_1337 : i32
    %scan3A_1339 = arith.constant 1 : i32
    scf.for %scan3A_1343 = %scan3A_1336 to %scan3A_1338 step %scan3A_1339  : i32 {
      %mul3A_1344 = arith.constant 16 : i32
      %mul3A_1345 = arith.muli %scan3A_1343, %mul3A_1344 : i32
      %add3A_1346 = arith.constant 768 : i32
      %add3A_1347 = arith.addi %add3A_1346, %mul3A_1345 : i32
      %get3A_1348 = arith.index_cast %add3A_1347 : i32 to index
      %get3A_1349 = tpu.vector_load %arg7[%get3A_1348] {strides = array<i32>} : memref<1024xi32, #tpu.memory_space<vmem>>, vector<16xi32>,
      %get3A_1350 = vector.shape_cast %get3A_1349 : vector<16xi32> to vector<16xi32>
      %slice3A = vector.extract_strided_slice %get3A_1350 {offsets = [0], sizes = [1], strides = [1]} : vector<16xi32> to vector<1xi32>
      %squeeze3A = vector.extract %slice3A[0] : i32 from vector<1xi32>
      %ne3A_1351 = arith.constant 0 : i32
      %ne3A_1352 = arith.cmpi ne, %squeeze3A, %ne3A_1351 : i32
      %convert_element_type3A = arith.extui %ne3A_1352 : i1 to i32
      %cond3A = arith.constant 0 : i32
      %cond3A_1353 = arith.cmpi ne, %convert_element_type3A, %cond3A : i32
      scf.if %cond3A_1353 {
        %mul3A_1459 = arith.constant 16 : i32
        %mul3A_1460 = arith.muli %scan3A_1343, %mul3A_1459 : i32
        %add3A_1461 = arith.constant 0 : i32
        %add3A_1462 = arith.addi %mul3A_1460, %add3A_1461 : i32
        %swap3A_1463 = arith.index_cast %add3A_1462 : i32 to index
        %swap3A_1464 = arith.constant 0 : index
        %swap3A_1465 = tpu.vector_load %arg9[%swap3A_1463, %swap3A_1464] {strides = array<i32>} : memref<256x128xf32, #tpu.memory_space<vmem>>, vector<1x16xf32>,
        %swap3A_1466 = vector.shape_cast %swap3A_1465 : vector<1x16xf32> to vector<16xf32>
        %swap3A_1467 = vector.shape_cast %broadcast_in_dim3A_35 : vector<16xf32> to vector<1x16xf32>
        tpu.vector_store %arg9[%swap3A_1463, %swap3A_1464], %swap3A_1467 {strides = array<i32>} : memref<256x128xf32, #tpu.memory_space<vmem>>, vector<1x16xf32>,
        %swap3A_1468 = arith.index_cast %add3A_1462 : i32 to index
        %swap3A_1469 = arith.constant 16 : index
        %swap3A_1470 = tpu.vector_load %arg9[%swap3A_1468, %swap3A_1469] {strides = array<i32>} : memref<256x128xf32, #tpu.memory_space<vmem>>, vector<1x16xf32>,
        %swap3A_1471 = vector.shape_cast %swap3A_1470 : vector<1x16xf32> to vector<16xf32>
        %swap3A_1472 = vector.shape_cast %broadcast_in_dim3A_35 : vector<16xf32> to vector<1x16xf32>
        tpu.vector_store %arg9[%swap3A_1468, %swap3A_1469], %swap3A_1472 {strides = array<i32>} : memref<256x128xf32, #tpu.memory_space<vmem>>, vector<1x16xf32>,
        %swap3A_1473 = arith.index_cast %add3A_1462 : i32 to index
        %swap3A_1474 = arith.constant 32 : index
        %swap3A_1475 = tpu.vector_load %arg9[%swap3A_1473, %swap3A_1474] {strides = array<i32>} : memref<256x128xf32, #tpu.memory_space<vmem>>, vector<1x16xf32>,
        %swap3A_1476 = vector.shape_cast %swap3A_1475 : vector<1x16xf32> to vector<16xf32>
        %swap3A_1477 = vector.shape_cast %broadcast_in_dim3A_35 : vector<16xf32> to vector<1x16xf32>
        tpu.vector_store %arg9[%swap3A_1473, %swap3A_1474], %swap3A_1477 {strides = array<i32>} : memref<256x128xf32, #tpu.memory_space<vmem>>, vector<1x16xf32>,
        %swap3A_1478 = arith.index_cast %add3A_1462 : i32 to index
        %swap3A_1479 = arith.constant 48 : index
        %swap3A_1480 = tpu.vector_load %arg9[%swap3A_1478, %swap3A_1479] {strides = array<i32>} : memref<256x128xf32, #tpu.memory_space<vmem>>, vector<1x16xf32>,
        %swap3A_1481 = vector.shape_cast %swap3A_1480 : vector<1x16xf32> to vector<16xf32>
        %swap3A_1482 = vector.shape_cast %broadcast_in_dim3A_35 : vector<16xf32> to vector<1x16xf32>
        tpu.vector_store %arg9[%swap3A_1478, %swap3A_1479], %swap3A_1482 {strides = array<i32>} : memref<256x128xf32, #tpu.memory_space<vmem>>, vector<1x16xf32>,
      } else {
      }
      %slice3A_1354 = vector.extract_strided_slice %get3A_1350 {offsets = [1], sizes = [1], strides = [1]} : vector<16xi32> to vector<1xi32>
      %squeeze3A_1355 = vector.extract %slice3A_1354[0] : i32 from vector<1xi32>
      %ne3A_1356 = arith.constant 0 : i32
      %ne3A_1357 = arith.cmpi ne, %squeeze3A_1355, %ne3A_1356 : i32
      %convert_element_type3A_1358 = arith.extui %ne3A_1357 : i1 to i32
      %cond3A_1359 = arith.constant 0 : i32
      %cond3A_1360 = arith.cmpi ne, %convert_element_type3A_1358, %cond3A_1359 : i32
      scf.if %cond3A_1360 {
        %mul3A_1459 = arith.constant 16 : i32
        %mul3A_1460 = arith.muli %scan3A_1343, %mul3A_1459 : i32
        %add3A_1461 = arith.constant 1 : i32
        %add3A_1462 = arith.addi %mul3A_1460, %add3A_1461 : i32
        %swap3A_1463 = arith.index_cast %add3A_1462 : i32 to index
        %swap3A_1464 = arith.constant 0 : index
        %swap3A_1465 = tpu.vector_load %arg9[%swap3A_1463, %swap3A_1464] {strides = array<i32>} : memref<256x128xf32, #tpu.memory_space<vmem>>, vector<1x16xf32>,
        %swap3A_1466 = vector.shape_cast %swap3A_1465 : vector<1x16xf32> to vector<16xf32>
        %swap3A_1467 = vector.shape_cast %broadcast_in_dim3A_35 : vector<16xf32> to vector<1x16xf32>
        tpu.vector_store %arg9[%swap3A_1463, %swap3A_1464], %swap3A_1467 {strides = array<i32>} : memref<256x128xf32, #tpu.memory_space<vmem>>, vector<1x16xf32>,
        %swap3A_1468 = arith.index_cast %add3A_1462 : i32 to index
        %swap3A_1469 = arith.constant 16 : index
        %swap3A_1470 = tpu.vector_load %arg9[%swap3A_1468, %swap3A_1469] {strides = array<i32>} : memref<256x128xf32, #tpu.memory_space<vmem>>, vector<1x16xf32>,
        %swap3A_1471 = vector.shape_cast %swap3A_1470 : vector<1x16xf32> to vector<16xf32>
        %swap3A_1472 = vector.shape_cast %broadcast_in_dim3A_35 : vector<16xf32> to vector<1x16xf32>
        tpu.vector_store %arg9[%swap3A_1468, %swap3A_1469], %swap3A_1472 {strides = array<i32>} : memref<256x128xf32, #tpu.memory_space<vmem>>, vector<1x16xf32>,
        %swap3A_1473 = arith.index_cast %add3A_1462 : i32 to index
        %swap3A_1474 = arith.constant 32 : index
        %swap3A_1475 = tpu.vector_load %arg9[%swap3A_1473, %swap3A_1474] {strides = array<i32>} : memref<256x128xf32, #tpu.memory_space<vmem>>, vector<1x16xf32>,
        %swap3A_1476 = vector.shape_cast %swap3A_1475 : vector<1x16xf32> to vector<16xf32>
        %swap3A_1477 = vector.shape_cast %broadcast_in_dim3A_35 : vector<16xf32> to vector<1x16xf32>
        tpu.vector_store %arg9[%swap3A_1473, %swap3A_1474], %swap3A_1477 {strides = array<i32>} : memref<256x128xf32, #tpu.memory_space<vmem>>, vector<1x16xf32>,
        %swap3A_1478 = arith.index_cast %add3A_1462 : i32 to index
        %swap3A_1479 = arith.constant 48 : index
        %swap3A_1480 = tpu.vector_load %arg9[%swap3A_1478, %swap3A_1479] {strides = array<i32>} : memref<256x128xf32, #tpu.memory_space<vmem>>, vector<1x16xf32>,
        %swap3A_1481 = vector.shape_cast %swap3A_1480 : vector<1x16xf32> to vector<16xf32>
        %swap3A_1482 = vector.shape_cast %broadcast_in_dim3A_35 : vector<16xf32> to vector<1x16xf32>
        tpu.vector_store %arg9[%swap3A_1478, %swap3A_1479], %swap3A_1482 {strides = array<i32>} : memref<256x128xf32, #tpu.memory_space<vmem>>, vector<1x16xf32>,
      } else {
      }
      %slice3A_1361 = vector.extract_strided_slice %get3A_1350 {offsets = [2], sizes = [1], strides = [1]} : vector<16xi32> to vector<1xi32>
      %squeeze3A_1362 = vector.extract %slice3A_1361[0] : i32 from vector<1xi32>
      %ne3A_1363 = arith.constant 0 : i32
      %ne3A_1364 = arith.cmpi ne, %squeeze3A_1362, %ne3A_1363 : i32
      %convert_element_type3A_1365 = arith.extui %ne3A_1364 : i1 to i32
      %cond3A_1366 = arith.constant 0 : i32
      %cond3A_1367 = arith.cmpi ne, %convert_element_type3A_1365, %cond3A_1366 : i32
      scf.if %cond3A_1367 {
        %mul3A_1459 = arith.constant 16 : i32
        %mul3A_1460 = arith.muli %scan3A_1343, %mul3A_1459 : i32
        %add3A_1461 = arith.constant 2 : i32
        %add3A_1462 = arith.addi %mul3A_1460, %add3A_1461 : i32
        %swap3A_1463 = arith.index_cast %add3A_1462 : i32 to index
        %swap3A_1464 = arith.constant 0 : index
        %swap3A_1465 = tpu.vector_load %arg9[%swap3A_1463, %swap3A_1464] {strides = array<i32>} : memref<256x128xf32, #tpu.memory_space<vmem>>, vector<1x16xf32>,
        %swap3A_1466 = vector.shape_cast %swap3A_1465 : vector<1x16xf32> to vector<16xf32>
        %swap3A_1467 = vector.shape_cast %broadcast_in_dim3A_35 : vector<16xf32> to vector<1x16xf32>
        tpu.vector_store %arg9[%swap3A_1463, %swap3A_1464], %swap3A_1467 {strides = array<i32>} : memref<256x128xf32, #tpu.memory_space<vmem>>, vector<1x16xf32>,
        %swap3A_1468 = arith.index_cast %add3A_1462 : i32 to index
        %swap3A_1469 = arith.constant 16 : index
        %swap3A_1470 = tpu.vector_load %arg9[%swap3A_1468, %swap3A_1469] {strides = array<i32>} : memref<256x128xf32, #tpu.memory_space<vmem>>, vector<1x16xf32>,
        %swap3A_1471 = vector.shape_cast %swap3A_1470 : vector<1x16xf32> to vector<16xf32>
        %swap3A_1472 = vector.shape_cast %broadcast_in_dim3A_35 : vector<16xf32> to vector<1x16xf32>
        tpu.vector_store %arg9[%swap3A_1468, %swap3A_1469], %swap3A_1472 {strides = array<i32>} : memref<256x128xf32, #tpu.memory_space<vmem>>, vector<1x16xf32>,
        %swap3A_1473 = arith.index_cast %add3A_1462 : i32 to index
        %swap3A_1474 = arith.constant 32 : index
        %swap3A_1475 = tpu.vector_load %arg9[%swap3A_1473, %swap3A_1474] {strides = array<i32>} : memref<256x128xf32, #tpu.memory_space<vmem>>, vector<1x16xf32>,
        %swap3A_1476 = vector.shape_cast %swap3A_1475 : vector<1x16xf32> to vector<16xf32>
        %swap3A_1477 = vector.shape_cast %broadcast_in_dim3A_35 : vector<16xf32> to vector<1x16xf32>
        tpu.vector_store %arg9[%swap3A_1473, %swap3A_1474], %swap3A_1477 {strides = array<i32>} : memref<256x128xf32, #tpu.memory_space<vmem>>, vector<1x16xf32>,
        %swap3A_1478 = arith.index_cast %add3A_1462 : i32 to index
        %swap3A_1479 = arith.constant 48 : index
        %swap3A_1480 = tpu.vector_load %arg9[%swap3A_1478, %swap3A_1479] {strides = array<i32>} : memref<256x128xf32, #tpu.memory_space<vmem>>, vector<1x16xf32>,
        %swap3A_1481 = vector.shape_cast %swap3A_1480 : vector<1x16xf32> to vector<16xf32>
        %swap3A_1482 = vector.shape_cast %broadcast_in_dim3A_35 : vector<16xf32> to vector<1x16xf32>
        tpu.vector_store %arg9[%swap3A_1478, %swap3A_1479], %swap3A_1482 {strides = array<i32>} : memref<256x128xf32, #tpu.memory_space<vmem>>, vector<1x16xf32>,
      } else {
      }
      %slice3A_1368 = vector.extract_strided_slice %get3A_1350 {offsets = [3], sizes = [1], strides = [1]} : vector<16xi32> to vector<1xi32>
      %squeeze3A_1369 = vector.extract %slice3A_1368[0] : i32 from vector<1xi32>
      %ne3A_1370 = arith.constant 0 : i32
      %ne3A_1371 = arith.cmpi ne, %squeeze3A_1369, %ne3A_1370 : i32
      %convert_element_type3A_1372 = arith.extui %ne3A_1371 : i1 to i32
      %cond3A_1373 = arith.constant 0 : i32
      %cond3A_1374 = arith.cmpi ne, %convert_element_type3A_1372, %cond3A_1373 : i32
      scf.if %cond3A_1374 {
        %mul3A_1459 = arith.constant 16 : i32
        %mul3A_1460 = arith.muli %scan3A_1343, %mul3A_1459 : i32
        %add3A_1461 = arith.constant 3 : i32
        %add3A_1462 = arith.addi %mul3A_1460, %add3A_1461 : i32
        %swap3A_1463 = arith.index_cast %add3A_1462 : i32 to index
        %swap3A_1464 = arith.constant 0 : index
        %swap3A_1465 = tpu.vector_load %arg9[%swap3A_1463, %swap3A_1464] {strides = array<i32>} : memref<256x128xf32, #tpu.memory_space<vmem>>, vector<1x16xf32>,
        %swap3A_1466 = vector.shape_cast %swap3A_1465 : vector<1x16xf32> to vector<16xf32>
        %swap3A_1467 = vector.shape_cast %broadcast_in_dim3A_35 : vector<16xf32> to vector<1x16xf32>
        tpu.vector_store %arg9[%swap3A_1463, %swap3A_1464], %swap3A_1467 {strides = array<i32>} : memref<256x128xf32, #tpu.memory_space<vmem>>, vector<1x16xf32>,
        %swap3A_1468 = arith.index_cast %add3A_1462 : i32 to index
        %swap3A_1469 = arith.constant 16 : index
        %swap3A_1470 = tpu.vector_load %arg9[%swap3A_1468, %swap3A_1469] {strides = array<i32>} : memref<256x128xf32, #tpu.memory_space<vmem>>, vector<1x16xf32>,
        %swap3A_1471 = vector.shape_cast %swap3A_1470 : vector<1x16xf32> to vector<16xf32>
        %swap3A_1472 = vector.shape_cast %broadcast_in_dim3A_35 : vector<16xf32> to vector<1x16xf32>
        tpu.vector_store %arg9[%swap3A_1468, %swap3A_1469], %swap3A_1472 {strides = array<i32>} : memref<256x128xf32, #tpu.memory_space<vmem>>, vector<1x16xf32>,
        %swap3A_1473 = arith.index_cast %add3A_1462 : i32 to index
        %swap3A_1474 = arith.constant 32 : index
        %swap3A_1475 = tpu.vector_load %arg9[%swap3A_1473, %swap3A_1474] {strides = array<i32>} : memref<256x128xf32, #tpu.memory_space<vmem>>, vector<1x16xf32>,
        %swap3A_1476 = vector.shape_cast %swap3A_1475 : vector<1x16xf32> to vector<16xf32>
        %swap3A_1477 = vector.shape_cast %broadcast_in_dim3A_35 : vector<16xf32> to vector<1x16xf32>
        tpu.vector_store %arg9[%swap3A_1473, %swap3A_1474], %swap3A_1477 {strides = array<i32>} : memref<256x128xf32, #tpu.memory_space<vmem>>, vector<1x16xf32>,
        %swap3A_1478 = arith.index_cast %add3A_1462 : i32 to index
        %swap3A_1479 = arith.constant 48 : index
        %swap3A_1480 = tpu.vector_load %arg9[%swap3A_1478, %swap3A_1479] {strides = array<i32>} : memref<256x128xf32, #tpu.memory_space<vmem>>, vector<1x16xf32>,
        %swap3A_1481 = vector.shape_cast %swap3A_1480 : vector<1x16xf32> to vector<16xf32>
        %swap3A_1482 = vector.shape_cast %broadcast_in_dim3A_35 : vector<16xf32> to vector<1x16xf32>
        tpu.vector_store %arg9[%swap3A_1478, %swap3A_1479], %swap3A_1482 {strides = array<i32>} : memref<256x128xf32, #tpu.memory_space<vmem>>, vector<1x16xf32>,
      } else {
      }
      %slice3A_1375 = vector.extract_strided_slice %get3A_1350 {offsets = [4], sizes = [1], strides = [1]} : vector<16xi32> to vector<1xi32>
      %squeeze3A_1376 = vector.extract %slice3A_1375[0] : i32 from vector<1xi32>
      %ne3A_1377 = arith.constant 0 : i32
      %ne3A_1378 = arith.cmpi ne, %squeeze3A_1376, %ne3A_1377 : i32
      %convert_element_type3A_1379 = arith.extui %ne3A_1378 : i1 to i32
      %cond3A_1380 = arith.constant 0 : i32
      %cond3A_1381 = arith.cmpi ne, %convert_element_type3A_1379, %cond3A_1380 : i32
      scf.if %cond3A_1381 {
        %mul3A_1459 = arith.constant 16 : i32
        %mul3A_1460 = arith.muli %scan3A_1343, %mul3A_1459 : i32
        %add3A_1461 = arith.constant 4 : i32
        %add3A_1462 = arith.addi %mul3A_1460, %add3A_1461 : i32
        %swap3A_1463 = arith.index_cast %add3A_1462 : i32 to index
        %swap3A_1464 = arith.constant 0 : index
        %swap3A_1465 = tpu.vector_load %arg9[%swap3A_1463, %swap3A_1464] {strides = array<i32>} : memref<256x128xf32, #tpu.memory_space<vmem>>, vector<1x16xf32>,
        %swap3A_1466 = vector.shape_cast %swap3A_1465 : vector<1x16xf32> to vector<16xf32>
        %swap3A_1467 = vector.shape_cast %broadcast_in_dim3A_35 : vector<16xf32> to vector<1x16xf32>
        tpu.vector_store %arg9[%swap3A_1463, %swap3A_1464], %swap3A_1467 {strides = array<i32>} : memref<256x128xf32, #tpu.memory_space<vmem>>, vector<1x16xf32>,
        %swap3A_1468 = arith.index_cast %add3A_1462 : i32 to index
        %swap3A_1469 = arith.constant 16 : index
        %swap3A_1470 = tpu.vector_load %arg9[%swap3A_1468, %swap3A_1469] {strides = array<i32>} : memref<256x128xf32, #tpu.memory_space<vmem>>, vector<1x16xf32>,
        %swap3A_1471 = vector.shape_cast %swap3A_1470 : vector<1x16xf32> to vector<16xf32>
        %swap3A_1472 = vector.shape_cast %broadcast_in_dim3A_35 : vector<16xf32> to vector<1x16xf32>
        tpu.vector_store %arg9[%swap3A_1468, %swap3A_1469], %swap3A_1472 {strides = array<i32>} : memref<256x128xf32, #tpu.memory_space<vmem>>, vector<1x16xf32>,
        %swap3A_1473 = arith.index_cast %add3A_1462 : i32 to index
        %swap3A_1474 = arith.constant 32 : index
        %swap3A_1475 = tpu.vector_load %arg9[%swap3A_1473, %swap3A_1474] {strides = array<i32>} : memref<256x128xf32, #tpu.memory_space<vmem>>, vector<1x16xf32>,
        %swap3A_1476 = vector.shape_cast %swap3A_1475 : vector<1x16xf32> to vector<16xf32>
        %swap3A_1477 = vector.shape_cast %broadcast_in_dim3A_35 : vector<16xf32> to vector<1x16xf32>
        tpu.vector_store %arg9[%swap3A_1473, %swap3A_1474], %swap3A_1477 {strides = array<i32>} : memref<256x128xf32, #tpu.memory_space<vmem>>, vector<1x16xf32>,
        %swap3A_1478 = arith.index_cast %add3A_1462 : i32 to index
        %swap3A_1479 = arith.constant 48 : index
        %swap3A_1480 = tpu.vector_load %arg9[%swap3A_1478, %swap3A_1479] {strides = array<i32>} : memref<256x128xf32, #tpu.memory_space<vmem>>, vector<1x16xf32>,
        %swap3A_1481 = vector.shape_cast %swap3A_1480 : vector<1x16xf32> to vector<16xf32>
        %swap3A_1482 = vector.shape_cast %broadcast_in_dim3A_35 : vector<16xf32> to vector<1x16xf32>
        tpu.vector_store %arg9[%swap3A_1478, %swap3A_1479], %swap3A_1482 {strides = array<i32>} : memref<256x128xf32, #tpu.memory_space<vmem>>, vector<1x16xf32>,
      } else {
      }
      %slice3A_1382 = vector.extract_strided_slice %get3A_1350 {offsets = [5], sizes = [1], strides = [1]} : vector<16xi32> to vector<1xi32>
      %squeeze3A_1383 = vector.extract %slice3A_1382[0] : i32 from vector<1xi32>
      %ne3A_1384 = arith.constant 0 : i32
      %ne3A_1385 = arith.cmpi ne, %squeeze3A_1383, %ne3A_1384 : i32
      %convert_element_type3A_1386 = arith.extui %ne3A_1385 : i1 to i32
      %cond3A_1387 = arith.constant 0 : i32
      %cond3A_1388 = arith.cmpi ne, %convert_element_type3A_1386, %cond3A_1387 : i32
      scf.if %cond3A_1388 {
        %mul3A_1459 = arith.constant 16 : i32
        %mul3A_1460 = arith.muli %scan3A_1343, %mul3A_1459 : i32
        %add3A_1461 = arith.constant 5 : i32
        %add3A_1462 = arith.addi %mul3A_1460, %add3A_1461 : i32
        %swap3A_1463 = arith.index_cast %add3A_1462 : i32 to index
        %swap3A_1464 = arith.constant 0 : index
        %swap3A_1465 = tpu.vector_load %arg9[%swap3A_1463, %swap3A_1464] {strides = array<i32>} : memref<256x128xf32, #tpu.memory_space<vmem>>, vector<1x16xf32>,
        %swap3A_1466 = vector.shape_cast %swap3A_1465 : vector<1x16xf32> to vector<16xf32>
        %swap3A_1467 = vector.shape_cast %broadcast_in_dim3A_35 : vector<16xf32> to vector<1x16xf32>
        tpu.vector_store %arg9[%swap3A_1463, %swap3A_1464], %swap3A_1467 {strides = array<i32>} : memref<256x128xf32, #tpu.memory_space<vmem>>, vector<1x16xf32>,
        %swap3A_1468 = arith.index_cast %add3A_1462 : i32 to index
        %swap3A_1469 = arith.constant 16 : index
        %swap3A_1470 = tpu.vector_load %arg9[%swap3A_1468, %swap3A_1469] {strides = array<i32>} : memref<256x128xf32, #tpu.memory_space<vmem>>, vector<1x16xf32>,
        %swap3A_1471 = vector.shape_cast %swap3A_1470 : vector<1x16xf32> to vector<16xf32>
        %swap3A_1472 = vector.shape_cast %broadcast_in_dim3A_35 : vector<16xf32> to vector<1x16xf32>
        tpu.vector_store %arg9[%swap3A_1468, %swap3A_1469], %swap3A_1472 {strides = array<i32>} : memref<256x128xf32, #tpu.memory_space<vmem>>, vector<1x16xf32>,
        %swap3A_1473 = arith.index_cast %add3A_1462 : i32 to index
        %swap3A_1474 = arith.constant 32 : index
        %swap3A_1475 = tpu.vector_load %arg9[%swap3A_1473, %swap3A_1474] {strides = array<i32>} : memref<256x128xf32, #tpu.memory_space<vmem>>, vector<1x16xf32>,
        %swap3A_1476 = vector.shape_cast %swap3A_1475 : vector<1x16xf32> to vector<16xf32>
        %swap3A_1477 = vector.shape_cast %broadcast_in_dim3A_35 : vector<16xf32> to vector<1x16xf32>
        tpu.vector_store %arg9[%swap3A_1473, %swap3A_1474], %swap3A_1477 {strides = array<i32>} : memref<256x128xf32, #tpu.memory_space<vmem>>, vector<1x16xf32>,
        %swap3A_1478 = arith.index_cast %add3A_1462 : i32 to index
        %swap3A_1479 = arith.constant 48 : index
        %swap3A_1480 = tpu.vector_load %arg9[%swap3A_1478, %swap3A_1479] {strides = array<i32>} : memref<256x128xf32, #tpu.memory_space<vmem>>, vector<1x16xf32>,
        %swap3A_1481 = vector.shape_cast %swap3A_1480 : vector<1x16xf32> to vector<16xf32>
        %swap3A_1482 = vector.shape_cast %broadcast_in_dim3A_35 : vector<16xf32> to vector<1x16xf32>
        tpu.vector_store %arg9[%swap3A_1478, %swap3A_1479], %swap3A_1482 {strides = array<i32>} : memref<256x128xf32, #tpu.memory_space<vmem>>, vector<1x16xf32>,
      } else {
      }
      %slice3A_1389 = vector.extract_strided_slice %get3A_1350 {offsets = [6], sizes = [1], strides = [1]} : vector<16xi32> to vector<1xi32>
      %squeeze3A_1390 = vector.extract %slice3A_1389[0] : i32 from vector<1xi32>
      %ne3A_1391 = arith.constant 0 : i32
      %ne3A_1392 = arith.cmpi ne, %squeeze3A_1390, %ne3A_1391 : i32
      %convert_element_type3A_1393 = arith.extui %ne3A_1392 : i1 to i32
      %cond3A_1394 = arith.constant 0 : i32
      %cond3A_1395 = arith.cmpi ne, %convert_element_type3A_1393, %cond3A_1394 : i32
      scf.if %cond3A_1395 {
        %mul3A_1459 = arith.constant 16 : i32
        %mul3A_1460 = arith.muli %scan3A_1343, %mul3A_1459 : i32
        %add3A_1461 = arith.constant 6 : i32
        %add3A_1462 = arith.addi %mul3A_1460, %add3A_1461 : i32
        %swap3A_1463 = arith.index_cast %add3A_1462 : i32 to index
        %swap3A_1464 = arith.constant 0 : index
        %swap3A_1465 = tpu.vector_load %arg9[%swap3A_1463, %swap3A_1464] {strides = array<i32>} : memref<256x128xf32, #tpu.memory_space<vmem>>, vector<1x16xf32>,
        %swap3A_1466 = vector.shape_cast %swap3A_1465 : vector<1x16xf32> to vector<16xf32>
        %swap3A_1467 = vector.shape_cast %broadcast_in_dim3A_35 : vector<16xf32> to vector<1x16xf32>
        tpu.vector_store %arg9[%swap3A_1463, %swap3A_1464], %swap3A_1467 {strides = array<i32>} : memref<256x128xf32, #tpu.memory_space<vmem>>, vector<1x16xf32>,
        %swap3A_1468 = arith.index_cast %add3A_1462 : i32 to index
        %swap3A_1469 = arith.constant 16 : index
        %swap3A_1470 = tpu.vector_load %arg9[%swap3A_1468, %swap3A_1469] {strides = array<i32>} : memref<256x128xf32, #tpu.memory_space<vmem>>, vector<1x16xf32>,
        %swap3A_1471 = vector.shape_cast %swap3A_1470 : vector<1x16xf32> to vector<16xf32>
        %swap3A_1472 = vector.shape_cast %broadcast_in_dim3A_35 : vector<16xf32> to vector<1x16xf32>
        tpu.vector_store %arg9[%swap3A_1468, %swap3A_1469], %swap3A_1472 {strides = array<i32>} : memref<256x128xf32, #tpu.memory_space<vmem>>, vector<1x16xf32>,
        %swap3A_1473 = arith.index_cast %add3A_1462 : i32 to index
        %swap3A_1474 = arith.constant 32 : index
        %swap3A_1475 = tpu.vector_load %arg9[%swap3A_1473, %swap3A_1474] {strides = array<i32>} : memref<256x128xf32, #tpu.memory_space<vmem>>, vector<1x16xf32>,
        %swap3A_1476 = vector.shape_cast %swap3A_1475 : vector<1x16xf32> to vector<16xf32>
        %swap3A_1477 = vector.shape_cast %broadcast_in_dim3A_35 : vector<16xf32> to vector<1x16xf32>
        tpu.vector_store %arg9[%swap3A_1473, %swap3A_1474], %swap3A_1477 {strides = array<i32>} : memref<256x128xf32, #tpu.memory_space<vmem>>, vector<1x16xf32>,
        %swap3A_1478 = arith.index_cast %add3A_1462 : i32 to index
        %swap3A_1479 = arith.constant 48 : index
        %swap3A_1480 = tpu.vector_load %arg9[%swap3A_1478, %swap3A_1479] {strides = array<i32>} : memref<256x128xf32, #tpu.memory_space<vmem>>, vector<1x16xf32>,
        %swap3A_1481 = vector.shape_cast %swap3A_1480 : vector<1x16xf32> to vector<16xf32>
        %swap3A_1482 = vector.shape_cast %broadcast_in_dim3A_35 : vector<16xf32> to vector<1x16xf32>
        tpu.vector_store %arg9[%swap3A_1478, %swap3A_1479], %swap3A_1482 {strides = array<i32>} : memref<256x128xf32, #tpu.memory_space<vmem>>, vector<1x16xf32>,
      } else {
      }
      %slice3A_1396 = vector.extract_strided_slice %get3A_1350 {offsets = [7], sizes = [1], strides = [1]} : vector<16xi32> to vector<1xi32>
      %squeeze3A_1397 = vector.extract %slice3A_1396[0] : i32 from vector<1xi32>
      %ne3A_1398 = arith.constant 0 : i32
      %ne3A_1399 = arith.cmpi ne, %squeeze3A_1397, %ne3A_1398 : i32
      %convert_element_type3A_1400 = arith.extui %ne3A_1399 : i1 to i32
      %cond3A_1401 = arith.constant 0 : i32
      %cond3A_1402 = arith.cmpi ne, %convert_element_type3A_1400, %cond3A_1401 : i32
      scf.if %cond3A_1402 {
        %mul3A_1459 = arith.constant 16 : i32
        %mul3A_1460 = arith.muli %scan3A_1343, %mul3A_1459 : i32
        %add3A_1461 = arith.constant 7 : i32
        %add3A_1462 = arith.addi %mul3A_1460, %add3A_1461 : i32
        %swap3A_1463 = arith.index_cast %add3A_1462 : i32 to index
        %swap3A_1464 = arith.constant 0 : index
        %swap3A_1465 = tpu.vector_load %arg9[%swap3A_1463, %swap3A_1464] {strides = array<i32>} : memref<256x128xf32, #tpu.memory_space<vmem>>, vector<1x16xf32>,
        %swap3A_1466 = vector.shape_cast %swap3A_1465 : vector<1x16xf32> to vector<16xf32>
        %swap3A_1467 = vector.shape_cast %broadcast_in_dim3A_35 : vector<16xf32> to vector<1x16xf32>
        tpu.vector_store %arg9[%swap3A_1463, %swap3A_1464], %swap3A_1467 {strides = array<i32>} : memref<256x128xf32, #tpu.memory_space<vmem>>, vector<1x16xf32>,
        %swap3A_1468 = arith.index_cast %add3A_1462 : i32 to index
        %swap3A_1469 = arith.constant 16 : index
        %swap3A_1470 = tpu.vector_load %arg9[%swap3A_1468, %swap3A_1469] {strides = array<i32>} : memref<256x128xf32, #tpu.memory_space<vmem>>, vector<1x16xf32>,
        %swap3A_1471 = vector.shape_cast %swap3A_1470 : vector<1x16xf32> to vector<16xf32>
        %swap3A_1472 = vector.shape_cast %broadcast_in_dim3A_35 : vector<16xf32> to vector<1x16xf32>
        tpu.vector_store %arg9[%swap3A_1468, %swap3A_1469], %swap3A_1472 {strides = array<i32>} : memref<256x128xf32, #tpu.memory_space<vmem>>, vector<1x16xf32>,
        %swap3A_1473 = arith.index_cast %add3A_1462 : i32 to index
        %swap3A_1474 = arith.constant 32 : index
        %swap3A_1475 = tpu.vector_load %arg9[%swap3A_1473, %swap3A_1474] {strides = array<i32>} : memref<256x128xf32, #tpu.memory_space<vmem>>, vector<1x16xf32>,
        %swap3A_1476 = vector.shape_cast %swap3A_1475 : vector<1x16xf32> to vector<16xf32>
        %swap3A_1477 = vector.shape_cast %broadcast_in_dim3A_35 : vector<16xf32> to vector<1x16xf32>
        tpu.vector_store %arg9[%swap3A_1473, %swap3A_1474], %swap3A_1477 {strides = array<i32>} : memref<256x128xf32, #tpu.memory_space<vmem>>, vector<1x16xf32>,
        %swap3A_1478 = arith.index_cast %add3A_1462 : i32 to index
        %swap3A_1479 = arith.constant 48 : index
        %swap3A_1480 = tpu.vector_load %arg9[%swap3A_1478, %swap3A_1479] {strides = array<i32>} : memref<256x128xf32, #tpu.memory_space<vmem>>, vector<1x16xf32>,
        %swap3A_1481 = vector.shape_cast %swap3A_1480 : vector<1x16xf32> to vector<16xf32>
        %swap3A_1482 = vector.shape_cast %broadcast_in_dim3A_35 : vector<16xf32> to vector<1x16xf32>
        tpu.vector_store %arg9[%swap3A_1478, %swap3A_1479], %swap3A_1482 {strides = array<i32>} : memref<256x128xf32, #tpu.memory_space<vmem>>, vector<1x16xf32>,
      } else {
      }
      %slice3A_1403 = vector.extract_strided_slice %get3A_1350 {offsets = [8], sizes = [1], strides = [1]} : vector<16xi32> to vector<1xi32>
      %squeeze3A_1404 = vector.extract %slice3A_1403[0] : i32 from vector<1xi32>
      %ne3A_1405 = arith.constant 0 : i32
      %ne3A_1406 = arith.cmpi ne, %squeeze3A_1404, %ne3A_1405 : i32
      %convert_element_type3A_1407 = arith.extui %ne3A_1406 : i1 to i32
      %cond3A_1408 = arith.constant 0 : i32
      %cond3A_1409 = arith.cmpi ne, %convert_element_type3A_1407, %cond3A_1408 : i32
      scf.if %cond3A_1409 {
        %mul3A_1459 = arith.constant 16 : i32
        %mul3A_1460 = arith.muli %scan3A_1343, %mul3A_1459 : i32
        %add3A_1461 = arith.constant 8 : i32
        %add3A_1462 = arith.addi %mul3A_1460, %add3A_1461 : i32
        %swap3A_1463 = arith.index_cast %add3A_1462 : i32 to index
        %swap3A_1464 = arith.constant 0 : index
        %swap3A_1465 = tpu.vector_load %arg9[%swap3A_1463, %swap3A_1464] {strides = array<i32>} : memref<256x128xf32, #tpu.memory_space<vmem>>, vector<1x16xf32>,
        %swap3A_1466 = vector.shape_cast %swap3A_1465 : vector<1x16xf32> to vector<16xf32>
        %swap3A_1467 = vector.shape_cast %broadcast_in_dim3A_35 : vector<16xf32> to vector<1x16xf32>
        tpu.vector_store %arg9[%swap3A_1463, %swap3A_1464], %swap3A_1467 {strides = array<i32>} : memref<256x128xf32, #tpu.memory_space<vmem>>, vector<1x16xf32>,
        %swap3A_1468 = arith.index_cast %add3A_1462 : i32 to index
        %swap3A_1469 = arith.constant 16 : index
        %swap3A_1470 = tpu.vector_load %arg9[%swap3A_1468, %swap3A_1469] {strides = array<i32>} : memref<256x128xf32, #tpu.memory_space<vmem>>, vector<1x16xf32>,
        %swap3A_1471 = vector.shape_cast %swap3A_1470 : vector<1x16xf32> to vector<16xf32>
        %swap3A_1472 = vector.shape_cast %broadcast_in_dim3A_35 : vector<16xf32> to vector<1x16xf32>
        tpu.vector_store %arg9[%swap3A_1468, %swap3A_1469], %swap3A_1472 {strides = array<i32>} : memref<256x128xf32, #tpu.memory_space<vmem>>, vector<1x16xf32>,
        %swap3A_1473 = arith.index_cast %add3A_1462 : i32 to index
        %swap3A_1474 = arith.constant 32 : index
        %swap3A_1475 = tpu.vector_load %arg9[%swap3A_1473, %swap3A_1474] {strides = array<i32>} : memref<256x128xf32, #tpu.memory_space<vmem>>, vector<1x16xf32>,
        %swap3A_1476 = vector.shape_cast %swap3A_1475 : vector<1x16xf32> to vector<16xf32>
        %swap3A_1477 = vector.shape_cast %broadcast_in_dim3A_35 : vector<16xf32> to vector<1x16xf32>
        tpu.vector_store %arg9[%swap3A_1473, %swap3A_1474], %swap3A_1477 {strides = array<i32>} : memref<256x128xf32, #tpu.memory_space<vmem>>, vector<1x16xf32>,
        %swap3A_1478 = arith.index_cast %add3A_1462 : i32 to index
        %swap3A_1479 = arith.constant 48 : index
        %swap3A_1480 = tpu.vector_load %arg9[%swap3A_1478, %swap3A_1479] {strides = array<i32>} : memref<256x128xf32, #tpu.memory_space<vmem>>, vector<1x16xf32>,
        %swap3A_1481 = vector.shape_cast %swap3A_1480 : vector<1x16xf32> to vector<16xf32>
        %swap3A_1482 = vector.shape_cast %broadcast_in_dim3A_35 : vector<16xf32> to vector<1x16xf32>
        tpu.vector_store %arg9[%swap3A_1478, %swap3A_1479], %swap3A_1482 {strides = array<i32>} : memref<256x128xf32, #tpu.memory_space<vmem>>, vector<1x16xf32>,
      } else {
      }
      %slice3A_1410 = vector.extract_strided_slice %get3A_1350 {offsets = [9], sizes = [1], strides = [1]} : vector<16xi32> to vector<1xi32>
      %squeeze3A_1411 = vector.extract %slice3A_1410[0] : i32 from vector<1xi32>
      %ne3A_1412 = arith.constant 0 : i32
      %ne3A_1413 = arith.cmpi ne, %squeeze3A_1411, %ne3A_1412 : i32
      %convert_element_type3A_1414 = arith.extui %ne3A_1413 : i1 to i32
      %cond3A_1415 = arith.constant 0 : i32
      %cond3A_1416 = arith.cmpi ne, %convert_element_type3A_1414, %cond3A_1415 : i32
      scf.if %cond3A_1416 {
        %mul3A_1459 = arith.constant 16 : i32
        %mul3A_1460 = arith.muli %scan3A_1343, %mul3A_1459 : i32
        %add3A_1461 = arith.constant 9 : i32
        %add3A_1462 = arith.addi %mul3A_1460, %add3A_1461 : i32
        %swap3A_1463 = arith.index_cast %add3A_1462 : i32 to index
        %swap3A_1464 = arith.constant 0 : index
        %swap3A_1465 = tpu.vector_load %arg9[%swap3A_1463, %swap3A_1464] {strides = array<i32>} : memref<256x128xf32, #tpu.memory_space<vmem>>, vector<1x16xf32>,
        %swap3A_1466 = vector.shape_cast %swap3A_1465 : vector<1x16xf32> to vector<16xf32>
        %swap3A_1467 = vector.shape_cast %broadcast_in_dim3A_35 : vector<16xf32> to vector<1x16xf32>
        tpu.vector_store %arg9[%swap3A_1463, %swap3A_1464], %swap3A_1467 {strides = array<i32>} : memref<256x128xf32, #tpu.memory_space<vmem>>, vector<1x16xf32>,
        %swap3A_1468 = arith.index_cast %add3A_1462 : i32 to index
        %swap3A_1469 = arith.constant 16 : index
        %swap3A_1470 = tpu.vector_load %arg9[%swap3A_1468, %swap3A_1469] {strides = array<i32>} : memref<256x128xf32, #tpu.memory_space<vmem>>, vector<1x16xf32>,
        %swap3A_1471 = vector.shape_cast %swap3A_1470 : vector<1x16xf32> to vector<16xf32>
        %swap3A_1472 = vector.shape_cast %broadcast_in_dim3A_35 : vector<16xf32> to vector<1x16xf32>
        tpu.vector_store %arg9[%swap3A_1468, %swap3A_1469], %swap3A_1472 {strides = array<i32>} : memref<256x128xf32, #tpu.memory_space<vmem>>, vector<1x16xf32>,
        %swap3A_1473 = arith.index_cast %add3A_1462 : i32 to index
        %swap3A_1474 = arith.constant 32 : index
        %swap3A_1475 = tpu.vector_load %arg9[%swap3A_1473, %swap3A_1474] {strides = array<i32>} : memref<256x128xf32, #tpu.memory_space<vmem>>, vector<1x16xf32>,
        %swap3A_1476 = vector.shape_cast %swap3A_1475 : vector<1x16xf32> to vector<16xf32>
        %swap3A_1477 = vector.shape_cast %broadcast_in_dim3A_35 : vector<16xf32> to vector<1x16xf32>
        tpu.vector_store %arg9[%swap3A_1473, %swap3A_1474], %swap3A_1477 {strides = array<i32>} : memref<256x128xf32, #tpu.memory_space<vmem>>, vector<1x16xf32>,
        %swap3A_1478 = arith.index_cast %add3A_1462 : i32 to index
        %swap3A_1479 = arith.constant 48 : index
        %swap3A_1480 = tpu.vector_load %arg9[%swap3A_1478, %swap3A_1479] {strides = array<i32>} : memref<256x128xf32, #tpu.memory_space<vmem>>, vector<1x16xf32>,
        %swap3A_1481 = vector.shape_cast %swap3A_1480 : vector<1x16xf32> to vector<16xf32>
        %swap3A_1482 = vector.shape_cast %broadcast_in_dim3A_35 : vector<16xf32> to vector<1x16xf32>
        tpu.vector_store %arg9[%swap3A_1478, %swap3A_1479], %swap3A_1482 {strides = array<i32>} : memref<256x128xf32, #tpu.memory_space<vmem>>, vector<1x16xf32>,
      } else {
      }
      %slice3A_1417 = vector.extract_strided_slice %get3A_1350 {offsets = [10], sizes = [1], strides = [1]} : vector<16xi32> to vector<1xi32>
      %squeeze3A_1418 = vector.extract %slice3A_1417[0] : i32 from vector<1xi32>
      %ne3A_1419 = arith.constant 0 : i32
      %ne3A_1420 = arith.cmpi ne, %squeeze3A_1418, %ne3A_1419 : i32
      %convert_element_type3A_1421 = arith.extui %ne3A_1420 : i1 to i32
      %cond3A_1422 = arith.constant 0 : i32
      %cond3A_1423 = arith.cmpi ne, %convert_element_type3A_1421, %cond3A_1422 : i32
      scf.if %cond3A_1423 {
        %mul3A_1459 = arith.constant 16 : i32
        %mul3A_1460 = arith.muli %scan3A_1343, %mul3A_1459 : i32
        %add3A_1461 = arith.constant 10 : i32
        %add3A_1462 = arith.addi %mul3A_1460, %add3A_1461 : i32
        %swap3A_1463 = arith.index_cast %add3A_1462 : i32 to index
        %swap3A_1464 = arith.constant 0 : index
        %swap3A_1465 = tpu.vector_load %arg9[%swap3A_1463, %swap3A_1464] {strides = array<i32>} : memref<256x128xf32, #tpu.memory_space<vmem>>, vector<1x16xf32>,
        %swap3A_1466 = vector.shape_cast %swap3A_1465 : vector<1x16xf32> to vector<16xf32>
        %swap3A_1467 = vector.shape_cast %broadcast_in_dim3A_35 : vector<16xf32> to vector<1x16xf32>
        tpu.vector_store %arg9[%swap3A_1463, %swap3A_1464], %swap3A_1467 {strides = array<i32>} : memref<256x128xf32, #tpu.memory_space<vmem>>, vector<1x16xf32>,
        %swap3A_1468 = arith.index_cast %add3A_1462 : i32 to index
        %swap3A_1469 = arith.constant 16 : index
        %swap3A_1470 = tpu.vector_load %arg9[%swap3A_1468, %swap3A_1469] {strides = array<i32>} : memref<256x128xf32, #tpu.memory_space<vmem>>, vector<1x16xf32>,
        %swap3A_1471 = vector.shape_cast %swap3A_1470 : vector<1x16xf32> to vector<16xf32>
        %swap3A_1472 = vector.shape_cast %broadcast_in_dim3A_35 : vector<16xf32> to vector<1x16xf32>
        tpu.vector_store %arg9[%swap3A_1468, %swap3A_1469], %swap3A_1472 {strides = array<i32>} : memref<256x128xf32, #tpu.memory_space<vmem>>, vector<1x16xf32>,
        %swap3A_1473 = arith.index_cast %add3A_1462 : i32 to index
        %swap3A_1474 = arith.constant 32 : index
        %swap3A_1475 = tpu.vector_load %arg9[%swap3A_1473, %swap3A_1474] {strides = array<i32>} : memref<256x128xf32, #tpu.memory_space<vmem>>, vector<1x16xf32>,
        %swap3A_1476 = vector.shape_cast %swap3A_1475 : vector<1x16xf32> to vector<16xf32>
        %swap3A_1477 = vector.shape_cast %broadcast_in_dim3A_35 : vector<16xf32> to vector<1x16xf32>
        tpu.vector_store %arg9[%swap3A_1473, %swap3A_1474], %swap3A_1477 {strides = array<i32>} : memref<256x128xf32, #tpu.memory_space<vmem>>, vector<1x16xf32>,
        %swap3A_1478 = arith.index_cast %add3A_1462 : i32 to index
        %swap3A_1479 = arith.constant 48 : index
        %swap3A_1480 = tpu.vector_load %arg9[%swap3A_1478, %swap3A_1479] {strides = array<i32>} : memref<256x128xf32, #tpu.memory_space<vmem>>, vector<1x16xf32>,
        %swap3A_1481 = vector.shape_cast %swap3A_1480 : vector<1x16xf32> to vector<16xf32>
        %swap3A_1482 = vector.shape_cast %broadcast_in_dim3A_35 : vector<16xf32> to vector<1x16xf32>
        tpu.vector_store %arg9[%swap3A_1478, %swap3A_1479], %swap3A_1482 {strides = array<i32>} : memref<256x128xf32, #tpu.memory_space<vmem>>, vector<1x16xf32>,
      } else {
      }
      %slice3A_1424 = vector.extract_strided_slice %get3A_1350 {offsets = [11], sizes = [1], strides = [1]} : vector<16xi32> to vector<1xi32>
      %squeeze3A_1425 = vector.extract %slice3A_1424[0] : i32 from vector<1xi32>
      %ne3A_1426 = arith.constant 0 : i32
      %ne3A_1427 = arith.cmpi ne, %squeeze3A_1425, %ne3A_1426 : i32
      %convert_element_type3A_1428 = arith.extui %ne3A_1427 : i1 to i32
      %cond3A_1429 = arith.constant 0 : i32
      %cond3A_1430 = arith.cmpi ne, %convert_element_type3A_1428, %cond3A_1429 : i32
      scf.if %cond3A_1430 {
        %mul3A_1459 = arith.constant 16 : i32
        %mul3A_1460 = arith.muli %scan3A_1343, %mul3A_1459 : i32
        %add3A_1461 = arith.constant 11 : i32
        %add3A_1462 = arith.addi %mul3A_1460, %add3A_1461 : i32
        %swap3A_1463 = arith.index_cast %add3A_1462 : i32 to index
        %swap3A_1464 = arith.constant 0 : index
        %swap3A_1465 = tpu.vector_load %arg9[%swap3A_1463, %swap3A_1464] {strides = array<i32>} : memref<256x128xf32, #tpu.memory_space<vmem>>, vector<1x16xf32>,
        %swap3A_1466 = vector.shape_cast %swap3A_1465 : vector<1x16xf32> to vector<16xf32>
        %swap3A_1467 = vector.shape_cast %broadcast_in_dim3A_35 : vector<16xf32> to vector<1x16xf32>
        tpu.vector_store %arg9[%swap3A_1463, %swap3A_1464], %swap3A_1467 {strides = array<i32>} : memref<256x128xf32, #tpu.memory_space<vmem>>, vector<1x16xf32>,
        %swap3A_1468 = arith.index_cast %add3A_1462 : i32 to index
        %swap3A_1469 = arith.constant 16 : index
        %swap3A_1470 = tpu.vector_load %arg9[%swap3A_1468, %swap3A_1469] {strides = array<i32>} : memref<256x128xf32, #tpu.memory_space<vmem>>, vector<1x16xf32>,
        %swap3A_1471 = vector.shape_cast %swap3A_1470 : vector<1x16xf32> to vector<16xf32>
        %swap3A_1472 = vector.shape_cast %broadcast_in_dim3A_35 : vector<16xf32> to vector<1x16xf32>
        tpu.vector_store %arg9[%swap3A_1468, %swap3A_1469], %swap3A_1472 {strides = array<i32>} : memref<256x128xf32, #tpu.memory_space<vmem>>, vector<1x16xf32>,
        %swap3A_1473 = arith.index_cast %add3A_1462 : i32 to index
        %swap3A_1474 = arith.constant 32 : index
        %swap3A_1475 = tpu.vector_load %arg9[%swap3A_1473, %swap3A_1474] {strides = array<i32>} : memref<256x128xf32, #tpu.memory_space<vmem>>, vector<1x16xf32>,
        %swap3A_1476 = vector.shape_cast %swap3A_1475 : vector<1x16xf32> to vector<16xf32>
        %swap3A_1477 = vector.shape_cast %broadcast_in_dim3A_35 : vector<16xf32> to vector<1x16xf32>
        tpu.vector_store %arg9[%swap3A_1473, %swap3A_1474], %swap3A_1477 {strides = array<i32>} : memref<256x128xf32, #tpu.memory_space<vmem>>, vector<1x16xf32>,
        %swap3A_1478 = arith.index_cast %add3A_1462 : i32 to index
        %swap3A_1479 = arith.constant 48 : index
        %swap3A_1480 = tpu.vector_load %arg9[%swap3A_1478, %swap3A_1479] {strides = array<i32>} : memref<256x128xf32, #tpu.memory_space<vmem>>, vector<1x16xf32>,
        %swap3A_1481 = vector.shape_cast %swap3A_1480 : vector<1x16xf32> to vector<16xf32>
        %swap3A_1482 = vector.shape_cast %broadcast_in_dim3A_35 : vector<16xf32> to vector<1x16xf32>
        tpu.vector_store %arg9[%swap3A_1478, %swap3A_1479], %swap3A_1482 {strides = array<i32>} : memref<256x128xf32, #tpu.memory_space<vmem>>, vector<1x16xf32>,
      } else {
      }
      %slice3A_1431 = vector.extract_strided_slice %get3A_1350 {offsets = [12], sizes = [1], strides = [1]} : vector<16xi32> to vector<1xi32>
      %squeeze3A_1432 = vector.extract %slice3A_1431[0] : i32 from vector<1xi32>
      %ne3A_1433 = arith.constant 0 : i32
      %ne3A_1434 = arith.cmpi ne, %squeeze3A_1432, %ne3A_1433 : i32
      %convert_element_type3A_1435 = arith.extui %ne3A_1434 : i1 to i32
      %cond3A_1436 = arith.constant 0 : i32
      %cond3A_1437 = arith.cmpi ne, %convert_element_type3A_1435, %cond3A_1436 : i32
      scf.if %cond3A_1437 {
        %mul3A_1459 = arith.constant 16 : i32
        %mul3A_1460 = arith.muli %scan3A_1343, %mul3A_1459 : i32
        %add3A_1461 = arith.constant 12 : i32
        %add3A_1462 = arith.addi %mul3A_1460, %add3A_1461 : i32
        %swap3A_1463 = arith.index_cast %add3A_1462 : i32 to index
        %swap3A_1464 = arith.constant 0 : index
        %swap3A_1465 = tpu.vector_load %arg9[%swap3A_1463, %swap3A_1464] {strides = array<i32>} : memref<256x128xf32, #tpu.memory_space<vmem>>, vector<1x16xf32>,
        %swap3A_1466 = vector.shape_cast %swap3A_1465 : vector<1x16xf32> to vector<16xf32>
        %swap3A_1467 = vector.shape_cast %broadcast_in_dim3A_35 : vector<16xf32> to vector<1x16xf32>
        tpu.vector_store %arg9[%swap3A_1463, %swap3A_1464], %swap3A_1467 {strides = array<i32>} : memref<256x128xf32, #tpu.memory_space<vmem>>, vector<1x16xf32>,
        %swap3A_1468 = arith.index_cast %add3A_1462 : i32 to index
        %swap3A_1469 = arith.constant 16 : index
        %swap3A_1470 = tpu.vector_load %arg9[%swap3A_1468, %swap3A_1469] {strides = array<i32>} : memref<256x128xf32, #tpu.memory_space<vmem>>, vector<1x16xf32>,
        %swap3A_1471 = vector.shape_cast %swap3A_1470 : vector<1x16xf32> to vector<16xf32>
        %swap3A_1472 = vector.shape_cast %broadcast_in_dim3A_35 : vector<16xf32> to vector<1x16xf32>
        tpu.vector_store %arg9[%swap3A_1468, %swap3A_1469], %swap3A_1472 {strides = array<i32>} : memref<256x128xf32, #tpu.memory_space<vmem>>, vector<1x16xf32>,
        %swap3A_1473 = arith.index_cast %add3A_1462 : i32 to index
        %swap3A_1474 = arith.constant 32 : index
        %swap3A_1475 = tpu.vector_load %arg9[%swap3A_1473, %swap3A_1474] {strides = array<i32>} : memref<256x128xf32, #tpu.memory_space<vmem>>, vector<1x16xf32>,
        %swap3A_1476 = vector.shape_cast %swap3A_1475 : vector<1x16xf32> to vector<16xf32>
        %swap3A_1477 = vector.shape_cast %broadcast_in_dim3A_35 : vector<16xf32> to vector<1x16xf32>
        tpu.vector_store %arg9[%swap3A_1473, %swap3A_1474], %swap3A_1477 {strides = array<i32>} : memref<256x128xf32, #tpu.memory_space<vmem>>, vector<1x16xf32>,
        %swap3A_1478 = arith.index_cast %add3A_1462 : i32 to index
        %swap3A_1479 = arith.constant 48 : index
        %swap3A_1480 = tpu.vector_load %arg9[%swap3A_1478, %swap3A_1479] {strides = array<i32>} : memref<256x128xf32, #tpu.memory_space<vmem>>, vector<1x16xf32>,
        %swap3A_1481 = vector.shape_cast %swap3A_1480 : vector<1x16xf32> to vector<16xf32>
        %swap3A_1482 = vector.shape_cast %broadcast_in_dim3A_35 : vector<16xf32> to vector<1x16xf32>
        tpu.vector_store %arg9[%swap3A_1478, %swap3A_1479], %swap3A_1482 {strides = array<i32>} : memref<256x128xf32, #tpu.memory_space<vmem>>, vector<1x16xf32>,
      } else {
      }
      %slice3A_1438 = vector.extract_strided_slice %get3A_1350 {offsets = [13], sizes = [1], strides = [1]} : vector<16xi32> to vector<1xi32>
      %squeeze3A_1439 = vector.extract %slice3A_1438[0] : i32 from vector<1xi32>
      %ne3A_1440 = arith.constant 0 : i32
      %ne3A_1441 = arith.cmpi ne, %squeeze3A_1439, %ne3A_1440 : i32
      %convert_element_type3A_1442 = arith.extui %ne3A_1441 : i1 to i32
      %cond3A_1443 = arith.constant 0 : i32
      %cond3A_1444 = arith.cmpi ne, %convert_element_type3A_1442, %cond3A_1443 : i32
      scf.if %cond3A_1444 {
        %mul3A_1459 = arith.constant 16 : i32
        %mul3A_1460 = arith.muli %scan3A_1343, %mul3A_1459 : i32
        %add3A_1461 = arith.constant 13 : i32
        %add3A_1462 = arith.addi %mul3A_1460, %add3A_1461 : i32
        %swap3A_1463 = arith.index_cast %add3A_1462 : i32 to index
        %swap3A_1464 = arith.constant 0 : index
        %swap3A_1465 = tpu.vector_load %arg9[%swap3A_1463, %swap3A_1464] {strides = array<i32>} : memref<256x128xf32, #tpu.memory_space<vmem>>, vector<1x16xf32>,
        %swap3A_1466 = vector.shape_cast %swap3A_1465 : vector<1x16xf32> to vector<16xf32>
        %swap3A_1467 = vector.shape_cast %broadcast_in_dim3A_35 : vector<16xf32> to vector<1x16xf32>
        tpu.vector_store %arg9[%swap3A_1463, %swap3A_1464], %swap3A_1467 {strides = array<i32>} : memref<256x128xf32, #tpu.memory_space<vmem>>, vector<1x16xf32>,
        %swap3A_1468 = arith.index_cast %add3A_1462 : i32 to index
        %swap3A_1469 = arith.constant 16 : index
        %swap3A_1470 = tpu.vector_load %arg9[%swap3A_1468, %swap3A_1469] {strides = array<i32>} : memref<256x128xf32, #tpu.memory_space<vmem>>, vector<1x16xf32>,
        %swap3A_1471 = vector.shape_cast %swap3A_1470 : vector<1x16xf32> to vector<16xf32>
        %swap3A_1472 = vector.shape_cast %broadcast_in_dim3A_35 : vector<16xf32> to vector<1x16xf32>
        tpu.vector_store %arg9[%swap3A_1468, %swap3A_1469], %swap3A_1472 {strides = array<i32>} : memref<256x128xf32, #tpu.memory_space<vmem>>, vector<1x16xf32>,
        %swap3A_1473 = arith.index_cast %add3A_1462 : i32 to index
        %swap3A_1474 = arith.constant 32 : index
        %swap3A_1475 = tpu.vector_load %arg9[%swap3A_1473, %swap3A_1474] {strides = array<i32>} : memref<256x128xf32, #tpu.memory_space<vmem>>, vector<1x16xf32>,
        %swap3A_1476 = vector.shape_cast %swap3A_1475 : vector<1x16xf32> to vector<16xf32>
        %swap3A_1477 = vector.shape_cast %broadcast_in_dim3A_35 : vector<16xf32> to vector<1x16xf32>
        tpu.vector_store %arg9[%swap3A_1473, %swap3A_1474], %swap3A_1477 {strides = array<i32>} : memref<256x128xf32, #tpu.memory_space<vmem>>, vector<1x16xf32>,
        %swap3A_1478 = arith.index_cast %add3A_1462 : i32 to index
        %swap3A_1479 = arith.constant 48 : index
        %swap3A_1480 = tpu.vector_load %arg9[%swap3A_1478, %swap3A_1479] {strides = array<i32>} : memref<256x128xf32, #tpu.memory_space<vmem>>, vector<1x16xf32>,
        %swap3A_1481 = vector.shape_cast %swap3A_1480 : vector<1x16xf32> to vector<16xf32>
        %swap3A_1482 = vector.shape_cast %broadcast_in_dim3A_35 : vector<16xf32> to vector<1x16xf32>
        tpu.vector_store %arg9[%swap3A_1478, %swap3A_1479], %swap3A_1482 {strides = array<i32>} : memref<256x128xf32, #tpu.memory_space<vmem>>, vector<1x16xf32>,
      } else {
      }
      %slice3A_1445 = vector.extract_strided_slice %get3A_1350 {offsets = [14], sizes = [1], strides = [1]} : vector<16xi32> to vector<1xi32>
      %squeeze3A_1446 = vector.extract %slice3A_1445[0] : i32 from vector<1xi32>
      %ne3A_1447 = arith.constant 0 : i32
      %ne3A_1448 = arith.cmpi ne, %squeeze3A_1446, %ne3A_1447 : i32
      %convert_element_type3A_1449 = arith.extui %ne3A_1448 : i1 to i32
      %cond3A_1450 = arith.constant 0 : i32
      %cond3A_1451 = arith.cmpi ne, %convert_element_type3A_1449, %cond3A_1450 : i32
      scf.if %cond3A_1451 {
        %mul3A_1459 = arith.constant 16 : i32
        %mul3A_1460 = arith.muli %scan3A_1343, %mul3A_1459 : i32
        %add3A_1461 = arith.constant 14 : i32
        %add3A_1462 = arith.addi %mul3A_1460, %add3A_1461 : i32
        %swap3A_1463 = arith.index_cast %add3A_1462 : i32 to index
        %swap3A_1464 = arith.constant 0 : index
        %swap3A_1465 = tpu.vector_load %arg9[%swap3A_1463, %swap3A_1464] {strides = array<i32>} : memref<256x128xf32, #tpu.memory_space<vmem>>, vector<1x16xf32>,
        %swap3A_1466 = vector.shape_cast %swap3A_1465 : vector<1x16xf32> to vector<16xf32>
        %swap3A_1467 = vector.shape_cast %broadcast_in_dim3A_35 : vector<16xf32> to vector<1x16xf32>
        tpu.vector_store %arg9[%swap3A_1463, %swap3A_1464], %swap3A_1467 {strides = array<i32>} : memref<256x128xf32, #tpu.memory_space<vmem>>, vector<1x16xf32>,
        %swap3A_1468 = arith.index_cast %add3A_1462 : i32 to index
        %swap3A_1469 = arith.constant 16 : index
        %swap3A_1470 = tpu.vector_load %arg9[%swap3A_1468, %swap3A_1469] {strides = array<i32>} : memref<256x128xf32, #tpu.memory_space<vmem>>, vector<1x16xf32>,
        %swap3A_1471 = vector.shape_cast %swap3A_1470 : vector<1x16xf32> to vector<16xf32>
        %swap3A_1472 = vector.shape_cast %broadcast_in_dim3A_35 : vector<16xf32> to vector<1x16xf32>
        tpu.vector_store %arg9[%swap3A_1468, %swap3A_1469], %swap3A_1472 {strides = array<i32>} : memref<256x128xf32, #tpu.memory_space<vmem>>, vector<1x16xf32>,
        %swap3A_1473 = arith.index_cast %add3A_1462 : i32 to index
        %swap3A_1474 = arith.constant 32 : index
        %swap3A_1475 = tpu.vector_load %arg9[%swap3A_1473, %swap3A_1474] {strides = array<i32>} : memref<256x128xf32, #tpu.memory_space<vmem>>, vector<1x16xf32>,
        %swap3A_1476 = vector.shape_cast %swap3A_1475 : vector<1x16xf32> to vector<16xf32>
        %swap3A_1477 = vector.shape_cast %broadcast_in_dim3A_35 : vector<16xf32> to vector<1x16xf32>
        tpu.vector_store %arg9[%swap3A_1473, %swap3A_1474], %swap3A_1477 {strides = array<i32>} : memref<256x128xf32, #tpu.memory_space<vmem>>, vector<1x16xf32>,
        %swap3A_1478 = arith.index_cast %add3A_1462 : i32 to index
        %swap3A_1479 = arith.constant 48 : index
        %swap3A_1480 = tpu.vector_load %arg9[%swap3A_1478, %swap3A_1479] {strides = array<i32>} : memref<256x128xf32, #tpu.memory_space<vmem>>, vector<1x16xf32>,
        %swap3A_1481 = vector.shape_cast %swap3A_1480 : vector<1x16xf32> to vector<16xf32>
        %swap3A_1482 = vector.shape_cast %broadcast_in_dim3A_35 : vector<16xf32> to vector<1x16xf32>
        tpu.vector_store %arg9[%swap3A_1478, %swap3A_1479], %swap3A_1482 {strides = array<i32>} : memref<256x128xf32, #tpu.memory_space<vmem>>, vector<1x16xf32>,
      } else {
      }
      %slice3A_1452 = vector.extract_strided_slice %get3A_1350 {offsets = [15], sizes = [1], strides = [1]} : vector<16xi32> to vector<1xi32>
      %squeeze3A_1453 = vector.extract %slice3A_1452[0] : i32 from vector<1xi32>
      %ne3A_1454 = arith.constant 0 : i32
      %ne3A_1455 = arith.cmpi ne, %squeeze3A_1453, %ne3A_1454 : i32
      %convert_element_type3A_1456 = arith.extui %ne3A_1455 : i1 to i32
      %cond3A_1457 = arith.constant 0 : i32
      %cond3A_1458 = arith.cmpi ne, %convert_element_type3A_1456, %cond3A_1457 : i32
      scf.if %cond3A_1458 {
        %mul3A_1459 = arith.constant 16 : i32
        %mul3A_1460 = arith.muli %scan3A_1343, %mul3A_1459 : i32
        %add3A_1461 = arith.constant 15 : i32
        %add3A_1462 = arith.addi %mul3A_1460, %add3A_1461 : i32
        %swap3A_1463 = arith.index_cast %add3A_1462 : i32 to index
        %swap3A_1464 = arith.constant 0 : index
        %swap3A_1465 = tpu.vector_load %arg9[%swap3A_1463, %swap3A_1464] {strides = array<i32>} : memref<256x128xf32, #tpu.memory_space<vmem>>, vector<1x16xf32>,
        %swap3A_1466 = vector.shape_cast %swap3A_1465 : vector<1x16xf32> to vector<16xf32>
        %swap3A_1467 = vector.shape_cast %broadcast_in_dim3A_35 : vector<16xf32> to vector<1x16xf32>
        tpu.vector_store %arg9[%swap3A_1463, %swap3A_1464], %swap3A_1467 {strides = array<i32>} : memref<256x128xf32, #tpu.memory_space<vmem>>, vector<1x16xf32>,
        %swap3A_1468 = arith.index_cast %add3A_1462 : i32 to index
        %swap3A_1469 = arith.constant 16 : index
        %swap3A_1470 = tpu.vector_load %arg9[%swap3A_1468, %swap3A_1469] {strides = array<i32>} : memref<256x128xf32, #tpu.memory_space<vmem>>, vector<1x16xf32>,
        %swap3A_1471 = vector.shape_cast %swap3A_1470 : vector<1x16xf32> to vector<16xf32>
        %swap3A_1472 = vector.shape_cast %broadcast_in_dim3A_35 : vector<16xf32> to vector<1x16xf32>
        tpu.vector_store %arg9[%swap3A_1468, %swap3A_1469], %swap3A_1472 {strides = array<i32>} : memref<256x128xf32, #tpu.memory_space<vmem>>, vector<1x16xf32>,
        %swap3A_1473 = arith.index_cast %add3A_1462 : i32 to index
        %swap3A_1474 = arith.constant 32 : index
        %swap3A_1475 = tpu.vector_load %arg9[%swap3A_1473, %swap3A_1474] {strides = array<i32>} : memref<256x128xf32, #tpu.memory_space<vmem>>, vector<1x16xf32>,
        %swap3A_1476 = vector.shape_cast %swap3A_1475 : vector<1x16xf32> to vector<16xf32>
        %swap3A_1477 = vector.shape_cast %broadcast_in_dim3A_35 : vector<16xf32> to vector<1x16xf32>
        tpu.vector_store %arg9[%swap3A_1473, %swap3A_1474], %swap3A_1477 {strides = array<i32>} : memref<256x128xf32, #tpu.memory_space<vmem>>, vector<1x16xf32>,
        %swap3A_1478 = arith.index_cast %add3A_1462 : i32 to index
        %swap3A_1479 = arith.constant 48 : index
        %swap3A_1480 = tpu.vector_load %arg9[%swap3A_1478, %swap3A_1479] {strides = array<i32>} : memref<256x128xf32, #tpu.memory_space<vmem>>, vector<1x16xf32>,
        %swap3A_1481 = vector.shape_cast %swap3A_1480 : vector<1x16xf32> to vector<16xf32>
        %swap3A_1482 = vector.shape_cast %broadcast_in_dim3A_35 : vector<16xf32> to vector<1x16xf32>
        tpu.vector_store %arg9[%swap3A_1478, %swap3A_1479], %swap3A_1482 {strides = array<i32>} : memref<256x128xf32, #tpu.memory_space<vmem>>, vector<1x16xf32>,
      } else {
      }
    }
    %scan3A_1340 = arith.constant 16 : i32
    %add3A_1341 = arith.constant 768 : i32
    %add3A_1342 = arith.addi %multiple_of3A, %add3A_1341 : i32
    "tpu.region"() ({
      %run_scoped3A = tpu.sem_alloc : memref<!tpu.dma_semaphore, #tpu.memory_space<semaphore_mem>>
      %dma_start3A_1343 = arith.constant 0 : i32
      %dma_start3A_1344 = arith.constant 0 : i32
      %dma_start3A_1345 = tpu.memref_slice %arg9[%dma_start3A_1343, %dma_start3A_1344] : memref<256x128xf32, #tpu.memory_space<vmem>> -> memref<256x64xf32, #tpu.memory_space<vmem>>
      %dma_start3A_1346 = arith.constant 0 : i32
      %dma_start3A_1347 = tpu.memref_slice %arg5[%select_n3A, %add3A_1342, %dma_start3A_1346] : memref<4x8192x64xf32, #tpu.memory_space<hbm>> -> memref<1x256x64xf32, #tpu.memory_space<hbm>>
      %dma_start3A_1348 = tpu.memref_squeeze %dma_start3A_1347 : memref<1x256x64xf32, #tpu.memory_space<hbm>> -> memref<256x64xf32, #tpu.memory_space<hbm>>
      %dma_start3A_1349 = arith.constant 0 : i32
      %dma_start3A_1350 = tpu.memref_slice %arg5[%select_n3A, %add3A_1342, %dma_start3A_1349] : memref<4x8192x64xf32, #tpu.memory_space<hbm>> -> memref<1x256x64xf32, #tpu.memory_space<hbm>>
      %dma_start3A_1351 = tpu.memref_squeeze %dma_start3A_1350 : memref<1x256x64xf32, #tpu.memory_space<hbm>> -> memref<256x64xf32, #tpu.memory_space<hbm>>
      %dma_start3A_1352 = arith.constant 0 : i32
      %dma_start3A_1353 = arith.constant 0 : i32
      %dma_start3A_1354 = tpu.memref_slice %arg9[%dma_start3A_1352, %dma_start3A_1353] : memref<256x128xf32, #tpu.memory_space<vmem>> -> memref<256x64xf32, #tpu.memory_space<vmem>>
      tpu.enqueue_dma source(%dma_start3A_1354 : memref<256x64xf32, #tpu.memory_space<vmem>>) target(%dma_start3A_1351 : memref<256x64xf32, #tpu.memory_space<hbm>>) target_semaphore(%run_scoped3A : memref<!tpu.dma_semaphore, #tpu.memory_space<semaphore_mem>>)
      %dma_wait3A_1355 = arith.constant 0 : i32
      %dma_wait3A_1356 = arith.constant 0 : i32
      %dma_wait3A_1357 = tpu.memref_slice %arg9[%dma_wait3A_1355, %dma_wait3A_1356] : memref<256x128xf32, #tpu.memory_space<vmem>> -> memref<256x64xf32, #tpu.memory_space<vmem>>
      %dma_wait3A_1358 = arith.constant 0 : i32
      %dma_wait3A_1359 = tpu.memref_slice %arg5[%select_n3A, %add3A_1342, %dma_wait3A_1358] : memref<4x8192x64xf32, #tpu.memory_space<hbm>> -> memref<1x256x64xf32, #tpu.memory_space<hbm>>
      %dma_wait3A_1360 = tpu.memref_squeeze %dma_wait3A_1359 : memref<1x256x64xf32, #tpu.memory_space<hbm>> -> memref<256x64xf32, #tpu.memory_space<hbm>>
      %dma_wait3A_1361 = arith.constant 0 : i32
      %dma_wait3A_1362 = tpu.memref_slice %arg5[%select_n3A, %add3A_1342, %dma_wait3A_1361] : memref<4x8192x64xf32, #tpu.memory_space<hbm>> -> memref<1x256x64xf32, #tpu.memory_space<hbm>>
      %dma_wait3A_1363 = tpu.memref_squeeze %dma_wait3A_1362 : memref<1x256x64xf32, #tpu.memory_space<hbm>> -> memref<256x64xf32, #tpu.memory_space<hbm>>
      %dma_wait3A_1364 = arith.constant 0 : i32
      %dma_wait3A_1365 = arith.constant 0 : i32
      %dma_wait3A_1366 = tpu.memref_slice %arg9[%dma_wait3A_1364, %dma_wait3A_1365] : memref<256x128xf32, #tpu.memory_space<vmem>> -> memref<256x64xf32, #tpu.memory_space<vmem>>
      tpu.wait_dma2 semaphore(%run_scoped3A : memref<!tpu.dma_semaphore, #tpu.memory_space<semaphore_mem>>) src(%dma_wait3A_1366 : memref<256x64xf32, #tpu.memory_space<vmem>>) dst(%dma_wait3A_1363 : memref<256x64xf32, #tpu.memory_space<hbm>>)
      tpu.yield
    }) : () -> ()
    return
  }
}

</mosaic_0001>

<sc_bundles>
// kernel: kernel.3.cloned.1.call-start
scs
__scs_entry_jumppad:
0x0: {  	(pc) =	sbr.rel $0x88, $3  }
0x1: {  	(tag) =	ssettag $0x0;
	lr =	simm.s32 $0x1  }
0x2: {  	[smem:$0x3F9E] =	sst lr;
	_ =	strace $0xD0000000  }
0x3: {  	_ = 	snop  }
0x4: {  	_ = 	snop  }
0x5: {  	_ = 	snop  }
0x6: {  	_ = 	snop  }
0x7: {  	_ = 	snop  }
__scs_overlays_trampoline_lowered:
0x8: {  	[smem:$0x3FAD] =	sst s0  }
0x9: {  	[smem:$0x3FAE] =	sst s1  }
0xa: {  	[smem:$0x3FAF] =	sst s2  }
0xb: {  	[smem:$0x3FB0] =	sst s3  }
0xc: {  	[smem:$0x3FB1] =	sst s4  }
0xd: {  	[smem:$0x3FB2] =	sst s5  }
0xe: {  	[smem:$0x3FB3] =	sst s6  }
0xf: {  	[smem:$0x3FB4] =	sst s7  }
0x10: {  	[smem:$0x3FB5] =	sst s8  }
0x11: {  	[smem:$0x3FB6] =	sst s9;
	s0 =	simm.s32 @!p0 $0x0  }
0x12: {  	s1 =	sld [smem:$0x3F9C];
	s0 =	simm.s32 @p0 $0x1  }
0x13: {  	[smem:$0x3FB7] =	sst s0;
	s0 =	simm.s32 @!p1 $0x0  }
0x14: {  	s2 =	sld [smem:$0x3F9B];
	s0 =	simm.s32 @p1 $0x1  }
0x15: {  	[smem:$0x3FB8] =	sst s0;
	s0 =	simm.s32 @!p2 $0x0  }
0x16: {  	s3 =	sld [smem:$0x3FDB];
	s0 =	simm.s32 @p2 $0x1  }
0x17: {  	s4 =	simm.s32 $0x1BF5;
	[smem:$0x3FBA] =	sst s0  }
0x18: {  	s0 =	sld [smem:$0x3F9D];
	_ =	swait.ge [sflag:s4], $0x0  }
0x19: {  	s7 =	sld [smem:$0x3F9E]  }
0x1a: {  	s8 =	sadd.s32 $0xFFFFE003, lr  }
0x1b: {  	s9 =	sadd.s32 $0xFFFFFEF7, lr;
	s5 =	simm.s32 $0xFFFFFFFF;
	p2 =	slt.u32 s8, $0xFFFFF086  }
0x1c: {  	p1 =	slt.u32 s9, $0xF7A;
	s5 =	simm.s32 @!p2 $0x0  }
0x1d: {  	s5 =	simm.s32 @p1 $0x1;
	p0 =	seq.s32 s7, s2  }
0x1e: {  	s7 =	smul.u32 @!p0 $0xF7A, s2;
	p2 =	seq.s32 @!p0 s5, $0x0  }
0x1f: {  	s9 =	smul.u32 $0xF7A, s1;
	s8 =	simm.s32 @!p0 $0x1BF5;
	p2 =	por !p2, p0  }
0x20: {  	[sflag:s8] =	ssyncset.s32 @!p0 $0xFFFFF086;
	s6 =	sadd.s32 @!p0 s3, s7;
	s7 =	simm.s32 @!p0 $0x108  }
0x21: {  	s3 =	sadd.s32 s3, s9;
	s6 =	sadd.s32 @!p0 $0x88, s6;
	s7 =	simm.s32 @p2 $0x1082  }
0x22: {  	[simem:s7], [sflag:s8] =	dma.local @!p0 [hbm:s6], $0xF7A  }
0x23: {  	s9 =	sor.u32 $0xD0000000, s2;
	s6 =	simm.s32 $0x108;
	_ =	swait.ge @!p0 [sflag:s8], $0x0  }
0x24: {  	s3 =	sadd.s32 $0x88, s3;
	s6 =	simm.s32 @!p1 $0x1082;
	[sflag:s4] =	ssyncset.s32 $0xFFFFF086  }
0x25: {  	[simem:s6], [sflag:s4] =	dma.local [hbm:s3], $0xF7A  }
0x26: {  	[smem:$0x3F9E] =	sst s1;
	(tag) =	ssettag s2;
	_ =	strace s9  }
0x27: {  	s1 =	sld [smem:$0x3FAE]  }
0x28: {  	s2 =	sld [smem:$0x3FAF]  }
0x29: {  	s4 =	sld [smem:$0x3FB1]  }
0x2a: {  	p0 =	seq.s32 s5, $0x0;
	s5 =	sld [smem:$0x3FB2]  }
0x2b: {  	s6 =	sld [smem:$0x3FB3]  }
0x2c: {  	s7 =	sld [smem:$0x3FB4]  }
0x2d: {  	s3 =	simm.s32 $0x108;
	s8 =	sld [smem:$0x3FB5]  }
0x2e: {  	s3 =	simm.s32 @!p0 $0x1082;
	s9 =	sld [smem:$0x3FB6]  }
0x2f: {  	lr =	sadd.s32 s0, s3;
	s0 =	sld [smem:$0x3FAD]  }
0x30: {  	s3 =	sld [smem:$0x3FB0]  }
0x31: {  	[smem:$0x3FB9] =	sst s10  }
0x32: {  	s10 =	sld [smem:$0x3FB7];
	_ =	sdelay $0x3  }
0x33: {  	p0 =	seq.s32 s10, $0x1;
	s10 =	sld [smem:$0x3FB9];
	_ =	sdelay $0x3  }
0x34: {  	[smem:$0x3FB9] =	sst s10  }
0x35: {  	s10 =	sld [smem:$0x3FB8];
	_ =	sdelay $0x3  }
0x36: {  	p1 =	seq.s32 s10, $0x1;
	s10 =	sld [smem:$0x3FB9];
	_ =	sdelay $0x3  }
0x37: {  	[smem:$0x3FB9] =	sst s10  }
0x38: {  	s10 =	sld [smem:$0x3FBA]  }
0x39: {  	_ = 	snop;
	(pc) =	sbr.ind lr, $3  }
0x3a: {  	_ = 	snop  }
0x3b: {  	_ = 	snop  }
0x3c: {  	p2 =	seq.s32 s10, $0x1;
	s10 =	sld [smem:$0x3FB9]  }
0x3d: {  	_ =	shalt  }
0x3e: {  	_ =	shalt  }
0x3f: {  	_ =	shalt  }
0x40: {  	_ =	shalt  }
0x41: {  	_ =	shalt  }
0x42: {  	_ =	shalt  }
0x43: {  	_ =	shalt  }
0x44: {  	_ =	shalt  }
0x45: {  	_ =	shalt  }
0x46: {  	_ =	shalt  }
0x47: {  	_ =	shalt  }
0x48: {  	_ =	shalt  }
0x49: {  	_ =	shalt  }
0x4a: {  	_ =	shalt  }
0x4b: {  	_ =	shalt  }
0x4c: {  	_ =	shalt  }
0x4d: {  	_ =	shalt  }
0x4e: {  	_ =	shalt  }
0x4f: {  	_ =	shalt  }
0x50: {  	_ =	shalt  }
0x51: {  	_ =	shalt  }
0x52: {  	_ =	shalt  }
0x53: {  	_ =	shalt  }
0x54: {  	_ =	shalt  }
0x55: {  	_ =	shalt  }
0x56: {  	_ =	shalt  }
0x57: {  	_ =	shalt  }
0x58: {  	_ =	shalt  }
0x59: {  	_ =	shalt  }
0x5a: {  	_ =	shalt  }
0x5b: {  	_ =	shalt  }
0x5c: {  	_ =	shalt  }
0x5d: {  	_ =	shalt  }
0x5e: {  	_ =	shalt  }
0x5f: {  	_ =	shalt  }
0x60: {  	_ =	shalt  }
0x61: {  	_ =	shalt  }
0x62: {  	_ =	shalt  }
0x63: {  	_ =	shalt  }
0x64: {  	_ =	shalt  }
0x65: {  	_ =	shalt  }
0x66: {  	_ =	shalt  }
0x67: {  	_ =	shalt  }
0x68: {  	_ =	shalt  }
0x69: {  	_ =	shalt  }
0x6a: {  	_ =	shalt  }
0x6b: {  	_ =	shalt  }
0x6c: {  	_ =	shalt  }
0x6d: {  	_ =	shalt  }
0x6e: {  	_ =	shalt  }
0x6f: {  	_ =	shalt  }
0x70: {  	_ =	shalt  }
0x71: {  	_ =	shalt  }
0x72: {  	_ =	shalt  }
0x73: {  	_ =	shalt  }
0x74: {  	_ =	shalt  }
0x75: {  	_ =	shalt  }
0x76: {  	_ =	shalt  }
0x77: {  	_ =	shalt  }
0x78: {  	_ =	shalt  }
0x79: {  	_ =	shalt  }
0x7a: {  	_ =	shalt  }
0x7b: {  	_ =	shalt  }
0x7c: {  	_ =	shalt  }
0x7d: {  	_ =	shalt  }
0x7e: {  	_ =	shalt  }
0x7f: {  	_ =	shalt  }
0x80: {  	_ =	shalt  }
0x81: {  	_ =	shalt  }
0x82: {  	_ =	shalt  }
0x83: {  	_ =	shalt  }
0x84: {  	_ =	shalt  }
0x85: {  	_ =	shalt  }
0x86: {  	_ =	shalt  }
0x87: {  	_ =	shalt  }
.Lfunc_end0:
.L_simem_size_0:
called_computation_lowered:
.L_overlay_start_0:
0x88: {  	s2 =	sld [smem:$0x3FD9]  }
0x89: {  	s3 =	sld [smem:$0x3FFE];
	_ =	sdelay $0x1  }
0x8a: {  	s1 =	srdreg.scid  }
0x8b: {  	s0 =	sand.u32 $0x1, s1  }
0x8c: {  	s17 =	sshll.u32 s0, $0xA;
	s2 =	sadd.s32 s3, s2  }
0x8d: {  	s2 =	sadd.s32 s2, s17  }
0x8e: {  	[smem:$0x3FC5] =	sst s2  }
0x8f: {  	_ = 	snop  }
0x90: {  	s2 =	sld [smem:$0x3FD0];
	(tm) =	ssettm $0x1  }
0x91: {  	s18 =	sld [smem:$0x3FFB];
	_ =	sdelay $0x3  }
0x92: {  	_ =	strace s18  }
0x93: {  	s3 =	sld [smem:$0x3FFC];
	_ =	sdelay $0x3  }
0x94: {  	_ =	strace s3  }
0x95: {  	s3 =	sld [smem:$0x3FFD];
	_ =	sdelay $0x3  }
0x96: {  	_ =	strace s3  }
0x97: {  	_ =	strace $0x8FFFFFFF  }
0x98: {  	s19 =	sld [smem:$0x3FDB];
	_ =	sdelay $0x1  }
0x99: {  	s4 =	simm.s32 $_scs_section_size  }
0x9a: {  	s5 =	simm.s32 $_size__tile_overlayer_lowered;
	s6 =	simm.s32 $_tile_overlayer_lowered  }
0x9b: {  	s22 =	simm.s32 $0x1BFF;
	s21 =	sshll.u32 s6, $0x1;
	s3 =	sadd.s32 s4, s19  }
0x9c: {  	s7 =	simm.s32 $0x0;
	s20 =	sshll.u32 s5, $0x1;
	s5 =	sadd.s32 s21, s3  }
0x9d: {  	[timem:s7], [sflag:s22] =	dma.local [hbm:s5], s20  }
0x9e: {  	_ =	swait.ge [sflag:s22], s20  }
0x9f: {  	s4 =	ssub.s32 $0x0, s20;
	[sflag:s22] =	ssyncset.done $0x0  }
0xa0: {  	[sflag:s22] =	ssyncadd.s32 s4;
	_ =	sdelay $0x1  }
0xa1: {  	s23 =	simm.s32 $0x1B8B  }
0xa2: {  	_ =	swait.ge [sflag:s23], $0x1  }
0xa3: {  	[sflag:s23] =	ssyncset.done $0x0  }
0xa4: {  	s25 =	simm.s32 $0x1B8E;
	s24 =	sld [smem:$0x3FFE];
	[sflag:s23] =	ssyncadd.s32 $0xFFFFFFFF  }
0xa5: {  	s26 =	simm.s32 $execute0_lowered;
	[smem:$0x3FD2] =	sst s25  }
0xa6: {  	s5 =	sshll.u32 s26, $0x1;
	_ =	strace $0x80000046;
	[dreg:$0x1] =	wrdreg $0xFFFFFFFF  }
0xa7: {  	s28 =	simm.s32 $_size_execute0_lowered;
	s3 =	sadd.s32 s3, s5;
	[dreg:$0x0] =	wrdreg $0x0  }
0xa8: {  	s5 =	sshll.u32 s28, $0x1;
	[dreg:$0x2] =	wrdreg s3  }
0xa9: {  	[dreg:$0x3] =	wrdreg s5  }
0xaa: {  	[dreg:$0x4] =	wrdreg $0xC0  }
0xab: {  	_ =	task [dreg:s7], $0x5FFFF  }
0xac: {  	[dreg:$0x1] =	wrdreg $0xFFFFFFFF  }
0xad: {  	[dreg:$0x0] =	wrdreg $0x60  }
0xae: {  	[dreg:$0x2] =	wrdreg s24  }
0xaf: {  	[dreg:$0x3] =	wrdreg s2  }
0xb0: {  	[dreg:$0x4] =	wrdreg $0x9  }
0xb1: {  	_ =	task.clear_ibuf [dreg:s7], $0x5FFFF;
	_ =	strace $0x90000046  }
0xb2: {  	s29 =	simm.s32 $0x9;
	_ =	strace $0x80000048  }
0xb3: {  	_ =	swait.ge [sflag:s29], $0x1  }
0xb4: {  	[sflag:s29] =	ssyncadd.s32 $0xFFFFFFFF  }
0xb5: {  	_ =	strace $0x90000048  }
0xb6: {  	_ =	sfence  }
0xb7: {  	s30 =	sld [smem:$0x0];
	_ =	sdelay $0x2  }
0xb8: {  	s31 =	sshll.u32 s1, $0xD;
	s1 =	sshrl.u32 s1, $0x2  }
0xb9: {  	s3 =	sand.u32 $0x4000, s31;
	s1 =	sadd.s32 s1, s30  }
0xba: {  	s0 =	sor.u32 s3, s0;
	s1 =	sshll.u32 s1, $0x11  }
0xbb: {  	s0 =	sor.u32 s1, s0  }
0xbc: {  	s0 =	sadd.s32 $0x8F2B, s0  }
0xbd: {  	[sflag:s0] =	ssyncadd.remote.s32 $0x1  }
0xbe: {  	_ =	sfence.sel $0xFFFF  }
0xbf: {  	[dreg:$0x0] =	wrdreg $0xFFFFFFFF;
	(pc) =	sbr.abs _section_cstart, $3  }
0xc0: {  	[dreg:$0x1] =	wrdreg $0xFFFFFFFF  }
0xc1: {  	_ =	task.clear_ibuf [dreg:s7], $0x2FFFF;
	_ =	strace $0x9FFFFFFF  }
0xc2: {  	(tm) =	ssettm $0x7FFFFFFF  }
0xc3: {  	_ =	shalt  }
tec
execute0_lowered:
.L_overlay_start_1:
0x0: {  	(tag) =	ssettag $0x1  }
0x1: {  	s3 =	srdreg.scid;
	s0 =	stileid.u32  }
0x2: {  	s5 =	sand.u32 $0x1, s3;
	s28 =	sshll.u32 s0, $0x1  }
0x3: {  	s4 =	rddreg [dreg:$0x0];
	s2 =	simm.s32 $0x0;
	s7 =	sor.u32 s5, s28  }
0x4: {  	v0 =	vlaneseq.u32;
	s8 =	sshll.u32 s7, $0x7;
	s30 =	sshll.u32 s7, $0xD;
	s7 =	sshll.u32 s7, $0xA  }
0x5: {  	[smem:$0x7FF] =	sst s2;
	s31 =	sor.u32 $0x10, s7;
	v46 =	vor.u32 s7, v0  }
0x6: {  	s6 =	rddreg [dreg:$0x1];
	_ =	strace $0x80000047;
	s1 =	sor.u32 $0x20, s7;
	v1 =	vor.u32 s31, v0;
	[tilespmem:$0x1FED0] =	vst v46  }
0x7: {  	s12 =	sor.u32 $0x30, s7;
	v62 =	vor.u32 s1, v0;
	[tilespmem:$0x1FC00] =	vst v1  }
0x8: {  	s13 =	sor.u32 $0x40, s7;
	v63 =	vor.u32 s12, v0;
	[tilespmem:$0x1FC10] =	vst v62  }
0x9: {  	s14 =	sor.u32 $0x50, s7;
	v4 =	vor.u32 s13, v0;
	[tilespmem:$0x1FC20] =	vst v63  }
0xa: {  	s15 =	sor.u32 $0x60, s7;
	v5 =	vor.u32 s14, v0;
	[tilespmem:$0x1FC30] =	vst v4  }
0xb: {  	s16 =	sor.u32 $0x70, s7;
	v6 =	vor.u32 s15, v0;
	[tilespmem:$0x1FC40] =	vst v5  }
0xc: {  	s17 =	sor.u32 $0x80, s7;
	v7 =	vor.u32 s16, v0;
	[tilespmem:$0x1FC50] =	vst v6  }
0xd: {  	s18 =	sor.u32 $0x90, s7;
	v8 =	vor.u32 s17, v0;
	[tilespmem:$0x1FC60] =	vst v7  }
0xe: {  	s19 =	sor.u32 $0xA0, s7;
	v9 =	vor.u32 s18, v0;
	[tilespmem:$0x1FC70] =	vst v8  }
0xf: {  	s20 =	sor.u32 $0xB0, s7;
	v10 =	vor.u32 s19, v0;
	[tilespmem:$0x1FC80] =	vst v9  }
0x10: {  	s22 =	sor.u32 $0xC0, s7;
	v11 =	vor.u32 s20, v0;
	[tilespmem:$0x1FC90] =	vst v10  }
0x11: {  	s23 =	sor.u32 $0xD0, s7;
	v12 =	vor.u32 s22, v0;
	[tilespmem:$0x1FCA0] =	vst v11  }
0x12: {  	s29 =	ssub.s32 $0x2, s5;
	s24 =	sor.u32 $0xE0, s7;
	v13 =	vor.u32 s23, v0;
	[tilespmem:$0x1FCB0] =	vst v12  }
0x13: {  	s9 =	sshrl.u32 s29, $0x1;
	s25 =	sor.u32 $0xF0, s7;
	v14 =	vor.u32 s24, v0;
	[tilespmem:$0x1FCC0] =	vst v13  }
0x14: {  	s10 =	ssub.s32 s29, s9;
	s29 =	sor.u32 $0x110, s7;
	v15 =	vor.u32 s25, v0;
	[tilespmem:$0x1FCD0] =	vst v14  }
0x15: {  	s11 =	sand.u32 $0xE000, s30;
	s30 =	sor.u32 $0x120, s7;
	v17 =	vor.u32 s29, v0;
	[tilespmem:$0x1FCE0] =	vst v15  }
0x16: {  	s26 =	sor.u32 $0x130, s7;
	v18 =	vor.u32 s30, v0;
	[tilespmem:$0x1FD00] =	vst v17  }
0x17: {  	s21 =	sshll.u32 s0, $0xE;
	s28 =	sor.u32 $0x140, s7;
	v19 =	vor.u32 s26, v0;
	[tilespmem:$0x1FD10] =	vst v18  }
0x18: {  	s21 =	sand.u32 $0x30000, s21;
	s0 =	sor.u32 $0x160, s7;
	v20 =	vor.u32 s28, v0;
	[tilespmem:$0x1FD20] =	vst v19  }
0x19: {  	s11 =	sor.u32 s21, s11;
	s21 =	sor.u32 $0x100, s7;
	v22 =	vor.u32 s0, v0;
	[tilespmem:$0x1FD30] =	vst v20  }
0x1a: {  	s31 =	sor.u32 $0x150, s7;
	v16 =	vor.u32 s21, v0;
	[tilespmem:$0x1FD50] =	vst v22  }
0x1b: {  	s13 =	sor.u32 $0x170, s7;
	v21 =	vor.u32 s31, v0;
	[tilespmem:$0x1FCF0] =	vst v16  }
0x1c: {  	s15 =	sor.u32 $0x180, s7;
	v23 =	vor.u32 s13, v0;
	[tilespmem:$0x1FD40] =	vst v21  }
0x1d: {  	s1 =	sor.u32 $0x190, s7;
	v24 =	vor.u32 s15, v0;
	[tilespmem:$0x1FD60] =	vst v23  }
0x1e: {  	s16 =	sor.u32 $0x1A0, s7;
	v25 =	vor.u32 s1, v0;
	[tilespmem:$0x1FD70] =	vst v24  }
0x1f: {  	s17 =	sor.u32 $0x1B0, s7;
	v26 =	vor.u32 s16, v0;
	[tilespmem:$0x1FD80] =	vst v25  }
0x20: {  	s18 =	sor.u32 $0x1C0, s7;
	v27 =	vor.u32 s17, v0;
	[tilespmem:$0x1FD90] =	vst v26  }
0x21: {  	s19 =	sor.u32 $0x1D0, s7;
	v28 =	vor.u32 s18, v0;
	[tilespmem:$0x1FDA0] =	vst v27  }
0x22: {  	s20 =	sor.u32 $0x1E0, s7;
	v29 =	vor.u32 s19, v0;
	[tilespmem:$0x1FDB0] =	vst v28  }
0x23: {  	s22 =	sor.u32 $0x1F0, s7;
	v30 =	vor.u32 s20, v0;
	[tilespmem:$0x1FDC0] =	vst v29  }
0x24: {  	s23 =	sor.u32 $0x200, s7;
	v31 =	vor.u32 s22, v0;
	[tilespmem:$0x1FDD0] =	vst v30  }
0x25: {  	s24 =	sor.u32 $0x220, s7;
	v32 =	vor.u32 s23, v0;
	[tilespmem:$0x1FDE0] =	vst v31  }
0x26: {  	s25 =	sor.u32 $0x230, s7;
	v34 =	vor.u32 s24, v0;
	[tilespmem:$0x1FDF0] =	vst v32  }
0x27: {  	s29 =	sor.u32 $0x240, s7;
	v35 =	vor.u32 s25, v0;
	[tilespmem:$0x1FE10] =	vst v34  }
0x28: {  	s30 =	sor.u32 $0x250, s7;
	v36 =	vor.u32 s29, v0;
	[tilespmem:$0x1FE20] =	vst v35  }
0x29: {  	s26 =	sor.u32 $0x260, s7;
	v37 =	vor.u32 s30, v0;
	[tilespmem:$0x1FE30] =	vst v36  }
0x2a: {  	s0 =	sor.u32 $0x280, s7;
	v38 =	vor.u32 s26, v0;
	[tilespmem:$0x1FE40] =	vst v37  }
0x2b: {  	s28 =	sor.u32 $0x290, s7;
	v40 =	vor.u32 s0, v0;
	[tilespmem:$0x1FE50] =	vst v38  }
0x2c: {  	s14 =	sor.u32 $0x2A0, s7;
	v41 =	vor.u32 s28, v0;
	[tilespmem:$0x1FE70] =	vst v40  }
0x2d: {  	s12 =	sor.u32 $0x3E0, s7;
	v42 =	vor.u32 s14, v0;
	[tilespmem:$0x1FE80] =	vst v41  }
0x2e: {  	s21 =	sor.u32 $0x210, s7;
	v63 =	vor.u32 s12, v0;
	[tilespmem:$0x1FE90] =	vst v42  }
0x2f: {  	s31 =	sor.u32 $0x270, s7;
	v33 =	vor.u32 s21, v0;
	[tilespmem:$0x1FFE0] =	vst v63  }
0x30: {  	s1 =	sor.u32 $0x2B0, s7;
	v39 =	vor.u32 s31, v0;
	[tilespmem:$0x1FE00] =	vst v33  }
0x31: {  	s15 =	sor.u32 $0x2C0, s7;
	v43 =	vor.u32 s1, v0;
	[tilespmem:$0x1FE60] =	vst v39  }
0x32: {  	s16 =	sor.u32 $0x2D0, s7;
	v44 =	vor.u32 s15, v0;
	[tilespmem:$0x1FEA0] =	vst v43  }
0x33: {  	s17 =	sor.u32 $0x2E0, s7;
	v45 =	vor.u32 s16, v0;
	[tilespmem:$0x1FEB0] =	vst v44  }
0x34: {  	s18 =	sor.u32 $0x2F0, s7;
	v47 =	vor.u32 s17, v0;
	[tilespmem:$0x1FEC0] =	vst v45  }
0x35: {  	s19 =	sor.u32 $0x300, s7;
	v48 =	vor.u32 s18, v0;
	[tilespmem:$0x1FEE0] =	vst v47  }
0x36: {  	s20 =	sor.u32 $0x310, s7;
	v49 =	vor.u32 s19, v0;
	[tilespmem:$0x1FEF0] =	vst v48  }
0x37: {  	s22 =	sor.u32 $0x320, s7;
	v50 =	vor.u32 s20, v0;
	[tilespmem:$0x1FF00] =	vst v49  }
0x38: {  	s23 =	sor.u32 $0x340, s7;
	v51 =	vor.u32 s22, v0;
	[tilespmem:$0x1FF10] =	vst v50  }
0x39: {  	s24 =	sor.u32 $0x350, s7;
	v53 =	vor.u32 s23, v0;
	[tilespmem:$0x1FF20] =	vst v51  }
0x3a: {  	s3 =	sadd.s32 $0x189200, s4;
	s8 =	sadd.s32 s8, s4;
	s25 =	sor.u32 $0x360, s7;
	v54 =	vor.u32 s24, v0;
	[tilespmem:$0x1FF40] =	vst v53  }
0x3b: {  	s4 =	sadd.s32 $0x188200, s8;
	s29 =	sor.u32 $0x370, s7;
	v55 =	vor.u32 s25, v0;
	[tilespmem:$0x1FF50] =	vst v54  }
0x3c: {  	s5 =	sadd.s32 $0x187200, s8;
	s10 =	smax.u32 s10, $0x1;
	s30 =	sor.u32 $0x380, s7;
	v56 =	vor.u32 s29, v0;
	[tilespmem:$0x1FF60] =	vst v55  }
0x3d: {  	s6 =	sadd.s32 s6, s11;
	s26 =	sor.u32 $0x390, s7;
	s0 =	sor.u32 $0x3B0, s7;
	v57 =	vor.u32 s30, v0;
	[tilespmem:$0x1FF70] =	vst v56  }
0x3e: {  	s28 =	sor.u32 $0x3C0, s7;
	s11 =	simm.s32 $0x3;
	s13 =	simm.s32 $0x80;
	v58 =	vor.u32 s26, v0;
	[tilespmem:$0x1FF80] =	vst v57  }
0x3f: {  	s14 =	simm.s32 $0x800;
	s12 =	simm.s32 $0x100;
	s21 =	sor.u32 $0x330, s7;
	v60 =	vor.u32 s0, v0;
	[tilespmem:$0x1FF90] =	vst v58  }
0x40: {  	s31 =	sor.u32 $0x3A0, s7;
	s1 =	sor.u32 $0x3D0, s7;
	s16 =	sor.u32 $0x3F0, s7;
	v61 =	vor.u32 s28, v0;
	[tilespmem:$0x1FFB0] =	vst v60  }
0x41: {  	s7 =	sadd.s32 $0x800, s6;
	s8 =	sadd.s32 $0x1000, s6;
	s9 =	sadd.s32 $0x1800, s6;
	v52 =	vor.u32 s21, v0;
	[tilespmem:$0x1FFC0] =	vst v61  }
0x42: {  	s15 =	simm.s32 $0x4800;
	s17 =	simm.s32 $0x8800;
	s18 =	simm.s32 $0x180;
	v59 =	vor.u32 s31, v0;
	[tilespmem:$0x1FF30] =	vst v52  }
0x43: {  	s19 =	simm.s32 $0xC800;
	s20 =	simm.s32 $0x1;
	s22 =	simm.s32 $0x280;
	v62 =	vor.u32 s1, v0;
	[tilespmem:$0x1FFA0] =	vst v59  }
0x44: {  	s23 =	simm.s32 $0x2;
	s24 =	simm.s32 $0x300;
	s25 =	simm.s32 $0x380;
	v0 =	vor.u32 s16, v0;
	[tilespmem:$0x1FFD0] =	vst v62  }
0x45: {  	s26 =	simm.s32 $0x0;
	s21 =	simm.s32 $0x200;
	s1 =	simm.s32 $0x400;
	[tilespmem:$0x1FFF0] =	vst v0  }
.LBB2_1:
0x46: {  	[tilespmem:s2], [sflag:$0x3] =	stream.linear.gather [hbm4b:s4+s2], $0x400, $0x38;
	[tilespmem:$0x10800] =	vst v63  }
0x47: {  	_ =	swait.ge [sflag:s11], $0x400  }
0x48: {  	[sflag:s11] =	ssyncset.done $0x0  }
0x49: {  	[sflag:s11] =	ssyncadd.s32 $0xFFFFFC00  }
0x4a: {  	[tilespmem:s1], [sflag:$0x3] =	stream.linear.gather [hbm4b:s5+s2], $0x400, $0x38;
	[tilespmem:$0x10800] =	vst v63  }
0x4b: {  	_ =	swait.ge [sflag:s11], $0x400  }
0x4c: {  	[sflag:s11] =	ssyncset.done $0x0  }
0x4d: {  	[sflag:s11] =	ssyncadd.s32 $0xFFFFFC00  }
0x4e: {  	v1 =	vld [tilespmem:$0x400]  }
0x4f: {  	v2 =	vld [tilespmem:$0x0]  }
0x50: {  	v7 =	vld [tilespmem:$0x410]  }
0x51: {  	v8 =	vld [tilespmem:$0x10]  }
0x52: {  	v11 =	vld [tilespmem:$0x420]  }
0x53: {  	v12 =	vld [tilespmem:$0x20]  }
0x54: {  	v13 =	vld [tilespmem:$0x430]  }
0x55: {  	v14 =	vld [tilespmem:$0x30]  }
0x56: {  	v15 =	vld [tilespmem:$0x440]  }
0x57: {  	v16 =	vld [tilespmem:$0x40]  }
0x58: {  	v17 =	vld [tilespmem:$0x450]  }
0x59: {  	v18 =	vld [tilespmem:$0x50]  }
0x5a: {  	v19 =	vld [tilespmem:$0x460]  }
0x5b: {  	v20 =	vld [tilespmem:$0x60]  }
0x5c: {  	v21 =	vld [tilespmem:$0x470]  }
0x5d: {  	v22 =	vld [tilespmem:$0x70]  }
0x5e: {  	v23 =	vld [tilespmem:$0x480]  }
0x5f: {  	v24 =	vld [tilespmem:$0x80]  }
0x60: {  	v25 =	vld [tilespmem:$0x490]  }
0x61: {  	v26 =	vld [tilespmem:$0x90]  }
0x62: {  	v27 =	vld [tilespmem:$0x4A0]  }
0x63: {  	v28 =	vld [tilespmem:$0xA0]  }
0x64: {  	v29 =	vld [tilespmem:$0x4B0]  }
0x65: {  	v30 =	vld [tilespmem:$0xB0]  }
0x66: {  	v31 =	vld [tilespmem:$0x4C0]  }
0x67: {  	v32 =	vld [tilespmem:$0xC0]  }
0x68: {  	v33 =	vld [tilespmem:$0x4D0]  }
0x69: {  	v34 =	vld [tilespmem:$0xD0]  }
0x6a: {  	v35 =	vld [tilespmem:$0x4E0]  }
0x6b: {  	v36 =	vld [tilespmem:$0xE0]  }
0x6c: {  	v37 =	vld [tilespmem:$0x4F0]  }
0x6d: {  	v38 =	vld [tilespmem:$0xF0]  }
0x6e: {  	v39 =	vld [tilespmem:$0x500]  }
0x6f: {  	v40 =	vld [tilespmem:$0x100]  }
0x70: {  	v41 =	vld [tilespmem:$0x510]  }
0x71: {  	v42 =	vld [tilespmem:$0x110]  }
0x72: {  	v43 =	vld [tilespmem:$0x520]  }
0x73: {  	vm14 =	veq.s32 v11, $0x0;
	v11 =	vld [tilespmem:$0x1FC00]  }
0x74: {  	vm15 =	veq.s32 v13, $0x0;
	v13 =	vld [tilespmem:$0x1FC10]  }
0x75: {  	v44 =	vld [tilespmem:$0x120]  }
0x76: {  	v45 =	vld [tilespmem:$0x530]  }
0x77: {  	v46 =	vld [tilespmem:$0x130]  }
0x78: {  	v61 =	vld [tilespmem:$0x5B0];
	vm1 =	veq.s32 v7, $0x0  }
0x79: {  	v8 =	vsel vm1, v8, v11;
	v11 =	vsel vm14, v12, v13;
	v13 =	vld [tilespmem:$0x1FC20]  }
0x7a: {  	vm4 =	veq.s32 v15, $0x0;
	v15 =	vld [tilespmem:$0x1FC30]  }
0x7b: {  	vm5 =	veq.s32 v17, $0x0;
	v17 =	vld [tilespmem:$0x1FC40]  }
0x7c: {  	vm6 =	veq.s32 v19, $0x0;
	v19 =	vld [tilespmem:$0x1FC50]  }
0x7d: {  	vm7 =	veq.s32 v21, $0x0;
	v21 =	vld [tilespmem:$0x1FC60]  }
0x7e: {  	vm8 =	veq.s32 v23, $0x0;
	v23 =	vld [tilespmem:$0x1FC70];
	[tilespmem:$0x20] =	vst v11;
	v11 =	vsel vm15, v14, v13  }
0x7f: {  	vm9 =	veq.s32 v25, $0x0;
	v25 =	vld [tilespmem:$0x1FC80];
	[tilespmem:$0x30] =	vst v11;
	v11 =	vsel vm4, v16, v15  }
0x80: {  	vm10 =	veq.s32 v27, $0x0;
	v27 =	vld [tilespmem:$0x1FC90];
	[tilespmem:$0x40] =	vst v11;
	v11 =	vsel vm5, v18, v17  }
0x81: {  	vm11 =	veq.s32 v29, $0x0;
	v29 =	vld [tilespmem:$0x1FCA0];
	[tilespmem:$0x50] =	vst v11;
	v11 =	vsel vm6, v20, v19  }
0x82: {  	vm12 =	veq.s32 v31, $0x0;
	v31 =	vld [tilespmem:$0x1FCB0];
	[tilespmem:$0x60] =	vst v11;
	v11 =	vsel vm7, v22, v21  }
0x83: {  	vm13 =	veq.s32 v33, $0x0;
	v33 =	vld [tilespmem:$0x1FCC0];
	[tilespmem:$0x70] =	vst v11;
	v11 =	vsel vm8, v24, v23  }
0x84: {  	vm14 =	veq.s32 v35, $0x0;
	v35 =	vld [tilespmem:$0x1FCD0];
	[tilespmem:$0x80] =	vst v11;
	v11 =	vsel vm9, v26, v25  }
0x85: {  	vm15 =	veq.s32 v37, $0x0;
	v37 =	vld [tilespmem:$0x1FCE0];
	[tilespmem:$0x90] =	vst v11;
	v11 =	vsel vm10, v28, v27  }
0x86: {  	v63 =	vld [tilespmem:$0x5C0];
	[tilespmem:$0xA0] =	vst v11;
	v11 =	vsel vm11, v30, v29  }
0x87: {  	v0 =	vld [tilespmem:$0x1C0];
	[tilespmem:$0xB0] =	vst v11;
	v11 =	vsel vm12, v32, v31  }
0x88: {  	v6 =	vld [tilespmem:$0x1F0];
	[tilespmem:$0xC0] =	vst v11;
	v11 =	vsel vm13, v34, v33  }
0x89: {  	vm4 =	veq.s32 v39, $0x0;
	v39 =	vld [tilespmem:$0x1FCF0];
	[tilespmem:$0xD0] =	vst v11;
	v11 =	vsel vm14, v36, v35  }
0x8a: {  	[tilespmem:$0xE0] =	vst v11;
	v11 =	vsel vm15, v38, v37;
	vm15 =	veq.s32 v61, $0x0;
	v61 =	vld [tilespmem:$0x1FDB0]  }
0x8b: {  	v47 =	vld [tilespmem:$0x540]  }
0x8c: {  	v3 =	vld [tilespmem:$0x5D0]  }
0x8d: {  	v4 =	vld [tilespmem:$0x1D0];
	[tilespmem:$0x1FBB0] =	vst v6  }
0x8e: {  	v6 =	vld [tilespmem:$0x600];
	[tilespmem:$0xF0] =	vst v11;
	v11 =	vsel vm4, v40, v39;
	vm4 =	veq.s32 v63, $0x0  }
0x8f: {  	vm5 =	veq.s32 v41, $0x0;
	v41 =	vld [tilespmem:$0x1FD00];
	v0 =	vsel vm4, v0, v61  }
0x90: {  	[tilespmem:$0x1C0] =	vst v0;
	v0 =	vld [tilespmem:$0x1FDC0]  }
0x91: {  	v48 =	vld [tilespmem:$0x140]  }
0x92: {  	v5 =	vld [tilespmem:$0x5E0]  }
0x93: {  	v9 =	vld [tilespmem:$0x1E0];
	[tilespmem:$0x1FBC0] =	vst v6  }
0x94: {  	v6 =	vld [tilespmem:$0x200];
	[tilespmem:$0x100] =	vst v11;
	v11 =	vsel vm5, v42, v41;
	vm5 =	veq.s32 v3, $0x0  }
0x95: {  	vm6 =	veq.s32 v43, $0x0;
	v43 =	vld [tilespmem:$0x1FD10];
	v0 =	vsel vm5, v4, v0  }
0x96: {  	[tilespmem:$0x1D0] =	vst v0;
	v0 =	vld [tilespmem:$0x1FDD0]  }
0x97: {  	v49 =	vld [tilespmem:$0x550]  }
0x98: {  	v10 =	vld [tilespmem:$0x5F0]  }
0x99: {  	[tilespmem:$0x1FBD0] =	vst v6;
	v6 =	vld [tilespmem:$0x610]  }
0x9a: {  	vm7 =	veq.s32 v45, $0x0;
	v45 =	vld [tilespmem:$0x1FD20];
	[tilespmem:$0x110] =	vst v11;
	v11 =	vsel vm6, v44, v43;
	vm6 =	veq.s32 v5, $0x0  }
0x9b: {  	v37 =	vld [tilespmem:$0x1FBB0];
	v0 =	vsel vm6, v9, v0  }
0x9c: {  	[tilespmem:$0x1E0] =	vst v0;
	v0 =	vld [tilespmem:$0x1FDE0]  }
0x9d: {  	v50 =	vld [tilespmem:$0x150]  }
0x9e: {  	[tilespmem:$0x1FBE0] =	vst v6;
	v6 =	vld [tilespmem:$0x210]  }
0x9f: {  	vm8 =	veq.s32 v47, $0x0;
	v47 =	vld [tilespmem:$0x1FD30]  }
0xa0: {  	v38 =	vld [tilespmem:$0x1FBC0];
	[tilespmem:$0x120] =	vst v11;
	v11 =	vsel vm7, v46, v45;
	vm7 =	veq.s32 v10, $0x0  }
0xa1: {  	v40 =	vld [tilespmem:$0x1FBD0];
	v0 =	vsel vm7, v37, v0  }
0xa2: {  	[tilespmem:$0x1F0] =	vst v0;
	v0 =	vld [tilespmem:$0x1FDF0]  }
0xa3: {  	v51 =	vld [tilespmem:$0x560]  }
0xa4: {  	v7 =	vld [tilespmem:$0x1FED0]  }
0xa5: {  	vm9 =	veq.s32 v49, $0x0;
	v49 =	vld [tilespmem:$0x1FD40];
	[tilespmem:$0x1FBF0] =	vst v6  }
0xa6: {  	v41 =	vld [tilespmem:$0x1FBE0];
	[tilespmem:$0x130] =	vst v11;
	v11 =	vsel vm8, v48, v47;
	vm8 =	veq.s32 v38, $0x0  }
0xa7: {  	v43 =	vld [tilespmem:$0x1FBF0];
	v0 =	vsel vm8, v40, v0  }
0xa8: {  	[tilespmem:$0x200] =	vst v0;
	v0 =	vld [tilespmem:$0x1FE00]  }
0xa9: {  	v52 =	vld [tilespmem:$0x160]  }
0xaa: {  	v53 =	vld [tilespmem:$0x570]  }
0xab: {  	vm0 =	veq.s32 v1, $0x0;
	v1 =	vld [tilespmem:$0x620]  }
0xac: {  	v7 =	vsel vm0, v2, v7;
	v2 =	vld [tilespmem:$0x220];
	[tilespmem:$0x140] =	vst v11;
	v11 =	vsel vm9, v50, v49;
	vm9 =	veq.s32 v41, $0x0  }
0xad: {  	vm10 =	veq.s32 v51, $0x0;
	v51 =	vld [tilespmem:$0x1FD50];
	v0 =	vsel vm9, v43, v0  }
0xae: {  	[tilespmem:$0x210] =	vst v0;
	v0 =	vld [tilespmem:$0x1FE10];
	_ =	sdelay $0x1  }
0xaf: {  	v54 =	vld [tilespmem:$0x170];
	[tilespmem:$0x0] =	vst v7  }
0xb0: {  	v7 =	vld [tilespmem:$0x630];
	[tilespmem:$0x10] =	vst v8  }
0xb1: {  	v8 =	vld [tilespmem:$0x230];
	[tilespmem:$0x150] =	vst v11;
	v11 =	vsel vm10, v52, v51;
	vm10 =	veq.s32 v1, $0x0  }
0xb2: {  	vm11 =	veq.s32 v53, $0x0;
	v53 =	vld [tilespmem:$0x1FD60];
	v0 =	vsel vm10, v2, v0  }
0xb3: {  	[tilespmem:$0x220] =	vst v0;
	v0 =	vld [tilespmem:$0x1FE20]  }
0xb4: {  	v55 =	vld [tilespmem:$0x580]  }
0xb5: {  	v56 =	vld [tilespmem:$0x180]  }
0xb6: {  	v12 =	vld [tilespmem:$0x640]  }
0xb7: {  	v13 =	vld [tilespmem:$0x240];
	[tilespmem:$0x160] =	vst v11;
	v11 =	vsel vm11, v54, v53;
	vm11 =	veq.s32 v7, $0x0  }
0xb8: {  	v54 =	vld [tilespmem:$0x1FD70];
	v0 =	vsel vm11, v8, v0  }
0xb9: {  	[tilespmem:$0x230] =	vst v0;
	v0 =	vld [tilespmem:$0x1FE30]  }
0xba: {  	v57 =	vld [tilespmem:$0x590]  }
0xbb: {  	v58 =	vld [tilespmem:$0x190]  }
0xbc: {  	v14 =	vld [tilespmem:$0x650];
	vm12 =	veq.s32 v55, $0x0  }
0xbd: {  	v15 =	vld [tilespmem:$0x250];
	[tilespmem:$0x170] =	vst v11;
	v11 =	vsel vm12, v56, v54;
	vm12 =	veq.s32 v12, $0x0  }
0xbe: {  	v55 =	vld [tilespmem:$0x1FD80];
	v0 =	vsel vm12, v13, v0  }
0xbf: {  	[tilespmem:$0x240] =	vst v0;
	v0 =	vld [tilespmem:$0x1FE40]  }
0xc0: {  	v59 =	vld [tilespmem:$0x5A0]  }
0xc1: {  	v60 =	vld [tilespmem:$0x1A0]  }
0xc2: {  	v16 =	vld [tilespmem:$0x660];
	vm13 =	veq.s32 v57, $0x0  }
0xc3: {  	v17 =	vld [tilespmem:$0x260];
	[tilespmem:$0x180] =	vst v11;
	v11 =	vsel vm13, v58, v55;
	vm13 =	veq.s32 v14, $0x0  }
0xc4: {  	v57 =	vld [tilespmem:$0x1FD90];
	v0 =	vsel vm13, v15, v0  }
0xc5: {  	[tilespmem:$0x250] =	vst v0;
	v0 =	vld [tilespmem:$0x1FE50];
	_ =	sdelay $0x1  }
0xc6: {  	v62 =	vld [tilespmem:$0x1B0]  }
0xc7: {  	v18 =	vld [tilespmem:$0x670];
	vm14 =	veq.s32 v59, $0x0  }
0xc8: {  	v19 =	vld [tilespmem:$0x270];
	[tilespmem:$0x190] =	vst v11;
	v11 =	vsel vm14, v60, v57;
	vm14 =	veq.s32 v16, $0x0  }
0xc9: {  	v59 =	vld [tilespmem:$0x1FDA0];
	v0 =	vsel vm14, v17, v0  }
0xca: {  	[tilespmem:$0x260] =	vst v0;
	v0 =	vld [tilespmem:$0x1FE60];
	_ =	sdelay $0x3  }
0xcb: {  	v20 =	vld [tilespmem:$0x680];
	[tilespmem:$0x1A0] =	vst v11;
	v11 =	vsel vm15, v62, v59;
	vm15 =	veq.s32 v18, $0x0  }
0xcc: {  	v21 =	vld [tilespmem:$0x280];
	v0 =	vsel vm15, v19, v0  }
0xcd: {  	[tilespmem:$0x270] =	vst v0;
	v0 =	vld [tilespmem:$0x1FE70];
	_ =	sdelay $0x3  }
0xce: {  	v22 =	vld [tilespmem:$0x690];
	vm4 =	veq.s32 v20, $0x0  }
0xcf: {  	v23 =	vld [tilespmem:$0x290];
	v0 =	vsel vm4, v21, v0  }
0xd0: {  	[tilespmem:$0x280] =	vst v0;
	v0 =	vld [tilespmem:$0x1FE80];
	_ =	sdelay $0x3  }
0xd1: {  	v24 =	vld [tilespmem:$0x6A0];
	vm5 =	veq.s32 v22, $0x0  }
0xd2: {  	v25 =	vld [tilespmem:$0x2A0];
	v0 =	vsel vm5, v23, v0  }
0xd3: {  	[tilespmem:$0x290] =	vst v0;
	v0 =	vld [tilespmem:$0x1FE90];
	_ =	sdelay $0x3  }
0xd4: {  	v26 =	vld [tilespmem:$0x6B0];
	vm6 =	veq.s32 v24, $0x0  }
0xd5: {  	v27 =	vld [tilespmem:$0x2B0];
	v0 =	vsel vm6, v25, v0  }
0xd6: {  	[tilespmem:$0x2A0] =	vst v0;
	v0 =	vld [tilespmem:$0x1FEA0];
	_ =	sdelay $0x3  }
0xd7: {  	v28 =	vld [tilespmem:$0x6C0];
	vm7 =	veq.s32 v26, $0x0  }
0xd8: {  	v29 =	vld [tilespmem:$0x2C0];
	v0 =	vsel vm7, v27, v0  }
0xd9: {  	[tilespmem:$0x2B0] =	vst v0;
	v0 =	vld [tilespmem:$0x1FEB0];
	_ =	sdelay $0x3  }
0xda: {  	v30 =	vld [tilespmem:$0x6D0];
	vm8 =	veq.s32 v28, $0x0  }
0xdb: {  	v31 =	vld [tilespmem:$0x2D0];
	v0 =	vsel vm8, v29, v0  }
0xdc: {  	[tilespmem:$0x2C0] =	vst v0;
	v0 =	vld [tilespmem:$0x1FEC0];
	_ =	sdelay $0x3  }
0xdd: {  	v32 =	vld [tilespmem:$0x6E0];
	vm9 =	veq.s32 v30, $0x0  }
0xde: {  	v33 =	vld [tilespmem:$0x2E0];
	v0 =	vsel vm9, v31, v0  }
0xdf: {  	[tilespmem:$0x2D0] =	vst v0;
	v0 =	vld [tilespmem:$0x1FEE0];
	_ =	sdelay $0x3  }
0xe0: {  	v56 =	vld [tilespmem:$0x6F0];
	vm10 =	veq.s32 v32, $0x0  }
0xe1: {  	v58 =	vld [tilespmem:$0x2F0];
	v0 =	vsel vm10, v33, v0  }
0xe2: {  	[tilespmem:$0x2E0] =	vst v0;
	v0 =	vld [tilespmem:$0x1FEF0];
	_ =	sdelay $0x3  }
0xe3: {  	v3 =	vld [tilespmem:$0x300];
	vm11 =	veq.s32 v56, $0x0  }
0xe4: {  	v60 =	vld [tilespmem:$0x700];
	v0 =	vsel vm11, v58, v0  }
0xe5: {  	[tilespmem:$0x2F0] =	vst v0;
	v0 =	vld [tilespmem:$0x1FF00];
	_ =	sdelay $0x3  }
0xe6: {  	v63 =	vld [tilespmem:$0x310];
	vm12 =	veq.s32 v60, $0x0  }
0xe7: {  	v62 =	vld [tilespmem:$0x710];
	v0 =	vsel vm12, v3, v0  }
0xe8: {  	[tilespmem:$0x300] =	vst v0;
	v0 =	vld [tilespmem:$0x1FF10];
	_ =	sdelay $0x3  }
0xe9: {  	v39 =	vld [tilespmem:$0x720];
	vm13 =	veq.s32 v62, $0x0  }
0xea: {  	v42 =	vld [tilespmem:$0x320];
	v0 =	vsel vm13, v63, v0  }
0xeb: {  	[tilespmem:$0x310] =	vst v0;
	v0 =	vld [tilespmem:$0x1FF20];
	_ =	sdelay $0x3  }
0xec: {  	v1 =	vld [tilespmem:$0x730];
	vm14 =	veq.s32 v39, $0x0  }
0xed: {  	v2 =	vld [tilespmem:$0x330];
	v0 =	vsel vm14, v42, v0  }
0xee: {  	[tilespmem:$0x320] =	vst v0;
	v0 =	vld [tilespmem:$0x1FF30];
	_ =	sdelay $0x3  }
0xef: {  	v44 =	vld [tilespmem:$0x740];
	vm15 =	veq.s32 v1, $0x0  }
0xf0: {  	v45 =	vld [tilespmem:$0x340];
	v0 =	vsel vm15, v2, v0  }
0xf1: {  	[tilespmem:$0x330] =	vst v0;
	v0 =	vld [tilespmem:$0x1FF40];
	_ =	sdelay $0x3  }
0xf2: {  	v46 =	vld [tilespmem:$0x750];
	vm4 =	veq.s32 v44, $0x0  }
0xf3: {  	v47 =	vld [tilespmem:$0x350];
	v0 =	vsel vm4, v45, v0  }
0xf4: {  	[tilespmem:$0x340] =	vst v0;
	v0 =	vld [tilespmem:$0x1FF50];
	_ =	sdelay $0x3  }
0xf5: {  	v48 =	vld [tilespmem:$0x760];
	vm5 =	veq.s32 v46, $0x0  }
0xf6: {  	v49 =	vld [tilespmem:$0x360];
	v0 =	vsel vm5, v47, v0  }
0xf7: {  	[tilespmem:$0x350] =	vst v0;
	v0 =	vld [tilespmem:$0x1FF60];
	_ =	sdelay $0x3  }
0xf8: {  	v50 =	vld [tilespmem:$0x770];
	vm6 =	veq.s32 v48, $0x0  }
0xf9: {  	v51 =	vld [tilespmem:$0x370];
	v0 =	vsel vm6, v49, v0  }
0xfa: {  	[tilespmem:$0x360] =	vst v0;
	v0 =	vld [tilespmem:$0x1FF70];
	_ =	sdelay $0x3  }
0xfb: {  	v52 =	vld [tilespmem:$0x780];
	vm7 =	veq.s32 v50, $0x0  }
0xfc: {  	v53 =	vld [tilespmem:$0x380];
	v0 =	vsel vm7, v51, v0  }
0xfd: {  	[tilespmem:$0x370] =	vst v0;
	v0 =	vld [tilespmem:$0x1FF80];
	_ =	sdelay $0x3  }
0xfe: {  	v54 =	vld [tilespmem:$0x790];
	vm8 =	veq.s32 v52, $0x0  }
0xff: {  	v55 =	vld [tilespmem:$0x390];
	v0 =	vsel vm8, v53, v0  }
0x100: {  	[tilespmem:$0x380] =	vst v0;
	v0 =	vld [tilespmem:$0x1FF90];
	_ =	sdelay $0x3  }
0x101: {  	v56 =	vld [tilespmem:$0x7A0];
	vm9 =	veq.s32 v54, $0x0  }
0x102: {  	v3 =	vld [tilespmem:$0x3A0];
	v0 =	vsel vm9, v55, v0  }
0x103: {  	[tilespmem:$0x390] =	vst v0;
	v0 =	vld [tilespmem:$0x1FFA0];
	_ =	sdelay $0x3  }
0x104: {  	v57 =	vld [tilespmem:$0x7B0];
	vm10 =	veq.s32 v56, $0x0  }
0x105: {  	v1 =	vld [tilespmem:$0x3B0];
	v0 =	vsel vm10, v3, v0  }
0x106: {  	[tilespmem:$0x3A0] =	vst v0;
	v0 =	vld [tilespmem:$0x1FFB0];
	_ =	sdelay $0x3  }
0x107: {  	v58 =	vld [tilespmem:$0x3C0];
	vm11 =	veq.s32 v57, $0x0  }
0x108: {  	v2 =	vld [tilespmem:$0x7C0];
	v0 =	vsel vm11, v1, v0  }
0x109: {  	[tilespmem:$0x3B0] =	vst v0;
	v0 =	vld [tilespmem:$0x1FFC0];
	_ =	sdelay $0x3  }
0x10a: {  	v59 =	vld [tilespmem:$0x7D0];
	vm12 =	veq.s32 v2, $0x0  }
0x10b: {  	v60 =	vld [tilespmem:$0x3D0];
	v0 =	vsel vm12, v58, v0  }
0x10c: {  	[tilespmem:$0x3C0] =	vst v0;
	v0 =	vld [tilespmem:$0x1FFD0];
	_ =	sdelay $0x3  }
0x10d: {  	v61 =	vld [tilespmem:$0x7E0];
	vm13 =	veq.s32 v59, $0x0  }
0x10e: {  	v62 =	vld [tilespmem:$0x3E0];
	v0 =	vsel vm13, v60, v0  }
0x10f: {  	[tilespmem:$0x3D0] =	vst v0;
	v0 =	vld [tilespmem:$0x1FFE0];
	_ =	sdelay $0x3  }
0x110: {  	v63 =	vld [tilespmem:$0x7F0];
	vm14 =	veq.s32 v61, $0x0  }
0x111: {  	v3 =	vld [tilespmem:$0x3F0];
	v0 =	vsel vm14, v62, v0  }
0x112: {  	[tilespmem:$0x3E0] =	vst v0;
	v0 =	vld [tilespmem:$0x1FFF0];
	_ =	sdelay $0x3  }
0x113: {  	vm15 =	veq.s32 v63, $0x0  }
0x114: {  	[tilespmem:$0x1B0] =	vst v11;
	v0 =	vsel vm15, v3, v0  }
0x115: {  	[tilespmem:$0x3F0] =	vst v0  }
0x116: {  	[tilespmem:s14], [sflag:$0x1] =	stream.indirect.gather [hbm4b:s3+s13], $0x80, s2, s13, $0xb8;
	[tilespmem:$0x10800] =	vst v63  }
0x117: {  	_ = 	snop  }
0x118: {  	[tilespmem:s15], [sflag:$0x1] =	stream.indirect.gather [hbm4b:s3+s13], $0x80, s13, s13, $0xb8;
	[tilespmem:$0x10800] =	vst v63  }
0x119: {  	_ = 	snop  }
0x11a: {  	[tilespmem:s17], [sflag:$0x2] =	stream.indirect.gather [hbm4b:s3+s13], $0x80, s12, s13, $0xb8;
	[tilespmem:$0x10800] =	vst v63  }
0x11b: {  	_ = 	snop  }
0x11c: {  	[tilespmem:s19], [sflag:$0x2] =	stream.indirect.gather [hbm4b:s3+s13], $0x80, s18, s13, $0xb8;
	[tilespmem:$0x10800] =	vst v63  }
0x11d: {  	_ =	swait.ge [sflag:s20], $0x4000  }
0x11e: {  	[sflag:s20] =	ssyncset.done $0x0  }
0x11f: {  	[sflag:s20] =	ssyncadd.s32 $0xFFFFC000  }
0x120: {  	_ =	swait.ge [sflag:s20], $0x4000  }
0x121: {  	[sflag:s20] =	ssyncset.done $0x0  }
0x122: {  	s0 =	simm.s32 $0x0;
	[sflag:s20] =	ssyncadd.s32 $0xFFFFC000  }
0x123: {  	v0 =	vld [tilespmem:s0+$0x400];
	_ =	sdelay $0x4  }
0x124: {  	(v2sf) =	vpush v0, $0x0;
	_ =	sdelay $0x3  }
0x125: {  	(v2sf) =	vpush v0, $0x1;
	_ =	sdelay $0x3  }
0x126: {  	(v2sf) =	vpush v0, $0x2;
	_ =	sdelay $0x3  }
0x127: {  	(v2sf) =	vpush v0, $0x3;
	_ =	sdelay $0x2  }
0x128: {  	s31 =	spop (v2sf)  }
0x129: {  	(v2sf) =	vpush v0, $0x4;
	p0 =	seq.s32 s31, $0x0  }
0x12a: {  	s28 =	simm.s32 $0xC00;
	v1 =	vimm.f32 @!p0 $5.000000000e-01  }
0x12b: {  	[tilespmem:s28+$0xFFFFFC00] =	vst @!p0 v1  }
0x12c: {  	s16 =	spop (v2sf);
	[tilespmem:s28+$0xFFFFFC10] =	vst @!p0 v1  }
0x12d: {  	(v2sf) =	vpush v0, $0x5;
	p1 =	seq.s32 s16, $0x0;
	[tilespmem:s28+$0xFFFFFC20] =	vst @!p0 v1  }
0x12e: {  	[tilespmem:s28+$0xFFFFFC30] =	vst @!p0 v1;
	v1 =	vimm.f32 @!p1 $5.000000000e-01  }
0x12f: {  	[tilespmem:s28+$0xFFFFFC80] =	vst @!p1 v1  }
0x130: {  	s30 =	spop (v2sf);
	[tilespmem:s28+$0xFFFFFC90] =	vst @!p1 v1  }
0x131: {  	(v2sf) =	vpush v0, $0x6;
	p0 =	seq.s32 s30, $0x0;
	[tilespmem:s28+$0xFFFFFCA0] =	vst @!p1 v1  }
0x132: {  	[tilespmem:s28+$0xFFFFFCB0] =	vst @!p1 v1;
	v1 =	vimm.f32 @!p0 $5.000000000e-01  }
0x133: {  	[tilespmem:s28+$0xFFFFFD00] =	vst @!p0 v1  }
0x134: {  	s31 =	spop (v2sf);
	[tilespmem:s28+$0xFFFFFD10] =	vst @!p0 v1  }
0x135: {  	(v2sf) =	vpush v0, $0x7;
	p1 =	seq.s32 s31, $0x0;
	[tilespmem:s28+$0xFFFFFD20] =	vst @!p0 v1  }
0x136: {  	[tilespmem:s28+$0xFFFFFD30] =	vst @!p0 v1;
	v1 =	vimm.f32 @!p1 $5.000000000e-01  }
0x137: {  	[tilespmem:s28+$0xFFFFFD80] =	vst @!p1 v1  }
0x138: {  	[tilespmem:s28+$0xFFFFFD90] =	vst @!p1 v1;
	s16 =	spop (v2sf)  }
0x139: {  	[tilespmem:s28+$0xFFFFFDA0] =	vst @!p1 v1;
	(v2sf) =	vpush v0, $0x8;
	p0 =	seq.s32 s16, $0x0  }
0x13a: {  	[tilespmem:s28+$0xFFFFFDB0] =	vst @!p1 v1;
	v1 =	vimm.f32 @!p0 $5.000000000e-01  }
0x13b: {  	[tilespmem:s28+$0xFFFFFE00] =	vst @!p0 v1  }
0x13c: {  	s30 =	spop (v2sf);
	[tilespmem:s28+$0xFFFFFE10] =	vst @!p0 v1  }
0x13d: {  	(v2sf) =	vpush v0, $0x9;
	p1 =	seq.s32 s30, $0x0;
	[tilespmem:s28+$0xFFFFFE20] =	vst @!p0 v1  }
0x13e: {  	[tilespmem:s28+$0xFFFFFE30] =	vst @!p0 v1;
	v1 =	vimm.f32 @!p1 $5.000000000e-01  }
0x13f: {  	[tilespmem:s28+$0xFFFFFE80] =	vst @!p1 v1  }
0x140: {  	s31 =	spop (v2sf);
	[tilespmem:s28+$0xFFFFFE90] =	vst @!p1 v1  }
0x141: {  	(v2sf) =	vpush v0, $0xA;
	p0 =	seq.s32 s31, $0x0;
	[tilespmem:s28+$0xFFFFFEA0] =	vst @!p1 v1  }
0x142: {  	[tilespmem:s28+$0xFFFFFEB0] =	vst @!p1 v1;
	v1 =	vimm.f32 @!p0 $5.000000000e-01  }
0x143: {  	[tilespmem:s28+$0xFFFFFF00] =	vst @!p0 v1  }
0x144: {  	s16 =	spop (v2sf);
	[tilespmem:s28+$0xFFFFFF10] =	vst @!p0 v1  }
0x145: {  	(v2sf) =	vpush v0, $0xB;
	p1 =	seq.s32 s16, $0x0;
	[tilespmem:s28+$0xFFFFFF20] =	vst @!p0 v1  }
0x146: {  	[tilespmem:s28+$0xFFFFFF30] =	vst @!p0 v1;
	v1 =	vimm.f32 @!p1 $5.000000000e-01  }
0x147: {  	[tilespmem:s28+$0xFFFFFF80] =	vst @!p1 v1  }
0x148: {  	[tilespmem:s28+$0xFFFFFF90] =	vst @!p1 v1;
	s30 =	spop (v2sf)  }
0x149: {  	[tilespmem:s28+$0xFFFFFFA0] =	vst @!p1 v1;
	(v2sf) =	vpush v0, $0xC;
	p0 =	seq.s32 s30, $0x0  }
0x14a: {  	[tilespmem:s28+$0xFFFFFFB0] =	vst @!p1 v1;
	v1 =	vimm.f32 @!p0 $5.000000000e-01  }
0x14b: {  	[tilespmem:s28+$0x0] =	vst @!p0 v1  }
0x14c: {  	s31 =	spop (v2sf);
	[tilespmem:s28+$0x10] =	vst @!p0 v1  }
0x14d: {  	(v2sf) =	vpush v0, $0xD;
	p1 =	seq.s32 s31, $0x0;
	[tilespmem:s28+$0x20] =	vst @!p0 v1  }
0x14e: {  	[tilespmem:s28+$0x30] =	vst @!p0 v1;
	v1 =	vimm.f32 @!p1 $5.000000000e-01  }
0x14f: {  	[tilespmem:s28+$0x80] =	vst @!p1 v1  }
0x150: {  	s16 =	spop (v2sf);
	[tilespmem:s28+$0x90] =	vst @!p1 v1  }
0x151: {  	(v2sf) =	vpush v0, $0xE;
	p0 =	seq.s32 s16, $0x0;
	[tilespmem:s28+$0xA0] =	vst @!p1 v1  }
0x152: {  	[tilespmem:s28+$0xB0] =	vst @!p1 v1;
	v1 =	vimm.f32 @!p0 $5.000000000e-01  }
0x153: {  	[tilespmem:s28+$0x100] =	vst @!p0 v1  }
0x154: {  	s30 =	spop (v2sf);
	[tilespmem:s28+$0x110] =	vst @!p0 v1  }
0x155: {  	(v2sf) =	vpush v0, $0xF;
	p1 =	seq.s32 s30, $0x0;
	[tilespmem:s28+$0x120] =	vst @!p0 v1  }
0x156: {  	[tilespmem:s28+$0x130] =	vst @!p0 v1;
	v0 =	vimm.f32 @!p1 $5.000000000e-01  }
0x157: {  	[tilespmem:s28+$0x180] =	vst @!p1 v0  }
0x158: {  	[tilespmem:s28+$0x190] =	vst @!p1 v0;
	s31 =	spop (v2sf)  }
0x159: {  	[tilespmem:s28+$0x1A0] =	vst @!p1 v0;
	p0 =	seq.s32 s31, $0x0  }
0x15a: {  	[tilespmem:s28+$0x1B0] =	vst @!p1 v0;
	v0 =	vimm.f32 @!p0 $5.000000000e-01  }
0x15b: {  	[tilespmem:s28+$0x200] =	vst @!p0 v0  }
0x15c: {  	s16 =	spop (v2sf);
	[tilespmem:s28+$0x210] =	vst @!p0 v0  }
0x15d: {  	p1 =	seq.s32 s16, $0x0;
	[tilespmem:s28+$0x220] =	vst @!p0 v0  }
0x15e: {  	[tilespmem:s28+$0x230] =	vst @!p0 v0;
	v0 =	vimm.f32 @!p1 $5.000000000e-01  }
0x15f: {  	[tilespmem:s28+$0x280] =	vst @!p1 v0  }
0x160: {  	s30 =	spop (v2sf);
	[tilespmem:s28+$0x290] =	vst @!p1 v0  }
0x161: {  	p0 =	seq.s32 s30, $0x0;
	[tilespmem:s28+$0x2A0] =	vst @!p1 v0  }
0x162: {  	[tilespmem:s28+$0x2B0] =	vst @!p1 v0;
	v0 =	vimm.f32 @!p0 $5.000000000e-01  }
0x163: {  	[tilespmem:s28+$0x300] =	vst @!p0 v0  }
0x164: {  	s31 =	spop (v2sf);
	[tilespmem:s28+$0x310] =	vst @!p0 v0  }
0x165: {  	p2 =	seq.s32 s31, $0x0;
	[tilespmem:s28+$0x320] =	vst @!p0 v0  }
0x166: {  	[tilespmem:s28+$0x330] =	vst @!p0 v0;
	v0 =	vimm.f32 @!p2 $5.000000000e-01  }
0x167: {  	[tilespmem:s28+$0x380] =	vst @!p2 v0  }
0x168: {  	[tilespmem:s28+$0x390] =	vst @!p2 v0  }
0x169: {  	s29 =	simm.s32 $0x40;
	[tilespmem:s28+$0x3A0] =	vst @!p2 v0  }
.LBB2_2:
0x16a: {  	s0 =	sshra.s32 s29, $0x2;
	[tilespmem:s28+$0x3B0] =	vst @!p2 v0  }
0x16b: {  	v0 =	vld [tilespmem:s0+$0x400];
	_ =	sdelay $0x4  }
0x16c: {  	(v2sf) =	vpush v0, $0x0;
	_ =	sdelay $0x2  }
0x16d: {  	(v2sf) =	vpush v0, $0x1  }
0x16e: {  	(v2sf) =	vpush v0, $0x2  }
0x16f: {  	(v2sf) =	vpush v0, $0x3  }
0x170: {  	(v2sf) =	vpush v0, $0x4  }
0x171: {  	(v2sf) =	vpush v0, $0x5  }
0x172: {  	(v2sf) =	vpush v0, $0x6  }
0x173: {  	(v2sf) =	vpush v0, $0x7  }
0x174: {  	(v2sf) =	vpush v0, $0x8  }
0x175: {  	(v2sf) =	vpush v0, $0x9  }
0x176: {  	(v2sf) =	vpush v0, $0xA  }
0x177: {  	(v2sf) =	vpush v0, $0xB  }
0x178: {  	(v2sf) =	vpush v0, $0xC  }
0x179: {  	(v2sf) =	vpush v0, $0xD;
	s16 =	spop (v2sf)  }
0x17a: {  	(v2sf) =	vpush v0, $0xE;
	p1 =	seq.s32 s16, $0x0  }
0x17b: {  	s28 =	sadd.s32 $0x800, s28;
	(v2sf) =	vpush v0, $0xF;
	v0 =	vimm.f32 @!p1 $5.000000000e-01  }
0x17c: {  	[tilespmem:s28+$0xFFFFFC00] =	vst @!p1 v0  }
0x17d: {  	s30 =	spop (v2sf);
	[tilespmem:s28+$0xFFFFFC10] =	vst @!p1 v0  }
0x17e: {  	p2 =	seq.s32 s30, $0x0;
	[tilespmem:s28+$0xFFFFFC20] =	vst @!p1 v0  }
0x17f: {  	v1 =	vimm.f32 @!p2 $5.000000000e-01;
	[tilespmem:s28+$0xFFFFFC30] =	vst @!p1 v0  }
0x180: {  	[tilespmem:s28+$0xFFFFFC80] =	vst @!p2 v1  }
0x181: {  	s31 =	spop (v2sf);
	[tilespmem:s28+$0xFFFFFC90] =	vst @!p2 v1  }
0x182: {  	p3 =	seq.s32 s31, $0x0;
	[tilespmem:s28+$0xFFFFFCA0] =	vst @!p2 v1  }
0x183: {  	v2 =	vimm.f32 @!p3 $5.000000000e-01;
	[tilespmem:s28+$0xFFFFFCB0] =	vst @!p2 v1  }
0x184: {  	[tilespmem:s28+$0xFFFFFD00] =	vst @!p3 v2  }
0x185: {  	s16 =	spop (v2sf);
	[tilespmem:s28+$0xFFFFFD10] =	vst @!p3 v2  }
0x186: {  	p6 =	seq.s32 s16, $0x0;
	[tilespmem:s28+$0xFFFFFD20] =	vst @!p3 v2  }
0x187: {  	s29 =	sadd.s32 $0x40, s29;
	s30 =	spop (v2sf);
	v3 =	vimm.f32 @!p6 $5.000000000e-01;
	[tilespmem:s28+$0xFFFFFD30] =	vst @!p3 v2  }
0x188: {  	p0 =	sne.s32 s29, $0x400;
	s31 =	spop (v2sf);
	[tilespmem:s28+$0xFFFFFD80] =	vst @!p6 v3  }
0x189: {  	s0 =	simm.s32 @!p0 $0x0;
	s16 =	spop (v2sf);
	[tilespmem:s28+$0xFFFFFD90] =	vst @!p6 v3  }
0x18a: {  	s0 =	simm.s32 @p0 $0x1;
	p5 =	seq.s32 s30, $0x0;
	[tilespmem:s28+$0xFFFFFDA0] =	vst @!p6 v3;
	s30 =	spop (v2sf)  }
0x18b: {  	[smem:$0x7FD] =	sst s0;
	v4 =	vimm.f32 @!p5 $5.000000000e-01;
	[tilespmem:s28+$0xFFFFFDB0] =	vst @!p6 v3;
	p0 =	seq.s32 s30, $0x0  }
0x18c: {  	p4 =	seq.s32 s31, $0x0;
	[tilespmem:s28+$0xFFFFFE00] =	vst @!p5 v4;
	s31 =	spop (v2sf);
	s0 =	simm.s32 @!p0 $0x0  }
0x18d: {  	p1 =	seq.s32 s16, $0x0;
	[tilespmem:s28+$0xFFFFFE10] =	vst @!p5 v4;
	v7 =	vimm.f32 @!p0 $5.000000000e-01;
	s0 =	simm.s32 @p0 $0x1;
	p0 =	seq.s32 s31, $0x0  }
0x18e: {  	[tilespmem:s28+$0xFFFFFE20] =	vst @!p5 v4;
	s16 =	spop (v2sf);
	[smem:$0x7F6] =	sst s0;
	s0 =	simm.s32 @!p0 $0x0  }
0x18f: {  	v5 =	vimm.f32 @!p4 $5.000000000e-01;
	[tilespmem:s28+$0xFFFFFE30] =	vst @!p5 v4;
	v1 =	vimm.f32 @!p0 $5.000000000e-01;
	s0 =	simm.s32 @p0 $0x1;
	p0 =	seq.s32 s16, $0x0  }
0x190: {  	[tilespmem:s28+$0xFFFFFE80] =	vst @!p4 v5;
	s30 =	spop (v2sf);
	[smem:$0x7F7] =	sst s0;
	s0 =	simm.s32 @!p0 $0x0  }
0x191: {  	[tilespmem:s28+$0xFFFFFE90] =	vst @!p4 v5;
	s31 =	spop (v2sf);
	v8 =	vimm.f32 @!p0 $5.000000000e-01;
	s0 =	simm.s32 @p0 $0x1;
	p0 =	seq.s32 s30, $0x0  }
0x192: {  	[tilespmem:s28+$0xFFFFFEA0] =	vst @!p4 v5;
	s16 =	spop (v2sf);
	[smem:$0x7F8] =	sst s0;
	s0 =	simm.s32 @!p0 $0x0  }
0x193: {  	v6 =	vimm.f32 @!p1 $5.000000000e-01;
	[tilespmem:s28+$0xFFFFFEB0] =	vst @!p4 v5;
	s30 =	spop (v2sf);
	v9 =	vimm.f32 @!p0 $5.000000000e-01;
	s0 =	simm.s32 @p0 $0x1;
	p0 =	seq.s32 s31, $0x0  }
0x194: {  	[tilespmem:s28+$0xFFFFFF00] =	vst @!p1 v6;
	s31 =	spop (v2sf);
	[smem:$0x7F9] =	sst s0;
	s0 =	simm.s32 @!p0 $0x0  }
0x195: {  	[tilespmem:s28+$0xFFFFFF10] =	vst @!p1 v6;
	v10 =	vimm.f32 @!p0 $5.000000000e-01;
	s0 =	simm.s32 @p0 $0x1;
	p0 =	seq.s32 s16, $0x0;
	s16 =	spop (v2sf)  }
0x196: {  	[tilespmem:s28+$0xFFFFFF20] =	vst @!p1 v6;
	[smem:$0x7FA] =	sst s0;
	s0 =	simm.s32 @!p0 $0x0;
	p2 =	seq.s32 s16, $0x0  }
0x197: {  	[tilespmem:s28+$0xFFFFFF30] =	vst @!p1 v6;
	v2 =	vimm.f32 @!p0 $5.000000000e-01;
	s0 =	simm.s32 @p0 $0x1;
	p0 =	seq.s32 s30, $0x0;
	v0 =	vimm.f32 @!p2 $5.000000000e-01;
	s30 =	sld [smem:$0x7F6]  }
0x198: {  	[tilespmem:s28+$0x380] =	vst @!p2 v0  }
0x199: {  	[tilespmem:s28+$0x390] =	vst @!p2 v0  }
0x19a: {  	[tilespmem:s28+$0x3A0] =	vst @!p2 v0;
	p1 =	seq.s32 s30, $0x1  }
0x19b: {  	[tilespmem:s28+$0xFFFFFF80] =	vst @!p1 v7  }
0x19c: {  	[smem:$0x7FB] =	sst s0;
	s0 =	simm.s32 @!p0 $0x0;
	[tilespmem:s28+$0xFFFFFF90] =	vst @!p1 v7  }
0x19d: {  	v11 =	vimm.f32 @!p0 $5.000000000e-01;
	s0 =	simm.s32 @p0 $0x1;
	p0 =	seq.s32 s31, $0x0;
	[tilespmem:s28+$0xFFFFFFA0] =	vst @!p1 v7  }
0x19e: {  	v12 =	vimm.f32 @!p0 $5.000000000e-01;
	[tilespmem:s28+$0xFFFFFFB0] =	vst @!p1 v7  }
0x19f: {  	s31 =	sld [smem:$0x7F7];
	[tilespmem:s28+$0x300] =	vst @!p0 v12  }
0x1a0: {  	[tilespmem:s28+$0x310] =	vst @!p0 v12  }
0x1a1: {  	[tilespmem:s28+$0x320] =	vst @!p0 v12  }
0x1a2: {  	[tilespmem:s28+$0x330] =	vst @!p0 v12;
	p1 =	seq.s32 s31, $0x1  }
0x1a3: {  	s16 =	sld [smem:$0x7F8];
	[tilespmem:s28+$0x0] =	vst @!p1 v1  }
0x1a4: {  	[tilespmem:s28+$0x10] =	vst @!p1 v1  }
0x1a5: {  	[tilespmem:s28+$0x20] =	vst @!p1 v1  }
0x1a6: {  	[tilespmem:s28+$0x30] =	vst @!p1 v1;
	p1 =	seq.s32 s16, $0x1  }
0x1a7: {  	s30 =	sld [smem:$0x7F9];
	[tilespmem:s28+$0x80] =	vst @!p1 v8  }
0x1a8: {  	[tilespmem:s28+$0x90] =	vst @!p1 v8  }
0x1a9: {  	[tilespmem:s28+$0xA0] =	vst @!p1 v8  }
0x1aa: {  	[tilespmem:s28+$0xB0] =	vst @!p1 v8;
	p1 =	seq.s32 s30, $0x1  }
0x1ab: {  	s31 =	sld [smem:$0x7FA];
	[tilespmem:s28+$0x100] =	vst @!p1 v9  }
0x1ac: {  	[tilespmem:s28+$0x110] =	vst @!p1 v9  }
0x1ad: {  	[tilespmem:s28+$0x120] =	vst @!p1 v9  }
0x1ae: {  	[tilespmem:s28+$0x130] =	vst @!p1 v9;
	p1 =	seq.s32 s31, $0x1  }
0x1af: {  	s16 =	sld [smem:$0x7FB];
	[tilespmem:s28+$0x180] =	vst @!p1 v10  }
0x1b0: {  	[tilespmem:s28+$0x190] =	vst @!p1 v10  }
0x1b1: {  	[smem:$0x7FC] =	sst s0;
	[tilespmem:s28+$0x1A0] =	vst @!p1 v10  }
0x1b2: {  	s31 =	sld [smem:$0x7FD];
	[tilespmem:s28+$0x1B0] =	vst @!p1 v10;
	p1 =	seq.s32 s16, $0x1  }
0x1b3: {  	s30 =	sld [smem:$0x7FC];
	[tilespmem:s28+$0x200] =	vst @!p1 v2  }
0x1b4: {  	[tilespmem:s28+$0x210] =	vst @!p1 v2  }
0x1b5: {  	[tilespmem:s28+$0x220] =	vst @!p1 v2;
	p0 =	seq.s32 s31, $0x1  }
.Ltmp0:
0x1b6: {  	[tilespmem:s28+$0x230] =	vst @!p1 v2;
	p1 =	seq.s32 s30, $0x1;
	(pc) =	sbr.rel @p0 .LBB2_2-.Ltmp0, $4  }
0x1b7: {  	[tilespmem:s28+$0x280] =	vst @!p1 v11  }
0x1b8: {  	[tilespmem:s28+$0x290] =	vst @!p1 v11  }
0x1b9: {  	[tilespmem:s28+$0x2A0] =	vst @!p1 v11  }
0x1ba: {  	[tilespmem:s28+$0x2B0] =	vst @!p1 v11  }
0x1bb: {  	s29 =	simm.s32 $0x800  }
0x1bc: {  	[tilespmem:s28+$0x3B0] =	vst @!p2 v0;
	s28 =	simm.s32 $0x8;
	s31 =	sadd.s32 $0x0, s6;
	s30 =	simm.s32 $0x880  }
.LBB2_4:
0x1bd: {  	[hbm4b:s31+s2] =	stream.linear.scatter [tilespmem:s29], [sflag:$0x3], $0x40, $0x38;
	[tilespmem:$0x10800] =	vst v63  }
0x1be: {  	s0 =	smov.u32 s28;
	s29 =	smov.u32 s30;
	p0 =	sne.s32 s28, $0x7F8  }
.Ltmp1:
0x1bf: {  	s28 =	sadd.s32 $0x8, s28;
	(pc) =	sbr.rel @p0 .LBB2_4-.Ltmp1, $2  }
0x1c0: {  	_ =	sdelay $0x2  }
0x1c1: {  	s30 =	sadd.s32 $0x80, s30;
	s31 =	sadd.s32 s0, s6  }
0x1c2: {  	[hbm4b:s31+s2] =	stream.linear.scatter [tilespmem:s29], [sflag:$0x3], $0x40, $0x38;
	[tilespmem:$0x10800] =	vst v63  }
0x1c3: {  	_ =	swait.ge [sflag:s11], $0x4000  }
0x1c4: {  	[sflag:s11] =	ssyncset.done $0x0  }
0x1c5: {  	[sflag:s11] =	ssyncadd.s32 $0xFFFFC000  }
0x1c6: {  	[tilespmem:s14], [sflag:$0x1] =	stream.indirect.gather [hbm4b:s3+s13], $0x80, s21, s13, $0xb8;
	[tilespmem:$0x10800] =	vst v63  }
0x1c7: {  	_ = 	snop  }
0x1c8: {  	[tilespmem:s15], [sflag:$0x1] =	stream.indirect.gather [hbm4b:s3+s13], $0x80, s22, s13, $0xb8;
	[tilespmem:$0x10800] =	vst v63  }
0x1c9: {  	_ =	swait.ge [sflag:s23], $0x4000  }
0x1ca: {  	[sflag:s23] =	ssyncset.done $0x0  }
0x1cb: {  	[sflag:s23] =	ssyncadd.s32 $0xFFFFC000  }
0x1cc: {  	_ =	swait.ge [sflag:s23], $0x4000  }
0x1cd: {  	[sflag:s23] =	ssyncset.done $0x0  }
0x1ce: {  	s0 =	simm.s32 $0x0;
	[sflag:s23] =	ssyncadd.s32 $0xFFFFC000  }
0x1cf: {  	v0 =	vld [tilespmem:s0+$0x500];
	_ =	sdelay $0x4  }
0x1d0: {  	(v2sf) =	vpush v0, $0x0;
	_ =	sdelay $0x3  }
0x1d1: {  	(v2sf) =	vpush v0, $0x1;
	_ =	sdelay $0x3  }
0x1d2: {  	(v2sf) =	vpush v0, $0x2;
	_ =	sdelay $0x3  }
0x1d3: {  	(v2sf) =	vpush v0, $0x3;
	_ =	sdelay $0x2  }
0x1d4: {  	s31 =	spop (v2sf)  }
0x1d5: {  	(v2sf) =	vpush v0, $0x4;
	p0 =	seq.s32 s31, $0x0  }
0x1d6: {  	s28 =	simm.s32 $0x8C00;
	v1 =	vimm.f32 @!p0 $5.000000000e-01  }
0x1d7: {  	[tilespmem:s28+$0xFFFFFC00] =	vst @!p0 v1  }
0x1d8: {  	s16 =	spop (v2sf);
	[tilespmem:s28+$0xFFFFFC10] =	vst @!p0 v1  }
0x1d9: {  	(v2sf) =	vpush v0, $0x5;
	p1 =	seq.s32 s16, $0x0;
	[tilespmem:s28+$0xFFFFFC20] =	vst @!p0 v1  }
0x1da: {  	v2 =	vimm.f32 @!p1 $5.000000000e-01;
	[tilespmem:s28+$0xFFFFFC30] =	vst @!p0 v1  }
0x1db: {  	[tilespmem:s28+$0xFFFFFC80] =	vst @!p1 v2  }
0x1dc: {  	s30 =	spop (v2sf);
	[tilespmem:s28+$0xFFFFFC90] =	vst @!p1 v2  }
0x1dd: {  	(v2sf) =	vpush v0, $0x6;
	p0 =	seq.s32 s30, $0x0;
	[tilespmem:s28+$0xFFFFFCA0] =	vst @!p1 v2  }
0x1de: {  	v1 =	vimm.f32 @!p0 $5.000000000e-01;
	[tilespmem:s28+$0xFFFFFCB0] =	vst @!p1 v2  }
0x1df: {  	[tilespmem:s28+$0xFFFFFD00] =	vst @!p0 v1  }
0x1e0: {  	s31 =	spop (v2sf);
	[tilespmem:s28+$0xFFFFFD10] =	vst @!p0 v1  }
0x1e1: {  	(v2sf) =	vpush v0, $0x7;
	p1 =	seq.s32 s31, $0x0;
	[tilespmem:s28+$0xFFFFFD20] =	vst @!p0 v1  }
0x1e2: {  	v2 =	vimm.f32 @!p1 $5.000000000e-01;
	[tilespmem:s28+$0xFFFFFD30] =	vst @!p0 v1  }
0x1e3: {  	[tilespmem:s28+$0xFFFFFD80] =	vst @!p1 v2  }
0x1e4: {  	[tilespmem:s28+$0xFFFFFD90] =	vst @!p1 v2;
	s16 =	spop (v2sf)  }
0x1e5: {  	[tilespmem:s28+$0xFFFFFDA0] =	vst @!p1 v2;
	(v2sf) =	vpush v0, $0x8;
	p0 =	seq.s32 s16, $0x0  }
0x1e6: {  	[tilespmem:s28+$0xFFFFFDB0] =	vst @!p1 v2;
	v1 =	vimm.f32 @!p0 $5.000000000e-01  }
0x1e7: {  	[tilespmem:s28+$0xFFFFFE00] =	vst @!p0 v1  }
0x1e8: {  	s30 =	spop (v2sf);
	[tilespmem:s28+$0xFFFFFE10] =	vst @!p0 v1  }
0x1e9: {  	(v2sf) =	vpush v0, $0x9;
	p1 =	seq.s32 s30, $0x0;
	[tilespmem:s28+$0xFFFFFE20] =	vst @!p0 v1  }
0x1ea: {  	v2 =	vimm.f32 @!p1 $5.000000000e-01;
	[tilespmem:s28+$0xFFFFFE30] =	vst @!p0 v1  }
0x1eb: {  	[tilespmem:s28+$0xFFFFFE80] =	vst @!p1 v2  }
0x1ec: {  	s31 =	spop (v2sf);
	[tilespmem:s28+$0xFFFFFE90] =	vst @!p1 v2  }
0x1ed: {  	(v2sf) =	vpush v0, $0xA;
	p0 =	seq.s32 s31, $0x0;
	[tilespmem:s28+$0xFFFFFEA0] =	vst @!p1 v2  }
0x1ee: {  	v1 =	vimm.f32 @!p0 $5.000000000e-01;
	[tilespmem:s28+$0xFFFFFEB0] =	vst @!p1 v2  }
0x1ef: {  	[tilespmem:s28+$0xFFFFFF00] =	vst @!p0 v1  }
0x1f0: {  	s16 =	spop (v2sf);
	[tilespmem:s28+$0xFFFFFF10] =	vst @!p0 v1  }
0x1f1: {  	(v2sf) =	vpush v0, $0xB;
	p1 =	seq.s32 s16, $0x0;
	[tilespmem:s28+$0xFFFFFF20] =	vst @!p0 v1  }
0x1f2: {  	v2 =	vimm.f32 @!p1 $5.000000000e-01;
	[tilespmem:s28+$0xFFFFFF30] =	vst @!p0 v1  }
0x1f3: {  	[tilespmem:s28+$0xFFFFFF80] =	vst @!p1 v2  }
0x1f4: {  	[tilespmem:s28+$0xFFFFFF90] =	vst @!p1 v2;
	s30 =	spop (v2sf)  }
0x1f5: {  	[tilespmem:s28+$0xFFFFFFA0] =	vst @!p1 v2;
	(v2sf) =	vpush v0, $0xC;
	p0 =	seq.s32 s30, $0x0  }
0x1f6: {  	[tilespmem:s28+$0xFFFFFFB0] =	vst @!p1 v2;
	v1 =	vimm.f32 @!p0 $5.000000000e-01  }
0x1f7: {  	[tilespmem:s28+$0x0] =	vst @!p0 v1  }
0x1f8: {  	s31 =	spop (v2sf);
	[tilespmem:s28+$0x10] =	vst @!p0 v1  }
0x1f9: {  	(v2sf) =	vpush v0, $0xD;
	p1 =	seq.s32 s31, $0x0;
	[tilespmem:s28+$0x20] =	vst @!p0 v1  }
0x1fa: {  	v2 =	vimm.f32 @!p1 $5.000000000e-01;
	[tilespmem:s28+$0x30] =	vst @!p0 v1  }
0x1fb: {  	[tilespmem:s28+$0x80] =	vst @!p1 v2  }
0x1fc: {  	s16 =	spop (v2sf);
	[tilespmem:s28+$0x90] =	vst @!p1 v2  }
0x1fd: {  	(v2sf) =	vpush v0, $0xE;
	p0 =	seq.s32 s16, $0x0;
	[tilespmem:s28+$0xA0] =	vst @!p1 v2  }
0x1fe: {  	v1 =	vimm.f32 @!p0 $5.000000000e-01;
	[tilespmem:s28+$0xB0] =	vst @!p1 v2  }
0x1ff: {  	[tilespmem:s28+$0x100] =	vst @!p0 v1  }
0x200: {  	s30 =	spop (v2sf);
	[tilespmem:s28+$0x110] =	vst @!p0 v1  }
0x201: {  	(v2sf) =	vpush v0, $0xF;
	p1 =	seq.s32 s30, $0x0;
	[tilespmem:s28+$0x120] =	vst @!p0 v1  }
0x202: {  	v0 =	vimm.f32 @!p1 $5.000000000e-01;
	[tilespmem:s28+$0x130] =	vst @!p0 v1  }
0x203: {  	[tilespmem:s28+$0x180] =	vst @!p1 v0  }
0x204: {  	[tilespmem:s28+$0x190] =	vst @!p1 v0;
	s31 =	spop (v2sf)  }
0x205: {  	[tilespmem:s28+$0x1A0] =	vst @!p1 v0;
	p0 =	seq.s32 s31, $0x0  }
0x206: {  	[tilespmem:s28+$0x1B0] =	vst @!p1 v0;
	v1 =	vimm.f32 @!p0 $5.000000000e-01  }
0x207: {  	[tilespmem:s28+$0x200] =	vst @!p0 v1  }
0x208: {  	s16 =	spop (v2sf);
	[tilespmem:s28+$0x210] =	vst @!p0 v1  }
0x209: {  	p1 =	seq.s32 s16, $0x0;
	[tilespmem:s28+$0x220] =	vst @!p0 v1  }
0x20a: {  	v0 =	vimm.f32 @!p1 $5.000000000e-01;
	[tilespmem:s28+$0x230] =	vst @!p0 v1  }
0x20b: {  	[tilespmem:s28+$0x280] =	vst @!p1 v0  }
0x20c: {  	s30 =	spop (v2sf);
	[tilespmem:s28+$0x290] =	vst @!p1 v0  }
0x20d: {  	p0 =	seq.s32 s30, $0x0;
	[tilespmem:s28+$0x2A0] =	vst @!p1 v0  }
0x20e: {  	v1 =	vimm.f32 @!p0 $5.000000000e-01;
	[tilespmem:s28+$0x2B0] =	vst @!p1 v0  }
0x20f: {  	[tilespmem:s28+$0x300] =	vst @!p0 v1  }
0x210: {  	s31 =	spop (v2sf);
	[tilespmem:s28+$0x310] =	vst @!p0 v1  }
0x211: {  	p2 =	seq.s32 s31, $0x0;
	[tilespmem:s28+$0x320] =	vst @!p0 v1  }
0x212: {  	[tilespmem:s28+$0x330] =	vst @!p0 v1;
	v0 =	vimm.f32 @!p2 $5.000000000e-01  }
0x213: {  	[tilespmem:s28+$0x380] =	vst @!p2 v0  }
0x214: {  	[tilespmem:s28+$0x390] =	vst @!p2 v0  }
0x215: {  	s29 =	simm.s32 $0x40;
	[tilespmem:s28+$0x3A0] =	vst @!p2 v0  }
.LBB2_6:
0x216: {  	s0 =	sshra.s32 s29, $0x2;
	[tilespmem:s28+$0x3B0] =	vst @!p2 v0  }
0x217: {  	v0 =	vld [tilespmem:s0+$0x500];
	_ =	sdelay $0x4  }
0x218: {  	(v2sf) =	vpush v0, $0x0;
	_ =	sdelay $0x2  }
0x219: {  	(v2sf) =	vpush v0, $0x1  }
0x21a: {  	(v2sf) =	vpush v0, $0x2  }
0x21b: {  	(v2sf) =	vpush v0, $0x3  }
0x21c: {  	(v2sf) =	vpush v0, $0x4  }
0x21d: {  	(v2sf) =	vpush v0, $0x5  }
0x21e: {  	(v2sf) =	vpush v0, $0x6  }
0x21f: {  	(v2sf) =	vpush v0, $0x7  }
0x220: {  	(v2sf) =	vpush v0, $0x8  }
0x221: {  	(v2sf) =	vpush v0, $0x9  }
0x222: {  	(v2sf) =	vpush v0, $0xA  }
0x223: {  	(v2sf) =	vpush v0, $0xB  }
0x224: {  	(v2sf) =	vpush v0, $0xC  }
0x225: {  	(v2sf) =	vpush v0, $0xD;
	s16 =	spop (v2sf)  }
0x226: {  	(v2sf) =	vpush v0, $0xE;
	p1 =	seq.s32 s16, $0x0  }
0x227: {  	s28 =	sadd.s32 $0x800, s28;
	(v2sf) =	vpush v0, $0xF;
	v0 =	vimm.f32 @!p1 $5.000000000e-01  }
0x228: {  	[tilespmem:s28+$0xFFFFFC00] =	vst @!p1 v0  }
0x229: {  	s30 =	spop (v2sf);
	[tilespmem:s28+$0xFFFFFC10] =	vst @!p1 v0  }
0x22a: {  	p2 =	seq.s32 s30, $0x0;
	[tilespmem:s28+$0xFFFFFC20] =	vst @!p1 v0  }
0x22b: {  	v1 =	vimm.f32 @!p2 $5.000000000e-01;
	[tilespmem:s28+$0xFFFFFC30] =	vst @!p1 v0  }
0x22c: {  	[tilespmem:s28+$0xFFFFFC80] =	vst @!p2 v1  }
0x22d: {  	s31 =	spop (v2sf);
	[tilespmem:s28+$0xFFFFFC90] =	vst @!p2 v1  }
0x22e: {  	p3 =	seq.s32 s31, $0x0;
	[tilespmem:s28+$0xFFFFFCA0] =	vst @!p2 v1  }
0x22f: {  	v2 =	vimm.f32 @!p3 $5.000000000e-01;
	[tilespmem:s28+$0xFFFFFCB0] =	vst @!p2 v1  }
0x230: {  	[tilespmem:s28+$0xFFFFFD00] =	vst @!p3 v2  }
0x231: {  	s16 =	spop (v2sf);
	[tilespmem:s28+$0xFFFFFD10] =	vst @!p3 v2  }
0x232: {  	p6 =	seq.s32 s16, $0x0;
	[tilespmem:s28+$0xFFFFFD20] =	vst @!p3 v2  }
0x233: {  	s29 =	sadd.s32 $0x40, s29;
	s30 =	spop (v2sf);
	v3 =	vimm.f32 @!p6 $5.000000000e-01;
	[tilespmem:s28+$0xFFFFFD30] =	vst @!p3 v2  }
0x234: {  	p0 =	sne.s32 s29, $0x400;
	s31 =	spop (v2sf);
	[tilespmem:s28+$0xFFFFFD80] =	vst @!p6 v3  }
0x235: {  	s0 =	simm.s32 @!p0 $0x0;
	s16 =	spop (v2sf);
	[tilespmem:s28+$0xFFFFFD90] =	vst @!p6 v3  }
0x236: {  	s0 =	simm.s32 @p0 $0x1;
	p5 =	seq.s32 s30, $0x0;
	[tilespmem:s28+$0xFFFFFDA0] =	vst @!p6 v3;
	s30 =	spop (v2sf)  }
0x237: {  	[smem:$0x7F5] =	sst s0;
	v4 =	vimm.f32 @!p5 $5.000000000e-01;
	[tilespmem:s28+$0xFFFFFDB0] =	vst @!p6 v3;
	p0 =	seq.s32 s30, $0x0  }
0x238: {  	p4 =	seq.s32 s31, $0x0;
	[tilespmem:s28+$0xFFFFFE00] =	vst @!p5 v4;
	s31 =	spop (v2sf);
	s0 =	simm.s32 @!p0 $0x0  }
0x239: {  	p1 =	seq.s32 s16, $0x0;
	[tilespmem:s28+$0xFFFFFE10] =	vst @!p5 v4;
	v7 =	vimm.f32 @!p0 $5.000000000e-01;
	s0 =	simm.s32 @p0 $0x1;
	p0 =	seq.s32 s31, $0x0  }
0x23a: {  	[tilespmem:s28+$0xFFFFFE20] =	vst @!p5 v4;
	s16 =	spop (v2sf);
	[smem:$0x7EE] =	sst s0;
	s0 =	simm.s32 @!p0 $0x0  }
0x23b: {  	v5 =	vimm.f32 @!p4 $5.000000000e-01;
	[tilespmem:s28+$0xFFFFFE30] =	vst @!p5 v4;
	v1 =	vimm.f32 @!p0 $5.000000000e-01;
	s0 =	simm.s32 @p0 $0x1;
	p0 =	seq.s32 s16, $0x0  }
0x23c: {  	[tilespmem:s28+$0xFFFFFE80] =	vst @!p4 v5;
	s30 =	spop (v2sf);
	[smem:$0x7EF] =	sst s0;
	s0 =	simm.s32 @!p0 $0x0  }
0x23d: {  	[tilespmem:s28+$0xFFFFFE90] =	vst @!p4 v5;
	s31 =	spop (v2sf);
	v8 =	vimm.f32 @!p0 $5.000000000e-01;
	s0 =	simm.s32 @p0 $0x1;
	p0 =	seq.s32 s30, $0x0  }
0x23e: {  	[tilespmem:s28+$0xFFFFFEA0] =	vst @!p4 v5;
	s16 =	spop (v2sf);
	[smem:$0x7F0] =	sst s0;
	s0 =	simm.s32 @!p0 $0x0  }
0x23f: {  	v6 =	vimm.f32 @!p1 $5.000000000e-01;
	[tilespmem:s28+$0xFFFFFEB0] =	vst @!p4 v5;
	s30 =	spop (v2sf);
	v9 =	vimm.f32 @!p0 $5.000000000e-01;
	s0 =	simm.s32 @p0 $0x1;
	p0 =	seq.s32 s31, $0x0  }
0x240: {  	[tilespmem:s28+$0xFFFFFF00] =	vst @!p1 v6;
	s31 =	spop (v2sf);
	[smem:$0x7F1] =	sst s0;
	s0 =	simm.s32 @!p0 $0x0  }
0x241: {  	[tilespmem:s28+$0xFFFFFF10] =	vst @!p1 v6;
	v10 =	vimm.f32 @!p0 $5.000000000e-01;
	s0 =	simm.s32 @p0 $0x1;
	p0 =	seq.s32 s16, $0x0;
	s16 =	spop (v2sf)  }
0x242: {  	[tilespmem:s28+$0xFFFFFF20] =	vst @!p1 v6;
	[smem:$0x7F2] =	sst s0;
	s0 =	simm.s32 @!p0 $0x0;
	p2 =	seq.s32 s16, $0x0  }
0x243: {  	[tilespmem:s28+$0xFFFFFF30] =	vst @!p1 v6;
	v2 =	vimm.f32 @!p0 $5.000000000e-01;
	s0 =	simm.s32 @p0 $0x1;
	p0 =	seq.s32 s30, $0x0;
	v0 =	vimm.f32 @!p2 $5.000000000e-01;
	s30 =	sld [smem:$0x7EE]  }
0x244: {  	[tilespmem:s28+$0x380] =	vst @!p2 v0  }
0x245: {  	[tilespmem:s28+$0x390] =	vst @!p2 v0  }
0x246: {  	[tilespmem:s28+$0x3A0] =	vst @!p2 v0;
	p1 =	seq.s32 s30, $0x1  }
0x247: {  	[tilespmem:s28+$0xFFFFFF80] =	vst @!p1 v7  }
0x248: {  	[smem:$0x7F3] =	sst s0;
	s0 =	simm.s32 @!p0 $0x0;
	[tilespmem:s28+$0xFFFFFF90] =	vst @!p1 v7  }
0x249: {  	v11 =	vimm.f32 @!p0 $5.000000000e-01;
	s0 =	simm.s32 @p0 $0x1;
	p0 =	seq.s32 s31, $0x0;
	[tilespmem:s28+$0xFFFFFFA0] =	vst @!p1 v7  }
0x24a: {  	v12 =	vimm.f32 @!p0 $5.000000000e-01;
	[tilespmem:s28+$0xFFFFFFB0] =	vst @!p1 v7  }
0x24b: {  	s31 =	sld [smem:$0x7EF];
	[tilespmem:s28+$0x300] =	vst @!p0 v12  }
0x24c: {  	[tilespmem:s28+$0x310] =	vst @!p0 v12  }
0x24d: {  	[tilespmem:s28+$0x320] =	vst @!p0 v12  }
0x24e: {  	[tilespmem:s28+$0x330] =	vst @!p0 v12;
	p1 =	seq.s32 s31, $0x1  }
0x24f: {  	s16 =	sld [smem:$0x7F0];
	[tilespmem:s28+$0x0] =	vst @!p1 v1  }
0x250: {  	[tilespmem:s28+$0x10] =	vst @!p1 v1  }
0x251: {  	[tilespmem:s28+$0x20] =	vst @!p1 v1  }
0x252: {  	[tilespmem:s28+$0x30] =	vst @!p1 v1;
	p1 =	seq.s32 s16, $0x1  }
0x253: {  	s30 =	sld [smem:$0x7F1];
	[tilespmem:s28+$0x80] =	vst @!p1 v8  }
0x254: {  	[tilespmem:s28+$0x90] =	vst @!p1 v8  }
0x255: {  	[tilespmem:s28+$0xA0] =	vst @!p1 v8  }
0x256: {  	[tilespmem:s28+$0xB0] =	vst @!p1 v8;
	p1 =	seq.s32 s30, $0x1  }
0x257: {  	s31 =	sld [smem:$0x7F2];
	[tilespmem:s28+$0x100] =	vst @!p1 v9  }
0x258: {  	[tilespmem:s28+$0x110] =	vst @!p1 v9  }
0x259: {  	[tilespmem:s28+$0x120] =	vst @!p1 v9  }
0x25a: {  	[tilespmem:s28+$0x130] =	vst @!p1 v9;
	p1 =	seq.s32 s31, $0x1  }
0x25b: {  	s16 =	sld [smem:$0x7F3];
	[tilespmem:s28+$0x180] =	vst @!p1 v10  }
0x25c: {  	[tilespmem:s28+$0x190] =	vst @!p1 v10  }
0x25d: {  	[smem:$0x7F4] =	sst s0;
	[tilespmem:s28+$0x1A0] =	vst @!p1 v10  }
0x25e: {  	s31 =	sld [smem:$0x7F5];
	[tilespmem:s28+$0x1B0] =	vst @!p1 v10;
	p1 =	seq.s32 s16, $0x1  }
0x25f: {  	s30 =	sld [smem:$0x7F4];
	[tilespmem:s28+$0x200] =	vst @!p1 v2  }
0x260: {  	[tilespmem:s28+$0x210] =	vst @!p1 v2  }
0x261: {  	[tilespmem:s28+$0x220] =	vst @!p1 v2;
	p0 =	seq.s32 s31, $0x1  }
.Ltmp2:
0x262: {  	[tilespmem:s28+$0x230] =	vst @!p1 v2;
	p1 =	seq.s32 s30, $0x1;
	(pc) =	sbr.rel @p0 .LBB2_6-.Ltmp2, $4  }
0x263: {  	[tilespmem:s28+$0x280] =	vst @!p1 v11  }
0x264: {  	[tilespmem:s28+$0x290] =	vst @!p1 v11  }
0x265: {  	[tilespmem:s28+$0x2A0] =	vst @!p1 v11  }
0x266: {  	[tilespmem:s28+$0x2B0] =	vst @!p1 v11  }
0x267: {  	s29 =	simm.s32 $0x8800  }
0x268: {  	[tilespmem:s28+$0x3B0] =	vst @!p2 v0;
	s28 =	simm.s32 $0x8;
	s31 =	sadd.s32 $0x0, s7;
	s30 =	simm.s32 $0x8880  }
.LBB2_8:
0x269: {  	[hbm4b:s31+s2] =	stream.linear.scatter [tilespmem:s29], [sflag:$0x3], $0x40, $0x38;
	[tilespmem:$0x10800] =	vst v63  }
0x26a: {  	s0 =	smov.u32 s28;
	s29 =	smov.u32 s30;
	p0 =	sne.s32 s28, $0x7F8  }
.Ltmp3:
0x26b: {  	s28 =	sadd.s32 $0x8, s28;
	(pc) =	sbr.rel @p0 .LBB2_8-.Ltmp3, $2  }
0x26c: {  	_ =	sdelay $0x2  }
0x26d: {  	s30 =	sadd.s32 $0x80, s30;
	s31 =	sadd.s32 s0, s7  }
0x26e: {  	[hbm4b:s31+s2] =	stream.linear.scatter [tilespmem:s29], [sflag:$0x3], $0x40, $0x38;
	[tilespmem:$0x10800] =	vst v63  }
0x26f: {  	_ =	swait.ge [sflag:s11], $0x4000  }
0x270: {  	[sflag:s11] =	ssyncset.done $0x0  }
0x271: {  	[sflag:s11] =	ssyncadd.s32 $0xFFFFC000  }
0x272: {  	[tilespmem:s17], [sflag:$0x2] =	stream.indirect.gather [hbm4b:s3+s13], $0x80, s24, s13, $0xb8;
	[tilespmem:$0x10800] =	vst v63  }
0x273: {  	_ = 	snop  }
0x274: {  	[tilespmem:s19], [sflag:$0x2] =	stream.indirect.gather [hbm4b:s3+s13], $0x80, s25, s13, $0xb8;
	[tilespmem:$0x10800] =	vst v63  }
0x275: {  	_ =	swait.ge [sflag:s20], $0x4000  }
0x276: {  	[sflag:s20] =	ssyncset.done $0x0  }
0x277: {  	[sflag:s20] =	ssyncadd.s32 $0xFFFFC000  }
0x278: {  	_ =	swait.ge [sflag:s20], $0x4000  }
0x279: {  	[sflag:s20] =	ssyncset.done $0x0  }
0x27a: {  	s0 =	simm.s32 $0x0;
	[sflag:s20] =	ssyncadd.s32 $0xFFFFC000  }
0x27b: {  	v0 =	vld [tilespmem:s0+$0x600];
	_ =	sdelay $0x4  }
0x27c: {  	(v2sf) =	vpush v0, $0x0;
	_ =	sdelay $0x3  }
0x27d: {  	(v2sf) =	vpush v0, $0x1;
	_ =	sdelay $0x3  }
0x27e: {  	(v2sf) =	vpush v0, $0x2;
	_ =	sdelay $0x3  }
0x27f: {  	(v2sf) =	vpush v0, $0x3;
	_ =	sdelay $0x2  }
0x280: {  	s31 =	spop (v2sf)  }
0x281: {  	(v2sf) =	vpush v0, $0x4;
	p0 =	seq.s32 s31, $0x0  }
0x282: {  	s28 =	simm.s32 $0xC00;
	v1 =	vimm.f32 @!p0 $5.000000000e-01  }
0x283: {  	[tilespmem:s28+$0xFFFFFC00] =	vst @!p0 v1  }
0x284: {  	s16 =	spop (v2sf);
	[tilespmem:s28+$0xFFFFFC10] =	vst @!p0 v1  }
0x285: {  	(v2sf) =	vpush v0, $0x5;
	p1 =	seq.s32 s16, $0x0;
	[tilespmem:s28+$0xFFFFFC20] =	vst @!p0 v1  }
0x286: {  	v2 =	vimm.f32 @!p1 $5.000000000e-01;
	[tilespmem:s28+$0xFFFFFC30] =	vst @!p0 v1  }
0x287: {  	[tilespmem:s28+$0xFFFFFC80] =	vst @!p1 v2  }
0x288: {  	s30 =	spop (v2sf);
	[tilespmem:s28+$0xFFFFFC90] =	vst @!p1 v2  }
0x289: {  	(v2sf) =	vpush v0, $0x6;
	p0 =	seq.s32 s30, $0x0;
	[tilespmem:s28+$0xFFFFFCA0] =	vst @!p1 v2  }
0x28a: {  	v1 =	vimm.f32 @!p0 $5.000000000e-01;
	[tilespmem:s28+$0xFFFFFCB0] =	vst @!p1 v2  }
0x28b: {  	[tilespmem:s28+$0xFFFFFD00] =	vst @!p0 v1  }
0x28c: {  	s31 =	spop (v2sf);
	[tilespmem:s28+$0xFFFFFD10] =	vst @!p0 v1  }
0x28d: {  	(v2sf) =	vpush v0, $0x7;
	p1 =	seq.s32 s31, $0x0;
	[tilespmem:s28+$0xFFFFFD20] =	vst @!p0 v1  }
0x28e: {  	v2 =	vimm.f32 @!p1 $5.000000000e-01;
	[tilespmem:s28+$0xFFFFFD30] =	vst @!p0 v1  }
0x28f: {  	[tilespmem:s28+$0xFFFFFD80] =	vst @!p1 v2  }
0x290: {  	[tilespmem:s28+$0xFFFFFD90] =	vst @!p1 v2;
	s16 =	spop (v2sf)  }
0x291: {  	[tilespmem:s28+$0xFFFFFDA0] =	vst @!p1 v2;
	(v2sf) =	vpush v0, $0x8;
	p0 =	seq.s32 s16, $0x0  }
0x292: {  	[tilespmem:s28+$0xFFFFFDB0] =	vst @!p1 v2;
	v1 =	vimm.f32 @!p0 $5.000000000e-01  }
0x293: {  	[tilespmem:s28+$0xFFFFFE00] =	vst @!p0 v1  }
0x294: {  	s30 =	spop (v2sf);
	[tilespmem:s28+$0xFFFFFE10] =	vst @!p0 v1  }
0x295: {  	(v2sf) =	vpush v0, $0x9;
	p1 =	seq.s32 s30, $0x0;
	[tilespmem:s28+$0xFFFFFE20] =	vst @!p0 v1  }
0x296: {  	v2 =	vimm.f32 @!p1 $5.000000000e-01;
	[tilespmem:s28+$0xFFFFFE30] =	vst @!p0 v1  }
0x297: {  	[tilespmem:s28+$0xFFFFFE80] =	vst @!p1 v2  }
0x298: {  	s31 =	spop (v2sf);
	[tilespmem:s28+$0xFFFFFE90] =	vst @!p1 v2  }
0x299: {  	(v2sf) =	vpush v0, $0xA;
	p0 =	seq.s32 s31, $0x0;
	[tilespmem:s28+$0xFFFFFEA0] =	vst @!p1 v2  }
0x29a: {  	v1 =	vimm.f32 @!p0 $5.000000000e-01;
	[tilespmem:s28+$0xFFFFFEB0] =	vst @!p1 v2  }
0x29b: {  	[tilespmem:s28+$0xFFFFFF00] =	vst @!p0 v1  }
0x29c: {  	s16 =	spop (v2sf);
	[tilespmem:s28+$0xFFFFFF10] =	vst @!p0 v1  }
0x29d: {  	(v2sf) =	vpush v0, $0xB;
	p1 =	seq.s32 s16, $0x0;
	[tilespmem:s28+$0xFFFFFF20] =	vst @!p0 v1  }
0x29e: {  	v2 =	vimm.f32 @!p1 $5.000000000e-01;
	[tilespmem:s28+$0xFFFFFF30] =	vst @!p0 v1  }
0x29f: {  	[tilespmem:s28+$0xFFFFFF80] =	vst @!p1 v2  }
0x2a0: {  	[tilespmem:s28+$0xFFFFFF90] =	vst @!p1 v2;
	s30 =	spop (v2sf)  }
0x2a1: {  	[tilespmem:s28+$0xFFFFFFA0] =	vst @!p1 v2;
	(v2sf) =	vpush v0, $0xC;
	p0 =	seq.s32 s30, $0x0  }
0x2a2: {  	[tilespmem:s28+$0xFFFFFFB0] =	vst @!p1 v2;
	v1 =	vimm.f32 @!p0 $5.000000000e-01  }
0x2a3: {  	[tilespmem:s28+$0x0] =	vst @!p0 v1  }
0x2a4: {  	s31 =	spop (v2sf);
	[tilespmem:s28+$0x10] =	vst @!p0 v1  }
0x2a5: {  	(v2sf) =	vpush v0, $0xD;
	p1 =	seq.s32 s31, $0x0;
	[tilespmem:s28+$0x20] =	vst @!p0 v1  }
0x2a6: {  	v2 =	vimm.f32 @!p1 $5.000000000e-01;
	[tilespmem:s28+$0x30] =	vst @!p0 v1  }
0x2a7: {  	[tilespmem:s28+$0x80] =	vst @!p1 v2  }
0x2a8: {  	s16 =	spop (v2sf);
	[tilespmem:s28+$0x90] =	vst @!p1 v2  }
0x2a9: {  	(v2sf) =	vpush v0, $0xE;
	p0 =	seq.s32 s16, $0x0;
	[tilespmem:s28+$0xA0] =	vst @!p1 v2  }
0x2aa: {  	v1 =	vimm.f32 @!p0 $5.000000000e-01;
	[tilespmem:s28+$0xB0] =	vst @!p1 v2  }
0x2ab: {  	[tilespmem:s28+$0x100] =	vst @!p0 v1  }
0x2ac: {  	s30 =	spop (v2sf);
	[tilespmem:s28+$0x110] =	vst @!p0 v1  }
0x2ad: {  	(v2sf) =	vpush v0, $0xF;
	p1 =	seq.s32 s30, $0x0;
	[tilespmem:s28+$0x120] =	vst @!p0 v1  }
0x2ae: {  	v0 =	vimm.f32 @!p1 $5.000000000e-01;
	[tilespmem:s28+$0x130] =	vst @!p0 v1  }
0x2af: {  	[tilespmem:s28+$0x180] =	vst @!p1 v0  }
0x2b0: {  	[tilespmem:s28+$0x190] =	vst @!p1 v0;
	s31 =	spop (v2sf)  }
0x2b1: {  	[tilespmem:s28+$0x1A0] =	vst @!p1 v0;
	p0 =	seq.s32 s31, $0x0  }
0x2b2: {  	[tilespmem:s28+$0x1B0] =	vst @!p1 v0;
	v1 =	vimm.f32 @!p0 $5.000000000e-01  }
0x2b3: {  	[tilespmem:s28+$0x200] =	vst @!p0 v1  }
0x2b4: {  	s16 =	spop (v2sf);
	[tilespmem:s28+$0x210] =	vst @!p0 v1  }
0x2b5: {  	p1 =	seq.s32 s16, $0x0;
	[tilespmem:s28+$0x220] =	vst @!p0 v1  }
0x2b6: {  	v0 =	vimm.f32 @!p1 $5.000000000e-01;
	[tilespmem:s28+$0x230] =	vst @!p0 v1  }
0x2b7: {  	[tilespmem:s28+$0x280] =	vst @!p1 v0  }
0x2b8: {  	s30 =	spop (v2sf);
	[tilespmem:s28+$0x290] =	vst @!p1 v0  }
0x2b9: {  	p0 =	seq.s32 s30, $0x0;
	[tilespmem:s28+$0x2A0] =	vst @!p1 v0  }
0x2ba: {  	v1 =	vimm.f32 @!p0 $5.000000000e-01;
	[tilespmem:s28+$0x2B0] =	vst @!p1 v0  }
0x2bb: {  	[tilespmem:s28+$0x300] =	vst @!p0 v1  }
0x2bc: {  	s31 =	spop (v2sf);
	[tilespmem:s28+$0x310] =	vst @!p0 v1  }
0x2bd: {  	p2 =	seq.s32 s31, $0x0;
	[tilespmem:s28+$0x320] =	vst @!p0 v1  }
0x2be: {  	[tilespmem:s28+$0x330] =	vst @!p0 v1;
	v0 =	vimm.f32 @!p2 $5.000000000e-01  }
0x2bf: {  	[tilespmem:s28+$0x380] =	vst @!p2 v0  }
0x2c0: {  	[tilespmem:s28+$0x390] =	vst @!p2 v0  }
0x2c1: {  	s29 =	simm.s32 $0x40;
	[tilespmem:s28+$0x3A0] =	vst @!p2 v0  }
.LBB2_10:
0x2c2: {  	s0 =	sshra.s32 s29, $0x2;
	[tilespmem:s28+$0x3B0] =	vst @!p2 v0  }
0x2c3: {  	v0 =	vld [tilespmem:s0+$0x600];
	_ =	sdelay $0x4  }
0x2c4: {  	(v2sf) =	vpush v0, $0x0;
	_ =	sdelay $0x2  }
0x2c5: {  	(v2sf) =	vpush v0, $0x1  }
0x2c6: {  	(v2sf) =	vpush v0, $0x2  }
0x2c7: {  	(v2sf) =	vpush v0, $0x3  }
0x2c8: {  	(v2sf) =	vpush v0, $0x4  }
0x2c9: {  	(v2sf) =	vpush v0, $0x5  }
0x2ca: {  	(v2sf) =	vpush v0, $0x6  }
0x2cb: {  	(v2sf) =	vpush v0, $0x7  }
0x2cc: {  	(v2sf) =	vpush v0, $0x8  }
0x2cd: {  	(v2sf) =	vpush v0, $0x9  }
0x2ce: {  	(v2sf) =	vpush v0, $0xA  }
0x2cf: {  	(v2sf) =	vpush v0, $0xB  }
0x2d0: {  	(v2sf) =	vpush v0, $0xC  }
0x2d1: {  	(v2sf) =	vpush v0, $0xD;
	s16 =	spop (v2sf)  }
0x2d2: {  	(v2sf) =	vpush v0, $0xE;
	p1 =	seq.s32 s16, $0x0  }
0x2d3: {  	s28 =	sadd.s32 $0x800, s28;
	(v2sf) =	vpush v0, $0xF;
	v0 =	vimm.f32 @!p1 $5.000000000e-01  }
0x2d4: {  	[tilespmem:s28+$0xFFFFFC00] =	vst @!p1 v0  }
0x2d5: {  	s30 =	spop (v2sf);
	[tilespmem:s28+$0xFFFFFC10] =	vst @!p1 v0  }
0x2d6: {  	p2 =	seq.s32 s30, $0x0;
	[tilespmem:s28+$0xFFFFFC20] =	vst @!p1 v0  }
0x2d7: {  	v1 =	vimm.f32 @!p2 $5.000000000e-01;
	[tilespmem:s28+$0xFFFFFC30] =	vst @!p1 v0  }
0x2d8: {  	[tilespmem:s28+$0xFFFFFC80] =	vst @!p2 v1  }
0x2d9: {  	s31 =	spop (v2sf);
	[tilespmem:s28+$0xFFFFFC90] =	vst @!p2 v1  }
0x2da: {  	p3 =	seq.s32 s31, $0x0;
	[tilespmem:s28+$0xFFFFFCA0] =	vst @!p2 v1  }
0x2db: {  	v2 =	vimm.f32 @!p3 $5.000000000e-01;
	[tilespmem:s28+$0xFFFFFCB0] =	vst @!p2 v1  }
0x2dc: {  	[tilespmem:s28+$0xFFFFFD00] =	vst @!p3 v2  }
0x2dd: {  	s16 =	spop (v2sf);
	[tilespmem:s28+$0xFFFFFD10] =	vst @!p3 v2  }
0x2de: {  	p6 =	seq.s32 s16, $0x0;
	[tilespmem:s28+$0xFFFFFD20] =	vst @!p3 v2  }
0x2df: {  	s29 =	sadd.s32 $0x40, s29;
	s30 =	spop (v2sf);
	v3 =	vimm.f32 @!p6 $5.000000000e-01;
	[tilespmem:s28+$0xFFFFFD30] =	vst @!p3 v2  }
0x2e0: {  	p0 =	sne.s32 s29, $0x400;
	s31 =	spop (v2sf);
	[tilespmem:s28+$0xFFFFFD80] =	vst @!p6 v3  }
0x2e1: {  	s0 =	simm.s32 @!p0 $0x0;
	s16 =	spop (v2sf);
	[tilespmem:s28+$0xFFFFFD90] =	vst @!p6 v3  }
0x2e2: {  	s0 =	simm.s32 @p0 $0x1;
	p5 =	seq.s32 s30, $0x0;
	[tilespmem:s28+$0xFFFFFDA0] =	vst @!p6 v3;
	s30 =	spop (v2sf)  }
0x2e3: {  	[smem:$0x7ED] =	sst s0;
	v4 =	vimm.f32 @!p5 $5.000000000e-01;
	[tilespmem:s28+$0xFFFFFDB0] =	vst @!p6 v3;
	p0 =	seq.s32 s30, $0x0  }
0x2e4: {  	p4 =	seq.s32 s31, $0x0;
	[tilespmem:s28+$0xFFFFFE00] =	vst @!p5 v4;
	s31 =	spop (v2sf);
	s0 =	simm.s32 @!p0 $0x0  }
0x2e5: {  	p1 =	seq.s32 s16, $0x0;
	[tilespmem:s28+$0xFFFFFE10] =	vst @!p5 v4;
	v7 =	vimm.f32 @!p0 $5.000000000e-01;
	s0 =	simm.s32 @p0 $0x1;
	p0 =	seq.s32 s31, $0x0  }
0x2e6: {  	[tilespmem:s28+$0xFFFFFE20] =	vst @!p5 v4;
	s16 =	spop (v2sf);
	[smem:$0x7E6] =	sst s0;
	s0 =	simm.s32 @!p0 $0x0  }
0x2e7: {  	v5 =	vimm.f32 @!p4 $5.000000000e-01;
	[tilespmem:s28+$0xFFFFFE30] =	vst @!p5 v4;
	v1 =	vimm.f32 @!p0 $5.000000000e-01;
	s0 =	simm.s32 @p0 $0x1;
	p0 =	seq.s32 s16, $0x0  }
0x2e8: {  	[tilespmem:s28+$0xFFFFFE80] =	vst @!p4 v5;
	s30 =	spop (v2sf);
	[smem:$0x7E7] =	sst s0;
	s0 =	simm.s32 @!p0 $0x0  }
0x2e9: {  	[tilespmem:s28+$0xFFFFFE90] =	vst @!p4 v5;
	s31 =	spop (v2sf);
	v8 =	vimm.f32 @!p0 $5.000000000e-01;
	s0 =	simm.s32 @p0 $0x1;
	p0 =	seq.s32 s30, $0x0  }
0x2ea: {  	[tilespmem:s28+$0xFFFFFEA0] =	vst @!p4 v5;
	s16 =	spop (v2sf);
	[smem:$0x7E8] =	sst s0;
	s0 =	simm.s32 @!p0 $0x0  }
0x2eb: {  	v6 =	vimm.f32 @!p1 $5.000000000e-01;
	[tilespmem:s28+$0xFFFFFEB0] =	vst @!p4 v5;
	s30 =	spop (v2sf);
	v9 =	vimm.f32 @!p0 $5.000000000e-01;
	s0 =	simm.s32 @p0 $0x1;
	p0 =	seq.s32 s31, $0x0  }
0x2ec: {  	[tilespmem:s28+$0xFFFFFF00] =	vst @!p1 v6;
	s31 =	spop (v2sf);
	[smem:$0x7E9] =	sst s0;
	s0 =	simm.s32 @!p0 $0x0  }
0x2ed: {  	[tilespmem:s28+$0xFFFFFF10] =	vst @!p1 v6;
	v10 =	vimm.f32 @!p0 $5.000000000e-01;
	s0 =	simm.s32 @p0 $0x1;
	p0 =	seq.s32 s16, $0x0;
	s16 =	spop (v2sf)  }
0x2ee: {  	[tilespmem:s28+$0xFFFFFF20] =	vst @!p1 v6;
	[smem:$0x7EA] =	sst s0;
	s0 =	simm.s32 @!p0 $0x0;
	p2 =	seq.s32 s16, $0x0  }
0x2ef: {  	[tilespmem:s28+$0xFFFFFF30] =	vst @!p1 v6;
	v2 =	vimm.f32 @!p0 $5.000000000e-01;
	s0 =	simm.s32 @p0 $0x1;
	p0 =	seq.s32 s30, $0x0;
	v0 =	vimm.f32 @!p2 $5.000000000e-01;
	s30 =	sld [smem:$0x7E6]  }
0x2f0: {  	[tilespmem:s28+$0x380] =	vst @!p2 v0  }
0x2f1: {  	[tilespmem:s28+$0x390] =	vst @!p2 v0  }
0x2f2: {  	[tilespmem:s28+$0x3A0] =	vst @!p2 v0;
	p1 =	seq.s32 s30, $0x1  }
0x2f3: {  	[tilespmem:s28+$0xFFFFFF80] =	vst @!p1 v7  }
0x2f4: {  	[smem:$0x7EB] =	sst s0;
	s0 =	simm.s32 @!p0 $0x0;
	[tilespmem:s28+$0xFFFFFF90] =	vst @!p1 v7  }
0x2f5: {  	v11 =	vimm.f32 @!p0 $5.000000000e-01;
	s0 =	simm.s32 @p0 $0x1;
	p0 =	seq.s32 s31, $0x0;
	[tilespmem:s28+$0xFFFFFFA0] =	vst @!p1 v7  }
0x2f6: {  	v12 =	vimm.f32 @!p0 $5.000000000e-01;
	[tilespmem:s28+$0xFFFFFFB0] =	vst @!p1 v7  }
0x2f7: {  	s31 =	sld [smem:$0x7E7];
	[tilespmem:s28+$0x300] =	vst @!p0 v12  }
0x2f8: {  	[tilespmem:s28+$0x310] =	vst @!p0 v12  }
0x2f9: {  	[tilespmem:s28+$0x320] =	vst @!p0 v12  }
0x2fa: {  	[tilespmem:s28+$0x330] =	vst @!p0 v12;
	p1 =	seq.s32 s31, $0x1  }
0x2fb: {  	s16 =	sld [smem:$0x7E8];
	[tilespmem:s28+$0x0] =	vst @!p1 v1  }
0x2fc: {  	[tilespmem:s28+$0x10] =	vst @!p1 v1  }
0x2fd: {  	[tilespmem:s28+$0x20] =	vst @!p1 v1  }
0x2fe: {  	[tilespmem:s28+$0x30] =	vst @!p1 v1;
	p1 =	seq.s32 s16, $0x1  }
0x2ff: {  	s30 =	sld [smem:$0x7E9];
	[tilespmem:s28+$0x80] =	vst @!p1 v8  }
0x300: {  	[tilespmem:s28+$0x90] =	vst @!p1 v8  }
0x301: {  	[tilespmem:s28+$0xA0] =	vst @!p1 v8  }
0x302: {  	[tilespmem:s28+$0xB0] =	vst @!p1 v8;
	p1 =	seq.s32 s30, $0x1  }
0x303: {  	s31 =	sld [smem:$0x7EA];
	[tilespmem:s28+$0x100] =	vst @!p1 v9  }
0x304: {  	[tilespmem:s28+$0x110] =	vst @!p1 v9  }
0x305: {  	[tilespmem:s28+$0x120] =	vst @!p1 v9  }
0x306: {  	[tilespmem:s28+$0x130] =	vst @!p1 v9;
	p1 =	seq.s32 s31, $0x1  }
0x307: {  	s16 =	sld [smem:$0x7EB];
	[tilespmem:s28+$0x180] =	vst @!p1 v10  }
0x308: {  	[tilespmem:s28+$0x190] =	vst @!p1 v10  }
0x309: {  	[smem:$0x7EC] =	sst s0;
	[tilespmem:s28+$0x1A0] =	vst @!p1 v10  }
0x30a: {  	s31 =	sld [smem:$0x7ED];
	[tilespmem:s28+$0x1B0] =	vst @!p1 v10;
	p1 =	seq.s32 s16, $0x1  }
0x30b: {  	s30 =	sld [smem:$0x7EC];
	[tilespmem:s28+$0x200] =	vst @!p1 v2  }
0x30c: {  	[tilespmem:s28+$0x210] =	vst @!p1 v2  }
0x30d: {  	[tilespmem:s28+$0x220] =	vst @!p1 v2;
	p0 =	seq.s32 s31, $0x1  }
.Ltmp4:
0x30e: {  	[tilespmem:s28+$0x230] =	vst @!p1 v2;
	p1 =	seq.s32 s30, $0x1;
	(pc) =	sbr.rel @p0 .LBB2_10-.Ltmp4, $4  }
0x30f: {  	[tilespmem:s28+$0x280] =	vst @!p1 v11  }
0x310: {  	[tilespmem:s28+$0x290] =	vst @!p1 v11  }
0x311: {  	[tilespmem:s28+$0x2A0] =	vst @!p1 v11  }
0x312: {  	[tilespmem:s28+$0x2B0] =	vst @!p1 v11  }
0x313: {  	s29 =	simm.s32 $0x800  }
0x314: {  	[tilespmem:s28+$0x3B0] =	vst @!p2 v0;
	s28 =	simm.s32 $0x8;
	s31 =	sadd.s32 $0x0, s8;
	s30 =	simm.s32 $0x880  }
.LBB2_12:
0x315: {  	[hbm4b:s31+s2] =	stream.linear.scatter [tilespmem:s29], [sflag:$0x3], $0x40, $0x38;
	[tilespmem:$0x10800] =	vst v63  }
0x316: {  	s0 =	smov.u32 s28;
	s29 =	smov.u32 s30;
	p0 =	sne.s32 s28, $0x7F8  }
.Ltmp5:
0x317: {  	s28 =	sadd.s32 $0x8, s28;
	(pc) =	sbr.rel @p0 .LBB2_12-.Ltmp5, $2  }
0x318: {  	_ =	sdelay $0x2  }
0x319: {  	s30 =	sadd.s32 $0x80, s30;
	s31 =	sadd.s32 s0, s8  }
0x31a: {  	[hbm4b:s31+s2] =	stream.linear.scatter [tilespmem:s29], [sflag:$0x3], $0x40, $0x38;
	[tilespmem:$0x10800] =	vst v63  }
0x31b: {  	_ =	swait.ge [sflag:s11], $0x4000  }
0x31c: {  	[sflag:s11] =	ssyncset.done $0x0  }
0x31d: {  	[sflag:s11] =	ssyncadd.s32 $0xFFFFC000  }
0x31e: {  	_ =	swait.ge [sflag:s23], $0x4000  }
0x31f: {  	[sflag:s23] =	ssyncset.done $0x0  }
0x320: {  	[sflag:s23] =	ssyncadd.s32 $0xFFFFC000  }
0x321: {  	_ =	swait.ge [sflag:s23], $0x4000  }
0x322: {  	[sflag:s23] =	ssyncset.done $0x0  }
0x323: {  	s0 =	simm.s32 $0x0;
	[sflag:s23] =	ssyncadd.s32 $0xFFFFC000  }
0x324: {  	v0 =	vld [tilespmem:s0+$0x700];
	_ =	sdelay $0x4  }
0x325: {  	(v2sf) =	vpush v0, $0x0;
	_ =	sdelay $0x3  }
0x326: {  	(v2sf) =	vpush v0, $0x1;
	_ =	sdelay $0x3  }
0x327: {  	(v2sf) =	vpush v0, $0x2;
	_ =	sdelay $0x3  }
0x328: {  	(v2sf) =	vpush v0, $0x3;
	_ =	sdelay $0x2  }
0x329: {  	s31 =	spop (v2sf)  }
0x32a: {  	(v2sf) =	vpush v0, $0x4;
	p0 =	seq.s32 s31, $0x0  }
0x32b: {  	s28 =	simm.s32 $0x8C00;
	v1 =	vimm.f32 @!p0 $5.000000000e-01  }
0x32c: {  	[tilespmem:s28+$0xFFFFFC00] =	vst @!p0 v1  }
0x32d: {  	s16 =	spop (v2sf);
	[tilespmem:s28+$0xFFFFFC10] =	vst @!p0 v1  }
0x32e: {  	(v2sf) =	vpush v0, $0x5;
	p1 =	seq.s32 s16, $0x0;
	[tilespmem:s28+$0xFFFFFC20] =	vst @!p0 v1  }
0x32f: {  	v2 =	vimm.f32 @!p1 $5.000000000e-01;
	[tilespmem:s28+$0xFFFFFC30] =	vst @!p0 v1  }
0x330: {  	[tilespmem:s28+$0xFFFFFC80] =	vst @!p1 v2  }
0x331: {  	s30 =	spop (v2sf);
	[tilespmem:s28+$0xFFFFFC90] =	vst @!p1 v2  }
0x332: {  	(v2sf) =	vpush v0, $0x6;
	p0 =	seq.s32 s30, $0x0;
	[tilespmem:s28+$0xFFFFFCA0] =	vst @!p1 v2  }
0x333: {  	v1 =	vimm.f32 @!p0 $5.000000000e-01;
	[tilespmem:s28+$0xFFFFFCB0] =	vst @!p1 v2  }
0x334: {  	[tilespmem:s28+$0xFFFFFD00] =	vst @!p0 v1  }
0x335: {  	s31 =	spop (v2sf);
	[tilespmem:s28+$0xFFFFFD10] =	vst @!p0 v1  }
0x336: {  	(v2sf) =	vpush v0, $0x7;
	p1 =	seq.s32 s31, $0x0;
	[tilespmem:s28+$0xFFFFFD20] =	vst @!p0 v1  }
0x337: {  	v2 =	vimm.f32 @!p1 $5.000000000e-01;
	[tilespmem:s28+$0xFFFFFD30] =	vst @!p0 v1  }
0x338: {  	[tilespmem:s28+$0xFFFFFD80] =	vst @!p1 v2  }
0x339: {  	[tilespmem:s28+$0xFFFFFD90] =	vst @!p1 v2;
	s16 =	spop (v2sf)  }
0x33a: {  	[tilespmem:s28+$0xFFFFFDA0] =	vst @!p1 v2;
	(v2sf) =	vpush v0, $0x8;
	p0 =	seq.s32 s16, $0x0  }
0x33b: {  	[tilespmem:s28+$0xFFFFFDB0] =	vst @!p1 v2;
	v1 =	vimm.f32 @!p0 $5.000000000e-01  }
0x33c: {  	[tilespmem:s28+$0xFFFFFE00] =	vst @!p0 v1  }
0x33d: {  	s30 =	spop (v2sf);
	[tilespmem:s28+$0xFFFFFE10] =	vst @!p0 v1  }
0x33e: {  	(v2sf) =	vpush v0, $0x9;
	p1 =	seq.s32 s30, $0x0;
	[tilespmem:s28+$0xFFFFFE20] =	vst @!p0 v1  }
0x33f: {  	v2 =	vimm.f32 @!p1 $5.000000000e-01;
	[tilespmem:s28+$0xFFFFFE30] =	vst @!p0 v1  }
0x340: {  	[tilespmem:s28+$0xFFFFFE80] =	vst @!p1 v2  }
0x341: {  	s31 =	spop (v2sf);
	[tilespmem:s28+$0xFFFFFE90] =	vst @!p1 v2  }
0x342: {  	(v2sf) =	vpush v0, $0xA;
	p0 =	seq.s32 s31, $0x0;
	[tilespmem:s28+$0xFFFFFEA0] =	vst @!p1 v2  }
0x343: {  	v1 =	vimm.f32 @!p0 $5.000000000e-01;
	[tilespmem:s28+$0xFFFFFEB0] =	vst @!p1 v2  }
0x344: {  	[tilespmem:s28+$0xFFFFFF00] =	vst @!p0 v1  }
0x345: {  	s16 =	spop (v2sf);
	[tilespmem:s28+$0xFFFFFF10] =	vst @!p0 v1  }
0x346: {  	(v2sf) =	vpush v0, $0xB;
	p1 =	seq.s32 s16, $0x0;
	[tilespmem:s28+$0xFFFFFF20] =	vst @!p0 v1  }
0x347: {  	v2 =	vimm.f32 @!p1 $5.000000000e-01;
	[tilespmem:s28+$0xFFFFFF30] =	vst @!p0 v1  }
0x348: {  	[tilespmem:s28+$0xFFFFFF80] =	vst @!p1 v2  }
0x349: {  	[tilespmem:s28+$0xFFFFFF90] =	vst @!p1 v2;
	s30 =	spop (v2sf)  }
0x34a: {  	[tilespmem:s28+$0xFFFFFFA0] =	vst @!p1 v2;
	(v2sf) =	vpush v0, $0xC;
	p0 =	seq.s32 s30, $0x0  }
0x34b: {  	[tilespmem:s28+$0xFFFFFFB0] =	vst @!p1 v2;
	v1 =	vimm.f32 @!p0 $5.000000000e-01  }
0x34c: {  	[tilespmem:s28+$0x0] =	vst @!p0 v1  }
0x34d: {  	s31 =	spop (v2sf);
	[tilespmem:s28+$0x10] =	vst @!p0 v1  }
0x34e: {  	(v2sf) =	vpush v0, $0xD;
	p1 =	seq.s32 s31, $0x0;
	[tilespmem:s28+$0x20] =	vst @!p0 v1  }
0x34f: {  	v2 =	vimm.f32 @!p1 $5.000000000e-01;
	[tilespmem:s28+$0x30] =	vst @!p0 v1  }
0x350: {  	[tilespmem:s28+$0x80] =	vst @!p1 v2  }
0x351: {  	s16 =	spop (v2sf);
	[tilespmem:s28+$0x90] =	vst @!p1 v2  }
0x352: {  	(v2sf) =	vpush v0, $0xE;
	p0 =	seq.s32 s16, $0x0;
	[tilespmem:s28+$0xA0] =	vst @!p1 v2  }
0x353: {  	v1 =	vimm.f32 @!p0 $5.000000000e-01;
	[tilespmem:s28+$0xB0] =	vst @!p1 v2  }
0x354: {  	[tilespmem:s28+$0x100] =	vst @!p0 v1  }
0x355: {  	s30 =	spop (v2sf);
	[tilespmem:s28+$0x110] =	vst @!p0 v1  }
0x356: {  	(v2sf) =	vpush v0, $0xF;
	p1 =	seq.s32 s30, $0x0;
	[tilespmem:s28+$0x120] =	vst @!p0 v1  }
0x357: {  	v0 =	vimm.f32 @!p1 $5.000000000e-01;
	[tilespmem:s28+$0x130] =	vst @!p0 v1  }
0x358: {  	[tilespmem:s28+$0x180] =	vst @!p1 v0  }
0x359: {  	[tilespmem:s28+$0x190] =	vst @!p1 v0;
	s31 =	spop (v2sf)  }
0x35a: {  	[tilespmem:s28+$0x1A0] =	vst @!p1 v0;
	p0 =	seq.s32 s31, $0x0  }
0x35b: {  	[tilespmem:s28+$0x1B0] =	vst @!p1 v0;
	v1 =	vimm.f32 @!p0 $5.000000000e-01  }
0x35c: {  	[tilespmem:s28+$0x200] =	vst @!p0 v1  }
0x35d: {  	s16 =	spop (v2sf);
	[tilespmem:s28+$0x210] =	vst @!p0 v1  }
0x35e: {  	p1 =	seq.s32 s16, $0x0;
	[tilespmem:s28+$0x220] =	vst @!p0 v1  }
0x35f: {  	v0 =	vimm.f32 @!p1 $5.000000000e-01;
	[tilespmem:s28+$0x230] =	vst @!p0 v1  }
0x360: {  	[tilespmem:s28+$0x280] =	vst @!p1 v0  }
0x361: {  	s30 =	spop (v2sf);
	[tilespmem:s28+$0x290] =	vst @!p1 v0  }
0x362: {  	p0 =	seq.s32 s30, $0x0;
	[tilespmem:s28+$0x2A0] =	vst @!p1 v0  }
0x363: {  	v1 =	vimm.f32 @!p0 $5.000000000e-01;
	[tilespmem:s28+$0x2B0] =	vst @!p1 v0  }
0x364: {  	[tilespmem:s28+$0x300] =	vst @!p0 v1  }
0x365: {  	s31 =	spop (v2sf);
	[tilespmem:s28+$0x310] =	vst @!p0 v1  }
0x366: {  	p2 =	seq.s32 s31, $0x0;
	[tilespmem:s28+$0x320] =	vst @!p0 v1  }
0x367: {  	[tilespmem:s28+$0x330] =	vst @!p0 v1;
	v0 =	vimm.f32 @!p2 $5.000000000e-01  }
0x368: {  	[tilespmem:s28+$0x380] =	vst @!p2 v0  }
0x369: {  	[tilespmem:s28+$0x390] =	vst @!p2 v0  }
0x36a: {  	s29 =	simm.s32 $0x40;
	[tilespmem:s28+$0x3A0] =	vst @!p2 v0  }
.LBB2_14:
0x36b: {  	s0 =	sshra.s32 s29, $0x2;
	[tilespmem:s28+$0x3B0] =	vst @!p2 v0  }
0x36c: {  	v0 =	vld [tilespmem:s0+$0x700];
	_ =	sdelay $0x4  }
0x36d: {  	(v2sf) =	vpush v0, $0x0;
	_ =	sdelay $0x2  }
0x36e: {  	(v2sf) =	vpush v0, $0x1  }
0x36f: {  	(v2sf) =	vpush v0, $0x2  }
0x370: {  	(v2sf) =	vpush v0, $0x3  }
0x371: {  	(v2sf) =	vpush v0, $0x4  }
0x372: {  	(v2sf) =	vpush v0, $0x5  }
0x373: {  	(v2sf) =	vpush v0, $0x6  }
0x374: {  	(v2sf) =	vpush v0, $0x7  }
0x375: {  	(v2sf) =	vpush v0, $0x8  }
0x376: {  	(v2sf) =	vpush v0, $0x9  }
0x377: {  	(v2sf) =	vpush v0, $0xA  }
0x378: {  	(v2sf) =	vpush v0, $0xB  }
0x379: {  	(v2sf) =	vpush v0, $0xC  }
0x37a: {  	(v2sf) =	vpush v0, $0xD;
	s16 =	spop (v2sf)  }
0x37b: {  	(v2sf) =	vpush v0, $0xE;
	p1 =	seq.s32 s16, $0x0  }
0x37c: {  	s28 =	sadd.s32 $0x800, s28;
	(v2sf) =	vpush v0, $0xF;
	v0 =	vimm.f32 @!p1 $5.000000000e-01  }
0x37d: {  	[tilespmem:s28+$0xFFFFFC00] =	vst @!p1 v0  }
0x37e: {  	s30 =	spop (v2sf);
	[tilespmem:s28+$0xFFFFFC10] =	vst @!p1 v0  }
0x37f: {  	p2 =	seq.s32 s30, $0x0;
	[tilespmem:s28+$0xFFFFFC20] =	vst @!p1 v0  }
0x380: {  	v1 =	vimm.f32 @!p2 $5.000000000e-01;
	[tilespmem:s28+$0xFFFFFC30] =	vst @!p1 v0  }
0x381: {  	[tilespmem:s28+$0xFFFFFC80] =	vst @!p2 v1  }
0x382: {  	s31 =	spop (v2sf);
	[tilespmem:s28+$0xFFFFFC90] =	vst @!p2 v1  }
0x383: {  	p3 =	seq.s32 s31, $0x0;
	[tilespmem:s28+$0xFFFFFCA0] =	vst @!p2 v1  }
0x384: {  	v2 =	vimm.f32 @!p3 $5.000000000e-01;
	[tilespmem:s28+$0xFFFFFCB0] =	vst @!p2 v1  }
0x385: {  	[tilespmem:s28+$0xFFFFFD00] =	vst @!p3 v2  }
0x386: {  	s16 =	spop (v2sf);
	[tilespmem:s28+$0xFFFFFD10] =	vst @!p3 v2  }
0x387: {  	p6 =	seq.s32 s16, $0x0;
	[tilespmem:s28+$0xFFFFFD20] =	vst @!p3 v2  }
0x388: {  	s29 =	sadd.s32 $0x40, s29;
	s30 =	spop (v2sf);
	v3 =	vimm.f32 @!p6 $5.000000000e-01;
	[tilespmem:s28+$0xFFFFFD30] =	vst @!p3 v2  }
0x389: {  	p0 =	sne.s32 s29, $0x400;
	s31 =	spop (v2sf);
	[tilespmem:s28+$0xFFFFFD80] =	vst @!p6 v3  }
0x38a: {  	s0 =	simm.s32 @!p0 $0x0;
	s16 =	spop (v2sf);
	[tilespmem:s28+$0xFFFFFD90] =	vst @!p6 v3  }
0x38b: {  	s0 =	simm.s32 @p0 $0x1;
	p5 =	seq.s32 s30, $0x0;
	[tilespmem:s28+$0xFFFFFDA0] =	vst @!p6 v3;
	s30 =	spop (v2sf)  }
0x38c: {  	[smem:$0x7E5] =	sst s0;
	v4 =	vimm.f32 @!p5 $5.000000000e-01;
	[tilespmem:s28+$0xFFFFFDB0] =	vst @!p6 v3;
	p0 =	seq.s32 s30, $0x0  }
0x38d: {  	p4 =	seq.s32 s31, $0x0;
	[tilespmem:s28+$0xFFFFFE00] =	vst @!p5 v4;
	s31 =	spop (v2sf);
	s0 =	simm.s32 @!p0 $0x0  }
0x38e: {  	p1 =	seq.s32 s16, $0x0;
	[tilespmem:s28+$0xFFFFFE10] =	vst @!p5 v4;
	v7 =	vimm.f32 @!p0 $5.000000000e-01;
	s0 =	simm.s32 @p0 $0x1;
	p0 =	seq.s32 s31, $0x0  }
0x38f: {  	[tilespmem:s28+$0xFFFFFE20] =	vst @!p5 v4;
	s16 =	spop (v2sf);
	[smem:$0x7DE] =	sst s0;
	s0 =	simm.s32 @!p0 $0x0  }
0x390: {  	v5 =	vimm.f32 @!p4 $5.000000000e-01;
	[tilespmem:s28+$0xFFFFFE30] =	vst @!p5 v4;
	v1 =	vimm.f32 @!p0 $5.000000000e-01;
	s0 =	simm.s32 @p0 $0x1;
	p0 =	seq.s32 s16, $0x0  }
0x391: {  	[tilespmem:s28+$0xFFFFFE80] =	vst @!p4 v5;
	s30 =	spop (v2sf);
	[smem:$0x7DF] =	sst s0;
	s0 =	simm.s32 @!p0 $0x0  }
0x392: {  	[tilespmem:s28+$0xFFFFFE90] =	vst @!p4 v5;
	s31 =	spop (v2sf);
	v8 =	vimm.f32 @!p0 $5.000000000e-01;
	s0 =	simm.s32 @p0 $0x1;
	p0 =	seq.s32 s30, $0x0  }
0x393: {  	[tilespmem:s28+$0xFFFFFEA0] =	vst @!p4 v5;
	s16 =	spop (v2sf);
	[smem:$0x7E0] =	sst s0;
	s0 =	simm.s32 @!p0 $0x0  }
0x394: {  	v6 =	vimm.f32 @!p1 $5.000000000e-01;
	[tilespmem:s28+$0xFFFFFEB0] =	vst @!p4 v5;
	s30 =	spop (v2sf);
	v9 =	vimm.f32 @!p0 $5.000000000e-01;
	s0 =	simm.s32 @p0 $0x1;
	p0 =	seq.s32 s31, $0x0  }
0x395: {  	[tilespmem:s28+$0xFFFFFF00] =	vst @!p1 v6;
	s31 =	spop (v2sf);
	[smem:$0x7E1] =	sst s0;
	s0 =	simm.s32 @!p0 $0x0  }
0x396: {  	[tilespmem:s28+$0xFFFFFF10] =	vst @!p1 v6;
	v10 =	vimm.f32 @!p0 $5.000000000e-01;
	s0 =	simm.s32 @p0 $0x1;
	p0 =	seq.s32 s16, $0x0;
	s16 =	spop (v2sf)  }
0x397: {  	[tilespmem:s28+$0xFFFFFF20] =	vst @!p1 v6;
	[smem:$0x7E2] =	sst s0;
	s0 =	simm.s32 @!p0 $0x0;
	p2 =	seq.s32 s16, $0x0  }
0x398: {  	[tilespmem:s28+$0xFFFFFF30] =	vst @!p1 v6;
	v2 =	vimm.f32 @!p0 $5.000000000e-01;
	s0 =	simm.s32 @p0 $0x1;
	p0 =	seq.s32 s30, $0x0;
	v0 =	vimm.f32 @!p2 $5.000000000e-01;
	s30 =	sld [smem:$0x7DE]  }
0x399: {  	[tilespmem:s28+$0x380] =	vst @!p2 v0  }
0x39a: {  	[tilespmem:s28+$0x390] =	vst @!p2 v0  }
0x39b: {  	[tilespmem:s28+$0x3A0] =	vst @!p2 v0;
	p1 =	seq.s32 s30, $0x1  }
0x39c: {  	[tilespmem:s28+$0xFFFFFF80] =	vst @!p1 v7  }
0x39d: {  	[smem:$0x7E3] =	sst s0;
	s0 =	simm.s32 @!p0 $0x0;
	[tilespmem:s28+$0xFFFFFF90] =	vst @!p1 v7  }
0x39e: {  	v11 =	vimm.f32 @!p0 $5.000000000e-01;
	s0 =	simm.s32 @p0 $0x1;
	p0 =	seq.s32 s31, $0x0;
	[tilespmem:s28+$0xFFFFFFA0] =	vst @!p1 v7  }
0x39f: {  	v12 =	vimm.f32 @!p0 $5.000000000e-01;
	[tilespmem:s28+$0xFFFFFFB0] =	vst @!p1 v7  }
0x3a0: {  	s31 =	sld [smem:$0x7DF];
	[tilespmem:s28+$0x300] =	vst @!p0 v12  }
0x3a1: {  	[tilespmem:s28+$0x310] =	vst @!p0 v12  }
0x3a2: {  	[tilespmem:s28+$0x320] =	vst @!p0 v12  }
0x3a3: {  	[tilespmem:s28+$0x330] =	vst @!p0 v12;
	p1 =	seq.s32 s31, $0x1  }
0x3a4: {  	s16 =	sld [smem:$0x7E0];
	[tilespmem:s28+$0x0] =	vst @!p1 v1  }
0x3a5: {  	[tilespmem:s28+$0x10] =	vst @!p1 v1  }
0x3a6: {  	[tilespmem:s28+$0x20] =	vst @!p1 v1  }
0x3a7: {  	[tilespmem:s28+$0x30] =	vst @!p1 v1;
	p1 =	seq.s32 s16, $0x1  }
0x3a8: {  	s30 =	sld [smem:$0x7E1];
	[tilespmem:s28+$0x80] =	vst @!p1 v8  }
0x3a9: {  	[tilespmem:s28+$0x90] =	vst @!p1 v8  }
0x3aa: {  	[tilespmem:s28+$0xA0] =	vst @!p1 v8  }
0x3ab: {  	[tilespmem:s28+$0xB0] =	vst @!p1 v8;
	p1 =	seq.s32 s30, $0x1  }
0x3ac: {  	s31 =	sld [smem:$0x7E2];
	[tilespmem:s28+$0x100] =	vst @!p1 v9  }
0x3ad: {  	[tilespmem:s28+$0x110] =	vst @!p1 v9  }
0x3ae: {  	[tilespmem:s28+$0x120] =	vst @!p1 v9  }
0x3af: {  	[tilespmem:s28+$0x130] =	vst @!p1 v9;
	p1 =	seq.s32 s31, $0x1  }
0x3b0: {  	s16 =	sld [smem:$0x7E3];
	[tilespmem:s28+$0x180] =	vst @!p1 v10  }
0x3b1: {  	[tilespmem:s28+$0x190] =	vst @!p1 v10  }
0x3b2: {  	[smem:$0x7E4] =	sst s0;
	[tilespmem:s28+$0x1A0] =	vst @!p1 v10  }
0x3b3: {  	s31 =	sld [smem:$0x7E5];
	[tilespmem:s28+$0x1B0] =	vst @!p1 v10;
	p1 =	seq.s32 s16, $0x1  }
0x3b4: {  	s30 =	sld [smem:$0x7E4];
	[tilespmem:s28+$0x200] =	vst @!p1 v2  }
0x3b5: {  	[tilespmem:s28+$0x210] =	vst @!p1 v2  }
0x3b6: {  	[tilespmem:s28+$0x220] =	vst @!p1 v2;
	p0 =	seq.s32 s31, $0x1  }
.Ltmp6:
0x3b7: {  	[tilespmem:s28+$0x230] =	vst @!p1 v2;
	p1 =	seq.s32 s30, $0x1;
	(pc) =	sbr.rel @p0 .LBB2_14-.Ltmp6, $4  }
0x3b8: {  	[tilespmem:s28+$0x280] =	vst @!p1 v11  }
0x3b9: {  	[tilespmem:s28+$0x290] =	vst @!p1 v11  }
0x3ba: {  	[tilespmem:s28+$0x2A0] =	vst @!p1 v11  }
0x3bb: {  	[tilespmem:s28+$0x2B0] =	vst @!p1 v11  }
0x3bc: {  	s29 =	simm.s32 $0x8800  }
0x3bd: {  	[tilespmem:s28+$0x3B0] =	vst @!p2 v0;
	s28 =	simm.s32 $0x8;
	s31 =	sadd.s32 $0x0, s9;
	s30 =	simm.s32 $0x8880  }
.LBB2_16:
0x3be: {  	[hbm4b:s31+s2] =	stream.linear.scatter [tilespmem:s29], [sflag:$0x3], $0x40, $0x38;
	[tilespmem:$0x10800] =	vst v63  }
0x3bf: {  	s0 =	smov.u32 s28;
	s29 =	smov.u32 s30;
	p0 =	sne.s32 s28, $0x7F8  }
.Ltmp7:
0x3c0: {  	s28 =	sadd.s32 $0x8, s28;
	(pc) =	sbr.rel @p0 .LBB2_16-.Ltmp7, $2  }
0x3c1: {  	_ =	sdelay $0x2  }
0x3c2: {  	s30 =	sadd.s32 $0x80, s30;
	s31 =	sadd.s32 s0, s9  }
0x3c3: {  	s26 =	sadd.s32 $0x1, s26  }
0x3c4: {  	p0 =	sne.s32 s26, s10  }
.Ltmp8:
0x3c5: {  	_ = 	snop;
	(pc) =	sbr.rel @p0 .LBB2_1-.Ltmp8, $4  }
0x3c6: {  	[hbm4b:s31+s2] =	stream.linear.scatter [tilespmem:s29], [sflag:$0x3], $0x40, $0x38;
	[tilespmem:$0x10800] =	vst v63  }
0x3c7: {  	_ =	swait.ge [sflag:s11], $0x4000  }
0x3c8: {  	[sflag:s11] =	ssyncset.done $0x0  }
0x3c9: {  	[sflag:s11] =	ssyncadd.s32 $0xFFFFC000  }
0x3ca: {  	_ =	sfence.sel $0x180000  }
0x3cb: {  	[bflag:$0x0] =	sbarrier.arrive $0xFFFF  }
0x3cc: {  	_ =	strace $0x90000047  }
0x3cd: {  	s0 =	stileid.u32;
	[bflag:$0x2] =	sbarrier.arrive $0xFFFF  }
0x3ce: {  	p0 =	sne.s32 s0, $0x0;
	s0 =	rddreg [dreg:$0x2]  }
0x3cf: {  	s0 =	sadd.s32 @!p0 $0x100000, s0  }
0x3d0: {  	[sflag:s0] =	ssyncadd.tile.s32 @!p0 $0x1;
	_ =	shalt  }
.Lfunc_end2:
_tile_overlayer_lowered:
.L_overlay_start_2:
0x3d1: {  	(tag) =	ssettag $0x2  }
0x3d2: {  	s0 =	rddreg [dreg:$0x0];
	s2 =	stileid.u32  }
0x3d3: {  	s1 =	rddreg [dreg:$0x1];
	p0 =	sne.s32 s2, $0x0  }
0x3d4: {  	s3 =	rddreg [dreg:$0x2];
	[bflag:$0x3] =	sbarrier.arrive $0xFFFF;
	s2 =	simm.s32 @!p0 $0x1C03  }
0x3d5: {  	[timem:s3], [sflag:s2] =	dma.local @!p0 [hbm:s0], s1  }
0x3d6: {  	s0 =	simm.s32 @!p0 $0x3  }
0x3d7: {  	_ =	swait.ge @!p0 [sflag:s0], s1  }
0x3d8: {  	s1 =	ssub.s32 @!p0 $0x0, s1;
	[sflag:s0] =	ssyncset.done @!p0 $0x0  }
0x3d9: {  	[sflag:s0] =	ssyncadd.s32 @!p0 s1  }
0x3da: {  	[bflag:$0x3] =	sbarrier.arrive $0xFFFF  }
0x3db: {  	_ =	shalt  }

</sc_bundles>
